<compile_context>
chip_gen: v7x
topology: tpu7x:2x2x1
jax: 0.10.2.dev20260603
libtpu: 0.0.44.dev20260713+nightly
codegen_flags: <defaults>
</compile_context>

<pallas_src>
import functools

import jax
import jax.numpy as jnp
from jax import lax
from jax.experimental import pallas as pl
from jax.experimental.pallas import tpu as pltpu
from jax.experimental.pallas import tpu_sc as plsc

_ROWS, _COLS = 64, 32768
_N = _ROWS * _COLS
_PCT = 0.99999
_K_MIN = int(_N * (1 - _PCT))
_K_MAX = int(_N * _PCT)

_NW = 32
_CHUNK = _N // _NW
_L = 16
_CAP = 1024
_NBLK = _CHUNK // (8 * _L)
_CAND = _NW * _CAP
_K_TOP = _CAND - (_N - _K_MAX)


def _sc_filter_body(x_hbm, lo_hbm, hi_hbm, chunk_v, blo_v, bhi_v, summ_v, sem):
    nc = 2
    wid = lax.axis_index("s") * nc + lax.axis_index("c")

    c1 = pltpu.async_copy(x_hbm.at[2 * wid], chunk_v.at[pl.ds(0, _COLS)], sem)
    c2 = pltpu.async_copy(
        x_hbm.at[2 * wid + 1], chunk_v.at[pl.ds(_COLS, _COLS)], sem)

    inf_v = jnp.full((_L,), jnp.inf, jnp.float32)
    ninf_v = jnp.full((_L,), -jnp.inf, jnp.float32)

    def pad_body(i, c):
        base = i * (8 * _L)
        for t in range(8):
            blo_v[pl.ds(base + t * _L, _L)] = inf_v
            bhi_v[pl.ds(base + t * _L, _L)] = ninf_v
        return c

    lax.fori_loop(0, _CAP // (8 * _L), pad_body, 0)

    _GV = 204

    def group_scan(g0, ngroups, carry):
        def body(g, c):
            tl, th = c
            base = (g0 + g) * (_GV * _L)

            def inner(j, mm):
                los = list(mm[:4])
                his = list(mm[4:])
                b2 = base + j * (12 * _L)
                for t in range(12):
                    v = chunk_v[pl.ds(b2 + t * _L, _L)]
                    los[t % 4] = jnp.minimum(los[t % 4], v)
                    his[t % 4] = jnp.maximum(his[t % 4], v)
                return tuple(los) + tuple(his)

            r = lax.fori_loop(0, _GV // 12, inner,
                              (inf_v,) * 4 + (ninf_v,) * 4)
            vlo = jnp.minimum(jnp.minimum(r[0], r[1]),
                              jnp.minimum(r[2], r[3]))
            vhi = jnp.maximum(jnp.maximum(r[4], r[5]),
                              jnp.maximum(r[6], r[7]))
            gmin = vlo[0]
            gmax = vhi[0]
            for l in range(1, _L):
                gmin = jnp.minimum(gmin, vlo[l])
                gmax = jnp.maximum(gmax, vhi[l])
            return jnp.maximum(tl, gmin), jnp.minimum(th, gmax)

        return lax.fori_loop(0, ngroups, body, carry)

    c1.wait()
    carry0 = (jnp.float32(-jnp.inf), jnp.float32(jnp.inf))
    carry0 = group_scan(0, 10, carry0)
    c2.wait()
    thr_lo, thr_hi = group_scan(10, 10, carry0)

    thr_lo_v = jnp.broadcast_to(thr_lo, (_L,))
    thr_hi_v = jnp.broadcast_to(thr_hi, (_L,))

    def or_tree(ms):
        while len(ms) > 1:
            nxt = [ms[j] | ms[j + 1] for j in range(0, len(ms) - 1, 2)]
            if len(ms) % 2:
                nxt.append(ms[-1])
            ms = nxt
        return ms[0]

    one_v = jnp.full((_L,), 1, jnp.int32)
    zero_v = jnp.full((_L,), 0, jnp.int32)

    def pass_a(b, c):
        base = b * (8 * _L)
        vs = [chunk_v[pl.ds(base + t * _L, _L)] for t in range(8)]
        mlos = [v <= thr_lo_v for v in vs]
        mhis = [v >= thr_hi_v for v in vs]
        any_m = or_tree(mlos) | or_tree(mhis)
        summ_v[pl.ds(b * _L, _L)] = jnp.where(any_m, one_v, zero_v)
        return c

    lax.fori_loop(0, _NBLK, pass_a, 0)

    def rescan(b):
        def f(c):
            p_lo, p_hi = c
            base = b * (8 * _L)
            vs = [chunk_v[pl.ds(base + t * _L, _L)] for t in range(8)]
            mlos = [v <= thr_lo_v for v in vs]
            mhis = [v >= thr_hi_v for v in vs]
            clos = [plsc.all_reduce_population_count(m) for m in mlos]
            chis = [plsc.all_reduce_population_count(m) for m in mhis]
            cls = [c_[0] for c_ in clos]
            chs = [c_[0] for c_ in chis]
            for t in range(8):
                plsc.store_compressed(
                    blo_v.at[pl.ds(p_lo, _L)], vs[t], mask=mlos[t])
                plsc.store_compressed(
                    bhi_v.at[pl.ds(p_hi, _L)], vs[t], mask=mhis[t])
                p_lo = jnp.minimum(p_lo + cls[t], _CAP - _L)
                p_hi = jnp.minimum(p_hi + chs[t], _CAP - _L)
            return p_lo, p_hi

        return f

    def keep(c):
        return c

    def pass_b(g, carry):
        cnts = []
        for t in range(8):
            sv = summ_v[pl.ds((g * 8 + t) * _L, _L)]
            cnts.append(plsc.all_reduce_population_count(sv > 0))
        cs = [c_[0] for c_ in cnts]
        for t in range(8):
            carry = lax.cond(cs[t] > 0, rescan(g * 8 + t), keep, carry)
        return carry

    lax.fori_loop(0, _NBLK // 8, pass_b, (jnp.int32(0), jnp.int32(0)))

    pltpu.sync_copy(blo_v, lo_hbm.at[wid])
    pltpu.sync_copy(bhi_v, hi_hbm.at[wid])


def _to_sortable(x):
    top = jnp.uint32(0x80000000)
    bits = lax.bitcast_convert_type(x, jnp.uint32)
    return jnp.where(bits >= top, ~bits, bits | top)


def _from_sortable(u):
    top = jnp.uint32(0x80000000)
    bits = jnp.where(u >= top, u ^ top, ~u)
    return lax.bitcast_convert_type(bits, jnp.float32)


def _final_kernel(lo_ref, hi_ref, max_ref, min_ref, ulo_ref, uhi_ref):
    ulo_ref[...] = _to_sortable(lo_ref[...])
    uhi_ref[...] = _to_sortable(hi_ref[...])

    def body(i, carry):
        p_min, p_max = carry
        bit = jnp.left_shift(jnp.uint32(1), jnp.uint32(31) - i.astype(jnp.uint32))
        c_min = p_min | bit
        c_max = p_max | bit
        cnt_min = jnp.sum((ulo_ref[...] < c_min).astype(jnp.int32))
        cnt_max = jnp.sum((uhi_ref[...] < c_max).astype(jnp.int32))
        p_min = jnp.where(cnt_min >= _K_MIN, p_min, c_min)
        p_max = jnp.where(cnt_max >= _K_TOP, p_max, c_max)
        return p_min, p_max

    p_min, p_max = lax.fori_loop(0, 32, body, (jnp.uint32(0), jnp.uint32(0)))
    min_ref[0, 0] = _from_sortable(p_min)
    max_ref[0, 0] = _from_sortable(p_max)


@functools.cache
def _make_sc_filter():
    return functools.partial(
        pl.kernel,
        mesh=plsc.VectorSubcoreMesh(core_axis_name="c", subcore_axis_name="s"),
        compiler_params=pltpu.CompilerParams(needs_layout_passes=False),
        out_type=(
            jax.ShapeDtypeStruct((_NW, _CAP), jnp.float32),
            jax.ShapeDtypeStruct((_NW, _CAP), jnp.float32),
        ),
        scratch_types=[
            pltpu.VMEM((_CHUNK,), jnp.float32),
            pltpu.VMEM((_CAP,), jnp.float32),
            pltpu.VMEM((_CAP,), jnp.float32),
            pltpu.VMEM((_NBLK * _L,), jnp.int32),
            pltpu.SemaphoreType.DMA,
        ],
    )(_sc_filter_body)


def kernel(x):
    lo_c, hi_c = _make_sc_filter()(x)
    out_max, out_min = pl.pallas_call(
        _final_kernel,
        out_shape=(
            jax.ShapeDtypeStruct((1, 1), jnp.float32),
            jax.ShapeDtypeStruct((1, 1), jnp.float32),
        ),
        out_specs=(
            pl.BlockSpec(memory_space=pltpu.SMEM),
            pl.BlockSpec(memory_space=pltpu.SMEM),
        ),
        scratch_shapes=[
            pltpu.VMEM((_NW, _CAP), jnp.uint32),
            pltpu.VMEM((_NW, _CAP), jnp.uint32),
        ],
    )(lo_c, hi_c)
    return (out_max[0, 0], out_min[0, 0])

# --- scband reference (transcript-rebuilt; emitter-appended) ---
"""Pipeline reference for scband-my-model-61933428410731 (READ-ONLY COPY).

The authoritative reference and input builder live on the scoring server;
editing this copy changes nothing except your own understanding.
"""

import jax, jax.numpy as jnp
import numpy as np

PERCENTILE = 0.99999

def setup_inputs(seed: int = 0) -> dict:
    key = jax.random.key(seed)
    x = jax.random.normal(key, (64, 32768), dtype=jnp.float32)
    return {"x": x}

def reference(x):
    numel = x.size
    min_idx = int(numel * (1 - PERCENTILE))
    max_idx = int(numel * PERCENTILE)
    flat_value = x.reshape(-1)
    sorted_vals = jnp.sort(flat_value)
    # torch.kthvalue is 1-indexed: k-th smallest value
    _min = sorted_vals[min_idx - 1]
    _max = sorted_vals[max_idx - 1]
    return (_max, _min)

if __name__ == "__main__":
    import jax
    _d = setup_inputs()
    print(jax.jit(kernel)(*tuple(_d.values())))

</pallas_src>

<mosaic_0001>
#map = affine_map<(d0, d1) -> (0, 0)>
module attributes {stable_mosaic.version = 14 : i64} {
  func.func @_sc_filter_body(%arg0: i32, %arg1: i32, %arg2: memref<64x32768xf32, #tpu.memory_space<hbm>>, %arg3: memref<32x1024xf32, #tpu.memory_space<hbm>>, %arg4: memref<32x1024xf32, #tpu.memory_space<hbm>>, %arg5: memref<65536xf32, #tpu.memory_space<vmem>>, %arg6: memref<1024xf32, #tpu.memory_space<vmem>>, %arg7: memref<1024xf32, #tpu.memory_space<vmem>>, %arg8: memref<8192xi32, #tpu.memory_space<vmem>>, %arg9: memref<!tpu.dma_semaphore, #tpu.memory_space<semaphore_mem>>) attributes {dimension_semantics = [#tpu.dimension_semantics<core_parallel>, #tpu.dimension_semantics<subcore_parallel>], iteration_bounds = array<i64: 2, 16>, scalar_prefetch = 0 : i64, scratch_operands = 5 : i64, tpu.core_type = #tpu.core_type<sc_vector_subcore>, window_params = [{transform_indices = #map}, {transform_indices = #map}, {transform_indices = #map}]} {
    %mul3A = arith.constant 2 : i32
    %mul3A_0 = arith.muli %arg1, %mul3A : i32
    %add3A = arith.addi %mul3A_0, %arg0 : i32
    %mul3A_1 = arith.constant 2 : i32
    %mul3A_2 = arith.muli %mul3A_1, %add3A : i32
    %dma_start3A = arith.constant 0 : i32
    %dma_start3A_3 = tpu.memref_slice %arg5[%dma_start3A] : memref<65536xf32, #tpu.memory_space<vmem>> -> memref<32768xf32, #tpu.memory_space<vmem>>
    %dma_start3A_4 = arith.constant 0 : i32
    %dma_start3A_5 = tpu.memref_slice %arg2[%mul3A_2, %dma_start3A_4] : memref<64x32768xf32, #tpu.memory_space<hbm>> -> memref<1x32768xf32, #tpu.memory_space<hbm>>
    %dma_start3A_6 = tpu.memref_squeeze %dma_start3A_5 : memref<1x32768xf32, #tpu.memory_space<hbm>> -> memref<32768xf32, #tpu.memory_space<hbm>>
    %dma_start3A_7 = arith.constant 0 : i32
    %dma_start3A_8 = tpu.memref_slice %arg5[%dma_start3A_7] : memref<65536xf32, #tpu.memory_space<vmem>> -> memref<32768xf32, #tpu.memory_space<vmem>>
    %dma_start3A_9 = arith.constant 0 : i32
    %dma_start3A_10 = tpu.memref_slice %arg2[%mul3A_2, %dma_start3A_9] : memref<64x32768xf32, #tpu.memory_space<hbm>> -> memref<1x32768xf32, #tpu.memory_space<hbm>>
    %dma_start3A_11 = tpu.memref_squeeze %dma_start3A_10 : memref<1x32768xf32, #tpu.memory_space<hbm>> -> memref<32768xf32, #tpu.memory_space<hbm>>
    tpu.enqueue_dma source(%dma_start3A_11 : memref<32768xf32, #tpu.memory_space<hbm>>) target(%dma_start3A_8 : memref<32768xf32, #tpu.memory_space<vmem>>) target_semaphore(%arg9 : memref<!tpu.dma_semaphore, #tpu.memory_space<semaphore_mem>>)
    %mul3A_12 = arith.constant 2 : i32
    %mul3A_13 = arith.muli %mul3A_12, %add3A : i32
    %add3A_14 = arith.constant 1 : i32
    %add3A_15 = arith.addi %mul3A_13, %add3A_14 : i32
    %dma_start3A_16 = arith.constant 32768 : i32
    %dma_start3A_17 = tpu.memref_slice %arg5[%dma_start3A_16] : memref<65536xf32, #tpu.memory_space<vmem>> -> memref<32768xf32, #tpu.memory_space<vmem>>
    %dma_start3A_18 = arith.constant 0 : i32
    %dma_start3A_19 = tpu.memref_slice %arg2[%add3A_15, %dma_start3A_18] : memref<64x32768xf32, #tpu.memory_space<hbm>> -> memref<1x32768xf32, #tpu.memory_space<hbm>>
    %dma_start3A_20 = tpu.memref_squeeze %dma_start3A_19 : memref<1x32768xf32, #tpu.memory_space<hbm>> -> memref<32768xf32, #tpu.memory_space<hbm>>
    %dma_start3A_21 = arith.constant 32768 : i32
    %dma_start3A_22 = tpu.memref_slice %arg5[%dma_start3A_21] : memref<65536xf32, #tpu.memory_space<vmem>> -> memref<32768xf32, #tpu.memory_space<vmem>>
    %dma_start3A_23 = arith.constant 0 : i32
    %dma_start3A_24 = tpu.memref_slice %arg2[%add3A_15, %dma_start3A_23] : memref<64x32768xf32, #tpu.memory_space<hbm>> -> memref<1x32768xf32, #tpu.memory_space<hbm>>
    %dma_start3A_25 = tpu.memref_squeeze %dma_start3A_24 : memref<1x32768xf32, #tpu.memory_space<hbm>> -> memref<32768xf32, #tpu.memory_space<hbm>>
    tpu.enqueue_dma source(%dma_start3A_25 : memref<32768xf32, #tpu.memory_space<hbm>>) target(%dma_start3A_22 : memref<32768xf32, #tpu.memory_space<vmem>>) target_semaphore(%arg9 : memref<!tpu.dma_semaphore, #tpu.memory_space<semaphore_mem>>)
    %broadcast_in_dim3A = arith.constant 0x7F800000 : f32
    %broadcast_in_dim3A_26 = vector.broadcast %broadcast_in_dim3A : f32 to vector<16xf32>
    %broadcast_in_dim3A_27 = arith.constant 0xFF800000 : f32
    %broadcast_in_dim3A_28 = vector.broadcast %broadcast_in_dim3A_27 : f32 to vector<16xf32>
    %scan3A = arith.constant 0 : i32
    %scan3A_29 = arith.constant 0 : i32
    %scan3A_30 = arith.constant 8 : i32
    %scan3A_31 = arith.addi %scan3A_29, %scan3A_30 : i32
    %scan3A_32 = arith.constant 1 : i32
    scf.for %scan3A_87 = %scan3A_29 to %scan3A_31 step %scan3A_32  : i32 {
      %mul3A_88 = arith.constant 128 : i32
      %mul3A_89 = arith.muli %scan3A_87, %mul3A_88 : i32
      %add3A_90 = arith.constant 0 : i32
      %add3A_91 = arith.addi %mul3A_89, %add3A_90 : i32
      %swap3A = arith.index_cast %add3A_91 : i32 to index
      %swap3A_92 = tpu.vector_load %arg6[%swap3A] {strides = array<i32>} : memref<1024xf32, #tpu.memory_space<vmem>>, vector<16xf32>,
      tpu.vector_store %arg6[%swap3A], %broadcast_in_dim3A_26 {strides = array<i32>} : memref<1024xf32, #tpu.memory_space<vmem>>, vector<16xf32>,
      %add3A_93 = arith.constant 0 : i32
      %add3A_94 = arith.addi %mul3A_89, %add3A_93 : i32
      %swap3A_95 = arith.index_cast %add3A_94 : i32 to index
      %swap3A_96 = tpu.vector_load %arg7[%swap3A_95] {strides = array<i32>} : memref<1024xf32, #tpu.memory_space<vmem>>, vector<16xf32>,
      tpu.vector_store %arg7[%swap3A_95], %broadcast_in_dim3A_28 {strides = array<i32>} : memref<1024xf32, #tpu.memory_space<vmem>>, vector<16xf32>,
      %add3A_97 = arith.constant 16 : i32
      %add3A_98 = arith.addi %mul3A_89, %add3A_97 : i32
      %swap3A_99 = arith.index_cast %add3A_98 : i32 to index
      %swap3A_100 = tpu.vector_load %arg6[%swap3A_99] {strides = array<i32>} : memref<1024xf32, #tpu.memory_space<vmem>>, vector<16xf32>,
      tpu.vector_store %arg6[%swap3A_99], %broadcast_in_dim3A_26 {strides = array<i32>} : memref<1024xf32, #tpu.memory_space<vmem>>, vector<16xf32>,
      %add3A_101 = arith.constant 16 : i32
      %add3A_102 = arith.addi %mul3A_89, %add3A_101 : i32
      %swap3A_103 = arith.index_cast %add3A_102 : i32 to index
      %swap3A_104 = tpu.vector_load %arg7[%swap3A_103] {strides = array<i32>} : memref<1024xf32, #tpu.memory_space<vmem>>, vector<16xf32>,
      tpu.vector_store %arg7[%swap3A_103], %broadcast_in_dim3A_28 {strides = array<i32>} : memref<1024xf32, #tpu.memory_space<vmem>>, vector<16xf32>,
      %add3A_105 = arith.constant 32 : i32
      %add3A_106 = arith.addi %mul3A_89, %add3A_105 : i32
      %swap3A_107 = arith.index_cast %add3A_106 : i32 to index
      %swap3A_108 = tpu.vector_load %arg6[%swap3A_107] {strides = array<i32>} : memref<1024xf32, #tpu.memory_space<vmem>>, vector<16xf32>,
      tpu.vector_store %arg6[%swap3A_107], %broadcast_in_dim3A_26 {strides = array<i32>} : memref<1024xf32, #tpu.memory_space<vmem>>, vector<16xf32>,
      %add3A_109 = arith.constant 32 : i32
      %add3A_110 = arith.addi %mul3A_89, %add3A_109 : i32
      %swap3A_111 = arith.index_cast %add3A_110 : i32 to index
      %swap3A_112 = tpu.vector_load %arg7[%swap3A_111] {strides = array<i32>} : memref<1024xf32, #tpu.memory_space<vmem>>, vector<16xf32>,
      tpu.vector_store %arg7[%swap3A_111], %broadcast_in_dim3A_28 {strides = array<i32>} : memref<1024xf32, #tpu.memory_space<vmem>>, vector<16xf32>,
      %add3A_113 = arith.constant 48 : i32
      %add3A_114 = arith.addi %mul3A_89, %add3A_113 : i32
      %swap3A_115 = arith.index_cast %add3A_114 : i32 to index
      %swap3A_116 = tpu.vector_load %arg6[%swap3A_115] {strides = array<i32>} : memref<1024xf32, #tpu.memory_space<vmem>>, vector<16xf32>,
      tpu.vector_store %arg6[%swap3A_115], %broadcast_in_dim3A_26 {strides = array<i32>} : memref<1024xf32, #tpu.memory_space<vmem>>, vector<16xf32>,
      %add3A_117 = arith.constant 48 : i32
      %add3A_118 = arith.addi %mul3A_89, %add3A_117 : i32
      %swap3A_119 = arith.index_cast %add3A_118 : i32 to index
      %swap3A_120 = tpu.vector_load %arg7[%swap3A_119] {strides = array<i32>} : memref<1024xf32, #tpu.memory_space<vmem>>, vector<16xf32>,
      tpu.vector_store %arg7[%swap3A_119], %broadcast_in_dim3A_28 {strides = array<i32>} : memref<1024xf32, #tpu.memory_space<vmem>>, vector<16xf32>,
      %add3A_121 = arith.constant 64 : i32
      %add3A_122 = arith.addi %mul3A_89, %add3A_121 : i32
      %swap3A_123 = arith.index_cast %add3A_122 : i32 to index
      %swap3A_124 = tpu.vector_load %arg6[%swap3A_123] {strides = array<i32>} : memref<1024xf32, #tpu.memory_space<vmem>>, vector<16xf32>,
      tpu.vector_store %arg6[%swap3A_123], %broadcast_in_dim3A_26 {strides = array<i32>} : memref<1024xf32, #tpu.memory_space<vmem>>, vector<16xf32>,
      %add3A_125 = arith.constant 64 : i32
      %add3A_126 = arith.addi %mul3A_89, %add3A_125 : i32
      %swap3A_127 = arith.index_cast %add3A_126 : i32 to index
      %swap3A_128 = tpu.vector_load %arg7[%swap3A_127] {strides = array<i32>} : memref<1024xf32, #tpu.memory_space<vmem>>, vector<16xf32>,
      tpu.vector_store %arg7[%swap3A_127], %broadcast_in_dim3A_28 {strides = array<i32>} : memref<1024xf32, #tpu.memory_space<vmem>>, vector<16xf32>,
      %add3A_129 = arith.constant 80 : i32
      %add3A_130 = arith.addi %mul3A_89, %add3A_129 : i32
      %swap3A_131 = arith.index_cast %add3A_130 : i32 to index
      %swap3A_132 = tpu.vector_load %arg6[%swap3A_131] {strides = array<i32>} : memref<1024xf32, #tpu.memory_space<vmem>>, vector<16xf32>,
      tpu.vector_store %arg6[%swap3A_131], %broadcast_in_dim3A_26 {strides = array<i32>} : memref<1024xf32, #tpu.memory_space<vmem>>, vector<16xf32>,
      %add3A_133 = arith.constant 80 : i32
      %add3A_134 = arith.addi %mul3A_89, %add3A_133 : i32
      %swap3A_135 = arith.index_cast %add3A_134 : i32 to index
      %swap3A_136 = tpu.vector_load %arg7[%swap3A_135] {strides = array<i32>} : memref<1024xf32, #tpu.memory_space<vmem>>, vector<16xf32>,
      tpu.vector_store %arg7[%swap3A_135], %broadcast_in_dim3A_28 {strides = array<i32>} : memref<1024xf32, #tpu.memory_space<vmem>>, vector<16xf32>,
      %add3A_137 = arith.constant 96 : i32
      %add3A_138 = arith.addi %mul3A_89, %add3A_137 : i32
      %swap3A_139 = arith.index_cast %add3A_138 : i32 to index
      %swap3A_140 = tpu.vector_load %arg6[%swap3A_139] {strides = array<i32>} : memref<1024xf32, #tpu.memory_space<vmem>>, vector<16xf32>,
      tpu.vector_store %arg6[%swap3A_139], %broadcast_in_dim3A_26 {strides = array<i32>} : memref<1024xf32, #tpu.memory_space<vmem>>, vector<16xf32>,
      %add3A_141 = arith.constant 96 : i32
      %add3A_142 = arith.addi %mul3A_89, %add3A_141 : i32
      %swap3A_143 = arith.index_cast %add3A_142 : i32 to index
      %swap3A_144 = tpu.vector_load %arg7[%swap3A_143] {strides = array<i32>} : memref<1024xf32, #tpu.memory_space<vmem>>, vector<16xf32>,
      tpu.vector_store %arg7[%swap3A_143], %broadcast_in_dim3A_28 {strides = array<i32>} : memref<1024xf32, #tpu.memory_space<vmem>>, vector<16xf32>,
      %add3A_145 = arith.constant 112 : i32
      %add3A_146 = arith.addi %mul3A_89, %add3A_145 : i32
      %swap3A_147 = arith.index_cast %add3A_146 : i32 to index
      %swap3A_148 = tpu.vector_load %arg6[%swap3A_147] {strides = array<i32>} : memref<1024xf32, #tpu.memory_space<vmem>>, vector<16xf32>,
      tpu.vector_store %arg6[%swap3A_147], %broadcast_in_dim3A_26 {strides = array<i32>} : memref<1024xf32, #tpu.memory_space<vmem>>, vector<16xf32>,
      %add3A_149 = arith.constant 112 : i32
      %add3A_150 = arith.addi %mul3A_89, %add3A_149 : i32
      %swap3A_151 = arith.index_cast %add3A_150 : i32 to index
      %swap3A_152 = tpu.vector_load %arg7[%swap3A_151] {strides = array<i32>} : memref<1024xf32, #tpu.memory_space<vmem>>, vector<16xf32>,
      tpu.vector_store %arg7[%swap3A_151], %broadcast_in_dim3A_28 {strides = array<i32>} : memref<1024xf32, #tpu.memory_space<vmem>>, vector<16xf32>,
    }
    %scan3A_33 = arith.constant 8 : i32
    %dma_wait3A = arith.constant 0 : i32
    %dma_wait3A_34 = tpu.memref_slice %arg5[%dma_wait3A] : memref<65536xf32, #tpu.memory_space<vmem>> -> memref<32768xf32, #tpu.memory_space<vmem>>
    %dma_wait3A_35 = arith.constant 0 : i32
    %dma_wait3A_36 = tpu.memref_slice %arg2[%mul3A_2, %dma_wait3A_35] : memref<64x32768xf32, #tpu.memory_space<hbm>> -> memref<1x32768xf32, #tpu.memory_space<hbm>>
    %dma_wait3A_37 = tpu.memref_squeeze %dma_wait3A_36 : memref<1x32768xf32, #tpu.memory_space<hbm>> -> memref<32768xf32, #tpu.memory_space<hbm>>
    %dma_wait3A_38 = arith.constant 0 : i32
    %dma_wait3A_39 = tpu.memref_slice %arg5[%dma_wait3A_38] : memref<65536xf32, #tpu.memory_space<vmem>> -> memref<32768xf32, #tpu.memory_space<vmem>>
    %dma_wait3A_40 = arith.constant 0 : i32
    %dma_wait3A_41 = tpu.memref_slice %arg2[%mul3A_2, %dma_wait3A_40] : memref<64x32768xf32, #tpu.memory_space<hbm>> -> memref<1x32768xf32, #tpu.memory_space<hbm>>
    %dma_wait3A_42 = tpu.memref_squeeze %dma_wait3A_41 : memref<1x32768xf32, #tpu.memory_space<hbm>> -> memref<32768xf32, #tpu.memory_space<hbm>>
    tpu.wait_dma2 semaphore(%arg9 : memref<!tpu.dma_semaphore, #tpu.memory_space<semaphore_mem>>) src(%dma_wait3A_42 : memref<32768xf32, #tpu.memory_space<hbm>>) dst(%dma_wait3A_39 : memref<32768xf32, #tpu.memory_space<vmem>>)
    %scan3A_43 = arith.constant 0xFF800000 : f32
    %scan3A_44 = arith.constant 0x7F800000 : f32
    %scan3A_45 = arith.constant 0 : i32
    %scan3A_46 = arith.constant 10 : i32
    %scan3A_47 = arith.addi %scan3A_45, %scan3A_46 : i32
    %scan3A_48 = arith.constant 1 : i32
    %scan3A_49:2 = scf.for %scan3A_87 = %scan3A_45 to %scan3A_47 step %scan3A_48 iter_args(%scan3A_88 = %scan3A_43, %scan3A_89 = %scan3A_44) -> (f32, f32)  : i32 {
      %add3A_90 = arith.constant 0 : i32
      %add3A_91 = arith.addi %add3A_90, %scan3A_87 : i32
      %mul3A_92 = arith.constant 3264 : i32
      %mul3A_93 = arith.muli %add3A_91, %mul3A_92 : i32
      %scan3A_94 = arith.constant 0 : i32
      %scan3A_95 = arith.constant 17 : i32
      %scan3A_96 = arith.addi %scan3A_94, %scan3A_95 : i32
      %scan3A_97 = arith.constant 1 : i32
      %scan3A_98:8 = scf.for %scan3A_198 = %scan3A_94 to %scan3A_96 step %scan3A_97 iter_args(%scan3A_199 = %broadcast_in_dim3A_26, %scan3A_200 = %broadcast_in_dim3A_26, %scan3A_201 = %broadcast_in_dim3A_26, %scan3A_202 = %broadcast_in_dim3A_26, %scan3A_203 = %broadcast_in_dim3A_28, %scan3A_204 = %broadcast_in_dim3A_28, %scan3A_205 = %broadcast_in_dim3A_28, %scan3A_206 = %broadcast_in_dim3A_28) -> (vector<16xf32>, vector<16xf32>, vector<16xf32>, vector<16xf32>, vector<16xf32>, vector<16xf32>, vector<16xf32>, vector<16xf32>)  : i32 {
        %mul3A_207 = arith.constant 192 : i32
        %mul3A_208 = arith.muli %scan3A_198, %mul3A_207 : i32
        %add3A_209 = arith.addi %mul3A_93, %mul3A_208 : i32
        %add3A_210 = arith.constant 0 : i32
        %add3A_211 = arith.addi %add3A_209, %add3A_210 : i32
        %get3A = arith.index_cast %add3A_211 : i32 to index
        %get3A_212 = tpu.vector_load %arg5[%get3A] {strides = array<i32>} : memref<65536xf32, #tpu.memory_space<vmem>>, vector<16xf32>,
        %min3A_213 = arith.minimumf %scan3A_199, %get3A_212 : vector<16xf32>
        %max3A_214 = arith.maximumf %scan3A_203, %get3A_212 : vector<16xf32>
        %add3A_215 = arith.constant 16 : i32
        %add3A_216 = arith.addi %add3A_209, %add3A_215 : i32
        %get3A_217 = arith.index_cast %add3A_216 : i32 to index
        %get3A_218 = tpu.vector_load %arg5[%get3A_217] {strides = array<i32>} : memref<65536xf32, #tpu.memory_space<vmem>>, vector<16xf32>,
        %min3A_219 = arith.minimumf %scan3A_200, %get3A_218 : vector<16xf32>
        %max3A_220 = arith.maximumf %scan3A_204, %get3A_218 : vector<16xf32>
        %add3A_221 = arith.constant 32 : i32
        %add3A_222 = arith.addi %add3A_209, %add3A_221 : i32
        %get3A_223 = arith.index_cast %add3A_222 : i32 to index
        %get3A_224 = tpu.vector_load %arg5[%get3A_223] {strides = array<i32>} : memref<65536xf32, #tpu.memory_space<vmem>>, vector<16xf32>,
        %min3A_225 = arith.minimumf %scan3A_201, %get3A_224 : vector<16xf32>
        %max3A_226 = arith.maximumf %scan3A_205, %get3A_224 : vector<16xf32>
        %add3A_227 = arith.constant 48 : i32
        %add3A_228 = arith.addi %add3A_209, %add3A_227 : i32
        %get3A_229 = arith.index_cast %add3A_228 : i32 to index
        %get3A_230 = tpu.vector_load %arg5[%get3A_229] {strides = array<i32>} : memref<65536xf32, #tpu.memory_space<vmem>>, vector<16xf32>,
        %min3A_231 = arith.minimumf %scan3A_202, %get3A_230 : vector<16xf32>
        %max3A_232 = arith.maximumf %scan3A_206, %get3A_230 : vector<16xf32>
        %add3A_233 = arith.constant 64 : i32
        %add3A_234 = arith.addi %add3A_209, %add3A_233 : i32
        %get3A_235 = arith.index_cast %add3A_234 : i32 to index
        %get3A_236 = tpu.vector_load %arg5[%get3A_235] {strides = array<i32>} : memref<65536xf32, #tpu.memory_space<vmem>>, vector<16xf32>,
        %min3A_237 = arith.minimumf %min3A_213, %get3A_236 : vector<16xf32>
        %max3A_238 = arith.maximumf %max3A_214, %get3A_236 : vector<16xf32>
        %add3A_239 = arith.constant 80 : i32
        %add3A_240 = arith.addi %add3A_209, %add3A_239 : i32
        %get3A_241 = arith.index_cast %add3A_240 : i32 to index
        %get3A_242 = tpu.vector_load %arg5[%get3A_241] {strides = array<i32>} : memref<65536xf32, #tpu.memory_space<vmem>>, vector<16xf32>,
        %min3A_243 = arith.minimumf %min3A_219, %get3A_242 : vector<16xf32>
        %max3A_244 = arith.maximumf %max3A_220, %get3A_242 : vector<16xf32>
        %add3A_245 = arith.constant 96 : i32
        %add3A_246 = arith.addi %add3A_209, %add3A_245 : i32
        %get3A_247 = arith.index_cast %add3A_246 : i32 to index
        %get3A_248 = tpu.vector_load %arg5[%get3A_247] {strides = array<i32>} : memref<65536xf32, #tpu.memory_space<vmem>>, vector<16xf32>,
        %min3A_249 = arith.minimumf %min3A_225, %get3A_248 : vector<16xf32>
        %max3A_250 = arith.maximumf %max3A_226, %get3A_248 : vector<16xf32>
        %add3A_251 = arith.constant 112 : i32
        %add3A_252 = arith.addi %add3A_209, %add3A_251 : i32
        %get3A_253 = arith.index_cast %add3A_252 : i32 to index
        %get3A_254 = tpu.vector_load %arg5[%get3A_253] {strides = array<i32>} : memref<65536xf32, #tpu.memory_space<vmem>>, vector<16xf32>,
        %min3A_255 = arith.minimumf %min3A_231, %get3A_254 : vector<16xf32>
        %max3A_256 = arith.maximumf %max3A_232, %get3A_254 : vector<16xf32>
        %add3A_257 = arith.constant 128 : i32
        %add3A_258 = arith.addi %add3A_209, %add3A_257 : i32
        %get3A_259 = arith.index_cast %add3A_258 : i32 to index
        %get3A_260 = tpu.vector_load %arg5[%get3A_259] {strides = array<i32>} : memref<65536xf32, #tpu.memory_space<vmem>>, vector<16xf32>,
        %min3A_261 = arith.minimumf %min3A_237, %get3A_260 : vector<16xf32>
        %max3A_262 = arith.maximumf %max3A_238, %get3A_260 : vector<16xf32>
        %add3A_263 = arith.constant 144 : i32
        %add3A_264 = arith.addi %add3A_209, %add3A_263 : i32
        %get3A_265 = arith.index_cast %add3A_264 : i32 to index
        %get3A_266 = tpu.vector_load %arg5[%get3A_265] {strides = array<i32>} : memref<65536xf32, #tpu.memory_space<vmem>>, vector<16xf32>,
        %min3A_267 = arith.minimumf %min3A_243, %get3A_266 : vector<16xf32>
        %max3A_268 = arith.maximumf %max3A_244, %get3A_266 : vector<16xf32>
        %add3A_269 = arith.constant 160 : i32
        %add3A_270 = arith.addi %add3A_209, %add3A_269 : i32
        %get3A_271 = arith.index_cast %add3A_270 : i32 to index
        %get3A_272 = tpu.vector_load %arg5[%get3A_271] {strides = array<i32>} : memref<65536xf32, #tpu.memory_space<vmem>>, vector<16xf32>,
        %min3A_273 = arith.minimumf %min3A_249, %get3A_272 : vector<16xf32>
        %max3A_274 = arith.maximumf %max3A_250, %get3A_272 : vector<16xf32>
        %add3A_275 = arith.constant 176 : i32
        %add3A_276 = arith.addi %add3A_209, %add3A_275 : i32
        %get3A_277 = arith.index_cast %add3A_276 : i32 to index
        %get3A_278 = tpu.vector_load %arg5[%get3A_277] {strides = array<i32>} : memref<65536xf32, #tpu.memory_space<vmem>>, vector<16xf32>,
        %min3A_279 = arith.minimumf %min3A_255, %get3A_278 : vector<16xf32>
        %max3A_280 = arith.maximumf %max3A_256, %get3A_278 : vector<16xf32>
        scf.yield %min3A_261, %min3A_267, %min3A_273, %min3A_279, %max3A_262, %max3A_268, %max3A_274, %max3A_280 : vector<16xf32>, vector<16xf32>, vector<16xf32>, vector<16xf32>, vector<16xf32>, vector<16xf32>, vector<16xf32>, vector<16xf32>
      }
      %scan3A_99 = arith.constant 17 : i32
      %min3A = arith.minimumf %scan3A_98#0, %scan3A_98#1 : vector<16xf32>
      %min3A_100 = arith.minimumf %scan3A_98#2, %scan3A_98#3 : vector<16xf32>
      %min3A_101 = arith.minimumf %min3A, %min3A_100 : vector<16xf32>
      %max3A = arith.maximumf %scan3A_98#4, %scan3A_98#5 : vector<16xf32>
      %max3A_102 = arith.maximumf %scan3A_98#6, %scan3A_98#7 : vector<16xf32>
      %max3A_103 = arith.maximumf %max3A, %max3A_102 : vector<16xf32>
      %slice3A = vector.extract_strided_slice %min3A_101 {offsets = [0], sizes = [1], strides = [1]} : vector<16xf32> to vector<1xf32>
      %squeeze3A = vector.extract %slice3A[0] : f32 from vector<1xf32>
      %slice3A_104 = vector.extract_strided_slice %max3A_103 {offsets = [0], sizes = [1], strides = [1]} : vector<16xf32> to vector<1xf32>
      %squeeze3A_105 = vector.extract %slice3A_104[0] : f32 from vector<1xf32>
      %slice3A_106 = vector.extract_strided_slice %min3A_101 {offsets = [1], sizes = [1], strides = [1]} : vector<16xf32> to vector<1xf32>
      %squeeze3A_107 = vector.extract %slice3A_106[0] : f32 from vector<1xf32>
      %min3A_108 = arith.minimumf %squeeze3A, %squeeze3A_107 : f32
      %slice3A_109 = vector.extract_strided_slice %max3A_103 {offsets = [1], sizes = [1], strides = [1]} : vector<16xf32> to vector<1xf32>
      %squeeze3A_110 = vector.extract %slice3A_109[0] : f32 from vector<1xf32>
      %max3A_111 = arith.maximumf %squeeze3A_105, %squeeze3A_110 : f32
      %slice3A_112 = vector.extract_strided_slice %min3A_101 {offsets = [2], sizes = [1], strides = [1]} : vector<16xf32> to vector<1xf32>
      %squeeze3A_113 = vector.extract %slice3A_112[0] : f32 from vector<1xf32>
      %min3A_114 = arith.minimumf %min3A_108, %squeeze3A_113 : f32
      %slice3A_115 = vector.extract_strided_slice %max3A_103 {offsets = [2], sizes = [1], strides = [1]} : vector<16xf32> to vector<1xf32>
      %squeeze3A_116 = vector.extract %slice3A_115[0] : f32 from vector<1xf32>
      %max3A_117 = arith.maximumf %max3A_111, %squeeze3A_116 : f32
      %slice3A_118 = vector.extract_strided_slice %min3A_101 {offsets = [3], sizes = [1], strides = [1]} : vector<16xf32> to vector<1xf32>
      %squeeze3A_119 = vector.extract %slice3A_118[0] : f32 from vector<1xf32>
      %min3A_120 = arith.minimumf %min3A_114, %squeeze3A_119 : f32
      %slice3A_121 = vector.extract_strided_slice %max3A_103 {offsets = [3], sizes = [1], strides = [1]} : vector<16xf32> to vector<1xf32>
      %squeeze3A_122 = vector.extract %slice3A_121[0] : f32 from vector<1xf32>
      %max3A_123 = arith.maximumf %max3A_117, %squeeze3A_122 : f32
      %slice3A_124 = vector.extract_strided_slice %min3A_101 {offsets = [4], sizes = [1], strides = [1]} : vector<16xf32> to vector<1xf32>
      %squeeze3A_125 = vector.extract %slice3A_124[0] : f32 from vector<1xf32>
      %min3A_126 = arith.minimumf %min3A_120, %squeeze3A_125 : f32
      %slice3A_127 = vector.extract_strided_slice %max3A_103 {offsets = [4], sizes = [1], strides = [1]} : vector<16xf32> to vector<1xf32>
      %squeeze3A_128 = vector.extract %slice3A_127[0] : f32 from vector<1xf32>
      %max3A_129 = arith.maximumf %max3A_123, %squeeze3A_128 : f32
      %slice3A_130 = vector.extract_strided_slice %min3A_101 {offsets = [5], sizes = [1], strides = [1]} : vector<16xf32> to vector<1xf32>
      %squeeze3A_131 = vector.extract %slice3A_130[0] : f32 from vector<1xf32>
      %min3A_132 = arith.minimumf %min3A_126, %squeeze3A_131 : f32
      %slice3A_133 = vector.extract_strided_slice %max3A_103 {offsets = [5], sizes = [1], strides = [1]} : vector<16xf32> to vector<1xf32>
      %squeeze3A_134 = vector.extract %slice3A_133[0] : f32 from vector<1xf32>
      %max3A_135 = arith.maximumf %max3A_129, %squeeze3A_134 : f32
      %slice3A_136 = vector.extract_strided_slice %min3A_101 {offsets = [6], sizes = [1], strides = [1]} : vector<16xf32> to vector<1xf32>
      %squeeze3A_137 = vector.extract %slice3A_136[0] : f32 from vector<1xf32>
      %min3A_138 = arith.minimumf %min3A_132, %squeeze3A_137 : f32
      %slice3A_139 = vector.extract_strided_slice %max3A_103 {offsets = [6], sizes = [1], strides = [1]} : vector<16xf32> to vector<1xf32>
      %squeeze3A_140 = vector.extract %slice3A_139[0] : f32 from vector<1xf32>
      %max3A_141 = arith.maximumf %max3A_135, %squeeze3A_140 : f32
      %slice3A_142 = vector.extract_strided_slice %min3A_101 {offsets = [7], sizes = [1], strides = [1]} : vector<16xf32> to vector<1xf32>
      %squeeze3A_143 = vector.extract %slice3A_142[0] : f32 from vector<1xf32>
      %min3A_144 = arith.minimumf %min3A_138, %squeeze3A_143 : f32
      %slice3A_145 = vector.extract_strided_slice %max3A_103 {offsets = [7], sizes = [1], strides = [1]} : vector<16xf32> to vector<1xf32>
      %squeeze3A_146 = vector.extract %slice3A_145[0] : f32 from vector<1xf32>
      %max3A_147 = arith.maximumf %max3A_141, %squeeze3A_146 : f32
      %slice3A_148 = vector.extract_strided_slice %min3A_101 {offsets = [8], sizes = [1], strides = [1]} : vector<16xf32> to vector<1xf32>
      %squeeze3A_149 = vector.extract %slice3A_148[0] : f32 from vector<1xf32>
      %min3A_150 = arith.minimumf %min3A_144, %squeeze3A_149 : f32
      %slice3A_151 = vector.extract_strided_slice %max3A_103 {offsets = [8], sizes = [1], strides = [1]} : vector<16xf32> to vector<1xf32>
      %squeeze3A_152 = vector.extract %slice3A_151[0] : f32 from vector<1xf32>
      %max3A_153 = arith.maximumf %max3A_147, %squeeze3A_152 : f32
      %slice3A_154 = vector.extract_strided_slice %min3A_101 {offsets = [9], sizes = [1], strides = [1]} : vector<16xf32> to vector<1xf32>
      %squeeze3A_155 = vector.extract %slice3A_154[0] : f32 from vector<1xf32>
      %min3A_156 = arith.minimumf %min3A_150, %squeeze3A_155 : f32
      %slice3A_157 = vector.extract_strided_slice %max3A_103 {offsets = [9], sizes = [1], strides = [1]} : vector<16xf32> to vector<1xf32>
      %squeeze3A_158 = vector.extract %slice3A_157[0] : f32 from vector<1xf32>
      %max3A_159 = arith.maximumf %max3A_153, %squeeze3A_158 : f32
      %slice3A_160 = vector.extract_strided_slice %min3A_101 {offsets = [10], sizes = [1], strides = [1]} : vector<16xf32> to vector<1xf32>
      %squeeze3A_161 = vector.extract %slice3A_160[0] : f32 from vector<1xf32>
      %min3A_162 = arith.minimumf %min3A_156, %squeeze3A_161 : f32
      %slice3A_163 = vector.extract_strided_slice %max3A_103 {offsets = [10], sizes = [1], strides = [1]} : vector<16xf32> to vector<1xf32>
      %squeeze3A_164 = vector.extract %slice3A_163[0] : f32 from vector<1xf32>
      %max3A_165 = arith.maximumf %max3A_159, %squeeze3A_164 : f32
      %slice3A_166 = vector.extract_strided_slice %min3A_101 {offsets = [11], sizes = [1], strides = [1]} : vector<16xf32> to vector<1xf32>
      %squeeze3A_167 = vector.extract %slice3A_166[0] : f32 from vector<1xf32>
      %min3A_168 = arith.minimumf %min3A_162, %squeeze3A_167 : f32
      %slice3A_169 = vector.extract_strided_slice %max3A_103 {offsets = [11], sizes = [1], strides = [1]} : vector<16xf32> to vector<1xf32>
      %squeeze3A_170 = vector.extract %slice3A_169[0] : f32 from vector<1xf32>
      %max3A_171 = arith.maximumf %max3A_165, %squeeze3A_170 : f32
      %slice3A_172 = vector.extract_strided_slice %min3A_101 {offsets = [12], sizes = [1], strides = [1]} : vector<16xf32> to vector<1xf32>
      %squeeze3A_173 = vector.extract %slice3A_172[0] : f32 from vector<1xf32>
      %min3A_174 = arith.minimumf %min3A_168, %squeeze3A_173 : f32
      %slice3A_175 = vector.extract_strided_slice %max3A_103 {offsets = [12], sizes = [1], strides = [1]} : vector<16xf32> to vector<1xf32>
      %squeeze3A_176 = vector.extract %slice3A_175[0] : f32 from vector<1xf32>
      %max3A_177 = arith.maximumf %max3A_171, %squeeze3A_176 : f32
      %slice3A_178 = vector.extract_strided_slice %min3A_101 {offsets = [13], sizes = [1], strides = [1]} : vector<16xf32> to vector<1xf32>
      %squeeze3A_179 = vector.extract %slice3A_178[0] : f32 from vector<1xf32>
      %min3A_180 = arith.minimumf %min3A_174, %squeeze3A_179 : f32
      %slice3A_181 = vector.extract_strided_slice %max3A_103 {offsets = [13], sizes = [1], strides = [1]} : vector<16xf32> to vector<1xf32>
      %squeeze3A_182 = vector.extract %slice3A_181[0] : f32 from vector<1xf32>
      %max3A_183 = arith.maximumf %max3A_177, %squeeze3A_182 : f32
      %slice3A_184 = vector.extract_strided_slice %min3A_101 {offsets = [14], sizes = [1], strides = [1]} : vector<16xf32> to vector<1xf32>
      %squeeze3A_185 = vector.extract %slice3A_184[0] : f32 from vector<1xf32>
      %min3A_186 = arith.minimumf %min3A_180, %squeeze3A_185 : f32
      %slice3A_187 = vector.extract_strided_slice %max3A_103 {offsets = [14], sizes = [1], strides = [1]} : vector<16xf32> to vector<1xf32>
      %squeeze3A_188 = vector.extract %slice3A_187[0] : f32 from vector<1xf32>
      %max3A_189 = arith.maximumf %max3A_183, %squeeze3A_188 : f32
      %slice3A_190 = vector.extract_strided_slice %min3A_101 {offsets = [15], sizes = [1], strides = [1]} : vector<16xf32> to vector<1xf32>
      %squeeze3A_191 = vector.extract %slice3A_190[0] : f32 from vector<1xf32>
      %min3A_192 = arith.minimumf %min3A_186, %squeeze3A_191 : f32
      %slice3A_193 = vector.extract_strided_slice %max3A_103 {offsets = [15], sizes = [1], strides = [1]} : vector<16xf32> to vector<1xf32>
      %squeeze3A_194 = vector.extract %slice3A_193[0] : f32 from vector<1xf32>
      %max3A_195 = arith.maximumf %max3A_189, %squeeze3A_194 : f32
      %max3A_196 = arith.maximumf %scan3A_88, %min3A_192 : f32
      %min3A_197 = arith.minimumf %scan3A_89, %max3A_195 : f32
      scf.yield %max3A_196, %min3A_197 : f32, f32
    }
    %scan3A_50 = arith.constant 10 : i32
    %dma_wait3A_51 = arith.constant 32768 : i32
    %dma_wait3A_52 = tpu.memref_slice %arg5[%dma_wait3A_51] : memref<65536xf32, #tpu.memory_space<vmem>> -> memref<32768xf32, #tpu.memory_space<vmem>>
    %dma_wait3A_53 = arith.constant 0 : i32
    %dma_wait3A_54 = tpu.memref_slice %arg2[%add3A_15, %dma_wait3A_53] : memref<64x32768xf32, #tpu.memory_space<hbm>> -> memref<1x32768xf32, #tpu.memory_space<hbm>>
    %dma_wait3A_55 = tpu.memref_squeeze %dma_wait3A_54 : memref<1x32768xf32, #tpu.memory_space<hbm>> -> memref<32768xf32, #tpu.memory_space<hbm>>
    %dma_wait3A_56 = arith.constant 32768 : i32
    %dma_wait3A_57 = tpu.memref_slice %arg5[%dma_wait3A_56] : memref<65536xf32, #tpu.memory_space<vmem>> -> memref<32768xf32, #tpu.memory_space<vmem>>
    %dma_wait3A_58 = arith.constant 0 : i32
    %dma_wait3A_59 = tpu.memref_slice %arg2[%add3A_15, %dma_wait3A_58] : memref<64x32768xf32, #tpu.memory_space<hbm>> -> memref<1x32768xf32, #tpu.memory_space<hbm>>
    %dma_wait3A_60 = tpu.memref_squeeze %dma_wait3A_59 : memref<1x32768xf32, #tpu.memory_space<hbm>> -> memref<32768xf32, #tpu.memory_space<hbm>>
    tpu.wait_dma2 semaphore(%arg9 : memref<!tpu.dma_semaphore, #tpu.memory_space<semaphore_mem>>) src(%dma_wait3A_60 : memref<32768xf32, #tpu.memory_space<hbm>>) dst(%dma_wait3A_57 : memref<32768xf32, #tpu.memory_space<vmem>>)
    %scan3A_61 = arith.constant 0 : i32
    %scan3A_62 = arith.constant 10 : i32
    %scan3A_63 = arith.addi %scan3A_61, %scan3A_62 : i32
    %scan3A_64 = arith.constant 1 : i32
    %scan3A_65:2 = scf.for %scan3A_87 = %scan3A_61 to %scan3A_63 step %scan3A_64 iter_args(%scan3A_88 = %scan3A_49#0, %scan3A_89 = %scan3A_49#1) -> (f32, f32)  : i32 {
      %add3A_90 = arith.constant 10 : i32
      %add3A_91 = arith.addi %add3A_90, %scan3A_87 : i32
      %mul3A_92 = arith.constant 3264 : i32
      %mul3A_93 = arith.muli %add3A_91, %mul3A_92 : i32
      %scan3A_94 = arith.constant 0 : i32
      %scan3A_95 = arith.constant 17 : i32
      %scan3A_96 = arith.addi %scan3A_94, %scan3A_95 : i32
      %scan3A_97 = arith.constant 1 : i32
      %scan3A_98:8 = scf.for %scan3A_198 = %scan3A_94 to %scan3A_96 step %scan3A_97 iter_args(%scan3A_199 = %broadcast_in_dim3A_26, %scan3A_200 = %broadcast_in_dim3A_26, %scan3A_201 = %broadcast_in_dim3A_26, %scan3A_202 = %broadcast_in_dim3A_26, %scan3A_203 = %broadcast_in_dim3A_28, %scan3A_204 = %broadcast_in_dim3A_28, %scan3A_205 = %broadcast_in_dim3A_28, %scan3A_206 = %broadcast_in_dim3A_28) -> (vector<16xf32>, vector<16xf32>, vector<16xf32>, vector<16xf32>, vector<16xf32>, vector<16xf32>, vector<16xf32>, vector<16xf32>)  : i32 {
        %mul3A_207 = arith.constant 192 : i32
        %mul3A_208 = arith.muli %scan3A_198, %mul3A_207 : i32
        %add3A_209 = arith.addi %mul3A_93, %mul3A_208 : i32
        %add3A_210 = arith.constant 0 : i32
        %add3A_211 = arith.addi %add3A_209, %add3A_210 : i32
        %get3A = arith.index_cast %add3A_211 : i32 to index
        %get3A_212 = tpu.vector_load %arg5[%get3A] {strides = array<i32>} : memref<65536xf32, #tpu.memory_space<vmem>>, vector<16xf32>,
        %min3A_213 = arith.minimumf %scan3A_199, %get3A_212 : vector<16xf32>
        %max3A_214 = arith.maximumf %scan3A_203, %get3A_212 : vector<16xf32>
        %add3A_215 = arith.constant 16 : i32
        %add3A_216 = arith.addi %add3A_209, %add3A_215 : i32
        %get3A_217 = arith.index_cast %add3A_216 : i32 to index
        %get3A_218 = tpu.vector_load %arg5[%get3A_217] {strides = array<i32>} : memref<65536xf32, #tpu.memory_space<vmem>>, vector<16xf32>,
        %min3A_219 = arith.minimumf %scan3A_200, %get3A_218 : vector<16xf32>
        %max3A_220 = arith.maximumf %scan3A_204, %get3A_218 : vector<16xf32>
        %add3A_221 = arith.constant 32 : i32
        %add3A_222 = arith.addi %add3A_209, %add3A_221 : i32
        %get3A_223 = arith.index_cast %add3A_222 : i32 to index
        %get3A_224 = tpu.vector_load %arg5[%get3A_223] {strides = array<i32>} : memref<65536xf32, #tpu.memory_space<vmem>>, vector<16xf32>,
        %min3A_225 = arith.minimumf %scan3A_201, %get3A_224 : vector<16xf32>
        %max3A_226 = arith.maximumf %scan3A_205, %get3A_224 : vector<16xf32>
        %add3A_227 = arith.constant 48 : i32
        %add3A_228 = arith.addi %add3A_209, %add3A_227 : i32
        %get3A_229 = arith.index_cast %add3A_228 : i32 to index
        %get3A_230 = tpu.vector_load %arg5[%get3A_229] {strides = array<i32>} : memref<65536xf32, #tpu.memory_space<vmem>>, vector<16xf32>,
        %min3A_231 = arith.minimumf %scan3A_202, %get3A_230 : vector<16xf32>
        %max3A_232 = arith.maximumf %scan3A_206, %get3A_230 : vector<16xf32>
        %add3A_233 = arith.constant 64 : i32
        %add3A_234 = arith.addi %add3A_209, %add3A_233 : i32
        %get3A_235 = arith.index_cast %add3A_234 : i32 to index
        %get3A_236 = tpu.vector_load %arg5[%get3A_235] {strides = array<i32>} : memref<65536xf32, #tpu.memory_space<vmem>>, vector<16xf32>,
        %min3A_237 = arith.minimumf %min3A_213, %get3A_236 : vector<16xf32>
        %max3A_238 = arith.maximumf %max3A_214, %get3A_236 : vector<16xf32>
        %add3A_239 = arith.constant 80 : i32
        %add3A_240 = arith.addi %add3A_209, %add3A_239 : i32
        %get3A_241 = arith.index_cast %add3A_240 : i32 to index
        %get3A_242 = tpu.vector_load %arg5[%get3A_241] {strides = array<i32>} : memref<65536xf32, #tpu.memory_space<vmem>>, vector<16xf32>,
        %min3A_243 = arith.minimumf %min3A_219, %get3A_242 : vector<16xf32>
        %max3A_244 = arith.maximumf %max3A_220, %get3A_242 : vector<16xf32>
        %add3A_245 = arith.constant 96 : i32
        %add3A_246 = arith.addi %add3A_209, %add3A_245 : i32
        %get3A_247 = arith.index_cast %add3A_246 : i32 to index
        %get3A_248 = tpu.vector_load %arg5[%get3A_247] {strides = array<i32>} : memref<65536xf32, #tpu.memory_space<vmem>>, vector<16xf32>,
        %min3A_249 = arith.minimumf %min3A_225, %get3A_248 : vector<16xf32>
        %max3A_250 = arith.maximumf %max3A_226, %get3A_248 : vector<16xf32>
        %add3A_251 = arith.constant 112 : i32
        %add3A_252 = arith.addi %add3A_209, %add3A_251 : i32
        %get3A_253 = arith.index_cast %add3A_252 : i32 to index
        %get3A_254 = tpu.vector_load %arg5[%get3A_253] {strides = array<i32>} : memref<65536xf32, #tpu.memory_space<vmem>>, vector<16xf32>,
        %min3A_255 = arith.minimumf %min3A_231, %get3A_254 : vector<16xf32>
        %max3A_256 = arith.maximumf %max3A_232, %get3A_254 : vector<16xf32>
        %add3A_257 = arith.constant 128 : i32
        %add3A_258 = arith.addi %add3A_209, %add3A_257 : i32
        %get3A_259 = arith.index_cast %add3A_258 : i32 to index
        %get3A_260 = tpu.vector_load %arg5[%get3A_259] {strides = array<i32>} : memref<65536xf32, #tpu.memory_space<vmem>>, vector<16xf32>,
        %min3A_261 = arith.minimumf %min3A_237, %get3A_260 : vector<16xf32>
        %max3A_262 = arith.maximumf %max3A_238, %get3A_260 : vector<16xf32>
        %add3A_263 = arith.constant 144 : i32
        %add3A_264 = arith.addi %add3A_209, %add3A_263 : i32
        %get3A_265 = arith.index_cast %add3A_264 : i32 to index
        %get3A_266 = tpu.vector_load %arg5[%get3A_265] {strides = array<i32>} : memref<65536xf32, #tpu.memory_space<vmem>>, vector<16xf32>,
        %min3A_267 = arith.minimumf %min3A_243, %get3A_266 : vector<16xf32>
        %max3A_268 = arith.maximumf %max3A_244, %get3A_266 : vector<16xf32>
        %add3A_269 = arith.constant 160 : i32
        %add3A_270 = arith.addi %add3A_209, %add3A_269 : i32
        %get3A_271 = arith.index_cast %add3A_270 : i32 to index
        %get3A_272 = tpu.vector_load %arg5[%get3A_271] {strides = array<i32>} : memref<65536xf32, #tpu.memory_space<vmem>>, vector<16xf32>,
        %min3A_273 = arith.minimumf %min3A_249, %get3A_272 : vector<16xf32>
        %max3A_274 = arith.maximumf %max3A_250, %get3A_272 : vector<16xf32>
        %add3A_275 = arith.constant 176 : i32
        %add3A_276 = arith.addi %add3A_209, %add3A_275 : i32
        %get3A_277 = arith.index_cast %add3A_276 : i32 to index
        %get3A_278 = tpu.vector_load %arg5[%get3A_277] {strides = array<i32>} : memref<65536xf32, #tpu.memory_space<vmem>>, vector<16xf32>,
        %min3A_279 = arith.minimumf %min3A_255, %get3A_278 : vector<16xf32>
        %max3A_280 = arith.maximumf %max3A_256, %get3A_278 : vector<16xf32>
        scf.yield %min3A_261, %min3A_267, %min3A_273, %min3A_279, %max3A_262, %max3A_268, %max3A_274, %max3A_280 : vector<16xf32>, vector<16xf32>, vector<16xf32>, vector<16xf32>, vector<16xf32>, vector<16xf32>, vector<16xf32>, vector<16xf32>
      }
      %scan3A_99 = arith.constant 17 : i32
      %min3A = arith.minimumf %scan3A_98#0, %scan3A_98#1 : vector<16xf32>
      %min3A_100 = arith.minimumf %scan3A_98#2, %scan3A_98#3 : vector<16xf32>
      %min3A_101 = arith.minimumf %min3A, %min3A_100 : vector<16xf32>
      %max3A = arith.maximumf %scan3A_98#4, %scan3A_98#5 : vector<16xf32>
      %max3A_102 = arith.maximumf %scan3A_98#6, %scan3A_98#7 : vector<16xf32>
      %max3A_103 = arith.maximumf %max3A, %max3A_102 : vector<16xf32>
      %slice3A = vector.extract_strided_slice %min3A_101 {offsets = [0], sizes = [1], strides = [1]} : vector<16xf32> to vector<1xf32>
      %squeeze3A = vector.extract %slice3A[0] : f32 from vector<1xf32>
      %slice3A_104 = vector.extract_strided_slice %max3A_103 {offsets = [0], sizes = [1], strides = [1]} : vector<16xf32> to vector<1xf32>
      %squeeze3A_105 = vector.extract %slice3A_104[0] : f32 from vector<1xf32>
      %slice3A_106 = vector.extract_strided_slice %min3A_101 {offsets = [1], sizes = [1], strides = [1]} : vector<16xf32> to vector<1xf32>
      %squeeze3A_107 = vector.extract %slice3A_106[0] : f32 from vector<1xf32>
      %min3A_108 = arith.minimumf %squeeze3A, %squeeze3A_107 : f32
      %slice3A_109 = vector.extract_strided_slice %max3A_103 {offsets = [1], sizes = [1], strides = [1]} : vector<16xf32> to vector<1xf32>
      %squeeze3A_110 = vector.extract %slice3A_109[0] : f32 from vector<1xf32>
      %max3A_111 = arith.maximumf %squeeze3A_105, %squeeze3A_110 : f32
      %slice3A_112 = vector.extract_strided_slice %min3A_101 {offsets = [2], sizes = [1], strides = [1]} : vector<16xf32> to vector<1xf32>
      %squeeze3A_113 = vector.extract %slice3A_112[0] : f32 from vector<1xf32>
      %min3A_114 = arith.minimumf %min3A_108, %squeeze3A_113 : f32
      %slice3A_115 = vector.extract_strided_slice %max3A_103 {offsets = [2], sizes = [1], strides = [1]} : vector<16xf32> to vector<1xf32>
      %squeeze3A_116 = vector.extract %slice3A_115[0] : f32 from vector<1xf32>
      %max3A_117 = arith.maximumf %max3A_111, %squeeze3A_116 : f32
      %slice3A_118 = vector.extract_strided_slice %min3A_101 {offsets = [3], sizes = [1], strides = [1]} : vector<16xf32> to vector<1xf32>
      %squeeze3A_119 = vector.extract %slice3A_118[0] : f32 from vector<1xf32>
      %min3A_120 = arith.minimumf %min3A_114, %squeeze3A_119 : f32
      %slice3A_121 = vector.extract_strided_slice %max3A_103 {offsets = [3], sizes = [1], strides = [1]} : vector<16xf32> to vector<1xf32>
      %squeeze3A_122 = vector.extract %slice3A_121[0] : f32 from vector<1xf32>
      %max3A_123 = arith.maximumf %max3A_117, %squeeze3A_122 : f32
      %slice3A_124 = vector.extract_strided_slice %min3A_101 {offsets = [4], sizes = [1], strides = [1]} : vector<16xf32> to vector<1xf32>
      %squeeze3A_125 = vector.extract %slice3A_124[0] : f32 from vector<1xf32>
      %min3A_126 = arith.minimumf %min3A_120, %squeeze3A_125 : f32
      %slice3A_127 = vector.extract_strided_slice %max3A_103 {offsets = [4], sizes = [1], strides = [1]} : vector<16xf32> to vector<1xf32>
      %squeeze3A_128 = vector.extract %slice3A_127[0] : f32 from vector<1xf32>
      %max3A_129 = arith.maximumf %max3A_123, %squeeze3A_128 : f32
      %slice3A_130 = vector.extract_strided_slice %min3A_101 {offsets = [5], sizes = [1], strides = [1]} : vector<16xf32> to vector<1xf32>
      %squeeze3A_131 = vector.extract %slice3A_130[0] : f32 from vector<1xf32>
      %min3A_132 = arith.minimumf %min3A_126, %squeeze3A_131 : f32
      %slice3A_133 = vector.extract_strided_slice %max3A_103 {offsets = [5], sizes = [1], strides = [1]} : vector<16xf32> to vector<1xf32>
      %squeeze3A_134 = vector.extract %slice3A_133[0] : f32 from vector<1xf32>
      %max3A_135 = arith.maximumf %max3A_129, %squeeze3A_134 : f32
      %slice3A_136 = vector.extract_strided_slice %min3A_101 {offsets = [6], sizes = [1], strides = [1]} : vector<16xf32> to vector<1xf32>
      %squeeze3A_137 = vector.extract %slice3A_136[0] : f32 from vector<1xf32>
      %min3A_138 = arith.minimumf %min3A_132, %squeeze3A_137 : f32
      %slice3A_139 = vector.extract_strided_slice %max3A_103 {offsets = [6], sizes = [1], strides = [1]} : vector<16xf32> to vector<1xf32>
      %squeeze3A_140 = vector.extract %slice3A_139[0] : f32 from vector<1xf32>
      %max3A_141 = arith.maximumf %max3A_135, %squeeze3A_140 : f32
      %slice3A_142 = vector.extract_strided_slice %min3A_101 {offsets = [7], sizes = [1], strides = [1]} : vector<16xf32> to vector<1xf32>
      %squeeze3A_143 = vector.extract %slice3A_142[0] : f32 from vector<1xf32>
      %min3A_144 = arith.minimumf %min3A_138, %squeeze3A_143 : f32
      %slice3A_145 = vector.extract_strided_slice %max3A_103 {offsets = [7], sizes = [1], strides = [1]} : vector<16xf32> to vector<1xf32>
      %squeeze3A_146 = vector.extract %slice3A_145[0] : f32 from vector<1xf32>
      %max3A_147 = arith.maximumf %max3A_141, %squeeze3A_146 : f32
      %slice3A_148 = vector.extract_strided_slice %min3A_101 {offsets = [8], sizes = [1], strides = [1]} : vector<16xf32> to vector<1xf32>
      %squeeze3A_149 = vector.extract %slice3A_148[0] : f32 from vector<1xf32>
      %min3A_150 = arith.minimumf %min3A_144, %squeeze3A_149 : f32
      %slice3A_151 = vector.extract_strided_slice %max3A_103 {offsets = [8], sizes = [1], strides = [1]} : vector<16xf32> to vector<1xf32>
      %squeeze3A_152 = vector.extract %slice3A_151[0] : f32 from vector<1xf32>
      %max3A_153 = arith.maximumf %max3A_147, %squeeze3A_152 : f32
      %slice3A_154 = vector.extract_strided_slice %min3A_101 {offsets = [9], sizes = [1], strides = [1]} : vector<16xf32> to vector<1xf32>
      %squeeze3A_155 = vector.extract %slice3A_154[0] : f32 from vector<1xf32>
      %min3A_156 = arith.minimumf %min3A_150, %squeeze3A_155 : f32
      %slice3A_157 = vector.extract_strided_slice %max3A_103 {offsets = [9], sizes = [1], strides = [1]} : vector<16xf32> to vector<1xf32>
      %squeeze3A_158 = vector.extract %slice3A_157[0] : f32 from vector<1xf32>
      %max3A_159 = arith.maximumf %max3A_153, %squeeze3A_158 : f32
      %slice3A_160 = vector.extract_strided_slice %min3A_101 {offsets = [10], sizes = [1], strides = [1]} : vector<16xf32> to vector<1xf32>
      %squeeze3A_161 = vector.extract %slice3A_160[0] : f32 from vector<1xf32>
      %min3A_162 = arith.minimumf %min3A_156, %squeeze3A_161 : f32
      %slice3A_163 = vector.extract_strided_slice %max3A_103 {offsets = [10], sizes = [1], strides = [1]} : vector<16xf32> to vector<1xf32>
      %squeeze3A_164 = vector.extract %slice3A_163[0] : f32 from vector<1xf32>
      %max3A_165 = arith.maximumf %max3A_159, %squeeze3A_164 : f32
      %slice3A_166 = vector.extract_strided_slice %min3A_101 {offsets = [11], sizes = [1], strides = [1]} : vector<16xf32> to vector<1xf32>
      %squeeze3A_167 = vector.extract %slice3A_166[0] : f32 from vector<1xf32>
      %min3A_168 = arith.minimumf %min3A_162, %squeeze3A_167 : f32
      %slice3A_169 = vector.extract_strided_slice %max3A_103 {offsets = [11], sizes = [1], strides = [1]} : vector<16xf32> to vector<1xf32>
      %squeeze3A_170 = vector.extract %slice3A_169[0] : f32 from vector<1xf32>
      %max3A_171 = arith.maximumf %max3A_165, %squeeze3A_170 : f32
      %slice3A_172 = vector.extract_strided_slice %min3A_101 {offsets = [12], sizes = [1], strides = [1]} : vector<16xf32> to vector<1xf32>
      %squeeze3A_173 = vector.extract %slice3A_172[0] : f32 from vector<1xf32>
      %min3A_174 = arith.minimumf %min3A_168, %squeeze3A_173 : f32
      %slice3A_175 = vector.extract_strided_slice %max3A_103 {offsets = [12], sizes = [1], strides = [1]} : vector<16xf32> to vector<1xf32>
      %squeeze3A_176 = vector.extract %slice3A_175[0] : f32 from vector<1xf32>
      %max3A_177 = arith.maximumf %max3A_171, %squeeze3A_176 : f32
      %slice3A_178 = vector.extract_strided_slice %min3A_101 {offsets = [13], sizes = [1], strides = [1]} : vector<16xf32> to vector<1xf32>
      %squeeze3A_179 = vector.extract %slice3A_178[0] : f32 from vector<1xf32>
      %min3A_180 = arith.minimumf %min3A_174, %squeeze3A_179 : f32
      %slice3A_181 = vector.extract_strided_slice %max3A_103 {offsets = [13], sizes = [1], strides = [1]} : vector<16xf32> to vector<1xf32>
      %squeeze3A_182 = vector.extract %slice3A_181[0] : f32 from vector<1xf32>
      %max3A_183 = arith.maximumf %max3A_177, %squeeze3A_182 : f32
      %slice3A_184 = vector.extract_strided_slice %min3A_101 {offsets = [14], sizes = [1], strides = [1]} : vector<16xf32> to vector<1xf32>
      %squeeze3A_185 = vector.extract %slice3A_184[0] : f32 from vector<1xf32>
      %min3A_186 = arith.minimumf %min3A_180, %squeeze3A_185 : f32
      %slice3A_187 = vector.extract_strided_slice %max3A_103 {offsets = [14], sizes = [1], strides = [1]} : vector<16xf32> to vector<1xf32>
      %squeeze3A_188 = vector.extract %slice3A_187[0] : f32 from vector<1xf32>
      %max3A_189 = arith.maximumf %max3A_183, %squeeze3A_188 : f32
      %slice3A_190 = vector.extract_strided_slice %min3A_101 {offsets = [15], sizes = [1], strides = [1]} : vector<16xf32> to vector<1xf32>
      %squeeze3A_191 = vector.extract %slice3A_190[0] : f32 from vector<1xf32>
      %min3A_192 = arith.minimumf %min3A_186, %squeeze3A_191 : f32
      %slice3A_193 = vector.extract_strided_slice %max3A_103 {offsets = [15], sizes = [1], strides = [1]} : vector<16xf32> to vector<1xf32>
      %squeeze3A_194 = vector.extract %slice3A_193[0] : f32 from vector<1xf32>
      %max3A_195 = arith.maximumf %max3A_189, %squeeze3A_194 : f32
      %max3A_196 = arith.maximumf %scan3A_88, %min3A_192 : f32
      %min3A_197 = arith.minimumf %scan3A_89, %max3A_195 : f32
      scf.yield %max3A_196, %min3A_197 : f32, f32
    }
    %scan3A_66 = arith.constant 10 : i32
    %broadcast_in_dim3A_67 = vector.broadcast %scan3A_65#0 : f32 to vector<16xf32>
    %broadcast_in_dim3A_68 = vector.broadcast %scan3A_65#1 : f32 to vector<16xf32>
    %broadcast_in_dim3A_69 = arith.constant 1 : i32
    %broadcast_in_dim3A_70 = vector.broadcast %broadcast_in_dim3A_69 : i32 to vector<16xi32>
    %broadcast_in_dim3A_71 = arith.constant 0 : i32
    %broadcast_in_dim3A_72 = vector.broadcast %broadcast_in_dim3A_71 : i32 to vector<16xi32>
    %scan3A_73 = arith.constant 0 : i32
    %scan3A_74 = arith.constant 0 : i32
    %scan3A_75 = arith.constant 512 : i32
    %scan3A_76 = arith.addi %scan3A_74, %scan3A_75 : i32
    %scan3A_77 = arith.constant 1 : i32
    scf.for %scan3A_87 = %scan3A_74 to %scan3A_76 step %scan3A_77  : i32 {
      %mul3A_88 = arith.constant 128 : i32
      %mul3A_89 = arith.muli %scan3A_87, %mul3A_88 : i32
      %add3A_90 = arith.constant 0 : i32
      %add3A_91 = arith.addi %mul3A_89, %add3A_90 : i32
      %get3A = arith.index_cast %add3A_91 : i32 to index
      %get3A_92 = tpu.vector_load %arg5[%get3A] {strides = array<i32>} : memref<65536xf32, #tpu.memory_space<vmem>>, vector<16xf32>,
      %add3A_93 = arith.constant 16 : i32
      %add3A_94 = arith.addi %mul3A_89, %add3A_93 : i32
      %get3A_95 = arith.index_cast %add3A_94 : i32 to index
      %get3A_96 = tpu.vector_load %arg5[%get3A_95] {strides = array<i32>} : memref<65536xf32, #tpu.memory_space<vmem>>, vector<16xf32>,
      %add3A_97 = arith.constant 32 : i32
      %add3A_98 = arith.addi %mul3A_89, %add3A_97 : i32
      %get3A_99 = arith.index_cast %add3A_98 : i32 to index
      %get3A_100 = tpu.vector_load %arg5[%get3A_99] {strides = array<i32>} : memref<65536xf32, #tpu.memory_space<vmem>>, vector<16xf32>,
      %add3A_101 = arith.constant 48 : i32
      %add3A_102 = arith.addi %mul3A_89, %add3A_101 : i32
      %get3A_103 = arith.index_cast %add3A_102 : i32 to index
      %get3A_104 = tpu.vector_load %arg5[%get3A_103] {strides = array<i32>} : memref<65536xf32, #tpu.memory_space<vmem>>, vector<16xf32>,
      %add3A_105 = arith.constant 64 : i32
      %add3A_106 = arith.addi %mul3A_89, %add3A_105 : i32
      %get3A_107 = arith.index_cast %add3A_106 : i32 to index
      %get3A_108 = tpu.vector_load %arg5[%get3A_107] {strides = array<i32>} : memref<65536xf32, #tpu.memory_space<vmem>>, vector<16xf32>,
      %add3A_109 = arith.constant 80 : i32
      %add3A_110 = arith.addi %mul3A_89, %add3A_109 : i32
      %get3A_111 = arith.index_cast %add3A_110 : i32 to index
      %get3A_112 = tpu.vector_load %arg5[%get3A_111] {strides = array<i32>} : memref<65536xf32, #tpu.memory_space<vmem>>, vector<16xf32>,
      %add3A_113 = arith.constant 96 : i32
      %add3A_114 = arith.addi %mul3A_89, %add3A_113 : i32
      %get3A_115 = arith.index_cast %add3A_114 : i32 to index
      %get3A_116 = tpu.vector_load %arg5[%get3A_115] {strides = array<i32>} : memref<65536xf32, #tpu.memory_space<vmem>>, vector<16xf32>,
      %add3A_117 = arith.constant 112 : i32
      %add3A_118 = arith.addi %mul3A_89, %add3A_117 : i32
      %get3A_119 = arith.index_cast %add3A_118 : i32 to index
      %get3A_120 = tpu.vector_load %arg5[%get3A_119] {strides = array<i32>} : memref<65536xf32, #tpu.memory_space<vmem>>, vector<16xf32>,
      %le3A = arith.cmpf ole, %get3A_92, %broadcast_in_dim3A_67 : vector<16xf32>
      %le3A_121 = arith.cmpf ole, %get3A_96, %broadcast_in_dim3A_67 : vector<16xf32>
      %le3A_122 = arith.cmpf ole, %get3A_100, %broadcast_in_dim3A_67 : vector<16xf32>
      %le3A_123 = arith.cmpf ole, %get3A_104, %broadcast_in_dim3A_67 : vector<16xf32>
      %le3A_124 = arith.cmpf ole, %get3A_108, %broadcast_in_dim3A_67 : vector<16xf32>
      %le3A_125 = arith.cmpf ole, %get3A_112, %broadcast_in_dim3A_67 : vector<16xf32>
      %le3A_126 = arith.cmpf ole, %get3A_116, %broadcast_in_dim3A_67 : vector<16xf32>
      %le3A_127 = arith.cmpf ole, %get3A_120, %broadcast_in_dim3A_67 : vector<16xf32>
      %ge3A = arith.cmpf oge, %get3A_92, %broadcast_in_dim3A_68 : vector<16xf32>
      %ge3A_128 = arith.cmpf oge, %get3A_96, %broadcast_in_dim3A_68 : vector<16xf32>
      %ge3A_129 = arith.cmpf oge, %get3A_100, %broadcast_in_dim3A_68 : vector<16xf32>
      %ge3A_130 = arith.cmpf oge, %get3A_104, %broadcast_in_dim3A_68 : vector<16xf32>
      %ge3A_131 = arith.cmpf oge, %get3A_108, %broadcast_in_dim3A_68 : vector<16xf32>
      %ge3A_132 = arith.cmpf oge, %get3A_112, %broadcast_in_dim3A_68 : vector<16xf32>
      %ge3A_133 = arith.cmpf oge, %get3A_116, %broadcast_in_dim3A_68 : vector<16xf32>
      %ge3A_134 = arith.cmpf oge, %get3A_120, %broadcast_in_dim3A_68 : vector<16xf32>
      %or3A = arith.ori %le3A, %le3A_121 : vector<16xi1>
      %or3A_135 = arith.ori %le3A_122, %le3A_123 : vector<16xi1>
      %or3A_136 = arith.ori %le3A_124, %le3A_125 : vector<16xi1>
      %or3A_137 = arith.ori %le3A_126, %le3A_127 : vector<16xi1>
      %or3A_138 = arith.ori %or3A, %or3A_135 : vector<16xi1>
      %or3A_139 = arith.ori %or3A_136, %or3A_137 : vector<16xi1>
      %or3A_140 = arith.ori %or3A_138, %or3A_139 : vector<16xi1>
      %or3A_141 = arith.ori %ge3A, %ge3A_128 : vector<16xi1>
      %or3A_142 = arith.ori %ge3A_129, %ge3A_130 : vector<16xi1>
      %or3A_143 = arith.ori %ge3A_131, %ge3A_132 : vector<16xi1>
      %or3A_144 = arith.ori %ge3A_133, %ge3A_134 : vector<16xi1>
      %or3A_145 = arith.ori %or3A_141, %or3A_142 : vector<16xi1>
      %or3A_146 = arith.ori %or3A_143, %or3A_144 : vector<16xi1>
      %or3A_147 = arith.ori %or3A_145, %or3A_146 : vector<16xi1>
      %or3A_148 = arith.ori %or3A_140, %or3A_147 : vector<16xi1>
      %select_n3A = arith.select %or3A_148, %broadcast_in_dim3A_70, %broadcast_in_dim3A_72 : vector<16xi1>, vector<16xi32>
      %mul3A_149 = arith.constant 16 : i32
      %mul3A_150 = arith.muli %scan3A_87, %mul3A_149 : i32
      %swap3A = arith.index_cast %mul3A_150 : i32 to index
      %swap3A_151 = tpu.vector_load %arg8[%swap3A] {strides = array<i32>} : memref<8192xi32, #tpu.memory_space<vmem>>, vector<16xi32>,
      tpu.vector_store %arg8[%swap3A], %select_n3A {strides = array<i32>} : memref<8192xi32, #tpu.memory_space<vmem>>, vector<16xi32>,
    }
    %scan3A_78 = arith.constant 512 : i32
    %scan3A_79 = arith.constant 0 : i32
    %scan3A_80 = arith.constant 0 : i32
    %scan3A_81 = arith.constant 0 : i32
    %scan3A_82 = arith.constant 64 : i32
    %scan3A_83 = arith.addi %scan3A_81, %scan3A_82 : i32
    %scan3A_84 = arith.constant 1 : i32
    %scan3A_85:2 = scf.for %scan3A_87 = %scan3A_81 to %scan3A_83 step %scan3A_84 iter_args(%scan3A_88 = %scan3A_79, %scan3A_89 = %scan3A_80) -> (i32, i32)  : i32 {
      %mul3A_90 = arith.constant 8 : i32
      %mul3A_91 = arith.muli %scan3A_87, %mul3A_90 : i32
      %add3A_92 = arith.constant 0 : i32
      %add3A_93 = arith.addi %mul3A_91, %add3A_92 : i32
      %mul3A_94 = arith.constant 16 : i32
      %mul3A_95 = arith.muli %add3A_93, %mul3A_94 : i32
      %get3A = arith.index_cast %mul3A_95 : i32 to index
      %get3A_96 = tpu.vector_load %arg8[%get3A] {strides = array<i32>} : memref<8192xi32, #tpu.memory_space<vmem>>, vector<16xi32>,
      %gt3A = arith.constant 0 : i32
      %gt3A_97 = vector.broadcast %gt3A : i32 to vector<16xi32>
      %gt3A_98 = arith.cmpi sgt, %get3A_96, %gt3A_97 : vector<16xi32>
      %all_reduce_population_count3A = tpu.all_reduce %gt3A_98 {dim = 0 : i64, kind = #tpu.reduction_kind<sum>} : vector<16xi1> -> vector<16xi32>
      %mul3A_99 = arith.constant 8 : i32
      %mul3A_100 = arith.muli %scan3A_87, %mul3A_99 : i32
      %add3A_101 = arith.constant 1 : i32
      %add3A_102 = arith.addi %mul3A_100, %add3A_101 : i32
      %mul3A_103 = arith.constant 16 : i32
      %mul3A_104 = arith.muli %add3A_102, %mul3A_103 : i32
      %get3A_105 = arith.index_cast %mul3A_104 : i32 to index
      %get3A_106 = tpu.vector_load %arg8[%get3A_105] {strides = array<i32>} : memref<8192xi32, #tpu.memory_space<vmem>>, vector<16xi32>,
      %gt3A_107 = arith.constant 0 : i32
      %gt3A_108 = vector.broadcast %gt3A_107 : i32 to vector<16xi32>
      %gt3A_109 = arith.cmpi sgt, %get3A_106, %gt3A_108 : vector<16xi32>
      %all_reduce_population_count3A_110 = tpu.all_reduce %gt3A_109 {dim = 0 : i64, kind = #tpu.reduction_kind<sum>} : vector<16xi1> -> vector<16xi32>
      %mul3A_111 = arith.constant 8 : i32
      %mul3A_112 = arith.muli %scan3A_87, %mul3A_111 : i32
      %add3A_113 = arith.constant 2 : i32
      %add3A_114 = arith.addi %mul3A_112, %add3A_113 : i32
      %mul3A_115 = arith.constant 16 : i32
      %mul3A_116 = arith.muli %add3A_114, %mul3A_115 : i32
      %get3A_117 = arith.index_cast %mul3A_116 : i32 to index
      %get3A_118 = tpu.vector_load %arg8[%get3A_117] {strides = array<i32>} : memref<8192xi32, #tpu.memory_space<vmem>>, vector<16xi32>,
      %gt3A_119 = arith.constant 0 : i32
      %gt3A_120 = vector.broadcast %gt3A_119 : i32 to vector<16xi32>
      %gt3A_121 = arith.cmpi sgt, %get3A_118, %gt3A_120 : vector<16xi32>
      %all_reduce_population_count3A_122 = tpu.all_reduce %gt3A_121 {dim = 0 : i64, kind = #tpu.reduction_kind<sum>} : vector<16xi1> -> vector<16xi32>
      %mul3A_123 = arith.constant 8 : i32
      %mul3A_124 = arith.muli %scan3A_87, %mul3A_123 : i32
      %add3A_125 = arith.constant 3 : i32
      %add3A_126 = arith.addi %mul3A_124, %add3A_125 : i32
      %mul3A_127 = arith.constant 16 : i32
      %mul3A_128 = arith.muli %add3A_126, %mul3A_127 : i32
      %get3A_129 = arith.index_cast %mul3A_128 : i32 to index
      %get3A_130 = tpu.vector_load %arg8[%get3A_129] {strides = array<i32>} : memref<8192xi32, #tpu.memory_space<vmem>>, vector<16xi32>,
      %gt3A_131 = arith.constant 0 : i32
      %gt3A_132 = vector.broadcast %gt3A_131 : i32 to vector<16xi32>
      %gt3A_133 = arith.cmpi sgt, %get3A_130, %gt3A_132 : vector<16xi32>
      %all_reduce_population_count3A_134 = tpu.all_reduce %gt3A_133 {dim = 0 : i64, kind = #tpu.reduction_kind<sum>} : vector<16xi1> -> vector<16xi32>
      %mul3A_135 = arith.constant 8 : i32
      %mul3A_136 = arith.muli %scan3A_87, %mul3A_135 : i32
      %add3A_137 = arith.constant 4 : i32
      %add3A_138 = arith.addi %mul3A_136, %add3A_137 : i32
      %mul3A_139 = arith.constant 16 : i32
      %mul3A_140 = arith.muli %add3A_138, %mul3A_139 : i32
      %get3A_141 = arith.index_cast %mul3A_140 : i32 to index
      %get3A_142 = tpu.vector_load %arg8[%get3A_141] {strides = array<i32>} : memref<8192xi32, #tpu.memory_space<vmem>>, vector<16xi32>,
      %gt3A_143 = arith.constant 0 : i32
      %gt3A_144 = vector.broadcast %gt3A_143 : i32 to vector<16xi32>
      %gt3A_145 = arith.cmpi sgt, %get3A_142, %gt3A_144 : vector<16xi32>
      %all_reduce_population_count3A_146 = tpu.all_reduce %gt3A_145 {dim = 0 : i64, kind = #tpu.reduction_kind<sum>} : vector<16xi1> -> vector<16xi32>
      %mul3A_147 = arith.constant 8 : i32
      %mul3A_148 = arith.muli %scan3A_87, %mul3A_147 : i32
      %add3A_149 = arith.constant 5 : i32
      %add3A_150 = arith.addi %mul3A_148, %add3A_149 : i32
      %mul3A_151 = arith.constant 16 : i32
      %mul3A_152 = arith.muli %add3A_150, %mul3A_151 : i32
      %get3A_153 = arith.index_cast %mul3A_152 : i32 to index
      %get3A_154 = tpu.vector_load %arg8[%get3A_153] {strides = array<i32>} : memref<8192xi32, #tpu.memory_space<vmem>>, vector<16xi32>,
      %gt3A_155 = arith.constant 0 : i32
      %gt3A_156 = vector.broadcast %gt3A_155 : i32 to vector<16xi32>
      %gt3A_157 = arith.cmpi sgt, %get3A_154, %gt3A_156 : vector<16xi32>
      %all_reduce_population_count3A_158 = tpu.all_reduce %gt3A_157 {dim = 0 : i64, kind = #tpu.reduction_kind<sum>} : vector<16xi1> -> vector<16xi32>
      %mul3A_159 = arith.constant 8 : i32
      %mul3A_160 = arith.muli %scan3A_87, %mul3A_159 : i32
      %add3A_161 = arith.constant 6 : i32
      %add3A_162 = arith.addi %mul3A_160, %add3A_161 : i32
      %mul3A_163 = arith.constant 16 : i32
      %mul3A_164 = arith.muli %add3A_162, %mul3A_163 : i32
      %get3A_165 = arith.index_cast %mul3A_164 : i32 to index
      %get3A_166 = tpu.vector_load %arg8[%get3A_165] {strides = array<i32>} : memref<8192xi32, #tpu.memory_space<vmem>>, vector<16xi32>,
      %gt3A_167 = arith.constant 0 : i32
      %gt3A_168 = vector.broadcast %gt3A_167 : i32 to vector<16xi32>
      %gt3A_169 = arith.cmpi sgt, %get3A_166, %gt3A_168 : vector<16xi32>
      %all_reduce_population_count3A_170 = tpu.all_reduce %gt3A_169 {dim = 0 : i64, kind = #tpu.reduction_kind<sum>} : vector<16xi1> -> vector<16xi32>
      %mul3A_171 = arith.constant 8 : i32
      %mul3A_172 = arith.muli %scan3A_87, %mul3A_171 : i32
      %add3A_173 = arith.constant 7 : i32
      %add3A_174 = arith.addi %mul3A_172, %add3A_173 : i32
      %mul3A_175 = arith.constant 16 : i32
      %mul3A_176 = arith.muli %add3A_174, %mul3A_175 : i32
      %get3A_177 = arith.index_cast %mul3A_176 : i32 to index
      %get3A_178 = tpu.vector_load %arg8[%get3A_177] {strides = array<i32>} : memref<8192xi32, #tpu.memory_space<vmem>>, vector<16xi32>,
      %gt3A_179 = arith.constant 0 : i32
      %gt3A_180 = vector.broadcast %gt3A_179 : i32 to vector<16xi32>
      %gt3A_181 = arith.cmpi sgt, %get3A_178, %gt3A_180 : vector<16xi32>
      %all_reduce_population_count3A_182 = tpu.all_reduce %gt3A_181 {dim = 0 : i64, kind = #tpu.reduction_kind<sum>} : vector<16xi1> -> vector<16xi32>
      %slice3A = vector.extract_strided_slice %all_reduce_population_count3A {offsets = [0], sizes = [1], strides = [1]} : vector<16xi32> to vector<1xi32>
      %squeeze3A = vector.extract %slice3A[0] : i32 from vector<1xi32>
      %slice3A_183 = vector.extract_strided_slice %all_reduce_population_count3A_110 {offsets = [0], sizes = [1], strides = [1]} : vector<16xi32> to vector<1xi32>
      %squeeze3A_184 = vector.extract %slice3A_183[0] : i32 from vector<1xi32>
      %slice3A_185 = vector.extract_strided_slice %all_reduce_population_count3A_122 {offsets = [0], sizes = [1], strides = [1]} : vector<16xi32> to vector<1xi32>
      %squeeze3A_186 = vector.extract %slice3A_185[0] : i32 from vector<1xi32>
      %slice3A_187 = vector.extract_strided_slice %all_reduce_population_count3A_134 {offsets = [0], sizes = [1], strides = [1]} : vector<16xi32> to vector<1xi32>
      %squeeze3A_188 = vector.extract %slice3A_187[0] : i32 from vector<1xi32>
      %slice3A_189 = vector.extract_strided_slice %all_reduce_population_count3A_146 {offsets = [0], sizes = [1], strides = [1]} : vector<16xi32> to vector<1xi32>
      %squeeze3A_190 = vector.extract %slice3A_189[0] : i32 from vector<1xi32>
      %slice3A_191 = vector.extract_strided_slice %all_reduce_population_count3A_158 {offsets = [0], sizes = [1], strides = [1]} : vector<16xi32> to vector<1xi32>
      %squeeze3A_192 = vector.extract %slice3A_191[0] : i32 from vector<1xi32>
      %slice3A_193 = vector.extract_strided_slice %all_reduce_population_count3A_170 {offsets = [0], sizes = [1], strides = [1]} : vector<16xi32> to vector<1xi32>
      %squeeze3A_194 = vector.extract %slice3A_193[0] : i32 from vector<1xi32>
      %slice3A_195 = vector.extract_strided_slice %all_reduce_population_count3A_182 {offsets = [0], sizes = [1], strides = [1]} : vector<16xi32> to vector<1xi32>
      %squeeze3A_196 = vector.extract %slice3A_195[0] : i32 from vector<1xi32>
      %gt3A_197 = arith.constant 0 : i32
      %gt3A_198 = arith.cmpi sgt, %squeeze3A, %gt3A_197 : i32
      %mul3A_199 = arith.constant 8 : i32
      %mul3A_200 = arith.muli %scan3A_87, %mul3A_199 : i32
      %add3A_201 = arith.constant 0 : i32
      %add3A_202 = arith.addi %mul3A_200, %add3A_201 : i32
      %convert_element_type3A = arith.extui %gt3A_198 : i1 to i32
      %cond3A = arith.constant 0 : i32
      %cond3A_203 = arith.cmpi ne, %convert_element_type3A, %cond3A : i32
      %cond3A_204:2 = scf.if %cond3A_203 -> (i32, i32) {
        %mul3A_275 = arith.constant 128 : i32
        %mul3A_276 = arith.muli %add3A_202, %mul3A_275 : i32
        %add3A_277 = arith.constant 0 : i32
        %add3A_278 = arith.addi %mul3A_276, %add3A_277 : i32
        %get3A_279 = arith.index_cast %add3A_278 : i32 to index
        %get3A_280 = tpu.vector_load %arg5[%get3A_279] {strides = array<i32>} : memref<65536xf32, #tpu.memory_space<vmem>>, vector<16xf32>,
        %add3A_281 = arith.constant 16 : i32
        %add3A_282 = arith.addi %mul3A_276, %add3A_281 : i32
        %get3A_283 = arith.index_cast %add3A_282 : i32 to index
        %get3A_284 = tpu.vector_load %arg5[%get3A_283] {strides = array<i32>} : memref<65536xf32, #tpu.memory_space<vmem>>, vector<16xf32>,
        %add3A_285 = arith.constant 32 : i32
        %add3A_286 = arith.addi %mul3A_276, %add3A_285 : i32
        %get3A_287 = arith.index_cast %add3A_286 : i32 to index
        %get3A_288 = tpu.vector_load %arg5[%get3A_287] {strides = array<i32>} : memref<65536xf32, #tpu.memory_space<vmem>>, vector<16xf32>,
        %add3A_289 = arith.constant 48 : i32
        %add3A_290 = arith.addi %mul3A_276, %add3A_289 : i32
        %get3A_291 = arith.index_cast %add3A_290 : i32 to index
        %get3A_292 = tpu.vector_load %arg5[%get3A_291] {strides = array<i32>} : memref<65536xf32, #tpu.memory_space<vmem>>, vector<16xf32>,
        %add3A_293 = arith.constant 64 : i32
        %add3A_294 = arith.addi %mul3A_276, %add3A_293 : i32
        %get3A_295 = arith.index_cast %add3A_294 : i32 to index
        %get3A_296 = tpu.vector_load %arg5[%get3A_295] {strides = array<i32>} : memref<65536xf32, #tpu.memory_space<vmem>>, vector<16xf32>,
        %add3A_297 = arith.constant 80 : i32
        %add3A_298 = arith.addi %mul3A_276, %add3A_297 : i32
        %get3A_299 = arith.index_cast %add3A_298 : i32 to index
        %get3A_300 = tpu.vector_load %arg5[%get3A_299] {strides = array<i32>} : memref<65536xf32, #tpu.memory_space<vmem>>, vector<16xf32>,
        %add3A_301 = arith.constant 96 : i32
        %add3A_302 = arith.addi %mul3A_276, %add3A_301 : i32
        %get3A_303 = arith.index_cast %add3A_302 : i32 to index
        %get3A_304 = tpu.vector_load %arg5[%get3A_303] {strides = array<i32>} : memref<65536xf32, #tpu.memory_space<vmem>>, vector<16xf32>,
        %add3A_305 = arith.constant 112 : i32
        %add3A_306 = arith.addi %mul3A_276, %add3A_305 : i32
        %get3A_307 = arith.index_cast %add3A_306 : i32 to index
        %get3A_308 = tpu.vector_load %arg5[%get3A_307] {strides = array<i32>} : memref<65536xf32, #tpu.memory_space<vmem>>, vector<16xf32>,
        %le3A = arith.cmpf ole, %get3A_280, %broadcast_in_dim3A_67 : vector<16xf32>
        %le3A_309 = arith.cmpf ole, %get3A_284, %broadcast_in_dim3A_67 : vector<16xf32>
        %le3A_310 = arith.cmpf ole, %get3A_288, %broadcast_in_dim3A_67 : vector<16xf32>
        %le3A_311 = arith.cmpf ole, %get3A_292, %broadcast_in_dim3A_67 : vector<16xf32>
        %le3A_312 = arith.cmpf ole, %get3A_296, %broadcast_in_dim3A_67 : vector<16xf32>
        %le3A_313 = arith.cmpf ole, %get3A_300, %broadcast_in_dim3A_67 : vector<16xf32>
        %le3A_314 = arith.cmpf ole, %get3A_304, %broadcast_in_dim3A_67 : vector<16xf32>
        %le3A_315 = arith.cmpf ole, %get3A_308, %broadcast_in_dim3A_67 : vector<16xf32>
        %ge3A = arith.cmpf oge, %get3A_280, %broadcast_in_dim3A_68 : vector<16xf32>
        %ge3A_316 = arith.cmpf oge, %get3A_284, %broadcast_in_dim3A_68 : vector<16xf32>
        %ge3A_317 = arith.cmpf oge, %get3A_288, %broadcast_in_dim3A_68 : vector<16xf32>
        %ge3A_318 = arith.cmpf oge, %get3A_292, %broadcast_in_dim3A_68 : vector<16xf32>
        %ge3A_319 = arith.cmpf oge, %get3A_296, %broadcast_in_dim3A_68 : vector<16xf32>
        %ge3A_320 = arith.cmpf oge, %get3A_300, %broadcast_in_dim3A_68 : vector<16xf32>
        %ge3A_321 = arith.cmpf oge, %get3A_304, %broadcast_in_dim3A_68 : vector<16xf32>
        %ge3A_322 = arith.cmpf oge, %get3A_308, %broadcast_in_dim3A_68 : vector<16xf32>
        %all_reduce_population_count3A_323 = tpu.all_reduce %le3A {dim = 0 : i64, kind = #tpu.reduction_kind<sum>} : vector<16xi1> -> vector<16xi32>
        %all_reduce_population_count3A_324 = tpu.all_reduce %le3A_309 {dim = 0 : i64, kind = #tpu.reduction_kind<sum>} : vector<16xi1> -> vector<16xi32>
        %all_reduce_population_count3A_325 = tpu.all_reduce %le3A_310 {dim = 0 : i64, kind = #tpu.reduction_kind<sum>} : vector<16xi1> -> vector<16xi32>
        %all_reduce_population_count3A_326 = tpu.all_reduce %le3A_311 {dim = 0 : i64, kind = #tpu.reduction_kind<sum>} : vector<16xi1> -> vector<16xi32>
        %all_reduce_population_count3A_327 = tpu.all_reduce %le3A_312 {dim = 0 : i64, kind = #tpu.reduction_kind<sum>} : vector<16xi1> -> vector<16xi32>
        %all_reduce_population_count3A_328 = tpu.all_reduce %le3A_313 {dim = 0 : i64, kind = #tpu.reduction_kind<sum>} : vector<16xi1> -> vector<16xi32>
        %all_reduce_population_count3A_329 = tpu.all_reduce %le3A_314 {dim = 0 : i64, kind = #tpu.reduction_kind<sum>} : vector<16xi1> -> vector<16xi32>
        %all_reduce_population_count3A_330 = tpu.all_reduce %le3A_315 {dim = 0 : i64, kind = #tpu.reduction_kind<sum>} : vector<16xi1> -> vector<16xi32>
        %all_reduce_population_count3A_331 = tpu.all_reduce %ge3A {dim = 0 : i64, kind = #tpu.reduction_kind<sum>} : vector<16xi1> -> vector<16xi32>
        %all_reduce_population_count3A_332 = tpu.all_reduce %ge3A_316 {dim = 0 : i64, kind = #tpu.reduction_kind<sum>} : vector<16xi1> -> vector<16xi32>
        %all_reduce_population_count3A_333 = tpu.all_reduce %ge3A_317 {dim = 0 : i64, kind = #tpu.reduction_kind<sum>} : vector<16xi1> -> vector<16xi32>
        %all_reduce_population_count3A_334 = tpu.all_reduce %ge3A_318 {dim = 0 : i64, kind = #tpu.reduction_kind<sum>} : vector<16xi1> -> vector<16xi32>
        %all_reduce_population_count3A_335 = tpu.all_reduce %ge3A_319 {dim = 0 : i64, kind = #tpu.reduction_kind<sum>} : vector<16xi1> -> vector<16xi32>
        %all_reduce_population_count3A_336 = tpu.all_reduce %ge3A_320 {dim = 0 : i64, kind = #tpu.reduction_kind<sum>} : vector<16xi1> -> vector<16xi32>
        %all_reduce_population_count3A_337 = tpu.all_reduce %ge3A_321 {dim = 0 : i64, kind = #tpu.reduction_kind<sum>} : vector<16xi1> -> vector<16xi32>
        %all_reduce_population_count3A_338 = tpu.all_reduce %ge3A_322 {dim = 0 : i64, kind = #tpu.reduction_kind<sum>} : vector<16xi1> -> vector<16xi32>
        %slice3A_339 = vector.extract_strided_slice %all_reduce_population_count3A_323 {offsets = [0], sizes = [1], strides = [1]} : vector<16xi32> to vector<1xi32>
        %squeeze3A_340 = vector.extract %slice3A_339[0] : i32 from vector<1xi32>
        %slice3A_341 = vector.extract_strided_slice %all_reduce_population_count3A_324 {offsets = [0], sizes = [1], strides = [1]} : vector<16xi32> to vector<1xi32>
        %squeeze3A_342 = vector.extract %slice3A_341[0] : i32 from vector<1xi32>
        %slice3A_343 = vector.extract_strided_slice %all_reduce_population_count3A_325 {offsets = [0], sizes = [1], strides = [1]} : vector<16xi32> to vector<1xi32>
        %squeeze3A_344 = vector.extract %slice3A_343[0] : i32 from vector<1xi32>
        %slice3A_345 = vector.extract_strided_slice %all_reduce_population_count3A_326 {offsets = [0], sizes = [1], strides = [1]} : vector<16xi32> to vector<1xi32>
        %squeeze3A_346 = vector.extract %slice3A_345[0] : i32 from vector<1xi32>
        %slice3A_347 = vector.extract_strided_slice %all_reduce_population_count3A_327 {offsets = [0], sizes = [1], strides = [1]} : vector<16xi32> to vector<1xi32>
        %squeeze3A_348 = vector.extract %slice3A_347[0] : i32 from vector<1xi32>
        %slice3A_349 = vector.extract_strided_slice %all_reduce_population_count3A_328 {offsets = [0], sizes = [1], strides = [1]} : vector<16xi32> to vector<1xi32>
        %squeeze3A_350 = vector.extract %slice3A_349[0] : i32 from vector<1xi32>
        %slice3A_351 = vector.extract_strided_slice %all_reduce_population_count3A_329 {offsets = [0], sizes = [1], strides = [1]} : vector<16xi32> to vector<1xi32>
        %squeeze3A_352 = vector.extract %slice3A_351[0] : i32 from vector<1xi32>
        %slice3A_353 = vector.extract_strided_slice %all_reduce_population_count3A_330 {offsets = [0], sizes = [1], strides = [1]} : vector<16xi32> to vector<1xi32>
        %squeeze3A_354 = vector.extract %slice3A_353[0] : i32 from vector<1xi32>
        %slice3A_355 = vector.extract_strided_slice %all_reduce_population_count3A_331 {offsets = [0], sizes = [1], strides = [1]} : vector<16xi32> to vector<1xi32>
        %squeeze3A_356 = vector.extract %slice3A_355[0] : i32 from vector<1xi32>
        %slice3A_357 = vector.extract_strided_slice %all_reduce_population_count3A_332 {offsets = [0], sizes = [1], strides = [1]} : vector<16xi32> to vector<1xi32>
        %squeeze3A_358 = vector.extract %slice3A_357[0] : i32 from vector<1xi32>
        %slice3A_359 = vector.extract_strided_slice %all_reduce_population_count3A_333 {offsets = [0], sizes = [1], strides = [1]} : vector<16xi32> to vector<1xi32>
        %squeeze3A_360 = vector.extract %slice3A_359[0] : i32 from vector<1xi32>
        %slice3A_361 = vector.extract_strided_slice %all_reduce_population_count3A_334 {offsets = [0], sizes = [1], strides = [1]} : vector<16xi32> to vector<1xi32>
        %squeeze3A_362 = vector.extract %slice3A_361[0] : i32 from vector<1xi32>
        %slice3A_363 = vector.extract_strided_slice %all_reduce_population_count3A_335 {offsets = [0], sizes = [1], strides = [1]} : vector<16xi32> to vector<1xi32>
        %squeeze3A_364 = vector.extract %slice3A_363[0] : i32 from vector<1xi32>
        %slice3A_365 = vector.extract_strided_slice %all_reduce_population_count3A_336 {offsets = [0], sizes = [1], strides = [1]} : vector<16xi32> to vector<1xi32>
        %squeeze3A_366 = vector.extract %slice3A_365[0] : i32 from vector<1xi32>
        %slice3A_367 = vector.extract_strided_slice %all_reduce_population_count3A_337 {offsets = [0], sizes = [1], strides = [1]} : vector<16xi32> to vector<1xi32>
        %squeeze3A_368 = vector.extract %slice3A_367[0] : i32 from vector<1xi32>
        %slice3A_369 = vector.extract_strided_slice %all_reduce_population_count3A_338 {offsets = [0], sizes = [1], strides = [1]} : vector<16xi32> to vector<1xi32>
        %squeeze3A_370 = vector.extract %slice3A_369[0] : i32 from vector<1xi32>
        %swap3A = arith.index_cast %scan3A_88 : i32 to index
        %swap3A_371 = tpu.vector_load %arg6[%swap3A] masked %le3A {strides = array<i32>} : memref<1024xf32, #tpu.memory_space<vmem>>, vector<16xf32>, vector<16xi1>
        tpu.vector_store %arg6[%swap3A], %get3A_280 masked %le3A {strides = array<i32>} : memref<1024xf32, #tpu.memory_space<vmem>>, vector<16xf32>, vector<16xi1>
        %swap3A_372 = arith.index_cast %scan3A_89 : i32 to index
        %swap3A_373 = tpu.vector_load %arg7[%swap3A_372] masked %ge3A {strides = array<i32>} : memref<1024xf32, #tpu.memory_space<vmem>>, vector<16xf32>, vector<16xi1>
        tpu.vector_store %arg7[%swap3A_372], %get3A_280 masked %ge3A {strides = array<i32>} : memref<1024xf32, #tpu.memory_space<vmem>>, vector<16xf32>, vector<16xi1>
        %add3A_374 = arith.addi %scan3A_88, %squeeze3A_340 : i32
        %min3A = arith.constant 1008 : i32
        %min3A_375 = arith.minsi %add3A_374, %min3A : i32
        %add3A_376 = arith.addi %scan3A_89, %squeeze3A_356 : i32
        %min3A_377 = arith.constant 1008 : i32
        %min3A_378 = arith.minsi %add3A_376, %min3A_377 : i32
        %swap3A_379 = arith.index_cast %min3A_375 : i32 to index
        %swap3A_380 = tpu.vector_load %arg6[%swap3A_379] masked %le3A_309 {strides = array<i32>} : memref<1024xf32, #tpu.memory_space<vmem>>, vector<16xf32>, vector<16xi1>
        tpu.vector_store %arg6[%swap3A_379], %get3A_284 masked %le3A_309 {strides = array<i32>} : memref<1024xf32, #tpu.memory_space<vmem>>, vector<16xf32>, vector<16xi1>
        %swap3A_381 = arith.index_cast %min3A_378 : i32 to index
        %swap3A_382 = tpu.vector_load %arg7[%swap3A_381] masked %ge3A_316 {strides = array<i32>} : memref<1024xf32, #tpu.memory_space<vmem>>, vector<16xf32>, vector<16xi1>
        tpu.vector_store %arg7[%swap3A_381], %get3A_284 masked %ge3A_316 {strides = array<i32>} : memref<1024xf32, #tpu.memory_space<vmem>>, vector<16xf32>, vector<16xi1>
        %add3A_383 = arith.addi %min3A_375, %squeeze3A_342 : i32
        %min3A_384 = arith.constant 1008 : i32
        %min3A_385 = arith.minsi %add3A_383, %min3A_384 : i32
        %add3A_386 = arith.addi %min3A_378, %squeeze3A_358 : i32
        %min3A_387 = arith.constant 1008 : i32
        %min3A_388 = arith.minsi %add3A_386, %min3A_387 : i32
        %swap3A_389 = arith.index_cast %min3A_385 : i32 to index
        %swap3A_390 = tpu.vector_load %arg6[%swap3A_389] masked %le3A_310 {strides = array<i32>} : memref<1024xf32, #tpu.memory_space<vmem>>, vector<16xf32>, vector<16xi1>
        tpu.vector_store %arg6[%swap3A_389], %get3A_288 masked %le3A_310 {strides = array<i32>} : memref<1024xf32, #tpu.memory_space<vmem>>, vector<16xf32>, vector<16xi1>
        %swap3A_391 = arith.index_cast %min3A_388 : i32 to index
        %swap3A_392 = tpu.vector_load %arg7[%swap3A_391] masked %ge3A_317 {strides = array<i32>} : memref<1024xf32, #tpu.memory_space<vmem>>, vector<16xf32>, vector<16xi1>
        tpu.vector_store %arg7[%swap3A_391], %get3A_288 masked %ge3A_317 {strides = array<i32>} : memref<1024xf32, #tpu.memory_space<vmem>>, vector<16xf32>, vector<16xi1>
        %add3A_393 = arith.addi %min3A_385, %squeeze3A_344 : i32
        %min3A_394 = arith.constant 1008 : i32
        %min3A_395 = arith.minsi %add3A_393, %min3A_394 : i32
        %add3A_396 = arith.addi %min3A_388, %squeeze3A_360 : i32
        %min3A_397 = arith.constant 1008 : i32
        %min3A_398 = arith.minsi %add3A_396, %min3A_397 : i32
        %swap3A_399 = arith.index_cast %min3A_395 : i32 to index
        %swap3A_400 = tpu.vector_load %arg6[%swap3A_399] masked %le3A_311 {strides = array<i32>} : memref<1024xf32, #tpu.memory_space<vmem>>, vector<16xf32>, vector<16xi1>
        tpu.vector_store %arg6[%swap3A_399], %get3A_292 masked %le3A_311 {strides = array<i32>} : memref<1024xf32, #tpu.memory_space<vmem>>, vector<16xf32>, vector<16xi1>
        %swap3A_401 = arith.index_cast %min3A_398 : i32 to index
        %swap3A_402 = tpu.vector_load %arg7[%swap3A_401] masked %ge3A_318 {strides = array<i32>} : memref<1024xf32, #tpu.memory_space<vmem>>, vector<16xf32>, vector<16xi1>
        tpu.vector_store %arg7[%swap3A_401], %get3A_292 masked %ge3A_318 {strides = array<i32>} : memref<1024xf32, #tpu.memory_space<vmem>>, vector<16xf32>, vector<16xi1>
        %add3A_403 = arith.addi %min3A_395, %squeeze3A_346 : i32
        %min3A_404 = arith.constant 1008 : i32
        %min3A_405 = arith.minsi %add3A_403, %min3A_404 : i32
        %add3A_406 = arith.addi %min3A_398, %squeeze3A_362 : i32
        %min3A_407 = arith.constant 1008 : i32
        %min3A_408 = arith.minsi %add3A_406, %min3A_407 : i32
        %swap3A_409 = arith.index_cast %min3A_405 : i32 to index
        %swap3A_410 = tpu.vector_load %arg6[%swap3A_409] masked %le3A_312 {strides = array<i32>} : memref<1024xf32, #tpu.memory_space<vmem>>, vector<16xf32>, vector<16xi1>
        tpu.vector_store %arg6[%swap3A_409], %get3A_296 masked %le3A_312 {strides = array<i32>} : memref<1024xf32, #tpu.memory_space<vmem>>, vector<16xf32>, vector<16xi1>
        %swap3A_411 = arith.index_cast %min3A_408 : i32 to index
        %swap3A_412 = tpu.vector_load %arg7[%swap3A_411] masked %ge3A_319 {strides = array<i32>} : memref<1024xf32, #tpu.memory_space<vmem>>, vector<16xf32>, vector<16xi1>
        tpu.vector_store %arg7[%swap3A_411], %get3A_296 masked %ge3A_319 {strides = array<i32>} : memref<1024xf32, #tpu.memory_space<vmem>>, vector<16xf32>, vector<16xi1>
        %add3A_413 = arith.addi %min3A_405, %squeeze3A_348 : i32
        %min3A_414 = arith.constant 1008 : i32
        %min3A_415 = arith.minsi %add3A_413, %min3A_414 : i32
        %add3A_416 = arith.addi %min3A_408, %squeeze3A_364 : i32
        %min3A_417 = arith.constant 1008 : i32
        %min3A_418 = arith.minsi %add3A_416, %min3A_417 : i32
        %swap3A_419 = arith.index_cast %min3A_415 : i32 to index
        %swap3A_420 = tpu.vector_load %arg6[%swap3A_419] masked %le3A_313 {strides = array<i32>} : memref<1024xf32, #tpu.memory_space<vmem>>, vector<16xf32>, vector<16xi1>
        tpu.vector_store %arg6[%swap3A_419], %get3A_300 masked %le3A_313 {strides = array<i32>} : memref<1024xf32, #tpu.memory_space<vmem>>, vector<16xf32>, vector<16xi1>
        %swap3A_421 = arith.index_cast %min3A_418 : i32 to index
        %swap3A_422 = tpu.vector_load %arg7[%swap3A_421] masked %ge3A_320 {strides = array<i32>} : memref<1024xf32, #tpu.memory_space<vmem>>, vector<16xf32>, vector<16xi1>
        tpu.vector_store %arg7[%swap3A_421], %get3A_300 masked %ge3A_320 {strides = array<i32>} : memref<1024xf32, #tpu.memory_space<vmem>>, vector<16xf32>, vector<16xi1>
        %add3A_423 = arith.addi %min3A_415, %squeeze3A_350 : i32
        %min3A_424 = arith.constant 1008 : i32
        %min3A_425 = arith.minsi %add3A_423, %min3A_424 : i32
        %add3A_426 = arith.addi %min3A_418, %squeeze3A_366 : i32
        %min3A_427 = arith.constant 1008 : i32
        %min3A_428 = arith.minsi %add3A_426, %min3A_427 : i32
        %swap3A_429 = arith.index_cast %min3A_425 : i32 to index
        %swap3A_430 = tpu.vector_load %arg6[%swap3A_429] masked %le3A_314 {strides = array<i32>} : memref<1024xf32, #tpu.memory_space<vmem>>, vector<16xf32>, vector<16xi1>
        tpu.vector_store %arg6[%swap3A_429], %get3A_304 masked %le3A_314 {strides = array<i32>} : memref<1024xf32, #tpu.memory_space<vmem>>, vector<16xf32>, vector<16xi1>
        %swap3A_431 = arith.index_cast %min3A_428 : i32 to index
        %swap3A_432 = tpu.vector_load %arg7[%swap3A_431] masked %ge3A_321 {strides = array<i32>} : memref<1024xf32, #tpu.memory_space<vmem>>, vector<16xf32>, vector<16xi1>
        tpu.vector_store %arg7[%swap3A_431], %get3A_304 masked %ge3A_321 {strides = array<i32>} : memref<1024xf32, #tpu.memory_space<vmem>>, vector<16xf32>, vector<16xi1>
        %add3A_433 = arith.addi %min3A_425, %squeeze3A_352 : i32
        %min3A_434 = arith.constant 1008 : i32
        %min3A_435 = arith.minsi %add3A_433, %min3A_434 : i32
        %add3A_436 = arith.addi %min3A_428, %squeeze3A_368 : i32
        %min3A_437 = arith.constant 1008 : i32
        %min3A_438 = arith.minsi %add3A_436, %min3A_437 : i32
        %swap3A_439 = arith.index_cast %min3A_435 : i32 to index
        %swap3A_440 = tpu.vector_load %arg6[%swap3A_439] masked %le3A_315 {strides = array<i32>} : memref<1024xf32, #tpu.memory_space<vmem>>, vector<16xf32>, vector<16xi1>
        tpu.vector_store %arg6[%swap3A_439], %get3A_308 masked %le3A_315 {strides = array<i32>} : memref<1024xf32, #tpu.memory_space<vmem>>, vector<16xf32>, vector<16xi1>
        %swap3A_441 = arith.index_cast %min3A_438 : i32 to index
        %swap3A_442 = tpu.vector_load %arg7[%swap3A_441] masked %ge3A_322 {strides = array<i32>} : memref<1024xf32, #tpu.memory_space<vmem>>, vector<16xf32>, vector<16xi1>
        tpu.vector_store %arg7[%swap3A_441], %get3A_308 masked %ge3A_322 {strides = array<i32>} : memref<1024xf32, #tpu.memory_space<vmem>>, vector<16xf32>, vector<16xi1>
        %add3A_443 = arith.addi %min3A_435, %squeeze3A_354 : i32
        %min3A_444 = arith.constant 1008 : i32
        %min3A_445 = arith.minsi %add3A_443, %min3A_444 : i32
        %add3A_446 = arith.addi %min3A_438, %squeeze3A_370 : i32
        %min3A_447 = arith.constant 1008 : i32
        %min3A_448 = arith.minsi %add3A_446, %min3A_447 : i32
        scf.yield %min3A_445, %min3A_448 : i32, i32
      } else {
        scf.yield %scan3A_88, %scan3A_89 : i32, i32
      }
      %gt3A_205 = arith.constant 0 : i32
      %gt3A_206 = arith.cmpi sgt, %squeeze3A_184, %gt3A_205 : i32
      %mul3A_207 = arith.constant 8 : i32
      %mul3A_208 = arith.muli %scan3A_87, %mul3A_207 : i32
      %add3A_209 = arith.constant 1 : i32
      %add3A_210 = arith.addi %mul3A_208, %add3A_209 : i32
      %convert_element_type3A_211 = arith.extui %gt3A_206 : i1 to i32
      %cond3A_212 = arith.constant 0 : i32
      %cond3A_213 = arith.cmpi ne, %convert_element_type3A_211, %cond3A_212 : i32
      %cond3A_214:2 = scf.if %cond3A_213 -> (i32, i32) {
        %mul3A_275 = arith.constant 128 : i32
        %mul3A_276 = arith.muli %add3A_210, %mul3A_275 : i32
        %add3A_277 = arith.constant 0 : i32
        %add3A_278 = arith.addi %mul3A_276, %add3A_277 : i32
        %get3A_279 = arith.index_cast %add3A_278 : i32 to index
        %get3A_280 = tpu.vector_load %arg5[%get3A_279] {strides = array<i32>} : memref<65536xf32, #tpu.memory_space<vmem>>, vector<16xf32>,
        %add3A_281 = arith.constant 16 : i32
        %add3A_282 = arith.addi %mul3A_276, %add3A_281 : i32
        %get3A_283 = arith.index_cast %add3A_282 : i32 to index
        %get3A_284 = tpu.vector_load %arg5[%get3A_283] {strides = array<i32>} : memref<65536xf32, #tpu.memory_space<vmem>>, vector<16xf32>,
        %add3A_285 = arith.constant 32 : i32
        %add3A_286 = arith.addi %mul3A_276, %add3A_285 : i32
        %get3A_287 = arith.index_cast %add3A_286 : i32 to index
        %get3A_288 = tpu.vector_load %arg5[%get3A_287] {strides = array<i32>} : memref<65536xf32, #tpu.memory_space<vmem>>, vector<16xf32>,
        %add3A_289 = arith.constant 48 : i32
        %add3A_290 = arith.addi %mul3A_276, %add3A_289 : i32
        %get3A_291 = arith.index_cast %add3A_290 : i32 to index
        %get3A_292 = tpu.vector_load %arg5[%get3A_291] {strides = array<i32>} : memref<65536xf32, #tpu.memory_space<vmem>>, vector<16xf32>,
        %add3A_293 = arith.constant 64 : i32
        %add3A_294 = arith.addi %mul3A_276, %add3A_293 : i32
        %get3A_295 = arith.index_cast %add3A_294 : i32 to index
        %get3A_296 = tpu.vector_load %arg5[%get3A_295] {strides = array<i32>} : memref<65536xf32, #tpu.memory_space<vmem>>, vector<16xf32>,
        %add3A_297 = arith.constant 80 : i32
        %add3A_298 = arith.addi %mul3A_276, %add3A_297 : i32
        %get3A_299 = arith.index_cast %add3A_298 : i32 to index
        %get3A_300 = tpu.vector_load %arg5[%get3A_299] {strides = array<i32>} : memref<65536xf32, #tpu.memory_space<vmem>>, vector<16xf32>,
        %add3A_301 = arith.constant 96 : i32
        %add3A_302 = arith.addi %mul3A_276, %add3A_301 : i32
        %get3A_303 = arith.index_cast %add3A_302 : i32 to index
        %get3A_304 = tpu.vector_load %arg5[%get3A_303] {strides = array<i32>} : memref<65536xf32, #tpu.memory_space<vmem>>, vector<16xf32>,
        %add3A_305 = arith.constant 112 : i32
        %add3A_306 = arith.addi %mul3A_276, %add3A_305 : i32
        %get3A_307 = arith.index_cast %add3A_306 : i32 to index
        %get3A_308 = tpu.vector_load %arg5[%get3A_307] {strides = array<i32>} : memref<65536xf32, #tpu.memory_space<vmem>>, vector<16xf32>,
        %le3A = arith.cmpf ole, %get3A_280, %broadcast_in_dim3A_67 : vector<16xf32>
        %le3A_309 = arith.cmpf ole, %get3A_284, %broadcast_in_dim3A_67 : vector<16xf32>
        %le3A_310 = arith.cmpf ole, %get3A_288, %broadcast_in_dim3A_67 : vector<16xf32>
        %le3A_311 = arith.cmpf ole, %get3A_292, %broadcast_in_dim3A_67 : vector<16xf32>
        %le3A_312 = arith.cmpf ole, %get3A_296, %broadcast_in_dim3A_67 : vector<16xf32>
        %le3A_313 = arith.cmpf ole, %get3A_300, %broadcast_in_dim3A_67 : vector<16xf32>
        %le3A_314 = arith.cmpf ole, %get3A_304, %broadcast_in_dim3A_67 : vector<16xf32>
        %le3A_315 = arith.cmpf ole, %get3A_308, %broadcast_in_dim3A_67 : vector<16xf32>
        %ge3A = arith.cmpf oge, %get3A_280, %broadcast_in_dim3A_68 : vector<16xf32>
        %ge3A_316 = arith.cmpf oge, %get3A_284, %broadcast_in_dim3A_68 : vector<16xf32>
        %ge3A_317 = arith.cmpf oge, %get3A_288, %broadcast_in_dim3A_68 : vector<16xf32>
        %ge3A_318 = arith.cmpf oge, %get3A_292, %broadcast_in_dim3A_68 : vector<16xf32>
        %ge3A_319 = arith.cmpf oge, %get3A_296, %broadcast_in_dim3A_68 : vector<16xf32>
        %ge3A_320 = arith.cmpf oge, %get3A_300, %broadcast_in_dim3A_68 : vector<16xf32>
        %ge3A_321 = arith.cmpf oge, %get3A_304, %broadcast_in_dim3A_68 : vector<16xf32>
        %ge3A_322 = arith.cmpf oge, %get3A_308, %broadcast_in_dim3A_68 : vector<16xf32>
        %all_reduce_population_count3A_323 = tpu.all_reduce %le3A {dim = 0 : i64, kind = #tpu.reduction_kind<sum>} : vector<16xi1> -> vector<16xi32>
        %all_reduce_population_count3A_324 = tpu.all_reduce %le3A_309 {dim = 0 : i64, kind = #tpu.reduction_kind<sum>} : vector<16xi1> -> vector<16xi32>
        %all_reduce_population_count3A_325 = tpu.all_reduce %le3A_310 {dim = 0 : i64, kind = #tpu.reduction_kind<sum>} : vector<16xi1> -> vector<16xi32>
        %all_reduce_population_count3A_326 = tpu.all_reduce %le3A_311 {dim = 0 : i64, kind = #tpu.reduction_kind<sum>} : vector<16xi1> -> vector<16xi32>
        %all_reduce_population_count3A_327 = tpu.all_reduce %le3A_312 {dim = 0 : i64, kind = #tpu.reduction_kind<sum>} : vector<16xi1> -> vector<16xi32>
        %all_reduce_population_count3A_328 = tpu.all_reduce %le3A_313 {dim = 0 : i64, kind = #tpu.reduction_kind<sum>} : vector<16xi1> -> vector<16xi32>
        %all_reduce_population_count3A_329 = tpu.all_reduce %le3A_314 {dim = 0 : i64, kind = #tpu.reduction_kind<sum>} : vector<16xi1> -> vector<16xi32>
        %all_reduce_population_count3A_330 = tpu.all_reduce %le3A_315 {dim = 0 : i64, kind = #tpu.reduction_kind<sum>} : vector<16xi1> -> vector<16xi32>
        %all_reduce_population_count3A_331 = tpu.all_reduce %ge3A {dim = 0 : i64, kind = #tpu.reduction_kind<sum>} : vector<16xi1> -> vector<16xi32>
        %all_reduce_population_count3A_332 = tpu.all_reduce %ge3A_316 {dim = 0 : i64, kind = #tpu.reduction_kind<sum>} : vector<16xi1> -> vector<16xi32>
        %all_reduce_population_count3A_333 = tpu.all_reduce %ge3A_317 {dim = 0 : i64, kind = #tpu.reduction_kind<sum>} : vector<16xi1> -> vector<16xi32>
        %all_reduce_population_count3A_334 = tpu.all_reduce %ge3A_318 {dim = 0 : i64, kind = #tpu.reduction_kind<sum>} : vector<16xi1> -> vector<16xi32>
        %all_reduce_population_count3A_335 = tpu.all_reduce %ge3A_319 {dim = 0 : i64, kind = #tpu.reduction_kind<sum>} : vector<16xi1> -> vector<16xi32>
        %all_reduce_population_count3A_336 = tpu.all_reduce %ge3A_320 {dim = 0 : i64, kind = #tpu.reduction_kind<sum>} : vector<16xi1> -> vector<16xi32>
        %all_reduce_population_count3A_337 = tpu.all_reduce %ge3A_321 {dim = 0 : i64, kind = #tpu.reduction_kind<sum>} : vector<16xi1> -> vector<16xi32>
        %all_reduce_population_count3A_338 = tpu.all_reduce %ge3A_322 {dim = 0 : i64, kind = #tpu.reduction_kind<sum>} : vector<16xi1> -> vector<16xi32>
        %slice3A_339 = vector.extract_strided_slice %all_reduce_population_count3A_323 {offsets = [0], sizes = [1], strides = [1]} : vector<16xi32> to vector<1xi32>
        %squeeze3A_340 = vector.extract %slice3A_339[0] : i32 from vector<1xi32>
        %slice3A_341 = vector.extract_strided_slice %all_reduce_population_count3A_324 {offsets = [0], sizes = [1], strides = [1]} : vector<16xi32> to vector<1xi32>
        %squeeze3A_342 = vector.extract %slice3A_341[0] : i32 from vector<1xi32>
        %slice3A_343 = vector.extract_strided_slice %all_reduce_population_count3A_325 {offsets = [0], sizes = [1], strides = [1]} : vector<16xi32> to vector<1xi32>
        %squeeze3A_344 = vector.extract %slice3A_343[0] : i32 from vector<1xi32>
        %slice3A_345 = vector.extract_strided_slice %all_reduce_population_count3A_326 {offsets = [0], sizes = [1], strides = [1]} : vector<16xi32> to vector<1xi32>
        %squeeze3A_346 = vector.extract %slice3A_345[0] : i32 from vector<1xi32>
        %slice3A_347 = vector.extract_strided_slice %all_reduce_population_count3A_327 {offsets = [0], sizes = [1], strides = [1]} : vector<16xi32> to vector<1xi32>
        %squeeze3A_348 = vector.extract %slice3A_347[0] : i32 from vector<1xi32>
        %slice3A_349 = vector.extract_strided_slice %all_reduce_population_count3A_328 {offsets = [0], sizes = [1], strides = [1]} : vector<16xi32> to vector<1xi32>
        %squeeze3A_350 = vector.extract %slice3A_349[0] : i32 from vector<1xi32>
        %slice3A_351 = vector.extract_strided_slice %all_reduce_population_count3A_329 {offsets = [0], sizes = [1], strides = [1]} : vector<16xi32> to vector<1xi32>
        %squeeze3A_352 = vector.extract %slice3A_351[0] : i32 from vector<1xi32>
        %slice3A_353 = vector.extract_strided_slice %all_reduce_population_count3A_330 {offsets = [0], sizes = [1], strides = [1]} : vector<16xi32> to vector<1xi32>
        %squeeze3A_354 = vector.extract %slice3A_353[0] : i32 from vector<1xi32>
        %slice3A_355 = vector.extract_strided_slice %all_reduce_population_count3A_331 {offsets = [0], sizes = [1], strides = [1]} : vector<16xi32> to vector<1xi32>
        %squeeze3A_356 = vector.extract %slice3A_355[0] : i32 from vector<1xi32>
        %slice3A_357 = vector.extract_strided_slice %all_reduce_population_count3A_332 {offsets = [0], sizes = [1], strides = [1]} : vector<16xi32> to vector<1xi32>
        %squeeze3A_358 = vector.extract %slice3A_357[0] : i32 from vector<1xi32>
        %slice3A_359 = vector.extract_strided_slice %all_reduce_population_count3A_333 {offsets = [0], sizes = [1], strides = [1]} : vector<16xi32> to vector<1xi32>
        %squeeze3A_360 = vector.extract %slice3A_359[0] : i32 from vector<1xi32>
        %slice3A_361 = vector.extract_strided_slice %all_reduce_population_count3A_334 {offsets = [0], sizes = [1], strides = [1]} : vector<16xi32> to vector<1xi32>
        %squeeze3A_362 = vector.extract %slice3A_361[0] : i32 from vector<1xi32>
        %slice3A_363 = vector.extract_strided_slice %all_reduce_population_count3A_335 {offsets = [0], sizes = [1], strides = [1]} : vector<16xi32> to vector<1xi32>
        %squeeze3A_364 = vector.extract %slice3A_363[0] : i32 from vector<1xi32>
        %slice3A_365 = vector.extract_strided_slice %all_reduce_population_count3A_336 {offsets = [0], sizes = [1], strides = [1]} : vector<16xi32> to vector<1xi32>
        %squeeze3A_366 = vector.extract %slice3A_365[0] : i32 from vector<1xi32>
        %slice3A_367 = vector.extract_strided_slice %all_reduce_population_count3A_337 {offsets = [0], sizes = [1], strides = [1]} : vector<16xi32> to vector<1xi32>
        %squeeze3A_368 = vector.extract %slice3A_367[0] : i32 from vector<1xi32>
        %slice3A_369 = vector.extract_strided_slice %all_reduce_population_count3A_338 {offsets = [0], sizes = [1], strides = [1]} : vector<16xi32> to vector<1xi32>
        %squeeze3A_370 = vector.extract %slice3A_369[0] : i32 from vector<1xi32>
        %swap3A = arith.index_cast %cond3A_204#0 : i32 to index
        %swap3A_371 = tpu.vector_load %arg6[%swap3A] masked %le3A {strides = array<i32>} : memref<1024xf32, #tpu.memory_space<vmem>>, vector<16xf32>, vector<16xi1>
        tpu.vector_store %arg6[%swap3A], %get3A_280 masked %le3A {strides = array<i32>} : memref<1024xf32, #tpu.memory_space<vmem>>, vector<16xf32>, vector<16xi1>
        %swap3A_372 = arith.index_cast %cond3A_204#1 : i32 to index
        %swap3A_373 = tpu.vector_load %arg7[%swap3A_372] masked %ge3A {strides = array<i32>} : memref<1024xf32, #tpu.memory_space<vmem>>, vector<16xf32>, vector<16xi1>
        tpu.vector_store %arg7[%swap3A_372], %get3A_280 masked %ge3A {strides = array<i32>} : memref<1024xf32, #tpu.memory_space<vmem>>, vector<16xf32>, vector<16xi1>
        %add3A_374 = arith.addi %cond3A_204#0, %squeeze3A_340 : i32
        %min3A = arith.constant 1008 : i32
        %min3A_375 = arith.minsi %add3A_374, %min3A : i32
        %add3A_376 = arith.addi %cond3A_204#1, %squeeze3A_356 : i32
        %min3A_377 = arith.constant 1008 : i32
        %min3A_378 = arith.minsi %add3A_376, %min3A_377 : i32
        %swap3A_379 = arith.index_cast %min3A_375 : i32 to index
        %swap3A_380 = tpu.vector_load %arg6[%swap3A_379] masked %le3A_309 {strides = array<i32>} : memref<1024xf32, #tpu.memory_space<vmem>>, vector<16xf32>, vector<16xi1>
        tpu.vector_store %arg6[%swap3A_379], %get3A_284 masked %le3A_309 {strides = array<i32>} : memref<1024xf32, #tpu.memory_space<vmem>>, vector<16xf32>, vector<16xi1>
        %swap3A_381 = arith.index_cast %min3A_378 : i32 to index
        %swap3A_382 = tpu.vector_load %arg7[%swap3A_381] masked %ge3A_316 {strides = array<i32>} : memref<1024xf32, #tpu.memory_space<vmem>>, vector<16xf32>, vector<16xi1>
        tpu.vector_store %arg7[%swap3A_381], %get3A_284 masked %ge3A_316 {strides = array<i32>} : memref<1024xf32, #tpu.memory_space<vmem>>, vector<16xf32>, vector<16xi1>
        %add3A_383 = arith.addi %min3A_375, %squeeze3A_342 : i32
        %min3A_384 = arith.constant 1008 : i32
        %min3A_385 = arith.minsi %add3A_383, %min3A_384 : i32
        %add3A_386 = arith.addi %min3A_378, %squeeze3A_358 : i32
        %min3A_387 = arith.constant 1008 : i32
        %min3A_388 = arith.minsi %add3A_386, %min3A_387 : i32
        %swap3A_389 = arith.index_cast %min3A_385 : i32 to index
        %swap3A_390 = tpu.vector_load %arg6[%swap3A_389] masked %le3A_310 {strides = array<i32>} : memref<1024xf32, #tpu.memory_space<vmem>>, vector<16xf32>, vector<16xi1>
        tpu.vector_store %arg6[%swap3A_389], %get3A_288 masked %le3A_310 {strides = array<i32>} : memref<1024xf32, #tpu.memory_space<vmem>>, vector<16xf32>, vector<16xi1>
        %swap3A_391 = arith.index_cast %min3A_388 : i32 to index
        %swap3A_392 = tpu.vector_load %arg7[%swap3A_391] masked %ge3A_317 {strides = array<i32>} : memref<1024xf32, #tpu.memory_space<vmem>>, vector<16xf32>, vector<16xi1>
        tpu.vector_store %arg7[%swap3A_391], %get3A_288 masked %ge3A_317 {strides = array<i32>} : memref<1024xf32, #tpu.memory_space<vmem>>, vector<16xf32>, vector<16xi1>
        %add3A_393 = arith.addi %min3A_385, %squeeze3A_344 : i32
        %min3A_394 = arith.constant 1008 : i32
        %min3A_395 = arith.minsi %add3A_393, %min3A_394 : i32
        %add3A_396 = arith.addi %min3A_388, %squeeze3A_360 : i32
        %min3A_397 = arith.constant 1008 : i32
        %min3A_398 = arith.minsi %add3A_396, %min3A_397 : i32
        %swap3A_399 = arith.index_cast %min3A_395 : i32 to index
        %swap3A_400 = tpu.vector_load %arg6[%swap3A_399] masked %le3A_311 {strides = array<i32>} : memref<1024xf32, #tpu.memory_space<vmem>>, vector<16xf32>, vector<16xi1>
        tpu.vector_store %arg6[%swap3A_399], %get3A_292 masked %le3A_311 {strides = array<i32>} : memref<1024xf32, #tpu.memory_space<vmem>>, vector<16xf32>, vector<16xi1>
        %swap3A_401 = arith.index_cast %min3A_398 : i32 to index
        %swap3A_402 = tpu.vector_load %arg7[%swap3A_401] masked %ge3A_318 {strides = array<i32>} : memref<1024xf32, #tpu.memory_space<vmem>>, vector<16xf32>, vector<16xi1>
        tpu.vector_store %arg7[%swap3A_401], %get3A_292 masked %ge3A_318 {strides = array<i32>} : memref<1024xf32, #tpu.memory_space<vmem>>, vector<16xf32>, vector<16xi1>
        %add3A_403 = arith.addi %min3A_395, %squeeze3A_346 : i32
        %min3A_404 = arith.constant 1008 : i32
        %min3A_405 = arith.minsi %add3A_403, %min3A_404 : i32
        %add3A_406 = arith.addi %min3A_398, %squeeze3A_362 : i32
        %min3A_407 = arith.constant 1008 : i32
        %min3A_408 = arith.minsi %add3A_406, %min3A_407 : i32
        %swap3A_409 = arith.index_cast %min3A_405 : i32 to index
        %swap3A_410 = tpu.vector_load %arg6[%swap3A_409] masked %le3A_312 {strides = array<i32>} : memref<1024xf32, #tpu.memory_space<vmem>>, vector<16xf32>, vector<16xi1>
        tpu.vector_store %arg6[%swap3A_409], %get3A_296 masked %le3A_312 {strides = array<i32>} : memref<1024xf32, #tpu.memory_space<vmem>>, vector<16xf32>, vector<16xi1>
        %swap3A_411 = arith.index_cast %min3A_408 : i32 to index
        %swap3A_412 = tpu.vector_load %arg7[%swap3A_411] masked %ge3A_319 {strides = array<i32>} : memref<1024xf32, #tpu.memory_space<vmem>>, vector<16xf32>, vector<16xi1>
        tpu.vector_store %arg7[%swap3A_411], %get3A_296 masked %ge3A_319 {strides = array<i32>} : memref<1024xf32, #tpu.memory_space<vmem>>, vector<16xf32>, vector<16xi1>
        %add3A_413 = arith.addi %min3A_405, %squeeze3A_348 : i32
        %min3A_414 = arith.constant 1008 : i32
        %min3A_415 = arith.minsi %add3A_413, %min3A_414 : i32
        %add3A_416 = arith.addi %min3A_408, %squeeze3A_364 : i32
        %min3A_417 = arith.constant 1008 : i32
        %min3A_418 = arith.minsi %add3A_416, %min3A_417 : i32
        %swap3A_419 = arith.index_cast %min3A_415 : i32 to index
        %swap3A_420 = tpu.vector_load %arg6[%swap3A_419] masked %le3A_313 {strides = array<i32>} : memref<1024xf32, #tpu.memory_space<vmem>>, vector<16xf32>, vector<16xi1>
        tpu.vector_store %arg6[%swap3A_419], %get3A_300 masked %le3A_313 {strides = array<i32>} : memref<1024xf32, #tpu.memory_space<vmem>>, vector<16xf32>, vector<16xi1>
        %swap3A_421 = arith.index_cast %min3A_418 : i32 to index
        %swap3A_422 = tpu.vector_load %arg7[%swap3A_421] masked %ge3A_320 {strides = array<i32>} : memref<1024xf32, #tpu.memory_space<vmem>>, vector<16xf32>, vector<16xi1>
        tpu.vector_store %arg7[%swap3A_421], %get3A_300 masked %ge3A_320 {strides = array<i32>} : memref<1024xf32, #tpu.memory_space<vmem>>, vector<16xf32>, vector<16xi1>
        %add3A_423 = arith.addi %min3A_415, %squeeze3A_350 : i32
        %min3A_424 = arith.constant 1008 : i32
        %min3A_425 = arith.minsi %add3A_423, %min3A_424 : i32
        %add3A_426 = arith.addi %min3A_418, %squeeze3A_366 : i32
        %min3A_427 = arith.constant 1008 : i32
        %min3A_428 = arith.minsi %add3A_426, %min3A_427 : i32
        %swap3A_429 = arith.index_cast %min3A_425 : i32 to index
        %swap3A_430 = tpu.vector_load %arg6[%swap3A_429] masked %le3A_314 {strides = array<i32>} : memref<1024xf32, #tpu.memory_space<vmem>>, vector<16xf32>, vector<16xi1>
        tpu.vector_store %arg6[%swap3A_429], %get3A_304 masked %le3A_314 {strides = array<i32>} : memref<1024xf32, #tpu.memory_space<vmem>>, vector<16xf32>, vector<16xi1>
        %swap3A_431 = arith.index_cast %min3A_428 : i32 to index
        %swap3A_432 = tpu.vector_load %arg7[%swap3A_431] masked %ge3A_321 {strides = array<i32>} : memref<1024xf32, #tpu.memory_space<vmem>>, vector<16xf32>, vector<16xi1>
        tpu.vector_store %arg7[%swap3A_431], %get3A_304 masked %ge3A_321 {strides = array<i32>} : memref<1024xf32, #tpu.memory_space<vmem>>, vector<16xf32>, vector<16xi1>
        %add3A_433 = arith.addi %min3A_425, %squeeze3A_352 : i32
        %min3A_434 = arith.constant 1008 : i32
        %min3A_435 = arith.minsi %add3A_433, %min3A_434 : i32
        %add3A_436 = arith.addi %min3A_428, %squeeze3A_368 : i32
        %min3A_437 = arith.constant 1008 : i32
        %min3A_438 = arith.minsi %add3A_436, %min3A_437 : i32
        %swap3A_439 = arith.index_cast %min3A_435 : i32 to index
        %swap3A_440 = tpu.vector_load %arg6[%swap3A_439] masked %le3A_315 {strides = array<i32>} : memref<1024xf32, #tpu.memory_space<vmem>>, vector<16xf32>, vector<16xi1>
        tpu.vector_store %arg6[%swap3A_439], %get3A_308 masked %le3A_315 {strides = array<i32>} : memref<1024xf32, #tpu.memory_space<vmem>>, vector<16xf32>, vector<16xi1>
        %swap3A_441 = arith.index_cast %min3A_438 : i32 to index
        %swap3A_442 = tpu.vector_load %arg7[%swap3A_441] masked %ge3A_322 {strides = array<i32>} : memref<1024xf32, #tpu.memory_space<vmem>>, vector<16xf32>, vector<16xi1>
        tpu.vector_store %arg7[%swap3A_441], %get3A_308 masked %ge3A_322 {strides = array<i32>} : memref<1024xf32, #tpu.memory_space<vmem>>, vector<16xf32>, vector<16xi1>
        %add3A_443 = arith.addi %min3A_435, %squeeze3A_354 : i32
        %min3A_444 = arith.constant 1008 : i32
        %min3A_445 = arith.minsi %add3A_443, %min3A_444 : i32
        %add3A_446 = arith.addi %min3A_438, %squeeze3A_370 : i32
        %min3A_447 = arith.constant 1008 : i32
        %min3A_448 = arith.minsi %add3A_446, %min3A_447 : i32
        scf.yield %min3A_445, %min3A_448 : i32, i32
      } else {
        scf.yield %cond3A_204#0, %cond3A_204#1 : i32, i32
      }
      %gt3A_215 = arith.constant 0 : i32
      %gt3A_216 = arith.cmpi sgt, %squeeze3A_186, %gt3A_215 : i32
      %mul3A_217 = arith.constant 8 : i32
      %mul3A_218 = arith.muli %scan3A_87, %mul3A_217 : i32
      %add3A_219 = arith.constant 2 : i32
      %add3A_220 = arith.addi %mul3A_218, %add3A_219 : i32
      %convert_element_type3A_221 = arith.extui %gt3A_216 : i1 to i32
      %cond3A_222 = arith.constant 0 : i32
      %cond3A_223 = arith.cmpi ne, %convert_element_type3A_221, %cond3A_222 : i32
      %cond3A_224:2 = scf.if %cond3A_223 -> (i32, i32) {
        %mul3A_275 = arith.constant 128 : i32
        %mul3A_276 = arith.muli %add3A_220, %mul3A_275 : i32
        %add3A_277 = arith.constant 0 : i32
        %add3A_278 = arith.addi %mul3A_276, %add3A_277 : i32
        %get3A_279 = arith.index_cast %add3A_278 : i32 to index
        %get3A_280 = tpu.vector_load %arg5[%get3A_279] {strides = array<i32>} : memref<65536xf32, #tpu.memory_space<vmem>>, vector<16xf32>,
        %add3A_281 = arith.constant 16 : i32
        %add3A_282 = arith.addi %mul3A_276, %add3A_281 : i32
        %get3A_283 = arith.index_cast %add3A_282 : i32 to index
        %get3A_284 = tpu.vector_load %arg5[%get3A_283] {strides = array<i32>} : memref<65536xf32, #tpu.memory_space<vmem>>, vector<16xf32>,
        %add3A_285 = arith.constant 32 : i32
        %add3A_286 = arith.addi %mul3A_276, %add3A_285 : i32
        %get3A_287 = arith.index_cast %add3A_286 : i32 to index
        %get3A_288 = tpu.vector_load %arg5[%get3A_287] {strides = array<i32>} : memref<65536xf32, #tpu.memory_space<vmem>>, vector<16xf32>,
        %add3A_289 = arith.constant 48 : i32
        %add3A_290 = arith.addi %mul3A_276, %add3A_289 : i32
        %get3A_291 = arith.index_cast %add3A_290 : i32 to index
        %get3A_292 = tpu.vector_load %arg5[%get3A_291] {strides = array<i32>} : memref<65536xf32, #tpu.memory_space<vmem>>, vector<16xf32>,
        %add3A_293 = arith.constant 64 : i32
        %add3A_294 = arith.addi %mul3A_276, %add3A_293 : i32
        %get3A_295 = arith.index_cast %add3A_294 : i32 to index
        %get3A_296 = tpu.vector_load %arg5[%get3A_295] {strides = array<i32>} : memref<65536xf32, #tpu.memory_space<vmem>>, vector<16xf32>,
        %add3A_297 = arith.constant 80 : i32
        %add3A_298 = arith.addi %mul3A_276, %add3A_297 : i32
        %get3A_299 = arith.index_cast %add3A_298 : i32 to index
        %get3A_300 = tpu.vector_load %arg5[%get3A_299] {strides = array<i32>} : memref<65536xf32, #tpu.memory_space<vmem>>, vector<16xf32>,
        %add3A_301 = arith.constant 96 : i32
        %add3A_302 = arith.addi %mul3A_276, %add3A_301 : i32
        %get3A_303 = arith.index_cast %add3A_302 : i32 to index
        %get3A_304 = tpu.vector_load %arg5[%get3A_303] {strides = array<i32>} : memref<65536xf32, #tpu.memory_space<vmem>>, vector<16xf32>,
        %add3A_305 = arith.constant 112 : i32
        %add3A_306 = arith.addi %mul3A_276, %add3A_305 : i32
        %get3A_307 = arith.index_cast %add3A_306 : i32 to index
        %get3A_308 = tpu.vector_load %arg5[%get3A_307] {strides = array<i32>} : memref<65536xf32, #tpu.memory_space<vmem>>, vector<16xf32>,
        %le3A = arith.cmpf ole, %get3A_280, %broadcast_in_dim3A_67 : vector<16xf32>
        %le3A_309 = arith.cmpf ole, %get3A_284, %broadcast_in_dim3A_67 : vector<16xf32>
        %le3A_310 = arith.cmpf ole, %get3A_288, %broadcast_in_dim3A_67 : vector<16xf32>
        %le3A_311 = arith.cmpf ole, %get3A_292, %broadcast_in_dim3A_67 : vector<16xf32>
        %le3A_312 = arith.cmpf ole, %get3A_296, %broadcast_in_dim3A_67 : vector<16xf32>
        %le3A_313 = arith.cmpf ole, %get3A_300, %broadcast_in_dim3A_67 : vector<16xf32>
        %le3A_314 = arith.cmpf ole, %get3A_304, %broadcast_in_dim3A_67 : vector<16xf32>
        %le3A_315 = arith.cmpf ole, %get3A_308, %broadcast_in_dim3A_67 : vector<16xf32>
        %ge3A = arith.cmpf oge, %get3A_280, %broadcast_in_dim3A_68 : vector<16xf32>
        %ge3A_316 = arith.cmpf oge, %get3A_284, %broadcast_in_dim3A_68 : vector<16xf32>
        %ge3A_317 = arith.cmpf oge, %get3A_288, %broadcast_in_dim3A_68 : vector<16xf32>
        %ge3A_318 = arith.cmpf oge, %get3A_292, %broadcast_in_dim3A_68 : vector<16xf32>
        %ge3A_319 = arith.cmpf oge, %get3A_296, %broadcast_in_dim3A_68 : vector<16xf32>
        %ge3A_320 = arith.cmpf oge, %get3A_300, %broadcast_in_dim3A_68 : vector<16xf32>
        %ge3A_321 = arith.cmpf oge, %get3A_304, %broadcast_in_dim3A_68 : vector<16xf32>
        %ge3A_322 = arith.cmpf oge, %get3A_308, %broadcast_in_dim3A_68 : vector<16xf32>
        %all_reduce_population_count3A_323 = tpu.all_reduce %le3A {dim = 0 : i64, kind = #tpu.reduction_kind<sum>} : vector<16xi1> -> vector<16xi32>
        %all_reduce_population_count3A_324 = tpu.all_reduce %le3A_309 {dim = 0 : i64, kind = #tpu.reduction_kind<sum>} : vector<16xi1> -> vector<16xi32>
        %all_reduce_population_count3A_325 = tpu.all_reduce %le3A_310 {dim = 0 : i64, kind = #tpu.reduction_kind<sum>} : vector<16xi1> -> vector<16xi32>
        %all_reduce_population_count3A_326 = tpu.all_reduce %le3A_311 {dim = 0 : i64, kind = #tpu.reduction_kind<sum>} : vector<16xi1> -> vector<16xi32>
        %all_reduce_population_count3A_327 = tpu.all_reduce %le3A_312 {dim = 0 : i64, kind = #tpu.reduction_kind<sum>} : vector<16xi1> -> vector<16xi32>
        %all_reduce_population_count3A_328 = tpu.all_reduce %le3A_313 {dim = 0 : i64, kind = #tpu.reduction_kind<sum>} : vector<16xi1> -> vector<16xi32>
        %all_reduce_population_count3A_329 = tpu.all_reduce %le3A_314 {dim = 0 : i64, kind = #tpu.reduction_kind<sum>} : vector<16xi1> -> vector<16xi32>
        %all_reduce_population_count3A_330 = tpu.all_reduce %le3A_315 {dim = 0 : i64, kind = #tpu.reduction_kind<sum>} : vector<16xi1> -> vector<16xi32>
        %all_reduce_population_count3A_331 = tpu.all_reduce %ge3A {dim = 0 : i64, kind = #tpu.reduction_kind<sum>} : vector<16xi1> -> vector<16xi32>
        %all_reduce_population_count3A_332 = tpu.all_reduce %ge3A_316 {dim = 0 : i64, kind = #tpu.reduction_kind<sum>} : vector<16xi1> -> vector<16xi32>
        %all_reduce_population_count3A_333 = tpu.all_reduce %ge3A_317 {dim = 0 : i64, kind = #tpu.reduction_kind<sum>} : vector<16xi1> -> vector<16xi32>
        %all_reduce_population_count3A_334 = tpu.all_reduce %ge3A_318 {dim = 0 : i64, kind = #tpu.reduction_kind<sum>} : vector<16xi1> -> vector<16xi32>
        %all_reduce_population_count3A_335 = tpu.all_reduce %ge3A_319 {dim = 0 : i64, kind = #tpu.reduction_kind<sum>} : vector<16xi1> -> vector<16xi32>
        %all_reduce_population_count3A_336 = tpu.all_reduce %ge3A_320 {dim = 0 : i64, kind = #tpu.reduction_kind<sum>} : vector<16xi1> -> vector<16xi32>
        %all_reduce_population_count3A_337 = tpu.all_reduce %ge3A_321 {dim = 0 : i64, kind = #tpu.reduction_kind<sum>} : vector<16xi1> -> vector<16xi32>
        %all_reduce_population_count3A_338 = tpu.all_reduce %ge3A_322 {dim = 0 : i64, kind = #tpu.reduction_kind<sum>} : vector<16xi1> -> vector<16xi32>
        %slice3A_339 = vector.extract_strided_slice %all_reduce_population_count3A_323 {offsets = [0], sizes = [1], strides = [1]} : vector<16xi32> to vector<1xi32>
        %squeeze3A_340 = vector.extract %slice3A_339[0] : i32 from vector<1xi32>
        %slice3A_341 = vector.extract_strided_slice %all_reduce_population_count3A_324 {offsets = [0], sizes = [1], strides = [1]} : vector<16xi32> to vector<1xi32>
        %squeeze3A_342 = vector.extract %slice3A_341[0] : i32 from vector<1xi32>
        %slice3A_343 = vector.extract_strided_slice %all_reduce_population_count3A_325 {offsets = [0], sizes = [1], strides = [1]} : vector<16xi32> to vector<1xi32>
        %squeeze3A_344 = vector.extract %slice3A_343[0] : i32 from vector<1xi32>
        %slice3A_345 = vector.extract_strided_slice %all_reduce_population_count3A_326 {offsets = [0], sizes = [1], strides = [1]} : vector<16xi32> to vector<1xi32>
        %squeeze3A_346 = vector.extract %slice3A_345[0] : i32 from vector<1xi32>
        %slice3A_347 = vector.extract_strided_slice %all_reduce_population_count3A_327 {offsets = [0], sizes = [1], strides = [1]} : vector<16xi32> to vector<1xi32>
        %squeeze3A_348 = vector.extract %slice3A_347[0] : i32 from vector<1xi32>
        %slice3A_349 = vector.extract_strided_slice %all_reduce_population_count3A_328 {offsets = [0], sizes = [1], strides = [1]} : vector<16xi32> to vector<1xi32>
        %squeeze3A_350 = vector.extract %slice3A_349[0] : i32 from vector<1xi32>
        %slice3A_351 = vector.extract_strided_slice %all_reduce_population_count3A_329 {offsets = [0], sizes = [1], strides = [1]} : vector<16xi32> to vector<1xi32>
        %squeeze3A_352 = vector.extract %slice3A_351[0] : i32 from vector<1xi32>
        %slice3A_353 = vector.extract_strided_slice %all_reduce_population_count3A_330 {offsets = [0], sizes = [1], strides = [1]} : vector<16xi32> to vector<1xi32>
        %squeeze3A_354 = vector.extract %slice3A_353[0] : i32 from vector<1xi32>
        %slice3A_355 = vector.extract_strided_slice %all_reduce_population_count3A_331 {offsets = [0], sizes = [1], strides = [1]} : vector<16xi32> to vector<1xi32>
        %squeeze3A_356 = vector.extract %slice3A_355[0] : i32 from vector<1xi32>
        %slice3A_357 = vector.extract_strided_slice %all_reduce_population_count3A_332 {offsets = [0], sizes = [1], strides = [1]} : vector<16xi32> to vector<1xi32>
        %squeeze3A_358 = vector.extract %slice3A_357[0] : i32 from vector<1xi32>
        %slice3A_359 = vector.extract_strided_slice %all_reduce_population_count3A_333 {offsets = [0], sizes = [1], strides = [1]} : vector<16xi32> to vector<1xi32>
        %squeeze3A_360 = vector.extract %slice3A_359[0] : i32 from vector<1xi32>
        %slice3A_361 = vector.extract_strided_slice %all_reduce_population_count3A_334 {offsets = [0], sizes = [1], strides = [1]} : vector<16xi32> to vector<1xi32>
        %squeeze3A_362 = vector.extract %slice3A_361[0] : i32 from vector<1xi32>
        %slice3A_363 = vector.extract_strided_slice %all_reduce_population_count3A_335 {offsets = [0], sizes = [1], strides = [1]} : vector<16xi32> to vector<1xi32>
        %squeeze3A_364 = vector.extract %slice3A_363[0] : i32 from vector<1xi32>
        %slice3A_365 = vector.extract_strided_slice %all_reduce_population_count3A_336 {offsets = [0], sizes = [1], strides = [1]} : vector<16xi32> to vector<1xi32>
        %squeeze3A_366 = vector.extract %slice3A_365[0] : i32 from vector<1xi32>
        %slice3A_367 = vector.extract_strided_slice %all_reduce_population_count3A_337 {offsets = [0], sizes = [1], strides = [1]} : vector<16xi32> to vector<1xi32>
        %squeeze3A_368 = vector.extract %slice3A_367[0] : i32 from vector<1xi32>
        %slice3A_369 = vector.extract_strided_slice %all_reduce_population_count3A_338 {offsets = [0], sizes = [1], strides = [1]} : vector<16xi32> to vector<1xi32>
        %squeeze3A_370 = vector.extract %slice3A_369[0] : i32 from vector<1xi32>
        %swap3A = arith.index_cast %cond3A_214#0 : i32 to index
        %swap3A_371 = tpu.vector_load %arg6[%swap3A] masked %le3A {strides = array<i32>} : memref<1024xf32, #tpu.memory_space<vmem>>, vector<16xf32>, vector<16xi1>
        tpu.vector_store %arg6[%swap3A], %get3A_280 masked %le3A {strides = array<i32>} : memref<1024xf32, #tpu.memory_space<vmem>>, vector<16xf32>, vector<16xi1>
        %swap3A_372 = arith.index_cast %cond3A_214#1 : i32 to index
        %swap3A_373 = tpu.vector_load %arg7[%swap3A_372] masked %ge3A {strides = array<i32>} : memref<1024xf32, #tpu.memory_space<vmem>>, vector<16xf32>, vector<16xi1>
        tpu.vector_store %arg7[%swap3A_372], %get3A_280 masked %ge3A {strides = array<i32>} : memref<1024xf32, #tpu.memory_space<vmem>>, vector<16xf32>, vector<16xi1>
        %add3A_374 = arith.addi %cond3A_214#0, %squeeze3A_340 : i32
        %min3A = arith.constant 1008 : i32
        %min3A_375 = arith.minsi %add3A_374, %min3A : i32
        %add3A_376 = arith.addi %cond3A_214#1, %squeeze3A_356 : i32
        %min3A_377 = arith.constant 1008 : i32
        %min3A_378 = arith.minsi %add3A_376, %min3A_377 : i32
        %swap3A_379 = arith.index_cast %min3A_375 : i32 to index
        %swap3A_380 = tpu.vector_load %arg6[%swap3A_379] masked %le3A_309 {strides = array<i32>} : memref<1024xf32, #tpu.memory_space<vmem>>, vector<16xf32>, vector<16xi1>
        tpu.vector_store %arg6[%swap3A_379], %get3A_284 masked %le3A_309 {strides = array<i32>} : memref<1024xf32, #tpu.memory_space<vmem>>, vector<16xf32>, vector<16xi1>
        %swap3A_381 = arith.index_cast %min3A_378 : i32 to index
        %swap3A_382 = tpu.vector_load %arg7[%swap3A_381] masked %ge3A_316 {strides = array<i32>} : memref<1024xf32, #tpu.memory_space<vmem>>, vector<16xf32>, vector<16xi1>
        tpu.vector_store %arg7[%swap3A_381], %get3A_284 masked %ge3A_316 {strides = array<i32>} : memref<1024xf32, #tpu.memory_space<vmem>>, vector<16xf32>, vector<16xi1>
        %add3A_383 = arith.addi %min3A_375, %squeeze3A_342 : i32
        %min3A_384 = arith.constant 1008 : i32
        %min3A_385 = arith.minsi %add3A_383, %min3A_384 : i32
        %add3A_386 = arith.addi %min3A_378, %squeeze3A_358 : i32
        %min3A_387 = arith.constant 1008 : i32
        %min3A_388 = arith.minsi %add3A_386, %min3A_387 : i32
        %swap3A_389 = arith.index_cast %min3A_385 : i32 to index
        %swap3A_390 = tpu.vector_load %arg6[%swap3A_389] masked %le3A_310 {strides = array<i32>} : memref<1024xf32, #tpu.memory_space<vmem>>, vector<16xf32>, vector<16xi1>
        tpu.vector_store %arg6[%swap3A_389], %get3A_288 masked %le3A_310 {strides = array<i32>} : memref<1024xf32, #tpu.memory_space<vmem>>, vector<16xf32>, vector<16xi1>
        %swap3A_391 = arith.index_cast %min3A_388 : i32 to index
        %swap3A_392 = tpu.vector_load %arg7[%swap3A_391] masked %ge3A_317 {strides = array<i32>} : memref<1024xf32, #tpu.memory_space<vmem>>, vector<16xf32>, vector<16xi1>
        tpu.vector_store %arg7[%swap3A_391], %get3A_288 masked %ge3A_317 {strides = array<i32>} : memref<1024xf32, #tpu.memory_space<vmem>>, vector<16xf32>, vector<16xi1>
        %add3A_393 = arith.addi %min3A_385, %squeeze3A_344 : i32
        %min3A_394 = arith.constant 1008 : i32
        %min3A_395 = arith.minsi %add3A_393, %min3A_394 : i32
        %add3A_396 = arith.addi %min3A_388, %squeeze3A_360 : i32
        %min3A_397 = arith.constant 1008 : i32
        %min3A_398 = arith.minsi %add3A_396, %min3A_397 : i32
        %swap3A_399 = arith.index_cast %min3A_395 : i32 to index
        %swap3A_400 = tpu.vector_load %arg6[%swap3A_399] masked %le3A_311 {strides = array<i32>} : memref<1024xf32, #tpu.memory_space<vmem>>, vector<16xf32>, vector<16xi1>
        tpu.vector_store %arg6[%swap3A_399], %get3A_292 masked %le3A_311 {strides = array<i32>} : memref<1024xf32, #tpu.memory_space<vmem>>, vector<16xf32>, vector<16xi1>
        %swap3A_401 = arith.index_cast %min3A_398 : i32 to index
        %swap3A_402 = tpu.vector_load %arg7[%swap3A_401] masked %ge3A_318 {strides = array<i32>} : memref<1024xf32, #tpu.memory_space<vmem>>, vector<16xf32>, vector<16xi1>
        tpu.vector_store %arg7[%swap3A_401], %get3A_292 masked %ge3A_318 {strides = array<i32>} : memref<1024xf32, #tpu.memory_space<vmem>>, vector<16xf32>, vector<16xi1>
        %add3A_403 = arith.addi %min3A_395, %squeeze3A_346 : i32
        %min3A_404 = arith.constant 1008 : i32
        %min3A_405 = arith.minsi %add3A_403, %min3A_404 : i32
        %add3A_406 = arith.addi %min3A_398, %squeeze3A_362 : i32
        %min3A_407 = arith.constant 1008 : i32
        %min3A_408 = arith.minsi %add3A_406, %min3A_407 : i32
        %swap3A_409 = arith.index_cast %min3A_405 : i32 to index
        %swap3A_410 = tpu.vector_load %arg6[%swap3A_409] masked %le3A_312 {strides = array<i32>} : memref<1024xf32, #tpu.memory_space<vmem>>, vector<16xf32>, vector<16xi1>
        tpu.vector_store %arg6[%swap3A_409], %get3A_296 masked %le3A_312 {strides = array<i32>} : memref<1024xf32, #tpu.memory_space<vmem>>, vector<16xf32>, vector<16xi1>
        %swap3A_411 = arith.index_cast %min3A_408 : i32 to index
        %swap3A_412 = tpu.vector_load %arg7[%swap3A_411] masked %ge3A_319 {strides = array<i32>} : memref<1024xf32, #tpu.memory_space<vmem>>, vector<16xf32>, vector<16xi1>
        tpu.vector_store %arg7[%swap3A_411], %get3A_296 masked %ge3A_319 {strides = array<i32>} : memref<1024xf32, #tpu.memory_space<vmem>>, vector<16xf32>, vector<16xi1>
        %add3A_413 = arith.addi %min3A_405, %squeeze3A_348 : i32
        %min3A_414 = arith.constant 1008 : i32
        %min3A_415 = arith.minsi %add3A_413, %min3A_414 : i32
        %add3A_416 = arith.addi %min3A_408, %squeeze3A_364 : i32
        %min3A_417 = arith.constant 1008 : i32
        %min3A_418 = arith.minsi %add3A_416, %min3A_417 : i32
        %swap3A_419 = arith.index_cast %min3A_415 : i32 to index
        %swap3A_420 = tpu.vector_load %arg6[%swap3A_419] masked %le3A_313 {strides = array<i32>} : memref<1024xf32, #tpu.memory_space<vmem>>, vector<16xf32>, vector<16xi1>
        tpu.vector_store %arg6[%swap3A_419], %get3A_300 masked %le3A_313 {strides = array<i32>} : memref<1024xf32, #tpu.memory_space<vmem>>, vector<16xf32>, vector<16xi1>
        %swap3A_421 = arith.index_cast %min3A_418 : i32 to index
        %swap3A_422 = tpu.vector_load %arg7[%swap3A_421] masked %ge3A_320 {strides = array<i32>} : memref<1024xf32, #tpu.memory_space<vmem>>, vector<16xf32>, vector<16xi1>
        tpu.vector_store %arg7[%swap3A_421], %get3A_300 masked %ge3A_320 {strides = array<i32>} : memref<1024xf32, #tpu.memory_space<vmem>>, vector<16xf32>, vector<16xi1>
        %add3A_423 = arith.addi %min3A_415, %squeeze3A_350 : i32
        %min3A_424 = arith.constant 1008 : i32
        %min3A_425 = arith.minsi %add3A_423, %min3A_424 : i32
        %add3A_426 = arith.addi %min3A_418, %squeeze3A_366 : i32
        %min3A_427 = arith.constant 1008 : i32
        %min3A_428 = arith.minsi %add3A_426, %min3A_427 : i32
        %swap3A_429 = arith.index_cast %min3A_425 : i32 to index
        %swap3A_430 = tpu.vector_load %arg6[%swap3A_429] masked %le3A_314 {strides = array<i32>} : memref<1024xf32, #tpu.memory_space<vmem>>, vector<16xf32>, vector<16xi1>
        tpu.vector_store %arg6[%swap3A_429], %get3A_304 masked %le3A_314 {strides = array<i32>} : memref<1024xf32, #tpu.memory_space<vmem>>, vector<16xf32>, vector<16xi1>
        %swap3A_431 = arith.index_cast %min3A_428 : i32 to index
        %swap3A_432 = tpu.vector_load %arg7[%swap3A_431] masked %ge3A_321 {strides = array<i32>} : memref<1024xf32, #tpu.memory_space<vmem>>, vector<16xf32>, vector<16xi1>
        tpu.vector_store %arg7[%swap3A_431], %get3A_304 masked %ge3A_321 {strides = array<i32>} : memref<1024xf32, #tpu.memory_space<vmem>>, vector<16xf32>, vector<16xi1>
        %add3A_433 = arith.addi %min3A_425, %squeeze3A_352 : i32
        %min3A_434 = arith.constant 1008 : i32
        %min3A_435 = arith.minsi %add3A_433, %min3A_434 : i32
        %add3A_436 = arith.addi %min3A_428, %squeeze3A_368 : i32
        %min3A_437 = arith.constant 1008 : i32
        %min3A_438 = arith.minsi %add3A_436, %min3A_437 : i32
        %swap3A_439 = arith.index_cast %min3A_435 : i32 to index
        %swap3A_440 = tpu.vector_load %arg6[%swap3A_439] masked %le3A_315 {strides = array<i32>} : memref<1024xf32, #tpu.memory_space<vmem>>, vector<16xf32>, vector<16xi1>
        tpu.vector_store %arg6[%swap3A_439], %get3A_308 masked %le3A_315 {strides = array<i32>} : memref<1024xf32, #tpu.memory_space<vmem>>, vector<16xf32>, vector<16xi1>
        %swap3A_441 = arith.index_cast %min3A_438 : i32 to index
        %swap3A_442 = tpu.vector_load %arg7[%swap3A_441] masked %ge3A_322 {strides = array<i32>} : memref<1024xf32, #tpu.memory_space<vmem>>, vector<16xf32>, vector<16xi1>
        tpu.vector_store %arg7[%swap3A_441], %get3A_308 masked %ge3A_322 {strides = array<i32>} : memref<1024xf32, #tpu.memory_space<vmem>>, vector<16xf32>, vector<16xi1>
        %add3A_443 = arith.addi %min3A_435, %squeeze3A_354 : i32
        %min3A_444 = arith.constant 1008 : i32
        %min3A_445 = arith.minsi %add3A_443, %min3A_444 : i32
        %add3A_446 = arith.addi %min3A_438, %squeeze3A_370 : i32
        %min3A_447 = arith.constant 1008 : i32
        %min3A_448 = arith.minsi %add3A_446, %min3A_447 : i32
        scf.yield %min3A_445, %min3A_448 : i32, i32
      } else {
        scf.yield %cond3A_214#0, %cond3A_214#1 : i32, i32
      }
      %gt3A_225 = arith.constant 0 : i32
      %gt3A_226 = arith.cmpi sgt, %squeeze3A_188, %gt3A_225 : i32
      %mul3A_227 = arith.constant 8 : i32
      %mul3A_228 = arith.muli %scan3A_87, %mul3A_227 : i32
      %add3A_229 = arith.constant 3 : i32
      %add3A_230 = arith.addi %mul3A_228, %add3A_229 : i32
      %convert_element_type3A_231 = arith.extui %gt3A_226 : i1 to i32
      %cond3A_232 = arith.constant 0 : i32
      %cond3A_233 = arith.cmpi ne, %convert_element_type3A_231, %cond3A_232 : i32
      %cond3A_234:2 = scf.if %cond3A_233 -> (i32, i32) {
        %mul3A_275 = arith.constant 128 : i32
        %mul3A_276 = arith.muli %add3A_230, %mul3A_275 : i32
        %add3A_277 = arith.constant 0 : i32
        %add3A_278 = arith.addi %mul3A_276, %add3A_277 : i32
        %get3A_279 = arith.index_cast %add3A_278 : i32 to index
        %get3A_280 = tpu.vector_load %arg5[%get3A_279] {strides = array<i32>} : memref<65536xf32, #tpu.memory_space<vmem>>, vector<16xf32>,
        %add3A_281 = arith.constant 16 : i32
        %add3A_282 = arith.addi %mul3A_276, %add3A_281 : i32
        %get3A_283 = arith.index_cast %add3A_282 : i32 to index
        %get3A_284 = tpu.vector_load %arg5[%get3A_283] {strides = array<i32>} : memref<65536xf32, #tpu.memory_space<vmem>>, vector<16xf32>,
        %add3A_285 = arith.constant 32 : i32
        %add3A_286 = arith.addi %mul3A_276, %add3A_285 : i32
        %get3A_287 = arith.index_cast %add3A_286 : i32 to index
        %get3A_288 = tpu.vector_load %arg5[%get3A_287] {strides = array<i32>} : memref<65536xf32, #tpu.memory_space<vmem>>, vector<16xf32>,
        %add3A_289 = arith.constant 48 : i32
        %add3A_290 = arith.addi %mul3A_276, %add3A_289 : i32
        %get3A_291 = arith.index_cast %add3A_290 : i32 to index
        %get3A_292 = tpu.vector_load %arg5[%get3A_291] {strides = array<i32>} : memref<65536xf32, #tpu.memory_space<vmem>>, vector<16xf32>,
        %add3A_293 = arith.constant 64 : i32
        %add3A_294 = arith.addi %mul3A_276, %add3A_293 : i32
        %get3A_295 = arith.index_cast %add3A_294 : i32 to index
        %get3A_296 = tpu.vector_load %arg5[%get3A_295] {strides = array<i32>} : memref<65536xf32, #tpu.memory_space<vmem>>, vector<16xf32>,
        %add3A_297 = arith.constant 80 : i32
        %add3A_298 = arith.addi %mul3A_276, %add3A_297 : i32
        %get3A_299 = arith.index_cast %add3A_298 : i32 to index
        %get3A_300 = tpu.vector_load %arg5[%get3A_299] {strides = array<i32>} : memref<65536xf32, #tpu.memory_space<vmem>>, vector<16xf32>,
        %add3A_301 = arith.constant 96 : i32
        %add3A_302 = arith.addi %mul3A_276, %add3A_301 : i32
        %get3A_303 = arith.index_cast %add3A_302 : i32 to index
        %get3A_304 = tpu.vector_load %arg5[%get3A_303] {strides = array<i32>} : memref<65536xf32, #tpu.memory_space<vmem>>, vector<16xf32>,
        %add3A_305 = arith.constant 112 : i32
        %add3A_306 = arith.addi %mul3A_276, %add3A_305 : i32
        %get3A_307 = arith.index_cast %add3A_306 : i32 to index
        %get3A_308 = tpu.vector_load %arg5[%get3A_307] {strides = array<i32>} : memref<65536xf32, #tpu.memory_space<vmem>>, vector<16xf32>,
        %le3A = arith.cmpf ole, %get3A_280, %broadcast_in_dim3A_67 : vector<16xf32>
        %le3A_309 = arith.cmpf ole, %get3A_284, %broadcast_in_dim3A_67 : vector<16xf32>
        %le3A_310 = arith.cmpf ole, %get3A_288, %broadcast_in_dim3A_67 : vector<16xf32>
        %le3A_311 = arith.cmpf ole, %get3A_292, %broadcast_in_dim3A_67 : vector<16xf32>
        %le3A_312 = arith.cmpf ole, %get3A_296, %broadcast_in_dim3A_67 : vector<16xf32>
        %le3A_313 = arith.cmpf ole, %get3A_300, %broadcast_in_dim3A_67 : vector<16xf32>
        %le3A_314 = arith.cmpf ole, %get3A_304, %broadcast_in_dim3A_67 : vector<16xf32>
        %le3A_315 = arith.cmpf ole, %get3A_308, %broadcast_in_dim3A_67 : vector<16xf32>
        %ge3A = arith.cmpf oge, %get3A_280, %broadcast_in_dim3A_68 : vector<16xf32>
        %ge3A_316 = arith.cmpf oge, %get3A_284, %broadcast_in_dim3A_68 : vector<16xf32>
        %ge3A_317 = arith.cmpf oge, %get3A_288, %broadcast_in_dim3A_68 : vector<16xf32>
        %ge3A_318 = arith.cmpf oge, %get3A_292, %broadcast_in_dim3A_68 : vector<16xf32>
        %ge3A_319 = arith.cmpf oge, %get3A_296, %broadcast_in_dim3A_68 : vector<16xf32>
        %ge3A_320 = arith.cmpf oge, %get3A_300, %broadcast_in_dim3A_68 : vector<16xf32>
        %ge3A_321 = arith.cmpf oge, %get3A_304, %broadcast_in_dim3A_68 : vector<16xf32>
        %ge3A_322 = arith.cmpf oge, %get3A_308, %broadcast_in_dim3A_68 : vector<16xf32>
        %all_reduce_population_count3A_323 = tpu.all_reduce %le3A {dim = 0 : i64, kind = #tpu.reduction_kind<sum>} : vector<16xi1> -> vector<16xi32>
        %all_reduce_population_count3A_324 = tpu.all_reduce %le3A_309 {dim = 0 : i64, kind = #tpu.reduction_kind<sum>} : vector<16xi1> -> vector<16xi32>
        %all_reduce_population_count3A_325 = tpu.all_reduce %le3A_310 {dim = 0 : i64, kind = #tpu.reduction_kind<sum>} : vector<16xi1> -> vector<16xi32>
        %all_reduce_population_count3A_326 = tpu.all_reduce %le3A_311 {dim = 0 : i64, kind = #tpu.reduction_kind<sum>} : vector<16xi1> -> vector<16xi32>
        %all_reduce_population_count3A_327 = tpu.all_reduce %le3A_312 {dim = 0 : i64, kind = #tpu.reduction_kind<sum>} : vector<16xi1> -> vector<16xi32>
        %all_reduce_population_count3A_328 = tpu.all_reduce %le3A_313 {dim = 0 : i64, kind = #tpu.reduction_kind<sum>} : vector<16xi1> -> vector<16xi32>
        %all_reduce_population_count3A_329 = tpu.all_reduce %le3A_314 {dim = 0 : i64, kind = #tpu.reduction_kind<sum>} : vector<16xi1> -> vector<16xi32>
        %all_reduce_population_count3A_330 = tpu.all_reduce %le3A_315 {dim = 0 : i64, kind = #tpu.reduction_kind<sum>} : vector<16xi1> -> vector<16xi32>
        %all_reduce_population_count3A_331 = tpu.all_reduce %ge3A {dim = 0 : i64, kind = #tpu.reduction_kind<sum>} : vector<16xi1> -> vector<16xi32>
        %all_reduce_population_count3A_332 = tpu.all_reduce %ge3A_316 {dim = 0 : i64, kind = #tpu.reduction_kind<sum>} : vector<16xi1> -> vector<16xi32>
        %all_reduce_population_count3A_333 = tpu.all_reduce %ge3A_317 {dim = 0 : i64, kind = #tpu.reduction_kind<sum>} : vector<16xi1> -> vector<16xi32>
        %all_reduce_population_count3A_334 = tpu.all_reduce %ge3A_318 {dim = 0 : i64, kind = #tpu.reduction_kind<sum>} : vector<16xi1> -> vector<16xi32>
        %all_reduce_population_count3A_335 = tpu.all_reduce %ge3A_319 {dim = 0 : i64, kind = #tpu.reduction_kind<sum>} : vector<16xi1> -> vector<16xi32>
        %all_reduce_population_count3A_336 = tpu.all_reduce %ge3A_320 {dim = 0 : i64, kind = #tpu.reduction_kind<sum>} : vector<16xi1> -> vector<16xi32>
        %all_reduce_population_count3A_337 = tpu.all_reduce %ge3A_321 {dim = 0 : i64, kind = #tpu.reduction_kind<sum>} : vector<16xi1> -> vector<16xi32>
        %all_reduce_population_count3A_338 = tpu.all_reduce %ge3A_322 {dim = 0 : i64, kind = #tpu.reduction_kind<sum>} : vector<16xi1> -> vector<16xi32>
        %slice3A_339 = vector.extract_strided_slice %all_reduce_population_count3A_323 {offsets = [0], sizes = [1], strides = [1]} : vector<16xi32> to vector<1xi32>
        %squeeze3A_340 = vector.extract %slice3A_339[0] : i32 from vector<1xi32>
        %slice3A_341 = vector.extract_strided_slice %all_reduce_population_count3A_324 {offsets = [0], sizes = [1], strides = [1]} : vector<16xi32> to vector<1xi32>
        %squeeze3A_342 = vector.extract %slice3A_341[0] : i32 from vector<1xi32>
        %slice3A_343 = vector.extract_strided_slice %all_reduce_population_count3A_325 {offsets = [0], sizes = [1], strides = [1]} : vector<16xi32> to vector<1xi32>
        %squeeze3A_344 = vector.extract %slice3A_343[0] : i32 from vector<1xi32>
        %slice3A_345 = vector.extract_strided_slice %all_reduce_population_count3A_326 {offsets = [0], sizes = [1], strides = [1]} : vector<16xi32> to vector<1xi32>
        %squeeze3A_346 = vector.extract %slice3A_345[0] : i32 from vector<1xi32>
        %slice3A_347 = vector.extract_strided_slice %all_reduce_population_count3A_327 {offsets = [0], sizes = [1], strides = [1]} : vector<16xi32> to vector<1xi32>
        %squeeze3A_348 = vector.extract %slice3A_347[0] : i32 from vector<1xi32>
        %slice3A_349 = vector.extract_strided_slice %all_reduce_population_count3A_328 {offsets = [0], sizes = [1], strides = [1]} : vector<16xi32> to vector<1xi32>
        %squeeze3A_350 = vector.extract %slice3A_349[0] : i32 from vector<1xi32>
        %slice3A_351 = vector.extract_strided_slice %all_reduce_population_count3A_329 {offsets = [0], sizes = [1], strides = [1]} : vector<16xi32> to vector<1xi32>
        %squeeze3A_352 = vector.extract %slice3A_351[0] : i32 from vector<1xi32>
        %slice3A_353 = vector.extract_strided_slice %all_reduce_population_count3A_330 {offsets = [0], sizes = [1], strides = [1]} : vector<16xi32> to vector<1xi32>
        %squeeze3A_354 = vector.extract %slice3A_353[0] : i32 from vector<1xi32>
        %slice3A_355 = vector.extract_strided_slice %all_reduce_population_count3A_331 {offsets = [0], sizes = [1], strides = [1]} : vector<16xi32> to vector<1xi32>
        %squeeze3A_356 = vector.extract %slice3A_355[0] : i32 from vector<1xi32>
        %slice3A_357 = vector.extract_strided_slice %all_reduce_population_count3A_332 {offsets = [0], sizes = [1], strides = [1]} : vector<16xi32> to vector<1xi32>
        %squeeze3A_358 = vector.extract %slice3A_357[0] : i32 from vector<1xi32>
        %slice3A_359 = vector.extract_strided_slice %all_reduce_population_count3A_333 {offsets = [0], sizes = [1], strides = [1]} : vector<16xi32> to vector<1xi32>
        %squeeze3A_360 = vector.extract %slice3A_359[0] : i32 from vector<1xi32>
        %slice3A_361 = vector.extract_strided_slice %all_reduce_population_count3A_334 {offsets = [0], sizes = [1], strides = [1]} : vector<16xi32> to vector<1xi32>
        %squeeze3A_362 = vector.extract %slice3A_361[0] : i32 from vector<1xi32>
        %slice3A_363 = vector.extract_strided_slice %all_reduce_population_count3A_335 {offsets = [0], sizes = [1], strides = [1]} : vector<16xi32> to vector<1xi32>
        %squeeze3A_364 = vector.extract %slice3A_363[0] : i32 from vector<1xi32>
        %slice3A_365 = vector.extract_strided_slice %all_reduce_population_count3A_336 {offsets = [0], sizes = [1], strides = [1]} : vector<16xi32> to vector<1xi32>
        %squeeze3A_366 = vector.extract %slice3A_365[0] : i32 from vector<1xi32>
        %slice3A_367 = vector.extract_strided_slice %all_reduce_population_count3A_337 {offsets = [0], sizes = [1], strides = [1]} : vector<16xi32> to vector<1xi32>
        %squeeze3A_368 = vector.extract %slice3A_367[0] : i32 from vector<1xi32>
        %slice3A_369 = vector.extract_strided_slice %all_reduce_population_count3A_338 {offsets = [0], sizes = [1], strides = [1]} : vector<16xi32> to vector<1xi32>
        %squeeze3A_370 = vector.extract %slice3A_369[0] : i32 from vector<1xi32>
        %swap3A = arith.index_cast %cond3A_224#0 : i32 to index
        %swap3A_371 = tpu.vector_load %arg6[%swap3A] masked %le3A {strides = array<i32>} : memref<1024xf32, #tpu.memory_space<vmem>>, vector<16xf32>, vector<16xi1>
        tpu.vector_store %arg6[%swap3A], %get3A_280 masked %le3A {strides = array<i32>} : memref<1024xf32, #tpu.memory_space<vmem>>, vector<16xf32>, vector<16xi1>
        %swap3A_372 = arith.index_cast %cond3A_224#1 : i32 to index
        %swap3A_373 = tpu.vector_load %arg7[%swap3A_372] masked %ge3A {strides = array<i32>} : memref<1024xf32, #tpu.memory_space<vmem>>, vector<16xf32>, vector<16xi1>
        tpu.vector_store %arg7[%swap3A_372], %get3A_280 masked %ge3A {strides = array<i32>} : memref<1024xf32, #tpu.memory_space<vmem>>, vector<16xf32>, vector<16xi1>
        %add3A_374 = arith.addi %cond3A_224#0, %squeeze3A_340 : i32
        %min3A = arith.constant 1008 : i32
        %min3A_375 = arith.minsi %add3A_374, %min3A : i32
        %add3A_376 = arith.addi %cond3A_224#1, %squeeze3A_356 : i32
        %min3A_377 = arith.constant 1008 : i32
        %min3A_378 = arith.minsi %add3A_376, %min3A_377 : i32
        %swap3A_379 = arith.index_cast %min3A_375 : i32 to index
        %swap3A_380 = tpu.vector_load %arg6[%swap3A_379] masked %le3A_309 {strides = array<i32>} : memref<1024xf32, #tpu.memory_space<vmem>>, vector<16xf32>, vector<16xi1>
        tpu.vector_store %arg6[%swap3A_379], %get3A_284 masked %le3A_309 {strides = array<i32>} : memref<1024xf32, #tpu.memory_space<vmem>>, vector<16xf32>, vector<16xi1>
        %swap3A_381 = arith.index_cast %min3A_378 : i32 to index
        %swap3A_382 = tpu.vector_load %arg7[%swap3A_381] masked %ge3A_316 {strides = array<i32>} : memref<1024xf32, #tpu.memory_space<vmem>>, vector<16xf32>, vector<16xi1>
        tpu.vector_store %arg7[%swap3A_381], %get3A_284 masked %ge3A_316 {strides = array<i32>} : memref<1024xf32, #tpu.memory_space<vmem>>, vector<16xf32>, vector<16xi1>
        %add3A_383 = arith.addi %min3A_375, %squeeze3A_342 : i32
        %min3A_384 = arith.constant 1008 : i32
        %min3A_385 = arith.minsi %add3A_383, %min3A_384 : i32
        %add3A_386 = arith.addi %min3A_378, %squeeze3A_358 : i32
        %min3A_387 = arith.constant 1008 : i32
        %min3A_388 = arith.minsi %add3A_386, %min3A_387 : i32
        %swap3A_389 = arith.index_cast %min3A_385 : i32 to index
        %swap3A_390 = tpu.vector_load %arg6[%swap3A_389] masked %le3A_310 {strides = array<i32>} : memref<1024xf32, #tpu.memory_space<vmem>>, vector<16xf32>, vector<16xi1>
        tpu.vector_store %arg6[%swap3A_389], %get3A_288 masked %le3A_310 {strides = array<i32>} : memref<1024xf32, #tpu.memory_space<vmem>>, vector<16xf32>, vector<16xi1>
        %swap3A_391 = arith.index_cast %min3A_388 : i32 to index
        %swap3A_392 = tpu.vector_load %arg7[%swap3A_391] masked %ge3A_317 {strides = array<i32>} : memref<1024xf32, #tpu.memory_space<vmem>>, vector<16xf32>, vector<16xi1>
        tpu.vector_store %arg7[%swap3A_391], %get3A_288 masked %ge3A_317 {strides = array<i32>} : memref<1024xf32, #tpu.memory_space<vmem>>, vector<16xf32>, vector<16xi1>
        %add3A_393 = arith.addi %min3A_385, %squeeze3A_344 : i32
        %min3A_394 = arith.constant 1008 : i32
        %min3A_395 = arith.minsi %add3A_393, %min3A_394 : i32
        %add3A_396 = arith.addi %min3A_388, %squeeze3A_360 : i32
        %min3A_397 = arith.constant 1008 : i32
        %min3A_398 = arith.minsi %add3A_396, %min3A_397 : i32
        %swap3A_399 = arith.index_cast %min3A_395 : i32 to index
        %swap3A_400 = tpu.vector_load %arg6[%swap3A_399] masked %le3A_311 {strides = array<i32>} : memref<1024xf32, #tpu.memory_space<vmem>>, vector<16xf32>, vector<16xi1>
        tpu.vector_store %arg6[%swap3A_399], %get3A_292 masked %le3A_311 {strides = array<i32>} : memref<1024xf32, #tpu.memory_space<vmem>>, vector<16xf32>, vector<16xi1>
        %swap3A_401 = arith.index_cast %min3A_398 : i32 to index
        %swap3A_402 = tpu.vector_load %arg7[%swap3A_401] masked %ge3A_318 {strides = array<i32>} : memref<1024xf32, #tpu.memory_space<vmem>>, vector<16xf32>, vector<16xi1>
        tpu.vector_store %arg7[%swap3A_401], %get3A_292 masked %ge3A_318 {strides = array<i32>} : memref<1024xf32, #tpu.memory_space<vmem>>, vector<16xf32>, vector<16xi1>
        %add3A_403 = arith.addi %min3A_395, %squeeze3A_346 : i32
        %min3A_404 = arith.constant 1008 : i32
        %min3A_405 = arith.minsi %add3A_403, %min3A_404 : i32
        %add3A_406 = arith.addi %min3A_398, %squeeze3A_362 : i32
        %min3A_407 = arith.constant 1008 : i32
        %min3A_408 = arith.minsi %add3A_406, %min3A_407 : i32
        %swap3A_409 = arith.index_cast %min3A_405 : i32 to index
        %swap3A_410 = tpu.vector_load %arg6[%swap3A_409] masked %le3A_312 {strides = array<i32>} : memref<1024xf32, #tpu.memory_space<vmem>>, vector<16xf32>, vector<16xi1>
        tpu.vector_store %arg6[%swap3A_409], %get3A_296 masked %le3A_312 {strides = array<i32>} : memref<1024xf32, #tpu.memory_space<vmem>>, vector<16xf32>, vector<16xi1>
        %swap3A_411 = arith.index_cast %min3A_408 : i32 to index
        %swap3A_412 = tpu.vector_load %arg7[%swap3A_411] masked %ge3A_319 {strides = array<i32>} : memref<1024xf32, #tpu.memory_space<vmem>>, vector<16xf32>, vector<16xi1>
        tpu.vector_store %arg7[%swap3A_411], %get3A_296 masked %ge3A_319 {strides = array<i32>} : memref<1024xf32, #tpu.memory_space<vmem>>, vector<16xf32>, vector<16xi1>
        %add3A_413 = arith.addi %min3A_405, %squeeze3A_348 : i32
        %min3A_414 = arith.constant 1008 : i32
        %min3A_415 = arith.minsi %add3A_413, %min3A_414 : i32
        %add3A_416 = arith.addi %min3A_408, %squeeze3A_364 : i32
        %min3A_417 = arith.constant 1008 : i32
        %min3A_418 = arith.minsi %add3A_416, %min3A_417 : i32
        %swap3A_419 = arith.index_cast %min3A_415 : i32 to index
        %swap3A_420 = tpu.vector_load %arg6[%swap3A_419] masked %le3A_313 {strides = array<i32>} : memref<1024xf32, #tpu.memory_space<vmem>>, vector<16xf32>, vector<16xi1>
        tpu.vector_store %arg6[%swap3A_419], %get3A_300 masked %le3A_313 {strides = array<i32>} : memref<1024xf32, #tpu.memory_space<vmem>>, vector<16xf32>, vector<16xi1>
        %swap3A_421 = arith.index_cast %min3A_418 : i32 to index
        %swap3A_422 = tpu.vector_load %arg7[%swap3A_421] masked %ge3A_320 {strides = array<i32>} : memref<1024xf32, #tpu.memory_space<vmem>>, vector<16xf32>, vector<16xi1>
        tpu.vector_store %arg7[%swap3A_421], %get3A_300 masked %ge3A_320 {strides = array<i32>} : memref<1024xf32, #tpu.memory_space<vmem>>, vector<16xf32>, vector<16xi1>
        %add3A_423 = arith.addi %min3A_415, %squeeze3A_350 : i32
        %min3A_424 = arith.constant 1008 : i32
        %min3A_425 = arith.minsi %add3A_423, %min3A_424 : i32
        %add3A_426 = arith.addi %min3A_418, %squeeze3A_366 : i32
        %min3A_427 = arith.constant 1008 : i32
        %min3A_428 = arith.minsi %add3A_426, %min3A_427 : i32
        %swap3A_429 = arith.index_cast %min3A_425 : i32 to index
        %swap3A_430 = tpu.vector_load %arg6[%swap3A_429] masked %le3A_314 {strides = array<i32>} : memref<1024xf32, #tpu.memory_space<vmem>>, vector<16xf32>, vector<16xi1>
        tpu.vector_store %arg6[%swap3A_429], %get3A_304 masked %le3A_314 {strides = array<i32>} : memref<1024xf32, #tpu.memory_space<vmem>>, vector<16xf32>, vector<16xi1>
        %swap3A_431 = arith.index_cast %min3A_428 : i32 to index
        %swap3A_432 = tpu.vector_load %arg7[%swap3A_431] masked %ge3A_321 {strides = array<i32>} : memref<1024xf32, #tpu.memory_space<vmem>>, vector<16xf32>, vector<16xi1>
        tpu.vector_store %arg7[%swap3A_431], %get3A_304 masked %ge3A_321 {strides = array<i32>} : memref<1024xf32, #tpu.memory_space<vmem>>, vector<16xf32>, vector<16xi1>
        %add3A_433 = arith.addi %min3A_425, %squeeze3A_352 : i32
        %min3A_434 = arith.constant 1008 : i32
        %min3A_435 = arith.minsi %add3A_433, %min3A_434 : i32
        %add3A_436 = arith.addi %min3A_428, %squeeze3A_368 : i32
        %min3A_437 = arith.constant 1008 : i32
        %min3A_438 = arith.minsi %add3A_436, %min3A_437 : i32
        %swap3A_439 = arith.index_cast %min3A_435 : i32 to index
        %swap3A_440 = tpu.vector_load %arg6[%swap3A_439] masked %le3A_315 {strides = array<i32>} : memref<1024xf32, #tpu.memory_space<vmem>>, vector<16xf32>, vector<16xi1>
        tpu.vector_store %arg6[%swap3A_439], %get3A_308 masked %le3A_315 {strides = array<i32>} : memref<1024xf32, #tpu.memory_space<vmem>>, vector<16xf32>, vector<16xi1>
        %swap3A_441 = arith.index_cast %min3A_438 : i32 to index
        %swap3A_442 = tpu.vector_load %arg7[%swap3A_441] masked %ge3A_322 {strides = array<i32>} : memref<1024xf32, #tpu.memory_space<vmem>>, vector<16xf32>, vector<16xi1>
        tpu.vector_store %arg7[%swap3A_441], %get3A_308 masked %ge3A_322 {strides = array<i32>} : memref<1024xf32, #tpu.memory_space<vmem>>, vector<16xf32>, vector<16xi1>
        %add3A_443 = arith.addi %min3A_435, %squeeze3A_354 : i32
        %min3A_444 = arith.constant 1008 : i32
        %min3A_445 = arith.minsi %add3A_443, %min3A_444 : i32
        %add3A_446 = arith.addi %min3A_438, %squeeze3A_370 : i32
        %min3A_447 = arith.constant 1008 : i32
        %min3A_448 = arith.minsi %add3A_446, %min3A_447 : i32
        scf.yield %min3A_445, %min3A_448 : i32, i32
      } else {
        scf.yield %cond3A_224#0, %cond3A_224#1 : i32, i32
      }
      %gt3A_235 = arith.constant 0 : i32
      %gt3A_236 = arith.cmpi sgt, %squeeze3A_190, %gt3A_235 : i32
      %mul3A_237 = arith.constant 8 : i32
      %mul3A_238 = arith.muli %scan3A_87, %mul3A_237 : i32
      %add3A_239 = arith.constant 4 : i32
      %add3A_240 = arith.addi %mul3A_238, %add3A_239 : i32
      %convert_element_type3A_241 = arith.extui %gt3A_236 : i1 to i32
      %cond3A_242 = arith.constant 0 : i32
      %cond3A_243 = arith.cmpi ne, %convert_element_type3A_241, %cond3A_242 : i32
      %cond3A_244:2 = scf.if %cond3A_243 -> (i32, i32) {
        %mul3A_275 = arith.constant 128 : i32
        %mul3A_276 = arith.muli %add3A_240, %mul3A_275 : i32
        %add3A_277 = arith.constant 0 : i32
        %add3A_278 = arith.addi %mul3A_276, %add3A_277 : i32
        %get3A_279 = arith.index_cast %add3A_278 : i32 to index
        %get3A_280 = tpu.vector_load %arg5[%get3A_279] {strides = array<i32>} : memref<65536xf32, #tpu.memory_space<vmem>>, vector<16xf32>,
        %add3A_281 = arith.constant 16 : i32
        %add3A_282 = arith.addi %mul3A_276, %add3A_281 : i32
        %get3A_283 = arith.index_cast %add3A_282 : i32 to index
        %get3A_284 = tpu.vector_load %arg5[%get3A_283] {strides = array<i32>} : memref<65536xf32, #tpu.memory_space<vmem>>, vector<16xf32>,
        %add3A_285 = arith.constant 32 : i32
        %add3A_286 = arith.addi %mul3A_276, %add3A_285 : i32
        %get3A_287 = arith.index_cast %add3A_286 : i32 to index
        %get3A_288 = tpu.vector_load %arg5[%get3A_287] {strides = array<i32>} : memref<65536xf32, #tpu.memory_space<vmem>>, vector<16xf32>,
        %add3A_289 = arith.constant 48 : i32
        %add3A_290 = arith.addi %mul3A_276, %add3A_289 : i32
        %get3A_291 = arith.index_cast %add3A_290 : i32 to index
        %get3A_292 = tpu.vector_load %arg5[%get3A_291] {strides = array<i32>} : memref<65536xf32, #tpu.memory_space<vmem>>, vector<16xf32>,
        %add3A_293 = arith.constant 64 : i32
        %add3A_294 = arith.addi %mul3A_276, %add3A_293 : i32
        %get3A_295 = arith.index_cast %add3A_294 : i32 to index
        %get3A_296 = tpu.vector_load %arg5[%get3A_295] {strides = array<i32>} : memref<65536xf32, #tpu.memory_space<vmem>>, vector<16xf32>,
        %add3A_297 = arith.constant 80 : i32
        %add3A_298 = arith.addi %mul3A_276, %add3A_297 : i32
        %get3A_299 = arith.index_cast %add3A_298 : i32 to index
        %get3A_300 = tpu.vector_load %arg5[%get3A_299] {strides = array<i32>} : memref<65536xf32, #tpu.memory_space<vmem>>, vector<16xf32>,
        %add3A_301 = arith.constant 96 : i32
        %add3A_302 = arith.addi %mul3A_276, %add3A_301 : i32
        %get3A_303 = arith.index_cast %add3A_302 : i32 to index
        %get3A_304 = tpu.vector_load %arg5[%get3A_303] {strides = array<i32>} : memref<65536xf32, #tpu.memory_space<vmem>>, vector<16xf32>,
        %add3A_305 = arith.constant 112 : i32
        %add3A_306 = arith.addi %mul3A_276, %add3A_305 : i32
        %get3A_307 = arith.index_cast %add3A_306 : i32 to index
        %get3A_308 = tpu.vector_load %arg5[%get3A_307] {strides = array<i32>} : memref<65536xf32, #tpu.memory_space<vmem>>, vector<16xf32>,
        %le3A = arith.cmpf ole, %get3A_280, %broadcast_in_dim3A_67 : vector<16xf32>
        %le3A_309 = arith.cmpf ole, %get3A_284, %broadcast_in_dim3A_67 : vector<16xf32>
        %le3A_310 = arith.cmpf ole, %get3A_288, %broadcast_in_dim3A_67 : vector<16xf32>
        %le3A_311 = arith.cmpf ole, %get3A_292, %broadcast_in_dim3A_67 : vector<16xf32>
        %le3A_312 = arith.cmpf ole, %get3A_296, %broadcast_in_dim3A_67 : vector<16xf32>
        %le3A_313 = arith.cmpf ole, %get3A_300, %broadcast_in_dim3A_67 : vector<16xf32>
        %le3A_314 = arith.cmpf ole, %get3A_304, %broadcast_in_dim3A_67 : vector<16xf32>
        %le3A_315 = arith.cmpf ole, %get3A_308, %broadcast_in_dim3A_67 : vector<16xf32>
        %ge3A = arith.cmpf oge, %get3A_280, %broadcast_in_dim3A_68 : vector<16xf32>
        %ge3A_316 = arith.cmpf oge, %get3A_284, %broadcast_in_dim3A_68 : vector<16xf32>
        %ge3A_317 = arith.cmpf oge, %get3A_288, %broadcast_in_dim3A_68 : vector<16xf32>
        %ge3A_318 = arith.cmpf oge, %get3A_292, %broadcast_in_dim3A_68 : vector<16xf32>
        %ge3A_319 = arith.cmpf oge, %get3A_296, %broadcast_in_dim3A_68 : vector<16xf32>
        %ge3A_320 = arith.cmpf oge, %get3A_300, %broadcast_in_dim3A_68 : vector<16xf32>
        %ge3A_321 = arith.cmpf oge, %get3A_304, %broadcast_in_dim3A_68 : vector<16xf32>
        %ge3A_322 = arith.cmpf oge, %get3A_308, %broadcast_in_dim3A_68 : vector<16xf32>
        %all_reduce_population_count3A_323 = tpu.all_reduce %le3A {dim = 0 : i64, kind = #tpu.reduction_kind<sum>} : vector<16xi1> -> vector<16xi32>
        %all_reduce_population_count3A_324 = tpu.all_reduce %le3A_309 {dim = 0 : i64, kind = #tpu.reduction_kind<sum>} : vector<16xi1> -> vector<16xi32>
        %all_reduce_population_count3A_325 = tpu.all_reduce %le3A_310 {dim = 0 : i64, kind = #tpu.reduction_kind<sum>} : vector<16xi1> -> vector<16xi32>
        %all_reduce_population_count3A_326 = tpu.all_reduce %le3A_311 {dim = 0 : i64, kind = #tpu.reduction_kind<sum>} : vector<16xi1> -> vector<16xi32>
        %all_reduce_population_count3A_327 = tpu.all_reduce %le3A_312 {dim = 0 : i64, kind = #tpu.reduction_kind<sum>} : vector<16xi1> -> vector<16xi32>
        %all_reduce_population_count3A_328 = tpu.all_reduce %le3A_313 {dim = 0 : i64, kind = #tpu.reduction_kind<sum>} : vector<16xi1> -> vector<16xi32>
        %all_reduce_population_count3A_329 = tpu.all_reduce %le3A_314 {dim = 0 : i64, kind = #tpu.reduction_kind<sum>} : vector<16xi1> -> vector<16xi32>
        %all_reduce_population_count3A_330 = tpu.all_reduce %le3A_315 {dim = 0 : i64, kind = #tpu.reduction_kind<sum>} : vector<16xi1> -> vector<16xi32>
        %all_reduce_population_count3A_331 = tpu.all_reduce %ge3A {dim = 0 : i64, kind = #tpu.reduction_kind<sum>} : vector<16xi1> -> vector<16xi32>
        %all_reduce_population_count3A_332 = tpu.all_reduce %ge3A_316 {dim = 0 : i64, kind = #tpu.reduction_kind<sum>} : vector<16xi1> -> vector<16xi32>
        %all_reduce_population_count3A_333 = tpu.all_reduce %ge3A_317 {dim = 0 : i64, kind = #tpu.reduction_kind<sum>} : vector<16xi1> -> vector<16xi32>
        %all_reduce_population_count3A_334 = tpu.all_reduce %ge3A_318 {dim = 0 : i64, kind = #tpu.reduction_kind<sum>} : vector<16xi1> -> vector<16xi32>
        %all_reduce_population_count3A_335 = tpu.all_reduce %ge3A_319 {dim = 0 : i64, kind = #tpu.reduction_kind<sum>} : vector<16xi1> -> vector<16xi32>
        %all_reduce_population_count3A_336 = tpu.all_reduce %ge3A_320 {dim = 0 : i64, kind = #tpu.reduction_kind<sum>} : vector<16xi1> -> vector<16xi32>
        %all_reduce_population_count3A_337 = tpu.all_reduce %ge3A_321 {dim = 0 : i64, kind = #tpu.reduction_kind<sum>} : vector<16xi1> -> vector<16xi32>
        %all_reduce_population_count3A_338 = tpu.all_reduce %ge3A_322 {dim = 0 : i64, kind = #tpu.reduction_kind<sum>} : vector<16xi1> -> vector<16xi32>
        %slice3A_339 = vector.extract_strided_slice %all_reduce_population_count3A_323 {offsets = [0], sizes = [1], strides = [1]} : vector<16xi32> to vector<1xi32>
        %squeeze3A_340 = vector.extract %slice3A_339[0] : i32 from vector<1xi32>
        %slice3A_341 = vector.extract_strided_slice %all_reduce_population_count3A_324 {offsets = [0], sizes = [1], strides = [1]} : vector<16xi32> to vector<1xi32>
        %squeeze3A_342 = vector.extract %slice3A_341[0] : i32 from vector<1xi32>
        %slice3A_343 = vector.extract_strided_slice %all_reduce_population_count3A_325 {offsets = [0], sizes = [1], strides = [1]} : vector<16xi32> to vector<1xi32>
        %squeeze3A_344 = vector.extract %slice3A_343[0] : i32 from vector<1xi32>
        %slice3A_345 = vector.extract_strided_slice %all_reduce_population_count3A_326 {offsets = [0], sizes = [1], strides = [1]} : vector<16xi32> to vector<1xi32>
        %squeeze3A_346 = vector.extract %slice3A_345[0] : i32 from vector<1xi32>
        %slice3A_347 = vector.extract_strided_slice %all_reduce_population_count3A_327 {offsets = [0], sizes = [1], strides = [1]} : vector<16xi32> to vector<1xi32>
        %squeeze3A_348 = vector.extract %slice3A_347[0] : i32 from vector<1xi32>
        %slice3A_349 = vector.extract_strided_slice %all_reduce_population_count3A_328 {offsets = [0], sizes = [1], strides = [1]} : vector<16xi32> to vector<1xi32>
        %squeeze3A_350 = vector.extract %slice3A_349[0] : i32 from vector<1xi32>
        %slice3A_351 = vector.extract_strided_slice %all_reduce_population_count3A_329 {offsets = [0], sizes = [1], strides = [1]} : vector<16xi32> to vector<1xi32>
        %squeeze3A_352 = vector.extract %slice3A_351[0] : i32 from vector<1xi32>
        %slice3A_353 = vector.extract_strided_slice %all_reduce_population_count3A_330 {offsets = [0], sizes = [1], strides = [1]} : vector<16xi32> to vector<1xi32>
        %squeeze3A_354 = vector.extract %slice3A_353[0] : i32 from vector<1xi32>
        %slice3A_355 = vector.extract_strided_slice %all_reduce_population_count3A_331 {offsets = [0], sizes = [1], strides = [1]} : vector<16xi32> to vector<1xi32>
        %squeeze3A_356 = vector.extract %slice3A_355[0] : i32 from vector<1xi32>
        %slice3A_357 = vector.extract_strided_slice %all_reduce_population_count3A_332 {offsets = [0], sizes = [1], strides = [1]} : vector<16xi32> to vector<1xi32>
        %squeeze3A_358 = vector.extract %slice3A_357[0] : i32 from vector<1xi32>
        %slice3A_359 = vector.extract_strided_slice %all_reduce_population_count3A_333 {offsets = [0], sizes = [1], strides = [1]} : vector<16xi32> to vector<1xi32>
        %squeeze3A_360 = vector.extract %slice3A_359[0] : i32 from vector<1xi32>
        %slice3A_361 = vector.extract_strided_slice %all_reduce_population_count3A_334 {offsets = [0], sizes = [1], strides = [1]} : vector<16xi32> to vector<1xi32>
        %squeeze3A_362 = vector.extract %slice3A_361[0] : i32 from vector<1xi32>
        %slice3A_363 = vector.extract_strided_slice %all_reduce_population_count3A_335 {offsets = [0], sizes = [1], strides = [1]} : vector<16xi32> to vector<1xi32>
        %squeeze3A_364 = vector.extract %slice3A_363[0] : i32 from vector<1xi32>
        %slice3A_365 = vector.extract_strided_slice %all_reduce_population_count3A_336 {offsets = [0], sizes = [1], strides = [1]} : vector<16xi32> to vector<1xi32>
        %squeeze3A_366 = vector.extract %slice3A_365[0] : i32 from vector<1xi32>
        %slice3A_367 = vector.extract_strided_slice %all_reduce_population_count3A_337 {offsets = [0], sizes = [1], strides = [1]} : vector<16xi32> to vector<1xi32>
        %squeeze3A_368 = vector.extract %slice3A_367[0] : i32 from vector<1xi32>
        %slice3A_369 = vector.extract_strided_slice %all_reduce_population_count3A_338 {offsets = [0], sizes = [1], strides = [1]} : vector<16xi32> to vector<1xi32>
        %squeeze3A_370 = vector.extract %slice3A_369[0] : i32 from vector<1xi32>
        %swap3A = arith.index_cast %cond3A_234#0 : i32 to index
        %swap3A_371 = tpu.vector_load %arg6[%swap3A] masked %le3A {strides = array<i32>} : memref<1024xf32, #tpu.memory_space<vmem>>, vector<16xf32>, vector<16xi1>
        tpu.vector_store %arg6[%swap3A], %get3A_280 masked %le3A {strides = array<i32>} : memref<1024xf32, #tpu.memory_space<vmem>>, vector<16xf32>, vector<16xi1>
        %swap3A_372 = arith.index_cast %cond3A_234#1 : i32 to index
        %swap3A_373 = tpu.vector_load %arg7[%swap3A_372] masked %ge3A {strides = array<i32>} : memref<1024xf32, #tpu.memory_space<vmem>>, vector<16xf32>, vector<16xi1>
        tpu.vector_store %arg7[%swap3A_372], %get3A_280 masked %ge3A {strides = array<i32>} : memref<1024xf32, #tpu.memory_space<vmem>>, vector<16xf32>, vector<16xi1>
        %add3A_374 = arith.addi %cond3A_234#0, %squeeze3A_340 : i32
        %min3A = arith.constant 1008 : i32
        %min3A_375 = arith.minsi %add3A_374, %min3A : i32
        %add3A_376 = arith.addi %cond3A_234#1, %squeeze3A_356 : i32
        %min3A_377 = arith.constant 1008 : i32
        %min3A_378 = arith.minsi %add3A_376, %min3A_377 : i32
        %swap3A_379 = arith.index_cast %min3A_375 : i32 to index
        %swap3A_380 = tpu.vector_load %arg6[%swap3A_379] masked %le3A_309 {strides = array<i32>} : memref<1024xf32, #tpu.memory_space<vmem>>, vector<16xf32>, vector<16xi1>
        tpu.vector_store %arg6[%swap3A_379], %get3A_284 masked %le3A_309 {strides = array<i32>} : memref<1024xf32, #tpu.memory_space<vmem>>, vector<16xf32>, vector<16xi1>
        %swap3A_381 = arith.index_cast %min3A_378 : i32 to index
        %swap3A_382 = tpu.vector_load %arg7[%swap3A_381] masked %ge3A_316 {strides = array<i32>} : memref<1024xf32, #tpu.memory_space<vmem>>, vector<16xf32>, vector<16xi1>
        tpu.vector_store %arg7[%swap3A_381], %get3A_284 masked %ge3A_316 {strides = array<i32>} : memref<1024xf32, #tpu.memory_space<vmem>>, vector<16xf32>, vector<16xi1>
        %add3A_383 = arith.addi %min3A_375, %squeeze3A_342 : i32
        %min3A_384 = arith.constant 1008 : i32
        %min3A_385 = arith.minsi %add3A_383, %min3A_384 : i32
        %add3A_386 = arith.addi %min3A_378, %squeeze3A_358 : i32
        %min3A_387 = arith.constant 1008 : i32
        %min3A_388 = arith.minsi %add3A_386, %min3A_387 : i32
        %swap3A_389 = arith.index_cast %min3A_385 : i32 to index
        %swap3A_390 = tpu.vector_load %arg6[%swap3A_389] masked %le3A_310 {strides = array<i32>} : memref<1024xf32, #tpu.memory_space<vmem>>, vector<16xf32>, vector<16xi1>
        tpu.vector_store %arg6[%swap3A_389], %get3A_288 masked %le3A_310 {strides = array<i32>} : memref<1024xf32, #tpu.memory_space<vmem>>, vector<16xf32>, vector<16xi1>
        %swap3A_391 = arith.index_cast %min3A_388 : i32 to index
        %swap3A_392 = tpu.vector_load %arg7[%swap3A_391] masked %ge3A_317 {strides = array<i32>} : memref<1024xf32, #tpu.memory_space<vmem>>, vector<16xf32>, vector<16xi1>
        tpu.vector_store %arg7[%swap3A_391], %get3A_288 masked %ge3A_317 {strides = array<i32>} : memref<1024xf32, #tpu.memory_space<vmem>>, vector<16xf32>, vector<16xi1>
        %add3A_393 = arith.addi %min3A_385, %squeeze3A_344 : i32
        %min3A_394 = arith.constant 1008 : i32
        %min3A_395 = arith.minsi %add3A_393, %min3A_394 : i32
        %add3A_396 = arith.addi %min3A_388, %squeeze3A_360 : i32
        %min3A_397 = arith.constant 1008 : i32
        %min3A_398 = arith.minsi %add3A_396, %min3A_397 : i32
        %swap3A_399 = arith.index_cast %min3A_395 : i32 to index
        %swap3A_400 = tpu.vector_load %arg6[%swap3A_399] masked %le3A_311 {strides = array<i32>} : memref<1024xf32, #tpu.memory_space<vmem>>, vector<16xf32>, vector<16xi1>
        tpu.vector_store %arg6[%swap3A_399], %get3A_292 masked %le3A_311 {strides = array<i32>} : memref<1024xf32, #tpu.memory_space<vmem>>, vector<16xf32>, vector<16xi1>
        %swap3A_401 = arith.index_cast %min3A_398 : i32 to index
        %swap3A_402 = tpu.vector_load %arg7[%swap3A_401] masked %ge3A_318 {strides = array<i32>} : memref<1024xf32, #tpu.memory_space<vmem>>, vector<16xf32>, vector<16xi1>
        tpu.vector_store %arg7[%swap3A_401], %get3A_292 masked %ge3A_318 {strides = array<i32>} : memref<1024xf32, #tpu.memory_space<vmem>>, vector<16xf32>, vector<16xi1>
        %add3A_403 = arith.addi %min3A_395, %squeeze3A_346 : i32
        %min3A_404 = arith.constant 1008 : i32
        %min3A_405 = arith.minsi %add3A_403, %min3A_404 : i32
        %add3A_406 = arith.addi %min3A_398, %squeeze3A_362 : i32
        %min3A_407 = arith.constant 1008 : i32
        %min3A_408 = arith.minsi %add3A_406, %min3A_407 : i32
        %swap3A_409 = arith.index_cast %min3A_405 : i32 to index
        %swap3A_410 = tpu.vector_load %arg6[%swap3A_409] masked %le3A_312 {strides = array<i32>} : memref<1024xf32, #tpu.memory_space<vmem>>, vector<16xf32>, vector<16xi1>
        tpu.vector_store %arg6[%swap3A_409], %get3A_296 masked %le3A_312 {strides = array<i32>} : memref<1024xf32, #tpu.memory_space<vmem>>, vector<16xf32>, vector<16xi1>
        %swap3A_411 = arith.index_cast %min3A_408 : i32 to index
        %swap3A_412 = tpu.vector_load %arg7[%swap3A_411] masked %ge3A_319 {strides = array<i32>} : memref<1024xf32, #tpu.memory_space<vmem>>, vector<16xf32>, vector<16xi1>
        tpu.vector_store %arg7[%swap3A_411], %get3A_296 masked %ge3A_319 {strides = array<i32>} : memref<1024xf32, #tpu.memory_space<vmem>>, vector<16xf32>, vector<16xi1>
        %add3A_413 = arith.addi %min3A_405, %squeeze3A_348 : i32
        %min3A_414 = arith.constant 1008 : i32
        %min3A_415 = arith.minsi %add3A_413, %min3A_414 : i32
        %add3A_416 = arith.addi %min3A_408, %squeeze3A_364 : i32
        %min3A_417 = arith.constant 1008 : i32
        %min3A_418 = arith.minsi %add3A_416, %min3A_417 : i32
        %swap3A_419 = arith.index_cast %min3A_415 : i32 to index
        %swap3A_420 = tpu.vector_load %arg6[%swap3A_419] masked %le3A_313 {strides = array<i32>} : memref<1024xf32, #tpu.memory_space<vmem>>, vector<16xf32>, vector<16xi1>
        tpu.vector_store %arg6[%swap3A_419], %get3A_300 masked %le3A_313 {strides = array<i32>} : memref<1024xf32, #tpu.memory_space<vmem>>, vector<16xf32>, vector<16xi1>
        %swap3A_421 = arith.index_cast %min3A_418 : i32 to index
        %swap3A_422 = tpu.vector_load %arg7[%swap3A_421] masked %ge3A_320 {strides = array<i32>} : memref<1024xf32, #tpu.memory_space<vmem>>, vector<16xf32>, vector<16xi1>
        tpu.vector_store %arg7[%swap3A_421], %get3A_300 masked %ge3A_320 {strides = array<i32>} : memref<1024xf32, #tpu.memory_space<vmem>>, vector<16xf32>, vector<16xi1>
        %add3A_423 = arith.addi %min3A_415, %squeeze3A_350 : i32
        %min3A_424 = arith.constant 1008 : i32
        %min3A_425 = arith.minsi %add3A_423, %min3A_424 : i32
        %add3A_426 = arith.addi %min3A_418, %squeeze3A_366 : i32
        %min3A_427 = arith.constant 1008 : i32
        %min3A_428 = arith.minsi %add3A_426, %min3A_427 : i32
        %swap3A_429 = arith.index_cast %min3A_425 : i32 to index
        %swap3A_430 = tpu.vector_load %arg6[%swap3A_429] masked %le3A_314 {strides = array<i32>} : memref<1024xf32, #tpu.memory_space<vmem>>, vector<16xf32>, vector<16xi1>
        tpu.vector_store %arg6[%swap3A_429], %get3A_304 masked %le3A_314 {strides = array<i32>} : memref<1024xf32, #tpu.memory_space<vmem>>, vector<16xf32>, vector<16xi1>
        %swap3A_431 = arith.index_cast %min3A_428 : i32 to index
        %swap3A_432 = tpu.vector_load %arg7[%swap3A_431] masked %ge3A_321 {strides = array<i32>} : memref<1024xf32, #tpu.memory_space<vmem>>, vector<16xf32>, vector<16xi1>
        tpu.vector_store %arg7[%swap3A_431], %get3A_304 masked %ge3A_321 {strides = array<i32>} : memref<1024xf32, #tpu.memory_space<vmem>>, vector<16xf32>, vector<16xi1>
        %add3A_433 = arith.addi %min3A_425, %squeeze3A_352 : i32
        %min3A_434 = arith.constant 1008 : i32
        %min3A_435 = arith.minsi %add3A_433, %min3A_434 : i32
        %add3A_436 = arith.addi %min3A_428, %squeeze3A_368 : i32
        %min3A_437 = arith.constant 1008 : i32
        %min3A_438 = arith.minsi %add3A_436, %min3A_437 : i32
        %swap3A_439 = arith.index_cast %min3A_435 : i32 to index
        %swap3A_440 = tpu.vector_load %arg6[%swap3A_439] masked %le3A_315 {strides = array<i32>} : memref<1024xf32, #tpu.memory_space<vmem>>, vector<16xf32>, vector<16xi1>
        tpu.vector_store %arg6[%swap3A_439], %get3A_308 masked %le3A_315 {strides = array<i32>} : memref<1024xf32, #tpu.memory_space<vmem>>, vector<16xf32>, vector<16xi1>
        %swap3A_441 = arith.index_cast %min3A_438 : i32 to index
        %swap3A_442 = tpu.vector_load %arg7[%swap3A_441] masked %ge3A_322 {strides = array<i32>} : memref<1024xf32, #tpu.memory_space<vmem>>, vector<16xf32>, vector<16xi1>
        tpu.vector_store %arg7[%swap3A_441], %get3A_308 masked %ge3A_322 {strides = array<i32>} : memref<1024xf32, #tpu.memory_space<vmem>>, vector<16xf32>, vector<16xi1>
        %add3A_443 = arith.addi %min3A_435, %squeeze3A_354 : i32
        %min3A_444 = arith.constant 1008 : i32
        %min3A_445 = arith.minsi %add3A_443, %min3A_444 : i32
        %add3A_446 = arith.addi %min3A_438, %squeeze3A_370 : i32
        %min3A_447 = arith.constant 1008 : i32
        %min3A_448 = arith.minsi %add3A_446, %min3A_447 : i32
        scf.yield %min3A_445, %min3A_448 : i32, i32
      } else {
        scf.yield %cond3A_234#0, %cond3A_234#1 : i32, i32
      }
      %gt3A_245 = arith.constant 0 : i32
      %gt3A_246 = arith.cmpi sgt, %squeeze3A_192, %gt3A_245 : i32
      %mul3A_247 = arith.constant 8 : i32
      %mul3A_248 = arith.muli %scan3A_87, %mul3A_247 : i32
      %add3A_249 = arith.constant 5 : i32
      %add3A_250 = arith.addi %mul3A_248, %add3A_249 : i32
      %convert_element_type3A_251 = arith.extui %gt3A_246 : i1 to i32
      %cond3A_252 = arith.constant 0 : i32
      %cond3A_253 = arith.cmpi ne, %convert_element_type3A_251, %cond3A_252 : i32
      %cond3A_254:2 = scf.if %cond3A_253 -> (i32, i32) {
        %mul3A_275 = arith.constant 128 : i32
        %mul3A_276 = arith.muli %add3A_250, %mul3A_275 : i32
        %add3A_277 = arith.constant 0 : i32
        %add3A_278 = arith.addi %mul3A_276, %add3A_277 : i32
        %get3A_279 = arith.index_cast %add3A_278 : i32 to index
        %get3A_280 = tpu.vector_load %arg5[%get3A_279] {strides = array<i32>} : memref<65536xf32, #tpu.memory_space<vmem>>, vector<16xf32>,
        %add3A_281 = arith.constant 16 : i32
        %add3A_282 = arith.addi %mul3A_276, %add3A_281 : i32
        %get3A_283 = arith.index_cast %add3A_282 : i32 to index
        %get3A_284 = tpu.vector_load %arg5[%get3A_283] {strides = array<i32>} : memref<65536xf32, #tpu.memory_space<vmem>>, vector<16xf32>,
        %add3A_285 = arith.constant 32 : i32
        %add3A_286 = arith.addi %mul3A_276, %add3A_285 : i32
        %get3A_287 = arith.index_cast %add3A_286 : i32 to index
        %get3A_288 = tpu.vector_load %arg5[%get3A_287] {strides = array<i32>} : memref<65536xf32, #tpu.memory_space<vmem>>, vector<16xf32>,
        %add3A_289 = arith.constant 48 : i32
        %add3A_290 = arith.addi %mul3A_276, %add3A_289 : i32
        %get3A_291 = arith.index_cast %add3A_290 : i32 to index
        %get3A_292 = tpu.vector_load %arg5[%get3A_291] {strides = array<i32>} : memref<65536xf32, #tpu.memory_space<vmem>>, vector<16xf32>,
        %add3A_293 = arith.constant 64 : i32
        %add3A_294 = arith.addi %mul3A_276, %add3A_293 : i32
        %get3A_295 = arith.index_cast %add3A_294 : i32 to index
        %get3A_296 = tpu.vector_load %arg5[%get3A_295] {strides = array<i32>} : memref<65536xf32, #tpu.memory_space<vmem>>, vector<16xf32>,
        %add3A_297 = arith.constant 80 : i32
        %add3A_298 = arith.addi %mul3A_276, %add3A_297 : i32
        %get3A_299 = arith.index_cast %add3A_298 : i32 to index
        %get3A_300 = tpu.vector_load %arg5[%get3A_299] {strides = array<i32>} : memref<65536xf32, #tpu.memory_space<vmem>>, vector<16xf32>,
        %add3A_301 = arith.constant 96 : i32
        %add3A_302 = arith.addi %mul3A_276, %add3A_301 : i32
        %get3A_303 = arith.index_cast %add3A_302 : i32 to index
        %get3A_304 = tpu.vector_load %arg5[%get3A_303] {strides = array<i32>} : memref<65536xf32, #tpu.memory_space<vmem>>, vector<16xf32>,
        %add3A_305 = arith.constant 112 : i32
        %add3A_306 = arith.addi %mul3A_276, %add3A_305 : i32
        %get3A_307 = arith.index_cast %add3A_306 : i32 to index
        %get3A_308 = tpu.vector_load %arg5[%get3A_307] {strides = array<i32>} : memref<65536xf32, #tpu.memory_space<vmem>>, vector<16xf32>,
        %le3A = arith.cmpf ole, %get3A_280, %broadcast_in_dim3A_67 : vector<16xf32>
        %le3A_309 = arith.cmpf ole, %get3A_284, %broadcast_in_dim3A_67 : vector<16xf32>
        %le3A_310 = arith.cmpf ole, %get3A_288, %broadcast_in_dim3A_67 : vector<16xf32>
        %le3A_311 = arith.cmpf ole, %get3A_292, %broadcast_in_dim3A_67 : vector<16xf32>
        %le3A_312 = arith.cmpf ole, %get3A_296, %broadcast_in_dim3A_67 : vector<16xf32>
        %le3A_313 = arith.cmpf ole, %get3A_300, %broadcast_in_dim3A_67 : vector<16xf32>
        %le3A_314 = arith.cmpf ole, %get3A_304, %broadcast_in_dim3A_67 : vector<16xf32>
        %le3A_315 = arith.cmpf ole, %get3A_308, %broadcast_in_dim3A_67 : vector<16xf32>
        %ge3A = arith.cmpf oge, %get3A_280, %broadcast_in_dim3A_68 : vector<16xf32>
        %ge3A_316 = arith.cmpf oge, %get3A_284, %broadcast_in_dim3A_68 : vector<16xf32>
        %ge3A_317 = arith.cmpf oge, %get3A_288, %broadcast_in_dim3A_68 : vector<16xf32>
        %ge3A_318 = arith.cmpf oge, %get3A_292, %broadcast_in_dim3A_68 : vector<16xf32>
        %ge3A_319 = arith.cmpf oge, %get3A_296, %broadcast_in_dim3A_68 : vector<16xf32>
        %ge3A_320 = arith.cmpf oge, %get3A_300, %broadcast_in_dim3A_68 : vector<16xf32>
        %ge3A_321 = arith.cmpf oge, %get3A_304, %broadcast_in_dim3A_68 : vector<16xf32>
        %ge3A_322 = arith.cmpf oge, %get3A_308, %broadcast_in_dim3A_68 : vector<16xf32>
        %all_reduce_population_count3A_323 = tpu.all_reduce %le3A {dim = 0 : i64, kind = #tpu.reduction_kind<sum>} : vector<16xi1> -> vector<16xi32>
        %all_reduce_population_count3A_324 = tpu.all_reduce %le3A_309 {dim = 0 : i64, kind = #tpu.reduction_kind<sum>} : vector<16xi1> -> vector<16xi32>
        %all_reduce_population_count3A_325 = tpu.all_reduce %le3A_310 {dim = 0 : i64, kind = #tpu.reduction_kind<sum>} : vector<16xi1> -> vector<16xi32>
        %all_reduce_population_count3A_326 = tpu.all_reduce %le3A_311 {dim = 0 : i64, kind = #tpu.reduction_kind<sum>} : vector<16xi1> -> vector<16xi32>
        %all_reduce_population_count3A_327 = tpu.all_reduce %le3A_312 {dim = 0 : i64, kind = #tpu.reduction_kind<sum>} : vector<16xi1> -> vector<16xi32>
        %all_reduce_population_count3A_328 = tpu.all_reduce %le3A_313 {dim = 0 : i64, kind = #tpu.reduction_kind<sum>} : vector<16xi1> -> vector<16xi32>
        %all_reduce_population_count3A_329 = tpu.all_reduce %le3A_314 {dim = 0 : i64, kind = #tpu.reduction_kind<sum>} : vector<16xi1> -> vector<16xi32>
        %all_reduce_population_count3A_330 = tpu.all_reduce %le3A_315 {dim = 0 : i64, kind = #tpu.reduction_kind<sum>} : vector<16xi1> -> vector<16xi32>
        %all_reduce_population_count3A_331 = tpu.all_reduce %ge3A {dim = 0 : i64, kind = #tpu.reduction_kind<sum>} : vector<16xi1> -> vector<16xi32>
        %all_reduce_population_count3A_332 = tpu.all_reduce %ge3A_316 {dim = 0 : i64, kind = #tpu.reduction_kind<sum>} : vector<16xi1> -> vector<16xi32>
        %all_reduce_population_count3A_333 = tpu.all_reduce %ge3A_317 {dim = 0 : i64, kind = #tpu.reduction_kind<sum>} : vector<16xi1> -> vector<16xi32>
        %all_reduce_population_count3A_334 = tpu.all_reduce %ge3A_318 {dim = 0 : i64, kind = #tpu.reduction_kind<sum>} : vector<16xi1> -> vector<16xi32>
        %all_reduce_population_count3A_335 = tpu.all_reduce %ge3A_319 {dim = 0 : i64, kind = #tpu.reduction_kind<sum>} : vector<16xi1> -> vector<16xi32>
        %all_reduce_population_count3A_336 = tpu.all_reduce %ge3A_320 {dim = 0 : i64, kind = #tpu.reduction_kind<sum>} : vector<16xi1> -> vector<16xi32>
        %all_reduce_population_count3A_337 = tpu.all_reduce %ge3A_321 {dim = 0 : i64, kind = #tpu.reduction_kind<sum>} : vector<16xi1> -> vector<16xi32>
        %all_reduce_population_count3A_338 = tpu.all_reduce %ge3A_322 {dim = 0 : i64, kind = #tpu.reduction_kind<sum>} : vector<16xi1> -> vector<16xi32>
        %slice3A_339 = vector.extract_strided_slice %all_reduce_population_count3A_323 {offsets = [0], sizes = [1], strides = [1]} : vector<16xi32> to vector<1xi32>
        %squeeze3A_340 = vector.extract %slice3A_339[0] : i32 from vector<1xi32>
        %slice3A_341 = vector.extract_strided_slice %all_reduce_population_count3A_324 {offsets = [0], sizes = [1], strides = [1]} : vector<16xi32> to vector<1xi32>
        %squeeze3A_342 = vector.extract %slice3A_341[0] : i32 from vector<1xi32>
        %slice3A_343 = vector.extract_strided_slice %all_reduce_population_count3A_325 {offsets = [0], sizes = [1], strides = [1]} : vector<16xi32> to vector<1xi32>
        %squeeze3A_344 = vector.extract %slice3A_343[0] : i32 from vector<1xi32>
        %slice3A_345 = vector.extract_strided_slice %all_reduce_population_count3A_326 {offsets = [0], sizes = [1], strides = [1]} : vector<16xi32> to vector<1xi32>
        %squeeze3A_346 = vector.extract %slice3A_345[0] : i32 from vector<1xi32>
        %slice3A_347 = vector.extract_strided_slice %all_reduce_population_count3A_327 {offsets = [0], sizes = [1], strides = [1]} : vector<16xi32> to vector<1xi32>
        %squeeze3A_348 = vector.extract %slice3A_347[0] : i32 from vector<1xi32>
        %slice3A_349 = vector.extract_strided_slice %all_reduce_population_count3A_328 {offsets = [0], sizes = [1], strides = [1]} : vector<16xi32> to vector<1xi32>
        %squeeze3A_350 = vector.extract %slice3A_349[0] : i32 from vector<1xi32>
        %slice3A_351 = vector.extract_strided_slice %all_reduce_population_count3A_329 {offsets = [0], sizes = [1], strides = [1]} : vector<16xi32> to vector<1xi32>
        %squeeze3A_352 = vector.extract %slice3A_351[0] : i32 from vector<1xi32>
        %slice3A_353 = vector.extract_strided_slice %all_reduce_population_count3A_330 {offsets = [0], sizes = [1], strides = [1]} : vector<16xi32> to vector<1xi32>
        %squeeze3A_354 = vector.extract %slice3A_353[0] : i32 from vector<1xi32>
        %slice3A_355 = vector.extract_strided_slice %all_reduce_population_count3A_331 {offsets = [0], sizes = [1], strides = [1]} : vector<16xi32> to vector<1xi32>
        %squeeze3A_356 = vector.extract %slice3A_355[0] : i32 from vector<1xi32>
        %slice3A_357 = vector.extract_strided_slice %all_reduce_population_count3A_332 {offsets = [0], sizes = [1], strides = [1]} : vector<16xi32> to vector<1xi32>
        %squeeze3A_358 = vector.extract %slice3A_357[0] : i32 from vector<1xi32>
        %slice3A_359 = vector.extract_strided_slice %all_reduce_population_count3A_333 {offsets = [0], sizes = [1], strides = [1]} : vector<16xi32> to vector<1xi32>
        %squeeze3A_360 = vector.extract %slice3A_359[0] : i32 from vector<1xi32>
        %slice3A_361 = vector.extract_strided_slice %all_reduce_population_count3A_334 {offsets = [0], sizes = [1], strides = [1]} : vector<16xi32> to vector<1xi32>
        %squeeze3A_362 = vector.extract %slice3A_361[0] : i32 from vector<1xi32>
        %slice3A_363 = vector.extract_strided_slice %all_reduce_population_count3A_335 {offsets = [0], sizes = [1], strides = [1]} : vector<16xi32> to vector<1xi32>
        %squeeze3A_364 = vector.extract %slice3A_363[0] : i32 from vector<1xi32>
        %slice3A_365 = vector.extract_strided_slice %all_reduce_population_count3A_336 {offsets = [0], sizes = [1], strides = [1]} : vector<16xi32> to vector<1xi32>
        %squeeze3A_366 = vector.extract %slice3A_365[0] : i32 from vector<1xi32>
        %slice3A_367 = vector.extract_strided_slice %all_reduce_population_count3A_337 {offsets = [0], sizes = [1], strides = [1]} : vector<16xi32> to vector<1xi32>
        %squeeze3A_368 = vector.extract %slice3A_367[0] : i32 from vector<1xi32>
        %slice3A_369 = vector.extract_strided_slice %all_reduce_population_count3A_338 {offsets = [0], sizes = [1], strides = [1]} : vector<16xi32> to vector<1xi32>
        %squeeze3A_370 = vector.extract %slice3A_369[0] : i32 from vector<1xi32>
        %swap3A = arith.index_cast %cond3A_244#0 : i32 to index
        %swap3A_371 = tpu.vector_load %arg6[%swap3A] masked %le3A {strides = array<i32>} : memref<1024xf32, #tpu.memory_space<vmem>>, vector<16xf32>, vector<16xi1>
        tpu.vector_store %arg6[%swap3A], %get3A_280 masked %le3A {strides = array<i32>} : memref<1024xf32, #tpu.memory_space<vmem>>, vector<16xf32>, vector<16xi1>
        %swap3A_372 = arith.index_cast %cond3A_244#1 : i32 to index
        %swap3A_373 = tpu.vector_load %arg7[%swap3A_372] masked %ge3A {strides = array<i32>} : memref<1024xf32, #tpu.memory_space<vmem>>, vector<16xf32>, vector<16xi1>
        tpu.vector_store %arg7[%swap3A_372], %get3A_280 masked %ge3A {strides = array<i32>} : memref<1024xf32, #tpu.memory_space<vmem>>, vector<16xf32>, vector<16xi1>
        %add3A_374 = arith.addi %cond3A_244#0, %squeeze3A_340 : i32
        %min3A = arith.constant 1008 : i32
        %min3A_375 = arith.minsi %add3A_374, %min3A : i32
        %add3A_376 = arith.addi %cond3A_244#1, %squeeze3A_356 : i32
        %min3A_377 = arith.constant 1008 : i32
        %min3A_378 = arith.minsi %add3A_376, %min3A_377 : i32
        %swap3A_379 = arith.index_cast %min3A_375 : i32 to index
        %swap3A_380 = tpu.vector_load %arg6[%swap3A_379] masked %le3A_309 {strides = array<i32>} : memref<1024xf32, #tpu.memory_space<vmem>>, vector<16xf32>, vector<16xi1>
        tpu.vector_store %arg6[%swap3A_379], %get3A_284 masked %le3A_309 {strides = array<i32>} : memref<1024xf32, #tpu.memory_space<vmem>>, vector<16xf32>, vector<16xi1>
        %swap3A_381 = arith.index_cast %min3A_378 : i32 to index
        %swap3A_382 = tpu.vector_load %arg7[%swap3A_381] masked %ge3A_316 {strides = array<i32>} : memref<1024xf32, #tpu.memory_space<vmem>>, vector<16xf32>, vector<16xi1>
        tpu.vector_store %arg7[%swap3A_381], %get3A_284 masked %ge3A_316 {strides = array<i32>} : memref<1024xf32, #tpu.memory_space<vmem>>, vector<16xf32>, vector<16xi1>
        %add3A_383 = arith.addi %min3A_375, %squeeze3A_342 : i32
        %min3A_384 = arith.constant 1008 : i32
        %min3A_385 = arith.minsi %add3A_383, %min3A_384 : i32
        %add3A_386 = arith.addi %min3A_378, %squeeze3A_358 : i32
        %min3A_387 = arith.constant 1008 : i32
        %min3A_388 = arith.minsi %add3A_386, %min3A_387 : i32
        %swap3A_389 = arith.index_cast %min3A_385 : i32 to index
        %swap3A_390 = tpu.vector_load %arg6[%swap3A_389] masked %le3A_310 {strides = array<i32>} : memref<1024xf32, #tpu.memory_space<vmem>>, vector<16xf32>, vector<16xi1>
        tpu.vector_store %arg6[%swap3A_389], %get3A_288 masked %le3A_310 {strides = array<i32>} : memref<1024xf32, #tpu.memory_space<vmem>>, vector<16xf32>, vector<16xi1>
        %swap3A_391 = arith.index_cast %min3A_388 : i32 to index
        %swap3A_392 = tpu.vector_load %arg7[%swap3A_391] masked %ge3A_317 {strides = array<i32>} : memref<1024xf32, #tpu.memory_space<vmem>>, vector<16xf32>, vector<16xi1>
        tpu.vector_store %arg7[%swap3A_391], %get3A_288 masked %ge3A_317 {strides = array<i32>} : memref<1024xf32, #tpu.memory_space<vmem>>, vector<16xf32>, vector<16xi1>
        %add3A_393 = arith.addi %min3A_385, %squeeze3A_344 : i32
        %min3A_394 = arith.constant 1008 : i32
        %min3A_395 = arith.minsi %add3A_393, %min3A_394 : i32
        %add3A_396 = arith.addi %min3A_388, %squeeze3A_360 : i32
        %min3A_397 = arith.constant 1008 : i32
        %min3A_398 = arith.minsi %add3A_396, %min3A_397 : i32
        %swap3A_399 = arith.index_cast %min3A_395 : i32 to index
        %swap3A_400 = tpu.vector_load %arg6[%swap3A_399] masked %le3A_311 {strides = array<i32>} : memref<1024xf32, #tpu.memory_space<vmem>>, vector<16xf32>, vector<16xi1>
        tpu.vector_store %arg6[%swap3A_399], %get3A_292 masked %le3A_311 {strides = array<i32>} : memref<1024xf32, #tpu.memory_space<vmem>>, vector<16xf32>, vector<16xi1>
        %swap3A_401 = arith.index_cast %min3A_398 : i32 to index
        %swap3A_402 = tpu.vector_load %arg7[%swap3A_401] masked %ge3A_318 {strides = array<i32>} : memref<1024xf32, #tpu.memory_space<vmem>>, vector<16xf32>, vector<16xi1>
        tpu.vector_store %arg7[%swap3A_401], %get3A_292 masked %ge3A_318 {strides = array<i32>} : memref<1024xf32, #tpu.memory_space<vmem>>, vector<16xf32>, vector<16xi1>
        %add3A_403 = arith.addi %min3A_395, %squeeze3A_346 : i32
        %min3A_404 = arith.constant 1008 : i32
        %min3A_405 = arith.minsi %add3A_403, %min3A_404 : i32
        %add3A_406 = arith.addi %min3A_398, %squeeze3A_362 : i32
        %min3A_407 = arith.constant 1008 : i32
        %min3A_408 = arith.minsi %add3A_406, %min3A_407 : i32
        %swap3A_409 = arith.index_cast %min3A_405 : i32 to index
        %swap3A_410 = tpu.vector_load %arg6[%swap3A_409] masked %le3A_312 {strides = array<i32>} : memref<1024xf32, #tpu.memory_space<vmem>>, vector<16xf32>, vector<16xi1>
        tpu.vector_store %arg6[%swap3A_409], %get3A_296 masked %le3A_312 {strides = array<i32>} : memref<1024xf32, #tpu.memory_space<vmem>>, vector<16xf32>, vector<16xi1>
        %swap3A_411 = arith.index_cast %min3A_408 : i32 to index
        %swap3A_412 = tpu.vector_load %arg7[%swap3A_411] masked %ge3A_319 {strides = array<i32>} : memref<1024xf32, #tpu.memory_space<vmem>>, vector<16xf32>, vector<16xi1>
        tpu.vector_store %arg7[%swap3A_411], %get3A_296 masked %ge3A_319 {strides = array<i32>} : memref<1024xf32, #tpu.memory_space<vmem>>, vector<16xf32>, vector<16xi1>
        %add3A_413 = arith.addi %min3A_405, %squeeze3A_348 : i32
        %min3A_414 = arith.constant 1008 : i32
        %min3A_415 = arith.minsi %add3A_413, %min3A_414 : i32
        %add3A_416 = arith.addi %min3A_408, %squeeze3A_364 : i32
        %min3A_417 = arith.constant 1008 : i32
        %min3A_418 = arith.minsi %add3A_416, %min3A_417 : i32
        %swap3A_419 = arith.index_cast %min3A_415 : i32 to index
        %swap3A_420 = tpu.vector_load %arg6[%swap3A_419] masked %le3A_313 {strides = array<i32>} : memref<1024xf32, #tpu.memory_space<vmem>>, vector<16xf32>, vector<16xi1>
        tpu.vector_store %arg6[%swap3A_419], %get3A_300 masked %le3A_313 {strides = array<i32>} : memref<1024xf32, #tpu.memory_space<vmem>>, vector<16xf32>, vector<16xi1>
        %swap3A_421 = arith.index_cast %min3A_418 : i32 to index
        %swap3A_422 = tpu.vector_load %arg7[%swap3A_421] masked %ge3A_320 {strides = array<i32>} : memref<1024xf32, #tpu.memory_space<vmem>>, vector<16xf32>, vector<16xi1>
        tpu.vector_store %arg7[%swap3A_421], %get3A_300 masked %ge3A_320 {strides = array<i32>} : memref<1024xf32, #tpu.memory_space<vmem>>, vector<16xf32>, vector<16xi1>
        %add3A_423 = arith.addi %min3A_415, %squeeze3A_350 : i32
        %min3A_424 = arith.constant 1008 : i32
        %min3A_425 = arith.minsi %add3A_423, %min3A_424 : i32
        %add3A_426 = arith.addi %min3A_418, %squeeze3A_366 : i32
        %min3A_427 = arith.constant 1008 : i32
        %min3A_428 = arith.minsi %add3A_426, %min3A_427 : i32
        %swap3A_429 = arith.index_cast %min3A_425 : i32 to index
        %swap3A_430 = tpu.vector_load %arg6[%swap3A_429] masked %le3A_314 {strides = array<i32>} : memref<1024xf32, #tpu.memory_space<vmem>>, vector<16xf32>, vector<16xi1>
        tpu.vector_store %arg6[%swap3A_429], %get3A_304 masked %le3A_314 {strides = array<i32>} : memref<1024xf32, #tpu.memory_space<vmem>>, vector<16xf32>, vector<16xi1>
        %swap3A_431 = arith.index_cast %min3A_428 : i32 to index
        %swap3A_432 = tpu.vector_load %arg7[%swap3A_431] masked %ge3A_321 {strides = array<i32>} : memref<1024xf32, #tpu.memory_space<vmem>>, vector<16xf32>, vector<16xi1>
        tpu.vector_store %arg7[%swap3A_431], %get3A_304 masked %ge3A_321 {strides = array<i32>} : memref<1024xf32, #tpu.memory_space<vmem>>, vector<16xf32>, vector<16xi1>
        %add3A_433 = arith.addi %min3A_425, %squeeze3A_352 : i32
        %min3A_434 = arith.constant 1008 : i32
        %min3A_435 = arith.minsi %add3A_433, %min3A_434 : i32
        %add3A_436 = arith.addi %min3A_428, %squeeze3A_368 : i32
        %min3A_437 = arith.constant 1008 : i32
        %min3A_438 = arith.minsi %add3A_436, %min3A_437 : i32
        %swap3A_439 = arith.index_cast %min3A_435 : i32 to index
        %swap3A_440 = tpu.vector_load %arg6[%swap3A_439] masked %le3A_315 {strides = array<i32>} : memref<1024xf32, #tpu.memory_space<vmem>>, vector<16xf32>, vector<16xi1>
        tpu.vector_store %arg6[%swap3A_439], %get3A_308 masked %le3A_315 {strides = array<i32>} : memref<1024xf32, #tpu.memory_space<vmem>>, vector<16xf32>, vector<16xi1>
        %swap3A_441 = arith.index_cast %min3A_438 : i32 to index
        %swap3A_442 = tpu.vector_load %arg7[%swap3A_441] masked %ge3A_322 {strides = array<i32>} : memref<1024xf32, #tpu.memory_space<vmem>>, vector<16xf32>, vector<16xi1>
        tpu.vector_store %arg7[%swap3A_441], %get3A_308 masked %ge3A_322 {strides = array<i32>} : memref<1024xf32, #tpu.memory_space<vmem>>, vector<16xf32>, vector<16xi1>
        %add3A_443 = arith.addi %min3A_435, %squeeze3A_354 : i32
        %min3A_444 = arith.constant 1008 : i32
        %min3A_445 = arith.minsi %add3A_443, %min3A_444 : i32
        %add3A_446 = arith.addi %min3A_438, %squeeze3A_370 : i32
        %min3A_447 = arith.constant 1008 : i32
        %min3A_448 = arith.minsi %add3A_446, %min3A_447 : i32
        scf.yield %min3A_445, %min3A_448 : i32, i32
      } else {
        scf.yield %cond3A_244#0, %cond3A_244#1 : i32, i32
      }
      %gt3A_255 = arith.constant 0 : i32
      %gt3A_256 = arith.cmpi sgt, %squeeze3A_194, %gt3A_255 : i32
      %mul3A_257 = arith.constant 8 : i32
      %mul3A_258 = arith.muli %scan3A_87, %mul3A_257 : i32
      %add3A_259 = arith.constant 6 : i32
      %add3A_260 = arith.addi %mul3A_258, %add3A_259 : i32
      %convert_element_type3A_261 = arith.extui %gt3A_256 : i1 to i32
      %cond3A_262 = arith.constant 0 : i32
      %cond3A_263 = arith.cmpi ne, %convert_element_type3A_261, %cond3A_262 : i32
      %cond3A_264:2 = scf.if %cond3A_263 -> (i32, i32) {
        %mul3A_275 = arith.constant 128 : i32
        %mul3A_276 = arith.muli %add3A_260, %mul3A_275 : i32
        %add3A_277 = arith.constant 0 : i32
        %add3A_278 = arith.addi %mul3A_276, %add3A_277 : i32
        %get3A_279 = arith.index_cast %add3A_278 : i32 to index
        %get3A_280 = tpu.vector_load %arg5[%get3A_279] {strides = array<i32>} : memref<65536xf32, #tpu.memory_space<vmem>>, vector<16xf32>,
        %add3A_281 = arith.constant 16 : i32
        %add3A_282 = arith.addi %mul3A_276, %add3A_281 : i32
        %get3A_283 = arith.index_cast %add3A_282 : i32 to index
        %get3A_284 = tpu.vector_load %arg5[%get3A_283] {strides = array<i32>} : memref<65536xf32, #tpu.memory_space<vmem>>, vector<16xf32>,
        %add3A_285 = arith.constant 32 : i32
        %add3A_286 = arith.addi %mul3A_276, %add3A_285 : i32
        %get3A_287 = arith.index_cast %add3A_286 : i32 to index
        %get3A_288 = tpu.vector_load %arg5[%get3A_287] {strides = array<i32>} : memref<65536xf32, #tpu.memory_space<vmem>>, vector<16xf32>,
        %add3A_289 = arith.constant 48 : i32
        %add3A_290 = arith.addi %mul3A_276, %add3A_289 : i32
        %get3A_291 = arith.index_cast %add3A_290 : i32 to index
        %get3A_292 = tpu.vector_load %arg5[%get3A_291] {strides = array<i32>} : memref<65536xf32, #tpu.memory_space<vmem>>, vector<16xf32>,
        %add3A_293 = arith.constant 64 : i32
        %add3A_294 = arith.addi %mul3A_276, %add3A_293 : i32
        %get3A_295 = arith.index_cast %add3A_294 : i32 to index
        %get3A_296 = tpu.vector_load %arg5[%get3A_295] {strides = array<i32>} : memref<65536xf32, #tpu.memory_space<vmem>>, vector<16xf32>,
        %add3A_297 = arith.constant 80 : i32
        %add3A_298 = arith.addi %mul3A_276, %add3A_297 : i32
        %get3A_299 = arith.index_cast %add3A_298 : i32 to index
        %get3A_300 = tpu.vector_load %arg5[%get3A_299] {strides = array<i32>} : memref<65536xf32, #tpu.memory_space<vmem>>, vector<16xf32>,
        %add3A_301 = arith.constant 96 : i32
        %add3A_302 = arith.addi %mul3A_276, %add3A_301 : i32
        %get3A_303 = arith.index_cast %add3A_302 : i32 to index
        %get3A_304 = tpu.vector_load %arg5[%get3A_303] {strides = array<i32>} : memref<65536xf32, #tpu.memory_space<vmem>>, vector<16xf32>,
        %add3A_305 = arith.constant 112 : i32
        %add3A_306 = arith.addi %mul3A_276, %add3A_305 : i32
        %get3A_307 = arith.index_cast %add3A_306 : i32 to index
        %get3A_308 = tpu.vector_load %arg5[%get3A_307] {strides = array<i32>} : memref<65536xf32, #tpu.memory_space<vmem>>, vector<16xf32>,
        %le3A = arith.cmpf ole, %get3A_280, %broadcast_in_dim3A_67 : vector<16xf32>
        %le3A_309 = arith.cmpf ole, %get3A_284, %broadcast_in_dim3A_67 : vector<16xf32>
        %le3A_310 = arith.cmpf ole, %get3A_288, %broadcast_in_dim3A_67 : vector<16xf32>
        %le3A_311 = arith.cmpf ole, %get3A_292, %broadcast_in_dim3A_67 : vector<16xf32>
        %le3A_312 = arith.cmpf ole, %get3A_296, %broadcast_in_dim3A_67 : vector<16xf32>
        %le3A_313 = arith.cmpf ole, %get3A_300, %broadcast_in_dim3A_67 : vector<16xf32>
        %le3A_314 = arith.cmpf ole, %get3A_304, %broadcast_in_dim3A_67 : vector<16xf32>
        %le3A_315 = arith.cmpf ole, %get3A_308, %broadcast_in_dim3A_67 : vector<16xf32>
        %ge3A = arith.cmpf oge, %get3A_280, %broadcast_in_dim3A_68 : vector<16xf32>
        %ge3A_316 = arith.cmpf oge, %get3A_284, %broadcast_in_dim3A_68 : vector<16xf32>
        %ge3A_317 = arith.cmpf oge, %get3A_288, %broadcast_in_dim3A_68 : vector<16xf32>
        %ge3A_318 = arith.cmpf oge, %get3A_292, %broadcast_in_dim3A_68 : vector<16xf32>
        %ge3A_319 = arith.cmpf oge, %get3A_296, %broadcast_in_dim3A_68 : vector<16xf32>
        %ge3A_320 = arith.cmpf oge, %get3A_300, %broadcast_in_dim3A_68 : vector<16xf32>
        %ge3A_321 = arith.cmpf oge, %get3A_304, %broadcast_in_dim3A_68 : vector<16xf32>
        %ge3A_322 = arith.cmpf oge, %get3A_308, %broadcast_in_dim3A_68 : vector<16xf32>
        %all_reduce_population_count3A_323 = tpu.all_reduce %le3A {dim = 0 : i64, kind = #tpu.reduction_kind<sum>} : vector<16xi1> -> vector<16xi32>
        %all_reduce_population_count3A_324 = tpu.all_reduce %le3A_309 {dim = 0 : i64, kind = #tpu.reduction_kind<sum>} : vector<16xi1> -> vector<16xi32>
        %all_reduce_population_count3A_325 = tpu.all_reduce %le3A_310 {dim = 0 : i64, kind = #tpu.reduction_kind<sum>} : vector<16xi1> -> vector<16xi32>
        %all_reduce_population_count3A_326 = tpu.all_reduce %le3A_311 {dim = 0 : i64, kind = #tpu.reduction_kind<sum>} : vector<16xi1> -> vector<16xi32>
        %all_reduce_population_count3A_327 = tpu.all_reduce %le3A_312 {dim = 0 : i64, kind = #tpu.reduction_kind<sum>} : vector<16xi1> -> vector<16xi32>
        %all_reduce_population_count3A_328 = tpu.all_reduce %le3A_313 {dim = 0 : i64, kind = #tpu.reduction_kind<sum>} : vector<16xi1> -> vector<16xi32>
        %all_reduce_population_count3A_329 = tpu.all_reduce %le3A_314 {dim = 0 : i64, kind = #tpu.reduction_kind<sum>} : vector<16xi1> -> vector<16xi32>
        %all_reduce_population_count3A_330 = tpu.all_reduce %le3A_315 {dim = 0 : i64, kind = #tpu.reduction_kind<sum>} : vector<16xi1> -> vector<16xi32>
        %all_reduce_population_count3A_331 = tpu.all_reduce %ge3A {dim = 0 : i64, kind = #tpu.reduction_kind<sum>} : vector<16xi1> -> vector<16xi32>
        %all_reduce_population_count3A_332 = tpu.all_reduce %ge3A_316 {dim = 0 : i64, kind = #tpu.reduction_kind<sum>} : vector<16xi1> -> vector<16xi32>
        %all_reduce_population_count3A_333 = tpu.all_reduce %ge3A_317 {dim = 0 : i64, kind = #tpu.reduction_kind<sum>} : vector<16xi1> -> vector<16xi32>
        %all_reduce_population_count3A_334 = tpu.all_reduce %ge3A_318 {dim = 0 : i64, kind = #tpu.reduction_kind<sum>} : vector<16xi1> -> vector<16xi32>
        %all_reduce_population_count3A_335 = tpu.all_reduce %ge3A_319 {dim = 0 : i64, kind = #tpu.reduction_kind<sum>} : vector<16xi1> -> vector<16xi32>
        %all_reduce_population_count3A_336 = tpu.all_reduce %ge3A_320 {dim = 0 : i64, kind = #tpu.reduction_kind<sum>} : vector<16xi1> -> vector<16xi32>
        %all_reduce_population_count3A_337 = tpu.all_reduce %ge3A_321 {dim = 0 : i64, kind = #tpu.reduction_kind<sum>} : vector<16xi1> -> vector<16xi32>
        %all_reduce_population_count3A_338 = tpu.all_reduce %ge3A_322 {dim = 0 : i64, kind = #tpu.reduction_kind<sum>} : vector<16xi1> -> vector<16xi32>
        %slice3A_339 = vector.extract_strided_slice %all_reduce_population_count3A_323 {offsets = [0], sizes = [1], strides = [1]} : vector<16xi32> to vector<1xi32>
        %squeeze3A_340 = vector.extract %slice3A_339[0] : i32 from vector<1xi32>
        %slice3A_341 = vector.extract_strided_slice %all_reduce_population_count3A_324 {offsets = [0], sizes = [1], strides = [1]} : vector<16xi32> to vector<1xi32>
        %squeeze3A_342 = vector.extract %slice3A_341[0] : i32 from vector<1xi32>
        %slice3A_343 = vector.extract_strided_slice %all_reduce_population_count3A_325 {offsets = [0], sizes = [1], strides = [1]} : vector<16xi32> to vector<1xi32>
        %squeeze3A_344 = vector.extract %slice3A_343[0] : i32 from vector<1xi32>
        %slice3A_345 = vector.extract_strided_slice %all_reduce_population_count3A_326 {offsets = [0], sizes = [1], strides = [1]} : vector<16xi32> to vector<1xi32>
        %squeeze3A_346 = vector.extract %slice3A_345[0] : i32 from vector<1xi32>
        %slice3A_347 = vector.extract_strided_slice %all_reduce_population_count3A_327 {offsets = [0], sizes = [1], strides = [1]} : vector<16xi32> to vector<1xi32>
        %squeeze3A_348 = vector.extract %slice3A_347[0] : i32 from vector<1xi32>
        %slice3A_349 = vector.extract_strided_slice %all_reduce_population_count3A_328 {offsets = [0], sizes = [1], strides = [1]} : vector<16xi32> to vector<1xi32>
        %squeeze3A_350 = vector.extract %slice3A_349[0] : i32 from vector<1xi32>
        %slice3A_351 = vector.extract_strided_slice %all_reduce_population_count3A_329 {offsets = [0], sizes = [1], strides = [1]} : vector<16xi32> to vector<1xi32>
        %squeeze3A_352 = vector.extract %slice3A_351[0] : i32 from vector<1xi32>
        %slice3A_353 = vector.extract_strided_slice %all_reduce_population_count3A_330 {offsets = [0], sizes = [1], strides = [1]} : vector<16xi32> to vector<1xi32>
        %squeeze3A_354 = vector.extract %slice3A_353[0] : i32 from vector<1xi32>
        %slice3A_355 = vector.extract_strided_slice %all_reduce_population_count3A_331 {offsets = [0], sizes = [1], strides = [1]} : vector<16xi32> to vector<1xi32>
        %squeeze3A_356 = vector.extract %slice3A_355[0] : i32 from vector<1xi32>
        %slice3A_357 = vector.extract_strided_slice %all_reduce_population_count3A_332 {offsets = [0], sizes = [1], strides = [1]} : vector<16xi32> to vector<1xi32>
        %squeeze3A_358 = vector.extract %slice3A_357[0] : i32 from vector<1xi32>
        %slice3A_359 = vector.extract_strided_slice %all_reduce_population_count3A_333 {offsets = [0], sizes = [1], strides = [1]} : vector<16xi32> to vector<1xi32>
        %squeeze3A_360 = vector.extract %slice3A_359[0] : i32 from vector<1xi32>
        %slice3A_361 = vector.extract_strided_slice %all_reduce_population_count3A_334 {offsets = [0], sizes = [1], strides = [1]} : vector<16xi32> to vector<1xi32>
        %squeeze3A_362 = vector.extract %slice3A_361[0] : i32 from vector<1xi32>
        %slice3A_363 = vector.extract_strided_slice %all_reduce_population_count3A_335 {offsets = [0], sizes = [1], strides = [1]} : vector<16xi32> to vector<1xi32>
        %squeeze3A_364 = vector.extract %slice3A_363[0] : i32 from vector<1xi32>
        %slice3A_365 = vector.extract_strided_slice %all_reduce_population_count3A_336 {offsets = [0], sizes = [1], strides = [1]} : vector<16xi32> to vector<1xi32>
        %squeeze3A_366 = vector.extract %slice3A_365[0] : i32 from vector<1xi32>
        %slice3A_367 = vector.extract_strided_slice %all_reduce_population_count3A_337 {offsets = [0], sizes = [1], strides = [1]} : vector<16xi32> to vector<1xi32>
        %squeeze3A_368 = vector.extract %slice3A_367[0] : i32 from vector<1xi32>
        %slice3A_369 = vector.extract_strided_slice %all_reduce_population_count3A_338 {offsets = [0], sizes = [1], strides = [1]} : vector<16xi32> to vector<1xi32>
        %squeeze3A_370 = vector.extract %slice3A_369[0] : i32 from vector<1xi32>
        %swap3A = arith.index_cast %cond3A_254#0 : i32 to index
        %swap3A_371 = tpu.vector_load %arg6[%swap3A] masked %le3A {strides = array<i32>} : memref<1024xf32, #tpu.memory_space<vmem>>, vector<16xf32>, vector<16xi1>
        tpu.vector_store %arg6[%swap3A], %get3A_280 masked %le3A {strides = array<i32>} : memref<1024xf32, #tpu.memory_space<vmem>>, vector<16xf32>, vector<16xi1>
        %swap3A_372 = arith.index_cast %cond3A_254#1 : i32 to index
        %swap3A_373 = tpu.vector_load %arg7[%swap3A_372] masked %ge3A {strides = array<i32>} : memref<1024xf32, #tpu.memory_space<vmem>>, vector<16xf32>, vector<16xi1>
        tpu.vector_store %arg7[%swap3A_372], %get3A_280 masked %ge3A {strides = array<i32>} : memref<1024xf32, #tpu.memory_space<vmem>>, vector<16xf32>, vector<16xi1>
        %add3A_374 = arith.addi %cond3A_254#0, %squeeze3A_340 : i32
        %min3A = arith.constant 1008 : i32
        %min3A_375 = arith.minsi %add3A_374, %min3A : i32
        %add3A_376 = arith.addi %cond3A_254#1, %squeeze3A_356 : i32
        %min3A_377 = arith.constant 1008 : i32
        %min3A_378 = arith.minsi %add3A_376, %min3A_377 : i32
        %swap3A_379 = arith.index_cast %min3A_375 : i32 to index
        %swap3A_380 = tpu.vector_load %arg6[%swap3A_379] masked %le3A_309 {strides = array<i32>} : memref<1024xf32, #tpu.memory_space<vmem>>, vector<16xf32>, vector<16xi1>
        tpu.vector_store %arg6[%swap3A_379], %get3A_284 masked %le3A_309 {strides = array<i32>} : memref<1024xf32, #tpu.memory_space<vmem>>, vector<16xf32>, vector<16xi1>
        %swap3A_381 = arith.index_cast %min3A_378 : i32 to index
        %swap3A_382 = tpu.vector_load %arg7[%swap3A_381] masked %ge3A_316 {strides = array<i32>} : memref<1024xf32, #tpu.memory_space<vmem>>, vector<16xf32>, vector<16xi1>
        tpu.vector_store %arg7[%swap3A_381], %get3A_284 masked %ge3A_316 {strides = array<i32>} : memref<1024xf32, #tpu.memory_space<vmem>>, vector<16xf32>, vector<16xi1>
        %add3A_383 = arith.addi %min3A_375, %squeeze3A_342 : i32
        %min3A_384 = arith.constant 1008 : i32
        %min3A_385 = arith.minsi %add3A_383, %min3A_384 : i32
        %add3A_386 = arith.addi %min3A_378, %squeeze3A_358 : i32
        %min3A_387 = arith.constant 1008 : i32
        %min3A_388 = arith.minsi %add3A_386, %min3A_387 : i32
        %swap3A_389 = arith.index_cast %min3A_385 : i32 to index
        %swap3A_390 = tpu.vector_load %arg6[%swap3A_389] masked %le3A_310 {strides = array<i32>} : memref<1024xf32, #tpu.memory_space<vmem>>, vector<16xf32>, vector<16xi1>
        tpu.vector_store %arg6[%swap3A_389], %get3A_288 masked %le3A_310 {strides = array<i32>} : memref<1024xf32, #tpu.memory_space<vmem>>, vector<16xf32>, vector<16xi1>
        %swap3A_391 = arith.index_cast %min3A_388 : i32 to index
        %swap3A_392 = tpu.vector_load %arg7[%swap3A_391] masked %ge3A_317 {strides = array<i32>} : memref<1024xf32, #tpu.memory_space<vmem>>, vector<16xf32>, vector<16xi1>
        tpu.vector_store %arg7[%swap3A_391], %get3A_288 masked %ge3A_317 {strides = array<i32>} : memref<1024xf32, #tpu.memory_space<vmem>>, vector<16xf32>, vector<16xi1>
        %add3A_393 = arith.addi %min3A_385, %squeeze3A_344 : i32
        %min3A_394 = arith.constant 1008 : i32
        %min3A_395 = arith.minsi %add3A_393, %min3A_394 : i32
        %add3A_396 = arith.addi %min3A_388, %squeeze3A_360 : i32
        %min3A_397 = arith.constant 1008 : i32
        %min3A_398 = arith.minsi %add3A_396, %min3A_397 : i32
        %swap3A_399 = arith.index_cast %min3A_395 : i32 to index
        %swap3A_400 = tpu.vector_load %arg6[%swap3A_399] masked %le3A_311 {strides = array<i32>} : memref<1024xf32, #tpu.memory_space<vmem>>, vector<16xf32>, vector<16xi1>
        tpu.vector_store %arg6[%swap3A_399], %get3A_292 masked %le3A_311 {strides = array<i32>} : memref<1024xf32, #tpu.memory_space<vmem>>, vector<16xf32>, vector<16xi1>
        %swap3A_401 = arith.index_cast %min3A_398 : i32 to index
        %swap3A_402 = tpu.vector_load %arg7[%swap3A_401] masked %ge3A_318 {strides = array<i32>} : memref<1024xf32, #tpu.memory_space<vmem>>, vector<16xf32>, vector<16xi1>
        tpu.vector_store %arg7[%swap3A_401], %get3A_292 masked %ge3A_318 {strides = array<i32>} : memref<1024xf32, #tpu.memory_space<vmem>>, vector<16xf32>, vector<16xi1>
        %add3A_403 = arith.addi %min3A_395, %squeeze3A_346 : i32
        %min3A_404 = arith.constant 1008 : i32
        %min3A_405 = arith.minsi %add3A_403, %min3A_404 : i32
        %add3A_406 = arith.addi %min3A_398, %squeeze3A_362 : i32
        %min3A_407 = arith.constant 1008 : i32
        %min3A_408 = arith.minsi %add3A_406, %min3A_407 : i32
        %swap3A_409 = arith.index_cast %min3A_405 : i32 to index
        %swap3A_410 = tpu.vector_load %arg6[%swap3A_409] masked %le3A_312 {strides = array<i32>} : memref<1024xf32, #tpu.memory_space<vmem>>, vector<16xf32>, vector<16xi1>
        tpu.vector_store %arg6[%swap3A_409], %get3A_296 masked %le3A_312 {strides = array<i32>} : memref<1024xf32, #tpu.memory_space<vmem>>, vector<16xf32>, vector<16xi1>
        %swap3A_411 = arith.index_cast %min3A_408 : i32 to index
        %swap3A_412 = tpu.vector_load %arg7[%swap3A_411] masked %ge3A_319 {strides = array<i32>} : memref<1024xf32, #tpu.memory_space<vmem>>, vector<16xf32>, vector<16xi1>
        tpu.vector_store %arg7[%swap3A_411], %get3A_296 masked %ge3A_319 {strides = array<i32>} : memref<1024xf32, #tpu.memory_space<vmem>>, vector<16xf32>, vector<16xi1>
        %add3A_413 = arith.addi %min3A_405, %squeeze3A_348 : i32
        %min3A_414 = arith.constant 1008 : i32
        %min3A_415 = arith.minsi %add3A_413, %min3A_414 : i32
        %add3A_416 = arith.addi %min3A_408, %squeeze3A_364 : i32
        %min3A_417 = arith.constant 1008 : i32
        %min3A_418 = arith.minsi %add3A_416, %min3A_417 : i32
        %swap3A_419 = arith.index_cast %min3A_415 : i32 to index
        %swap3A_420 = tpu.vector_load %arg6[%swap3A_419] masked %le3A_313 {strides = array<i32>} : memref<1024xf32, #tpu.memory_space<vmem>>, vector<16xf32>, vector<16xi1>
        tpu.vector_store %arg6[%swap3A_419], %get3A_300 masked %le3A_313 {strides = array<i32>} : memref<1024xf32, #tpu.memory_space<vmem>>, vector<16xf32>, vector<16xi1>
        %swap3A_421 = arith.index_cast %min3A_418 : i32 to index
        %swap3A_422 = tpu.vector_load %arg7[%swap3A_421] masked %ge3A_320 {strides = array<i32>} : memref<1024xf32, #tpu.memory_space<vmem>>, vector<16xf32>, vector<16xi1>
        tpu.vector_store %arg7[%swap3A_421], %get3A_300 masked %ge3A_320 {strides = array<i32>} : memref<1024xf32, #tpu.memory_space<vmem>>, vector<16xf32>, vector<16xi1>
        %add3A_423 = arith.addi %min3A_415, %squeeze3A_350 : i32
        %min3A_424 = arith.constant 1008 : i32
        %min3A_425 = arith.minsi %add3A_423, %min3A_424 : i32
        %add3A_426 = arith.addi %min3A_418, %squeeze3A_366 : i32
        %min3A_427 = arith.constant 1008 : i32
        %min3A_428 = arith.minsi %add3A_426, %min3A_427 : i32
        %swap3A_429 = arith.index_cast %min3A_425 : i32 to index
        %swap3A_430 = tpu.vector_load %arg6[%swap3A_429] masked %le3A_314 {strides = array<i32>} : memref<1024xf32, #tpu.memory_space<vmem>>, vector<16xf32>, vector<16xi1>
        tpu.vector_store %arg6[%swap3A_429], %get3A_304 masked %le3A_314 {strides = array<i32>} : memref<1024xf32, #tpu.memory_space<vmem>>, vector<16xf32>, vector<16xi1>
        %swap3A_431 = arith.index_cast %min3A_428 : i32 to index
        %swap3A_432 = tpu.vector_load %arg7[%swap3A_431] masked %ge3A_321 {strides = array<i32>} : memref<1024xf32, #tpu.memory_space<vmem>>, vector<16xf32>, vector<16xi1>
        tpu.vector_store %arg7[%swap3A_431], %get3A_304 masked %ge3A_321 {strides = array<i32>} : memref<1024xf32, #tpu.memory_space<vmem>>, vector<16xf32>, vector<16xi1>
        %add3A_433 = arith.addi %min3A_425, %squeeze3A_352 : i32
        %min3A_434 = arith.constant 1008 : i32
        %min3A_435 = arith.minsi %add3A_433, %min3A_434 : i32
        %add3A_436 = arith.addi %min3A_428, %squeeze3A_368 : i32
        %min3A_437 = arith.constant 1008 : i32
        %min3A_438 = arith.minsi %add3A_436, %min3A_437 : i32
        %swap3A_439 = arith.index_cast %min3A_435 : i32 to index
        %swap3A_440 = tpu.vector_load %arg6[%swap3A_439] masked %le3A_315 {strides = array<i32>} : memref<1024xf32, #tpu.memory_space<vmem>>, vector<16xf32>, vector<16xi1>
        tpu.vector_store %arg6[%swap3A_439], %get3A_308 masked %le3A_315 {strides = array<i32>} : memref<1024xf32, #tpu.memory_space<vmem>>, vector<16xf32>, vector<16xi1>
        %swap3A_441 = arith.index_cast %min3A_438 : i32 to index
        %swap3A_442 = tpu.vector_load %arg7[%swap3A_441] masked %ge3A_322 {strides = array<i32>} : memref<1024xf32, #tpu.memory_space<vmem>>, vector<16xf32>, vector<16xi1>
        tpu.vector_store %arg7[%swap3A_441], %get3A_308 masked %ge3A_322 {strides = array<i32>} : memref<1024xf32, #tpu.memory_space<vmem>>, vector<16xf32>, vector<16xi1>
        %add3A_443 = arith.addi %min3A_435, %squeeze3A_354 : i32
        %min3A_444 = arith.constant 1008 : i32
        %min3A_445 = arith.minsi %add3A_443, %min3A_444 : i32
        %add3A_446 = arith.addi %min3A_438, %squeeze3A_370 : i32
        %min3A_447 = arith.constant 1008 : i32
        %min3A_448 = arith.minsi %add3A_446, %min3A_447 : i32
        scf.yield %min3A_445, %min3A_448 : i32, i32
      } else {
        scf.yield %cond3A_254#0, %cond3A_254#1 : i32, i32
      }
      %gt3A_265 = arith.constant 0 : i32
      %gt3A_266 = arith.cmpi sgt, %squeeze3A_196, %gt3A_265 : i32
      %mul3A_267 = arith.constant 8 : i32
      %mul3A_268 = arith.muli %scan3A_87, %mul3A_267 : i32
      %add3A_269 = arith.constant 7 : i32
      %add3A_270 = arith.addi %mul3A_268, %add3A_269 : i32
      %convert_element_type3A_271 = arith.extui %gt3A_266 : i1 to i32
      %cond3A_272 = arith.constant 0 : i32
      %cond3A_273 = arith.cmpi ne, %convert_element_type3A_271, %cond3A_272 : i32
      %cond3A_274:2 = scf.if %cond3A_273 -> (i32, i32) {
        %mul3A_275 = arith.constant 128 : i32
        %mul3A_276 = arith.muli %add3A_270, %mul3A_275 : i32
        %add3A_277 = arith.constant 0 : i32
        %add3A_278 = arith.addi %mul3A_276, %add3A_277 : i32
        %get3A_279 = arith.index_cast %add3A_278 : i32 to index
        %get3A_280 = tpu.vector_load %arg5[%get3A_279] {strides = array<i32>} : memref<65536xf32, #tpu.memory_space<vmem>>, vector<16xf32>,
        %add3A_281 = arith.constant 16 : i32
        %add3A_282 = arith.addi %mul3A_276, %add3A_281 : i32
        %get3A_283 = arith.index_cast %add3A_282 : i32 to index
        %get3A_284 = tpu.vector_load %arg5[%get3A_283] {strides = array<i32>} : memref<65536xf32, #tpu.memory_space<vmem>>, vector<16xf32>,
        %add3A_285 = arith.constant 32 : i32
        %add3A_286 = arith.addi %mul3A_276, %add3A_285 : i32
        %get3A_287 = arith.index_cast %add3A_286 : i32 to index
        %get3A_288 = tpu.vector_load %arg5[%get3A_287] {strides = array<i32>} : memref<65536xf32, #tpu.memory_space<vmem>>, vector<16xf32>,
        %add3A_289 = arith.constant 48 : i32
        %add3A_290 = arith.addi %mul3A_276, %add3A_289 : i32
        %get3A_291 = arith.index_cast %add3A_290 : i32 to index
        %get3A_292 = tpu.vector_load %arg5[%get3A_291] {strides = array<i32>} : memref<65536xf32, #tpu.memory_space<vmem>>, vector<16xf32>,
        %add3A_293 = arith.constant 64 : i32
        %add3A_294 = arith.addi %mul3A_276, %add3A_293 : i32
        %get3A_295 = arith.index_cast %add3A_294 : i32 to index
        %get3A_296 = tpu.vector_load %arg5[%get3A_295] {strides = array<i32>} : memref<65536xf32, #tpu.memory_space<vmem>>, vector<16xf32>,
        %add3A_297 = arith.constant 80 : i32
        %add3A_298 = arith.addi %mul3A_276, %add3A_297 : i32
        %get3A_299 = arith.index_cast %add3A_298 : i32 to index
        %get3A_300 = tpu.vector_load %arg5[%get3A_299] {strides = array<i32>} : memref<65536xf32, #tpu.memory_space<vmem>>, vector<16xf32>,
        %add3A_301 = arith.constant 96 : i32
        %add3A_302 = arith.addi %mul3A_276, %add3A_301 : i32
        %get3A_303 = arith.index_cast %add3A_302 : i32 to index
        %get3A_304 = tpu.vector_load %arg5[%get3A_303] {strides = array<i32>} : memref<65536xf32, #tpu.memory_space<vmem>>, vector<16xf32>,
        %add3A_305 = arith.constant 112 : i32
        %add3A_306 = arith.addi %mul3A_276, %add3A_305 : i32
        %get3A_307 = arith.index_cast %add3A_306 : i32 to index
        %get3A_308 = tpu.vector_load %arg5[%get3A_307] {strides = array<i32>} : memref<65536xf32, #tpu.memory_space<vmem>>, vector<16xf32>,
        %le3A = arith.cmpf ole, %get3A_280, %broadcast_in_dim3A_67 : vector<16xf32>
        %le3A_309 = arith.cmpf ole, %get3A_284, %broadcast_in_dim3A_67 : vector<16xf32>
        %le3A_310 = arith.cmpf ole, %get3A_288, %broadcast_in_dim3A_67 : vector<16xf32>
        %le3A_311 = arith.cmpf ole, %get3A_292, %broadcast_in_dim3A_67 : vector<16xf32>
        %le3A_312 = arith.cmpf ole, %get3A_296, %broadcast_in_dim3A_67 : vector<16xf32>
        %le3A_313 = arith.cmpf ole, %get3A_300, %broadcast_in_dim3A_67 : vector<16xf32>
        %le3A_314 = arith.cmpf ole, %get3A_304, %broadcast_in_dim3A_67 : vector<16xf32>
        %le3A_315 = arith.cmpf ole, %get3A_308, %broadcast_in_dim3A_67 : vector<16xf32>
        %ge3A = arith.cmpf oge, %get3A_280, %broadcast_in_dim3A_68 : vector<16xf32>
        %ge3A_316 = arith.cmpf oge, %get3A_284, %broadcast_in_dim3A_68 : vector<16xf32>
        %ge3A_317 = arith.cmpf oge, %get3A_288, %broadcast_in_dim3A_68 : vector<16xf32>
        %ge3A_318 = arith.cmpf oge, %get3A_292, %broadcast_in_dim3A_68 : vector<16xf32>
        %ge3A_319 = arith.cmpf oge, %get3A_296, %broadcast_in_dim3A_68 : vector<16xf32>
        %ge3A_320 = arith.cmpf oge, %get3A_300, %broadcast_in_dim3A_68 : vector<16xf32>
        %ge3A_321 = arith.cmpf oge, %get3A_304, %broadcast_in_dim3A_68 : vector<16xf32>
        %ge3A_322 = arith.cmpf oge, %get3A_308, %broadcast_in_dim3A_68 : vector<16xf32>
        %all_reduce_population_count3A_323 = tpu.all_reduce %le3A {dim = 0 : i64, kind = #tpu.reduction_kind<sum>} : vector<16xi1> -> vector<16xi32>
        %all_reduce_population_count3A_324 = tpu.all_reduce %le3A_309 {dim = 0 : i64, kind = #tpu.reduction_kind<sum>} : vector<16xi1> -> vector<16xi32>
        %all_reduce_population_count3A_325 = tpu.all_reduce %le3A_310 {dim = 0 : i64, kind = #tpu.reduction_kind<sum>} : vector<16xi1> -> vector<16xi32>
        %all_reduce_population_count3A_326 = tpu.all_reduce %le3A_311 {dim = 0 : i64, kind = #tpu.reduction_kind<sum>} : vector<16xi1> -> vector<16xi32>
        %all_reduce_population_count3A_327 = tpu.all_reduce %le3A_312 {dim = 0 : i64, kind = #tpu.reduction_kind<sum>} : vector<16xi1> -> vector<16xi32>
        %all_reduce_population_count3A_328 = tpu.all_reduce %le3A_313 {dim = 0 : i64, kind = #tpu.reduction_kind<sum>} : vector<16xi1> -> vector<16xi32>
        %all_reduce_population_count3A_329 = tpu.all_reduce %le3A_314 {dim = 0 : i64, kind = #tpu.reduction_kind<sum>} : vector<16xi1> -> vector<16xi32>
        %all_reduce_population_count3A_330 = tpu.all_reduce %le3A_315 {dim = 0 : i64, kind = #tpu.reduction_kind<sum>} : vector<16xi1> -> vector<16xi32>
        %all_reduce_population_count3A_331 = tpu.all_reduce %ge3A {dim = 0 : i64, kind = #tpu.reduction_kind<sum>} : vector<16xi1> -> vector<16xi32>
        %all_reduce_population_count3A_332 = tpu.all_reduce %ge3A_316 {dim = 0 : i64, kind = #tpu.reduction_kind<sum>} : vector<16xi1> -> vector<16xi32>
        %all_reduce_population_count3A_333 = tpu.all_reduce %ge3A_317 {dim = 0 : i64, kind = #tpu.reduction_kind<sum>} : vector<16xi1> -> vector<16xi32>
        %all_reduce_population_count3A_334 = tpu.all_reduce %ge3A_318 {dim = 0 : i64, kind = #tpu.reduction_kind<sum>} : vector<16xi1> -> vector<16xi32>
        %all_reduce_population_count3A_335 = tpu.all_reduce %ge3A_319 {dim = 0 : i64, kind = #tpu.reduction_kind<sum>} : vector<16xi1> -> vector<16xi32>
        %all_reduce_population_count3A_336 = tpu.all_reduce %ge3A_320 {dim = 0 : i64, kind = #tpu.reduction_kind<sum>} : vector<16xi1> -> vector<16xi32>
        %all_reduce_population_count3A_337 = tpu.all_reduce %ge3A_321 {dim = 0 : i64, kind = #tpu.reduction_kind<sum>} : vector<16xi1> -> vector<16xi32>
        %all_reduce_population_count3A_338 = tpu.all_reduce %ge3A_322 {dim = 0 : i64, kind = #tpu.reduction_kind<sum>} : vector<16xi1> -> vector<16xi32>
        %slice3A_339 = vector.extract_strided_slice %all_reduce_population_count3A_323 {offsets = [0], sizes = [1], strides = [1]} : vector<16xi32> to vector<1xi32>
        %squeeze3A_340 = vector.extract %slice3A_339[0] : i32 from vector<1xi32>
        %slice3A_341 = vector.extract_strided_slice %all_reduce_population_count3A_324 {offsets = [0], sizes = [1], strides = [1]} : vector<16xi32> to vector<1xi32>
        %squeeze3A_342 = vector.extract %slice3A_341[0] : i32 from vector<1xi32>
        %slice3A_343 = vector.extract_strided_slice %all_reduce_population_count3A_325 {offsets = [0], sizes = [1], strides = [1]} : vector<16xi32> to vector<1xi32>
        %squeeze3A_344 = vector.extract %slice3A_343[0] : i32 from vector<1xi32>
        %slice3A_345 = vector.extract_strided_slice %all_reduce_population_count3A_326 {offsets = [0], sizes = [1], strides = [1]} : vector<16xi32> to vector<1xi32>
        %squeeze3A_346 = vector.extract %slice3A_345[0] : i32 from vector<1xi32>
        %slice3A_347 = vector.extract_strided_slice %all_reduce_population_count3A_327 {offsets = [0], sizes = [1], strides = [1]} : vector<16xi32> to vector<1xi32>
        %squeeze3A_348 = vector.extract %slice3A_347[0] : i32 from vector<1xi32>
        %slice3A_349 = vector.extract_strided_slice %all_reduce_population_count3A_328 {offsets = [0], sizes = [1], strides = [1]} : vector<16xi32> to vector<1xi32>
        %squeeze3A_350 = vector.extract %slice3A_349[0] : i32 from vector<1xi32>
        %slice3A_351 = vector.extract_strided_slice %all_reduce_population_count3A_329 {offsets = [0], sizes = [1], strides = [1]} : vector<16xi32> to vector<1xi32>
        %squeeze3A_352 = vector.extract %slice3A_351[0] : i32 from vector<1xi32>
        %slice3A_353 = vector.extract_strided_slice %all_reduce_population_count3A_330 {offsets = [0], sizes = [1], strides = [1]} : vector<16xi32> to vector<1xi32>
        %squeeze3A_354 = vector.extract %slice3A_353[0] : i32 from vector<1xi32>
        %slice3A_355 = vector.extract_strided_slice %all_reduce_population_count3A_331 {offsets = [0], sizes = [1], strides = [1]} : vector<16xi32> to vector<1xi32>
        %squeeze3A_356 = vector.extract %slice3A_355[0] : i32 from vector<1xi32>
        %slice3A_357 = vector.extract_strided_slice %all_reduce_population_count3A_332 {offsets = [0], sizes = [1], strides = [1]} : vector<16xi32> to vector<1xi32>
        %squeeze3A_358 = vector.extract %slice3A_357[0] : i32 from vector<1xi32>
        %slice3A_359 = vector.extract_strided_slice %all_reduce_population_count3A_333 {offsets = [0], sizes = [1], strides = [1]} : vector<16xi32> to vector<1xi32>
        %squeeze3A_360 = vector.extract %slice3A_359[0] : i32 from vector<1xi32>
        %slice3A_361 = vector.extract_strided_slice %all_reduce_population_count3A_334 {offsets = [0], sizes = [1], strides = [1]} : vector<16xi32> to vector<1xi32>
        %squeeze3A_362 = vector.extract %slice3A_361[0] : i32 from vector<1xi32>
        %slice3A_363 = vector.extract_strided_slice %all_reduce_population_count3A_335 {offsets = [0], sizes = [1], strides = [1]} : vector<16xi32> to vector<1xi32>
        %squeeze3A_364 = vector.extract %slice3A_363[0] : i32 from vector<1xi32>
        %slice3A_365 = vector.extract_strided_slice %all_reduce_population_count3A_336 {offsets = [0], sizes = [1], strides = [1]} : vector<16xi32> to vector<1xi32>
        %squeeze3A_366 = vector.extract %slice3A_365[0] : i32 from vector<1xi32>
        %slice3A_367 = vector.extract_strided_slice %all_reduce_population_count3A_337 {offsets = [0], sizes = [1], strides = [1]} : vector<16xi32> to vector<1xi32>
        %squeeze3A_368 = vector.extract %slice3A_367[0] : i32 from vector<1xi32>
        %slice3A_369 = vector.extract_strided_slice %all_reduce_population_count3A_338 {offsets = [0], sizes = [1], strides = [1]} : vector<16xi32> to vector<1xi32>
        %squeeze3A_370 = vector.extract %slice3A_369[0] : i32 from vector<1xi32>
        %swap3A = arith.index_cast %cond3A_264#0 : i32 to index
        %swap3A_371 = tpu.vector_load %arg6[%swap3A] masked %le3A {strides = array<i32>} : memref<1024xf32, #tpu.memory_space<vmem>>, vector<16xf32>, vector<16xi1>
        tpu.vector_store %arg6[%swap3A], %get3A_280 masked %le3A {strides = array<i32>} : memref<1024xf32, #tpu.memory_space<vmem>>, vector<16xf32>, vector<16xi1>
        %swap3A_372 = arith.index_cast %cond3A_264#1 : i32 to index
        %swap3A_373 = tpu.vector_load %arg7[%swap3A_372] masked %ge3A {strides = array<i32>} : memref<1024xf32, #tpu.memory_space<vmem>>, vector<16xf32>, vector<16xi1>
        tpu.vector_store %arg7[%swap3A_372], %get3A_280 masked %ge3A {strides = array<i32>} : memref<1024xf32, #tpu.memory_space<vmem>>, vector<16xf32>, vector<16xi1>
        %add3A_374 = arith.addi %cond3A_264#0, %squeeze3A_340 : i32
        %min3A = arith.constant 1008 : i32
        %min3A_375 = arith.minsi %add3A_374, %min3A : i32
        %add3A_376 = arith.addi %cond3A_264#1, %squeeze3A_356 : i32
        %min3A_377 = arith.constant 1008 : i32
        %min3A_378 = arith.minsi %add3A_376, %min3A_377 : i32
        %swap3A_379 = arith.index_cast %min3A_375 : i32 to index
        %swap3A_380 = tpu.vector_load %arg6[%swap3A_379] masked %le3A_309 {strides = array<i32>} : memref<1024xf32, #tpu.memory_space<vmem>>, vector<16xf32>, vector<16xi1>
        tpu.vector_store %arg6[%swap3A_379], %get3A_284 masked %le3A_309 {strides = array<i32>} : memref<1024xf32, #tpu.memory_space<vmem>>, vector<16xf32>, vector<16xi1>
        %swap3A_381 = arith.index_cast %min3A_378 : i32 to index
        %swap3A_382 = tpu.vector_load %arg7[%swap3A_381] masked %ge3A_316 {strides = array<i32>} : memref<1024xf32, #tpu.memory_space<vmem>>, vector<16xf32>, vector<16xi1>
        tpu.vector_store %arg7[%swap3A_381], %get3A_284 masked %ge3A_316 {strides = array<i32>} : memref<1024xf32, #tpu.memory_space<vmem>>, vector<16xf32>, vector<16xi1>
        %add3A_383 = arith.addi %min3A_375, %squeeze3A_342 : i32
        %min3A_384 = arith.constant 1008 : i32
        %min3A_385 = arith.minsi %add3A_383, %min3A_384 : i32
        %add3A_386 = arith.addi %min3A_378, %squeeze3A_358 : i32
        %min3A_387 = arith.constant 1008 : i32
        %min3A_388 = arith.minsi %add3A_386, %min3A_387 : i32
        %swap3A_389 = arith.index_cast %min3A_385 : i32 to index
        %swap3A_390 = tpu.vector_load %arg6[%swap3A_389] masked %le3A_310 {strides = array<i32>} : memref<1024xf32, #tpu.memory_space<vmem>>, vector<16xf32>, vector<16xi1>
        tpu.vector_store %arg6[%swap3A_389], %get3A_288 masked %le3A_310 {strides = array<i32>} : memref<1024xf32, #tpu.memory_space<vmem>>, vector<16xf32>, vector<16xi1>
        %swap3A_391 = arith.index_cast %min3A_388 : i32 to index
        %swap3A_392 = tpu.vector_load %arg7[%swap3A_391] masked %ge3A_317 {strides = array<i32>} : memref<1024xf32, #tpu.memory_space<vmem>>, vector<16xf32>, vector<16xi1>
        tpu.vector_store %arg7[%swap3A_391], %get3A_288 masked %ge3A_317 {strides = array<i32>} : memref<1024xf32, #tpu.memory_space<vmem>>, vector<16xf32>, vector<16xi1>
        %add3A_393 = arith.addi %min3A_385, %squeeze3A_344 : i32
        %min3A_394 = arith.constant 1008 : i32
        %min3A_395 = arith.minsi %add3A_393, %min3A_394 : i32
        %add3A_396 = arith.addi %min3A_388, %squeeze3A_360 : i32
        %min3A_397 = arith.constant 1008 : i32
        %min3A_398 = arith.minsi %add3A_396, %min3A_397 : i32
        %swap3A_399 = arith.index_cast %min3A_395 : i32 to index
        %swap3A_400 = tpu.vector_load %arg6[%swap3A_399] masked %le3A_311 {strides = array<i32>} : memref<1024xf32, #tpu.memory_space<vmem>>, vector<16xf32>, vector<16xi1>
        tpu.vector_store %arg6[%swap3A_399], %get3A_292 masked %le3A_311 {strides = array<i32>} : memref<1024xf32, #tpu.memory_space<vmem>>, vector<16xf32>, vector<16xi1>
        %swap3A_401 = arith.index_cast %min3A_398 : i32 to index
        %swap3A_402 = tpu.vector_load %arg7[%swap3A_401] masked %ge3A_318 {strides = array<i32>} : memref<1024xf32, #tpu.memory_space<vmem>>, vector<16xf32>, vector<16xi1>
        tpu.vector_store %arg7[%swap3A_401], %get3A_292 masked %ge3A_318 {strides = array<i32>} : memref<1024xf32, #tpu.memory_space<vmem>>, vector<16xf32>, vector<16xi1>
        %add3A_403 = arith.addi %min3A_395, %squeeze3A_346 : i32
        %min3A_404 = arith.constant 1008 : i32
        %min3A_405 = arith.minsi %add3A_403, %min3A_404 : i32
        %add3A_406 = arith.addi %min3A_398, %squeeze3A_362 : i32
        %min3A_407 = arith.constant 1008 : i32
        %min3A_408 = arith.minsi %add3A_406, %min3A_407 : i32
        %swap3A_409 = arith.index_cast %min3A_405 : i32 to index
        %swap3A_410 = tpu.vector_load %arg6[%swap3A_409] masked %le3A_312 {strides = array<i32>} : memref<1024xf32, #tpu.memory_space<vmem>>, vector<16xf32>, vector<16xi1>
        tpu.vector_store %arg6[%swap3A_409], %get3A_296 masked %le3A_312 {strides = array<i32>} : memref<1024xf32, #tpu.memory_space<vmem>>, vector<16xf32>, vector<16xi1>
        %swap3A_411 = arith.index_cast %min3A_408 : i32 to index
        %swap3A_412 = tpu.vector_load %arg7[%swap3A_411] masked %ge3A_319 {strides = array<i32>} : memref<1024xf32, #tpu.memory_space<vmem>>, vector<16xf32>, vector<16xi1>
        tpu.vector_store %arg7[%swap3A_411], %get3A_296 masked %ge3A_319 {strides = array<i32>} : memref<1024xf32, #tpu.memory_space<vmem>>, vector<16xf32>, vector<16xi1>
        %add3A_413 = arith.addi %min3A_405, %squeeze3A_348 : i32
        %min3A_414 = arith.constant 1008 : i32
        %min3A_415 = arith.minsi %add3A_413, %min3A_414 : i32
        %add3A_416 = arith.addi %min3A_408, %squeeze3A_364 : i32
        %min3A_417 = arith.constant 1008 : i32
        %min3A_418 = arith.minsi %add3A_416, %min3A_417 : i32
        %swap3A_419 = arith.index_cast %min3A_415 : i32 to index
        %swap3A_420 = tpu.vector_load %arg6[%swap3A_419] masked %le3A_313 {strides = array<i32>} : memref<1024xf32, #tpu.memory_space<vmem>>, vector<16xf32>, vector<16xi1>
        tpu.vector_store %arg6[%swap3A_419], %get3A_300 masked %le3A_313 {strides = array<i32>} : memref<1024xf32, #tpu.memory_space<vmem>>, vector<16xf32>, vector<16xi1>
        %swap3A_421 = arith.index_cast %min3A_418 : i32 to index
        %swap3A_422 = tpu.vector_load %arg7[%swap3A_421] masked %ge3A_320 {strides = array<i32>} : memref<1024xf32, #tpu.memory_space<vmem>>, vector<16xf32>, vector<16xi1>
        tpu.vector_store %arg7[%swap3A_421], %get3A_300 masked %ge3A_320 {strides = array<i32>} : memref<1024xf32, #tpu.memory_space<vmem>>, vector<16xf32>, vector<16xi1>
        %add3A_423 = arith.addi %min3A_415, %squeeze3A_350 : i32
        %min3A_424 = arith.constant 1008 : i32
        %min3A_425 = arith.minsi %add3A_423, %min3A_424 : i32
        %add3A_426 = arith.addi %min3A_418, %squeeze3A_366 : i32
        %min3A_427 = arith.constant 1008 : i32
        %min3A_428 = arith.minsi %add3A_426, %min3A_427 : i32
        %swap3A_429 = arith.index_cast %min3A_425 : i32 to index
        %swap3A_430 = tpu.vector_load %arg6[%swap3A_429] masked %le3A_314 {strides = array<i32>} : memref<1024xf32, #tpu.memory_space<vmem>>, vector<16xf32>, vector<16xi1>
        tpu.vector_store %arg6[%swap3A_429], %get3A_304 masked %le3A_314 {strides = array<i32>} : memref<1024xf32, #tpu.memory_space<vmem>>, vector<16xf32>, vector<16xi1>
        %swap3A_431 = arith.index_cast %min3A_428 : i32 to index
        %swap3A_432 = tpu.vector_load %arg7[%swap3A_431] masked %ge3A_321 {strides = array<i32>} : memref<1024xf32, #tpu.memory_space<vmem>>, vector<16xf32>, vector<16xi1>
        tpu.vector_store %arg7[%swap3A_431], %get3A_304 masked %ge3A_321 {strides = array<i32>} : memref<1024xf32, #tpu.memory_space<vmem>>, vector<16xf32>, vector<16xi1>
        %add3A_433 = arith.addi %min3A_425, %squeeze3A_352 : i32
        %min3A_434 = arith.constant 1008 : i32
        %min3A_435 = arith.minsi %add3A_433, %min3A_434 : i32
        %add3A_436 = arith.addi %min3A_428, %squeeze3A_368 : i32
        %min3A_437 = arith.constant 1008 : i32
        %min3A_438 = arith.minsi %add3A_436, %min3A_437 : i32
        %swap3A_439 = arith.index_cast %min3A_435 : i32 to index
        %swap3A_440 = tpu.vector_load %arg6[%swap3A_439] masked %le3A_315 {strides = array<i32>} : memref<1024xf32, #tpu.memory_space<vmem>>, vector<16xf32>, vector<16xi1>
        tpu.vector_store %arg6[%swap3A_439], %get3A_308 masked %le3A_315 {strides = array<i32>} : memref<1024xf32, #tpu.memory_space<vmem>>, vector<16xf32>, vector<16xi1>
        %swap3A_441 = arith.index_cast %min3A_438 : i32 to index
        %swap3A_442 = tpu.vector_load %arg7[%swap3A_441] masked %ge3A_322 {strides = array<i32>} : memref<1024xf32, #tpu.memory_space<vmem>>, vector<16xf32>, vector<16xi1>
        tpu.vector_store %arg7[%swap3A_441], %get3A_308 masked %ge3A_322 {strides = array<i32>} : memref<1024xf32, #tpu.memory_space<vmem>>, vector<16xf32>, vector<16xi1>
        %add3A_443 = arith.addi %min3A_435, %squeeze3A_354 : i32
        %min3A_444 = arith.constant 1008 : i32
        %min3A_445 = arith.minsi %add3A_443, %min3A_444 : i32
        %add3A_446 = arith.addi %min3A_438, %squeeze3A_370 : i32
        %min3A_447 = arith.constant 1008 : i32
        %min3A_448 = arith.minsi %add3A_446, %min3A_447 : i32
        scf.yield %min3A_445, %min3A_448 : i32, i32
      } else {
        scf.yield %cond3A_264#0, %cond3A_264#1 : i32, i32
      }
      scf.yield %cond3A_274#0, %cond3A_274#1 : i32, i32
    }
    %scan3A_86 = arith.constant 64 : i32
    "tpu.region"() ({
      %run_scoped3A = tpu.sem_alloc : memref<!tpu.dma_semaphore, #tpu.memory_space<semaphore_mem>>
      %dma_start3A_87 = arith.constant 0 : i32
      %dma_start3A_88 = tpu.memref_slice %arg3[%add3A, %dma_start3A_87] : memref<32x1024xf32, #tpu.memory_space<hbm>> -> memref<1x1024xf32, #tpu.memory_space<hbm>>
      %dma_start3A_89 = tpu.memref_squeeze %dma_start3A_88 : memref<1x1024xf32, #tpu.memory_space<hbm>> -> memref<1024xf32, #tpu.memory_space<hbm>>
      %dma_start3A_90 = arith.constant 0 : i32
      %dma_start3A_91 = tpu.memref_slice %arg3[%add3A, %dma_start3A_90] : memref<32x1024xf32, #tpu.memory_space<hbm>> -> memref<1x1024xf32, #tpu.memory_space<hbm>>
      %dma_start3A_92 = tpu.memref_squeeze %dma_start3A_91 : memref<1x1024xf32, #tpu.memory_space<hbm>> -> memref<1024xf32, #tpu.memory_space<hbm>>
      tpu.enqueue_dma source(%arg6 : memref<1024xf32, #tpu.memory_space<vmem>>) target(%dma_start3A_92 : memref<1024xf32, #tpu.memory_space<hbm>>) target_semaphore(%run_scoped3A : memref<!tpu.dma_semaphore, #tpu.memory_space<semaphore_mem>>)
      %dma_wait3A_93 = arith.constant 0 : i32
      %dma_wait3A_94 = tpu.memref_slice %arg3[%add3A, %dma_wait3A_93] : memref<32x1024xf32, #tpu.memory_space<hbm>> -> memref<1x1024xf32, #tpu.memory_space<hbm>>
      %dma_wait3A_95 = tpu.memref_squeeze %dma_wait3A_94 : memref<1x1024xf32, #tpu.memory_space<hbm>> -> memref<1024xf32, #tpu.memory_space<hbm>>
      %dma_wait3A_96 = arith.constant 0 : i32
      %dma_wait3A_97 = tpu.memref_slice %arg3[%add3A, %dma_wait3A_96] : memref<32x1024xf32, #tpu.memory_space<hbm>> -> memref<1x1024xf32, #tpu.memory_space<hbm>>
      %dma_wait3A_98 = tpu.memref_squeeze %dma_wait3A_97 : memref<1x1024xf32, #tpu.memory_space<hbm>> -> memref<1024xf32, #tpu.memory_space<hbm>>
      tpu.wait_dma2 semaphore(%run_scoped3A : memref<!tpu.dma_semaphore, #tpu.memory_space<semaphore_mem>>) src(%arg6 : memref<1024xf32, #tpu.memory_space<vmem>>) dst(%dma_wait3A_98 : memref<1024xf32, #tpu.memory_space<hbm>>)
      tpu.yield
    }) : () -> ()
    "tpu.region"() ({
      %run_scoped3A = tpu.sem_alloc : memref<!tpu.dma_semaphore, #tpu.memory_space<semaphore_mem>>
      %dma_start3A_87 = arith.constant 0 : i32
      %dma_start3A_88 = tpu.memref_slice %arg4[%add3A, %dma_start3A_87] : memref<32x1024xf32, #tpu.memory_space<hbm>> -> memref<1x1024xf32, #tpu.memory_space<hbm>>
      %dma_start3A_89 = tpu.memref_squeeze %dma_start3A_88 : memref<1x1024xf32, #tpu.memory_space<hbm>> -> memref<1024xf32, #tpu.memory_space<hbm>>
      %dma_start3A_90 = arith.constant 0 : i32
      %dma_start3A_91 = tpu.memref_slice %arg4[%add3A, %dma_start3A_90] : memref<32x1024xf32, #tpu.memory_space<hbm>> -> memref<1x1024xf32, #tpu.memory_space<hbm>>
      %dma_start3A_92 = tpu.memref_squeeze %dma_start3A_91 : memref<1x1024xf32, #tpu.memory_space<hbm>> -> memref<1024xf32, #tpu.memory_space<hbm>>
      tpu.enqueue_dma source(%arg7 : memref<1024xf32, #tpu.memory_space<vmem>>) target(%dma_start3A_92 : memref<1024xf32, #tpu.memory_space<hbm>>) target_semaphore(%run_scoped3A : memref<!tpu.dma_semaphore, #tpu.memory_space<semaphore_mem>>)
      %dma_wait3A_93 = arith.constant 0 : i32
      %dma_wait3A_94 = tpu.memref_slice %arg4[%add3A, %dma_wait3A_93] : memref<32x1024xf32, #tpu.memory_space<hbm>> -> memref<1x1024xf32, #tpu.memory_space<hbm>>
      %dma_wait3A_95 = tpu.memref_squeeze %dma_wait3A_94 : memref<1x1024xf32, #tpu.memory_space<hbm>> -> memref<1024xf32, #tpu.memory_space<hbm>>
      %dma_wait3A_96 = arith.constant 0 : i32
      %dma_wait3A_97 = tpu.memref_slice %arg4[%add3A, %dma_wait3A_96] : memref<32x1024xf32, #tpu.memory_space<hbm>> -> memref<1x1024xf32, #tpu.memory_space<hbm>>
      %dma_wait3A_98 = tpu.memref_squeeze %dma_wait3A_97 : memref<1x1024xf32, #tpu.memory_space<hbm>> -> memref<1024xf32, #tpu.memory_space<hbm>>
      tpu.wait_dma2 semaphore(%run_scoped3A : memref<!tpu.dma_semaphore, #tpu.memory_space<semaphore_mem>>) src(%arg7 : memref<1024xf32, #tpu.memory_space<vmem>>) dst(%dma_wait3A_98 : memref<1024xf32, #tpu.memory_space<hbm>>)
      tpu.yield
    }) : () -> ()
    return
  }
}

module attributes {stable_mosaic.version = 14 : i64} {
  func.func @_final_kernel(%arg0: memref<32x1024xf32, #tpu.memory_space<vmem>>, %arg1: memref<32x1024xf32, #tpu.memory_space<vmem>>, %arg2: memref<1x1xf32, #tpu.memory_space<smem>>, %arg3: memref<1x1xf32, #tpu.memory_space<smem>>, %arg4: memref<32x1024xi32, #tpu.memory_space<vmem>>, %arg5: memref<32x1024xi32, #tpu.memory_space<vmem>>) attributes {dimension_semantics = [], scalar_prefetch = 0 : i64, scratch_operands = 2 : i64, tpu.core_type = #tpu.core_type<tc>} {
    %get3A = arith.constant 0 : index
    %get3A_0 = arith.constant 0 : index
    %get3A_1 = vector.load %arg0[%get3A, %get3A_0] : memref<32x1024xf32, #tpu.memory_space<vmem>>, vector<32x1024xf32>
    %bitcast_convert_type3A = tpu.bitcast %get3A_1 : vector<32x1024xf32> -> vector<32x1024xi32>
    %ge3A = arith.constant -2147483648 : i32
    %ge3A_2 = vector.broadcast %ge3A : i32 to vector<32x1024xi32>
    %ge3A_3 = arith.cmpi uge, %bitcast_convert_type3A, %ge3A_2 : vector<32x1024xi32>
    %not3A = arith.constant dense<-1> : vector<32x1024xi32>
    %not3A_4 = arith.xori %bitcast_convert_type3A, %not3A : vector<32x1024xi32>
    %or3A = arith.constant -2147483648 : i32
    %or3A_5 = vector.broadcast %or3A : i32 to vector<32x1024xi32>
    %or3A_6 = arith.ori %bitcast_convert_type3A, %or3A_5 : vector<32x1024xi32>
    %select_n3A = arith.select %ge3A_3, %not3A_4, %or3A_6 : vector<32x1024xi1>, vector<32x1024xi32>
    %swap3A = arith.constant 0 : index
    %swap3A_7 = arith.constant 0 : index
    %swap3A_8 = vector.load %arg4[%swap3A, %swap3A_7] : memref<32x1024xi32, #tpu.memory_space<vmem>>, vector<32x1024xi32>
    tpu.vector_store %arg4[%swap3A, %swap3A_7], %select_n3A {strides = array<i32>} : memref<32x1024xi32, #tpu.memory_space<vmem>>, vector<32x1024xi32>,
    %get3A_9 = arith.constant 0 : index
    %get3A_10 = arith.constant 0 : index
    %get3A_11 = vector.load %arg1[%get3A_9, %get3A_10] : memref<32x1024xf32, #tpu.memory_space<vmem>>, vector<32x1024xf32>
    %bitcast_convert_type3A_12 = tpu.bitcast %get3A_11 : vector<32x1024xf32> -> vector<32x1024xi32>
    %ge3A_13 = arith.constant -2147483648 : i32
    %ge3A_14 = vector.broadcast %ge3A_13 : i32 to vector<32x1024xi32>
    %ge3A_15 = arith.cmpi uge, %bitcast_convert_type3A_12, %ge3A_14 : vector<32x1024xi32>
    %not3A_16 = arith.constant dense<-1> : vector<32x1024xi32>
    %not3A_17 = arith.xori %bitcast_convert_type3A_12, %not3A_16 : vector<32x1024xi32>
    %or3A_18 = arith.constant -2147483648 : i32
    %or3A_19 = vector.broadcast %or3A_18 : i32 to vector<32x1024xi32>
    %or3A_20 = arith.ori %bitcast_convert_type3A_12, %or3A_19 : vector<32x1024xi32>
    %select_n3A_21 = arith.select %ge3A_15, %not3A_17, %or3A_20 : vector<32x1024xi1>, vector<32x1024xi32>
    %swap3A_22 = arith.constant 0 : index
    %swap3A_23 = arith.constant 0 : index
    %swap3A_24 = vector.load %arg5[%swap3A_22, %swap3A_23] : memref<32x1024xi32, #tpu.memory_space<vmem>>, vector<32x1024xi32>
    tpu.vector_store %arg5[%swap3A_22, %swap3A_23], %select_n3A_21 {strides = array<i32>} : memref<32x1024xi32, #tpu.memory_space<vmem>>, vector<32x1024xi32>,
    %scan3A = arith.constant 0 : i32
    %scan3A_25 = arith.constant 0 : i32
    %scan3A_26 = arith.constant 0 : i32
    %scan3A_27 = arith.constant 32 : i32
    %scan3A_28 = arith.addi %scan3A_26, %scan3A_27 : i32
    %scan3A_29 = arith.constant 1 : i32
    %scan3A_30:2 = scf.for %scan3A_53 = %scan3A_26 to %scan3A_28 step %scan3A_29 iter_args(%scan3A_54 = %scan3A, %scan3A_55 = %scan3A_25) -> (i32, i32)  : i32 {
      %sub3A = arith.constant 31 : i32
      %sub3A_56 = arith.subi %sub3A, %scan3A_53 : i32
      %shift_left3A = arith.constant 1 : i32
      %shift_left3A_57 = arith.shli %shift_left3A, %sub3A_56 : i32
      %or3A_58 = arith.ori %scan3A_54, %shift_left3A_57 : i32
      %or3A_59 = arith.ori %scan3A_55, %shift_left3A_57 : i32
      %get3A_60 = arith.constant 0 : index
      %get3A_61 = arith.constant 0 : index
      %get3A_62 = vector.load %arg4[%get3A_60, %get3A_61] : memref<32x1024xi32, #tpu.memory_space<vmem>>, vector<32x1024xi32>
      %lt3A = vector.broadcast %or3A_58 : i32 to vector<32x1024xi32>
      %lt3A_63 = arith.cmpi ult, %get3A_62, %lt3A : vector<32x1024xi32>
      %convert_element_type3A = arith.extui %lt3A_63 : vector<32x1024xi1> to vector<32x1024xi32>
      %reduce_sum3A = vector.shape_cast %convert_element_type3A : vector<32x1024xi32> to vector<1x32x1024xi32>
      %reduce_sum3A_64 = arith.constant dense<0> : vector<1xi32>
      %reduce_sum3A_65 = vector.multi_reduction <add>, %reduce_sum3A, %reduce_sum3A_64 [1, 2] : vector<1x32x1024xi32> to vector<1xi32>
      %reduce_sum3A_66 = vector.shape_cast %reduce_sum3A_65 : vector<1xi32> to vector<1x1x1xi32>
      %reduce_sum3A_67 = vector.extract %reduce_sum3A_66[0, 0, 0] : i32 from vector<1x1x1xi32>
      %get3A_68 = arith.constant 0 : index
      %get3A_69 = arith.constant 0 : index
      %get3A_70 = vector.load %arg5[%get3A_68, %get3A_69] : memref<32x1024xi32, #tpu.memory_space<vmem>>, vector<32x1024xi32>
      %lt3A_71 = vector.broadcast %or3A_59 : i32 to vector<32x1024xi32>
      %lt3A_72 = arith.cmpi ult, %get3A_70, %lt3A_71 : vector<32x1024xi32>
      %convert_element_type3A_73 = arith.extui %lt3A_72 : vector<32x1024xi1> to vector<32x1024xi32>
      %reduce_sum3A_74 = vector.shape_cast %convert_element_type3A_73 : vector<32x1024xi32> to vector<1x32x1024xi32>
      %reduce_sum3A_75 = arith.constant dense<0> : vector<1xi32>
      %reduce_sum3A_76 = vector.multi_reduction <add>, %reduce_sum3A_74, %reduce_sum3A_75 [1, 2] : vector<1x32x1024xi32> to vector<1xi32>
      %reduce_sum3A_77 = vector.shape_cast %reduce_sum3A_76 : vector<1xi32> to vector<1x1x1xi32>
      %reduce_sum3A_78 = vector.extract %reduce_sum3A_77[0, 0, 0] : i32 from vector<1x1x1xi32>
      %ge3A_79 = arith.constant 20 : i32
      %ge3A_80 = arith.cmpi sge, %reduce_sum3A_67, %ge3A_79 : i32
      %select_n3A_81 = arith.select %ge3A_80, %scan3A_54, %or3A_58 : i32
      %ge3A_82 = arith.constant 32747 : i32
      %ge3A_83 = arith.cmpi sge, %reduce_sum3A_78, %ge3A_82 : i32
      %select_n3A_84 = arith.select %ge3A_83, %scan3A_55, %or3A_59 : i32
      scf.yield %select_n3A_81, %select_n3A_84 : i32, i32
    }
    %scan3A_31 = arith.constant 32 : i32
    %ge3A_32 = arith.constant -2147483648 : i32
    %ge3A_33 = arith.cmpi uge, %scan3A_30#0, %ge3A_32 : i32
    %xor3A = arith.constant -2147483648 : i32
    %xor3A_34 = arith.xori %scan3A_30#0, %xor3A : i32
    %not3A_35 = arith.constant -1 : i32
    %not3A_36 = arith.xori %scan3A_30#0, %not3A_35 : i32
    %select_n3A_37 = arith.select %ge3A_33, %xor3A_34, %not3A_36 : i32
    %bitcast_convert_type3A_38 = arith.bitcast %select_n3A_37 : i32 to f32
    %swap3A_39 = arith.constant 0 : index
    %swap3A_40 = arith.constant 0 : index
    %swap3A_41 = memref.load %arg3[%swap3A_39, %swap3A_40] : memref<1x1xf32, #tpu.memory_space<smem>>
    memref.store %bitcast_convert_type3A_38, %arg3[%swap3A_39, %swap3A_40] : memref<1x1xf32, #tpu.memory_space<smem>>
    %ge3A_42 = arith.constant -2147483648 : i32
    %ge3A_43 = arith.cmpi uge, %scan3A_30#1, %ge3A_42 : i32
    %xor3A_44 = arith.constant -2147483648 : i32
    %xor3A_45 = arith.xori %scan3A_30#1, %xor3A_44 : i32
    %not3A_46 = arith.constant -1 : i32
    %not3A_47 = arith.xori %scan3A_30#1, %not3A_46 : i32
    %select_n3A_48 = arith.select %ge3A_43, %xor3A_45, %not3A_47 : i32
    %bitcast_convert_type3A_49 = arith.bitcast %select_n3A_48 : i32 to f32
    %swap3A_50 = arith.constant 0 : index
    %swap3A_51 = arith.constant 0 : index
    %swap3A_52 = memref.load %arg2[%swap3A_50, %swap3A_51] : memref<1x1xf32, #tpu.memory_space<smem>>
    memref.store %bitcast_convert_type3A_49, %arg2[%swap3A_50, %swap3A_51] : memref<1x1xf32, #tpu.memory_space<smem>>
    return
  }
}

</mosaic_0001>

<sc_bundles>
// kernel: kernel.4.cloned.1.call-start
scs
__scs_entry_jumppad:
0x0: {  	(pc) =	sbr.rel $0x88, $3  }
0x1: {  	(tag) =	ssettag $0x0;
	lr =	simm.s32 $0x1  }
0x2: {  	[smem:$0x3FA0] =	sst lr;
	_ =	strace $0xD0000000  }
0x3: {  	_ = 	snop  }
0x4: {  	_ = 	snop  }
0x5: {  	_ = 	snop  }
0x6: {  	_ = 	snop  }
0x7: {  	_ = 	snop  }
__scs_overlays_trampoline_lowered:
0x8: {  	[smem:$0x3FAF] =	sst s0  }
0x9: {  	[smem:$0x3FB0] =	sst s1  }
0xa: {  	[smem:$0x3FB1] =	sst s2  }
0xb: {  	[smem:$0x3FB2] =	sst s3  }
0xc: {  	[smem:$0x3FB3] =	sst s4  }
0xd: {  	[smem:$0x3FB4] =	sst s5  }
0xe: {  	[smem:$0x3FB5] =	sst s6  }
0xf: {  	[smem:$0x3FB6] =	sst s7  }
0x10: {  	[smem:$0x3FB7] =	sst s8  }
0x11: {  	[smem:$0x3FB8] =	sst s9;
	s0 =	simm.s32 @!p0 $0x0  }
0x12: {  	s1 =	sld [smem:$0x3F9E];
	s0 =	simm.s32 @p0 $0x1  }
0x13: {  	[smem:$0x3FB9] =	sst s0;
	s0 =	simm.s32 @!p1 $0x0  }
0x14: {  	s2 =	sld [smem:$0x3F9D];
	s0 =	simm.s32 @p1 $0x1  }
0x15: {  	[smem:$0x3FBA] =	sst s0;
	s0 =	simm.s32 @!p2 $0x0  }
0x16: {  	s3 =	sld [smem:$0x3FDB];
	s0 =	simm.s32 @p2 $0x1  }
0x17: {  	s4 =	simm.s32 $0x1BF5;
	[smem:$0x3FBC] =	sst s0  }
0x18: {  	s0 =	sld [smem:$0x3F9F];
	_ =	swait.ge [sflag:s4], $0x0  }
0x19: {  	s7 =	sld [smem:$0x3FA0]  }
0x1a: {  	s8 =	sadd.s32 $0xFFFFE003, lr  }
0x1b: {  	s9 =	sadd.s32 $0xFFFFFEF7, lr;
	s5 =	simm.s32 $0xFFFFFFFF;
	p2 =	slt.u32 s8, $0xFFFFF086  }
0x1c: {  	p1 =	slt.u32 s9, $0xF7A;
	s5 =	simm.s32 @!p2 $0x0  }
0x1d: {  	s5 =	simm.s32 @p1 $0x1;
	p0 =	seq.s32 s7, s2  }
0x1e: {  	s7 =	smul.u32 @!p0 $0xF7A, s2;
	p2 =	seq.s32 @!p0 s5, $0x0  }
0x1f: {  	s9 =	smul.u32 $0xF7A, s1;
	s8 =	simm.s32 @!p0 $0x1BF5;
	p2 =	por !p2, p0  }
0x20: {  	[sflag:s8] =	ssyncset.s32 @!p0 $0xFFFFF086;
	s6 =	sadd.s32 @!p0 s3, s7;
	s7 =	simm.s32 @!p0 $0x108  }
0x21: {  	s3 =	sadd.s32 s3, s9;
	s6 =	sadd.s32 @!p0 $0x88, s6;
	s7 =	simm.s32 @p2 $0x1082  }
0x22: {  	[simem:s7], [sflag:s8] =	dma.local @!p0 [hbm:s6], $0xF7A  }
0x23: {  	s9 =	sor.u32 $0xD0000000, s2;
	s6 =	simm.s32 $0x108;
	_ =	swait.ge @!p0 [sflag:s8], $0x0  }
0x24: {  	s3 =	sadd.s32 $0x88, s3;
	s6 =	simm.s32 @!p1 $0x1082;
	[sflag:s4] =	ssyncset.s32 $0xFFFFF086  }
0x25: {  	[simem:s6], [sflag:s4] =	dma.local [hbm:s3], $0xF7A  }
0x26: {  	[smem:$0x3FA0] =	sst s1;
	(tag) =	ssettag s2;
	_ =	strace s9  }
0x27: {  	s1 =	sld [smem:$0x3FB0]  }
0x28: {  	s2 =	sld [smem:$0x3FB1]  }
0x29: {  	s4 =	sld [smem:$0x3FB3]  }
0x2a: {  	p0 =	seq.s32 s5, $0x0;
	s5 =	sld [smem:$0x3FB4]  }
0x2b: {  	s6 =	sld [smem:$0x3FB5]  }
0x2c: {  	s7 =	sld [smem:$0x3FB6]  }
0x2d: {  	s3 =	simm.s32 $0x108;
	s8 =	sld [smem:$0x3FB7]  }
0x2e: {  	s3 =	simm.s32 @!p0 $0x1082;
	s9 =	sld [smem:$0x3FB8]  }
0x2f: {  	lr =	sadd.s32 s0, s3;
	s0 =	sld [smem:$0x3FAF]  }
0x30: {  	s3 =	sld [smem:$0x3FB2]  }
0x31: {  	[smem:$0x3FBB] =	sst s10  }
0x32: {  	s10 =	sld [smem:$0x3FB9];
	_ =	sdelay $0x3  }
0x33: {  	p0 =	seq.s32 s10, $0x1;
	s10 =	sld [smem:$0x3FBB];
	_ =	sdelay $0x3  }
0x34: {  	[smem:$0x3FBB] =	sst s10  }
0x35: {  	s10 =	sld [smem:$0x3FBA];
	_ =	sdelay $0x3  }
0x36: {  	p1 =	seq.s32 s10, $0x1;
	s10 =	sld [smem:$0x3FBB];
	_ =	sdelay $0x3  }
0x37: {  	[smem:$0x3FBB] =	sst s10  }
0x38: {  	s10 =	sld [smem:$0x3FBC]  }
0x39: {  	_ = 	snop;
	(pc) =	sbr.ind lr, $3  }
0x3a: {  	_ = 	snop  }
0x3b: {  	_ = 	snop  }
0x3c: {  	p2 =	seq.s32 s10, $0x1;
	s10 =	sld [smem:$0x3FBB]  }
0x3d: {  	_ =	shalt  }
0x3e: {  	_ =	shalt  }
0x3f: {  	_ =	shalt  }
0x40: {  	_ =	shalt  }
0x41: {  	_ =	shalt  }
0x42: {  	_ =	shalt  }
0x43: {  	_ =	shalt  }
0x44: {  	_ =	shalt  }
0x45: {  	_ =	shalt  }
0x46: {  	_ =	shalt  }
0x47: {  	_ =	shalt  }
0x48: {  	_ =	shalt  }
0x49: {  	_ =	shalt  }
0x4a: {  	_ =	shalt  }
0x4b: {  	_ =	shalt  }
0x4c: {  	_ =	shalt  }
0x4d: {  	_ =	shalt  }
0x4e: {  	_ =	shalt  }
0x4f: {  	_ =	shalt  }
0x50: {  	_ =	shalt  }
0x51: {  	_ =	shalt  }
0x52: {  	_ =	shalt  }
0x53: {  	_ =	shalt  }
0x54: {  	_ =	shalt  }
0x55: {  	_ =	shalt  }
0x56: {  	_ =	shalt  }
0x57: {  	_ =	shalt  }
0x58: {  	_ =	shalt  }
0x59: {  	_ =	shalt  }
0x5a: {  	_ =	shalt  }
0x5b: {  	_ =	shalt  }
0x5c: {  	_ =	shalt  }
0x5d: {  	_ =	shalt  }
0x5e: {  	_ =	shalt  }
0x5f: {  	_ =	shalt  }
0x60: {  	_ =	shalt  }
0x61: {  	_ =	shalt  }
0x62: {  	_ =	shalt  }
0x63: {  	_ =	shalt  }
0x64: {  	_ =	shalt  }
0x65: {  	_ =	shalt  }
0x66: {  	_ =	shalt  }
0x67: {  	_ =	shalt  }
0x68: {  	_ =	shalt  }
0x69: {  	_ =	shalt  }
0x6a: {  	_ =	shalt  }
0x6b: {  	_ =	shalt  }
0x6c: {  	_ =	shalt  }
0x6d: {  	_ =	shalt  }
0x6e: {  	_ =	shalt  }
0x6f: {  	_ =	shalt  }
0x70: {  	_ =	shalt  }
0x71: {  	_ =	shalt  }
0x72: {  	_ =	shalt  }
0x73: {  	_ =	shalt  }
0x74: {  	_ =	shalt  }
0x75: {  	_ =	shalt  }
0x76: {  	_ =	shalt  }
0x77: {  	_ =	shalt  }
0x78: {  	_ =	shalt  }
0x79: {  	_ =	shalt  }
0x7a: {  	_ =	shalt  }
0x7b: {  	_ =	shalt  }
0x7c: {  	_ =	shalt  }
0x7d: {  	_ =	shalt  }
0x7e: {  	_ =	shalt  }
0x7f: {  	_ =	shalt  }
0x80: {  	_ =	shalt  }
0x81: {  	_ =	shalt  }
0x82: {  	_ =	shalt  }
0x83: {  	_ =	shalt  }
0x84: {  	_ =	shalt  }
0x85: {  	_ =	shalt  }
0x86: {  	_ =	shalt  }
0x87: {  	_ =	shalt  }
.Lfunc_end0:
.L_simem_size_0:
called_computation_lowered:
.L_overlay_start_0:
0x88: {  	s2 =	sld [smem:$0x3FD9]  }
0x89: {  	s3 =	sld [smem:$0x3FFE];
	_ =	sdelay $0x1  }
0x8a: {  	s1 =	srdreg.scid  }
0x8b: {  	s0 =	sand.u32 $0x1, s1  }
0x8c: {  	s17 =	sshll.u32 s0, $0xA;
	s2 =	sadd.s32 s3, s2  }
0x8d: {  	s2 =	sadd.s32 s2, s17  }
0x8e: {  	[smem:$0x3FC7] =	sst s2  }
0x8f: {  	_ = 	snop  }
0x90: {  	s2 =	sld [smem:$0x3FC9];
	(tm) =	ssettm $0x1  }
0x91: {  	s18 =	sld [smem:$0x3FFB];
	_ =	sdelay $0x3  }
0x92: {  	_ =	strace s18  }
0x93: {  	s3 =	sld [smem:$0x3FFC];
	_ =	sdelay $0x3  }
0x94: {  	_ =	strace s3  }
0x95: {  	s3 =	sld [smem:$0x3FFD];
	_ =	sdelay $0x3  }
0x96: {  	_ =	strace s3  }
0x97: {  	_ =	strace $0x8FFFFFFF  }
0x98: {  	s19 =	sld [smem:$0x3FDB];
	_ =	sdelay $0x1  }
0x99: {  	s4 =	simm.s32 $_scs_section_size  }
0x9a: {  	s5 =	simm.s32 $_size__tile_overlayer_lowered;
	s6 =	simm.s32 $_tile_overlayer_lowered  }
0x9b: {  	s22 =	simm.s32 $0x1BFF;
	s21 =	sshll.u32 s6, $0x1;
	s3 =	sadd.s32 s4, s19  }
0x9c: {  	s7 =	simm.s32 $0x0;
	s20 =	sshll.u32 s5, $0x1;
	s5 =	sadd.s32 s21, s3  }
0x9d: {  	[timem:s7], [sflag:s22] =	dma.local [hbm:s5], s20  }
0x9e: {  	_ =	swait.ge [sflag:s22], s20  }
0x9f: {  	s4 =	ssub.s32 $0x0, s20;
	[sflag:s22] =	ssyncset.done $0x0  }
0xa0: {  	[sflag:s22] =	ssyncadd.s32 s4;
	_ =	sdelay $0x1  }
0xa1: {  	s23 =	simm.s32 $0x1B8B  }
0xa2: {  	_ =	swait.ge [sflag:s23], $0x1  }
0xa3: {  	[sflag:s23] =	ssyncset.done $0x0  }
0xa4: {  	s25 =	simm.s32 $0x1B8E;
	s24 =	sld [smem:$0x3FFE];
	[sflag:s23] =	ssyncadd.s32 $0xFFFFFFFF  }
0xa5: {  	s26 =	simm.s32 $execute0_lowered;
	[smem:$0x3FD2] =	sst s25  }
0xa6: {  	s5 =	sshll.u32 s26, $0x1;
	_ =	strace $0x80000046;
	[dreg:$0x1] =	wrdreg $0xFFFFFFFF  }
0xa7: {  	s28 =	simm.s32 $_size_execute0_lowered;
	s3 =	sadd.s32 s3, s5;
	[dreg:$0x0] =	wrdreg $0x0  }
0xa8: {  	s5 =	sshll.u32 s28, $0x1;
	[dreg:$0x2] =	wrdreg s3  }
0xa9: {  	[dreg:$0x3] =	wrdreg s5  }
0xaa: {  	[dreg:$0x4] =	wrdreg $0xC0  }
0xab: {  	_ =	task [dreg:s7], $0x5FFFF  }
0xac: {  	[dreg:$0x1] =	wrdreg $0xFFFFFFFF  }
0xad: {  	[dreg:$0x0] =	wrdreg $0x60  }
0xae: {  	[dreg:$0x2] =	wrdreg s2  }
0xaf: {  	[dreg:$0x3] =	wrdreg s24  }
0xb0: {  	[dreg:$0x4] =	wrdreg $0x9  }
0xb1: {  	_ =	task.clear_ibuf [dreg:s7], $0x5FFFF;
	_ =	strace $0x90000046  }
0xb2: {  	s29 =	simm.s32 $0x9;
	_ =	strace $0x80000048  }
0xb3: {  	_ =	swait.ge [sflag:s29], $0x1  }
0xb4: {  	[sflag:s29] =	ssyncadd.s32 $0xFFFFFFFF  }
0xb5: {  	_ =	strace $0x90000048  }
0xb6: {  	_ =	sfence  }
0xb7: {  	s30 =	sld [smem:$0x0];
	_ =	sdelay $0x2  }
0xb8: {  	s31 =	sshll.u32 s1, $0xD;
	s1 =	sshrl.u32 s1, $0x2  }
0xb9: {  	s3 =	sand.u32 $0x4000, s31;
	s1 =	sadd.s32 s1, s30  }
0xba: {  	s0 =	sor.u32 s3, s0;
	s1 =	sshll.u32 s1, $0x11  }
0xbb: {  	s0 =	sor.u32 s1, s0  }
0xbc: {  	s0 =	sadd.s32 $0x8F2B, s0  }
0xbd: {  	[sflag:s0] =	ssyncadd.remote.s32 $0x1  }
0xbe: {  	_ =	sfence.sel $0xFFFF  }
0xbf: {  	[dreg:$0x0] =	wrdreg $0xFFFFFFFF;
	(pc) =	sbr.abs _section_cstart, $3  }
0xc0: {  	[dreg:$0x1] =	wrdreg $0xFFFFFFFF  }
0xc1: {  	_ =	task.clear_ibuf [dreg:s7], $0x2FFFF;
	_ =	strace $0x9FFFFFFF  }
0xc2: {  	(tm) =	ssettm $0x7FFFFFFF  }
0xc3: {  	_ =	shalt  }
tec
execute0_lowered:
.L_overlay_start_1:
0x0: {  	(tag) =	ssettag $0x1  }
0x1: {  	s3 =	rddreg [dreg:$0x0]  }
0x2: {  	s4 =	rddreg [dreg:$0x1]  }
0x3: {  	s1 =	simm.s32 $0x0;
	s5 =	srdreg.scid;
	s0 =	stileid.u32  }
0x4: {  	s11 =	simm.s32 $0x1;
	s13 =	simm.s32 $0x2;
	s15 =	simm.s32 $0x0  }
0x5: {  	[smem:$0x7FF] =	sst s1;
	s5 =	sand.u32 $0x1, s5;
	s6 =	sshll.u32 s0, $0x1  }
0x6: {  	s7 =	sshll.u32 s0, $0x8;
	s9 =	sshll.u32 s0, $0xE;
	s6 =	sor.u32 s5, s6  }
0x7: {  	s5 =	ssub.s32 $0x2, s5;
	s8 =	sshll.u32 s6, $0x4;
	s6 =	sshll.u32 s6, $0x5  }
0x8: {  	_ =	strace $0x80000047;
	s29 =	sshrl.u32 s5, $0x1;
	s6 =	sor.u32 s9, s6  }
.Ltmp0:
0x9: {  	s7 =	sor.u32 s7, s8;
	s6 =	sand.u32 $0x38060, s6;
	(pc) =	sbr.rel .LBB2_1-.Ltmp0, $4  }
0xa: {  	s8 =	ssub.s32 s5, s29;
	s7 =	sand.u32 $0xC70, s7;
	s3 =	sadd.s32 s3, s6  }
0xb: {  	s9 =	simm.s32 $0x400;
	s7 =	sadd.s32 s7, s4;
	s30 =	sadd.s32 $0x10, s3  }
0xc: {  	s31 =	sadd.s32 $0xE00, s7;
	s6 =	sadd.s32 $0x1E00, s7;
	[dreg:$0x3] =	wrdreg s30  }
0xd: {  	v0 =	vimm.f32 $+Inf;
	v1 =	vimm.f32 $-Inf;
	v2 =	vimm.s32 $0x0;
	s7 =	smax.u32 s8, $0x1;
	s8 =	simm.s32 $0x80;
	[dreg:$0x4] =	wrdreg s31  }
.LBB2_29:
0xe: {  	s0 =	rddreg [dreg:$0x4];
	s1 =	simm.s32 $0x10000  }
0xf: {  	[hbm4b:s0+s8] =	stream.strided.scatter [tilespmem:s1], [sflag:$0x2], $0x400, s9, s8, $0x38;
	[tilespmem:$0x12800] =	vst v63  }
0x10: {  	s15 =	sadd.s32 $0x1, s15;
	_ =	swait.ge [sflag:s13], $0x400  }
0x11: {  	p0 =	sne.s32 s15, s7;
	[sflag:s13] =	ssyncset.done $0x0  }
.Ltmp1:
0x12: {  	s31 =	simm.s32 $0x10400;
	[sflag:s13] =	ssyncadd.s32 $0xFFFFFC00;
	(pc) =	sbr.rel @!p0 .LBB2_30-.Ltmp1, $4  }
0x13: {  	[hbm4b:s6+s8] =	stream.strided.scatter [tilespmem:s31], [sflag:$0x2], $0x400, s9, s8, $0x38;
	[tilespmem:$0x12800] =	vst v63  }
0x14: {  	_ =	swait.ge [sflag:s13], $0x400  }
0x15: {  	[sflag:s13] =	ssyncset.done $0x0  }
0x16: {  	[sflag:s13] =	ssyncadd.s32 $0xFFFFFC00  }
.LBB2_1:
0x17: {  	s0 =	simm.s32 $0x0  }
0x18: {  	[tilespmem:s0], [sflag:$0x1] =	stream.strided.gather [hbm4b:s3+s8], $0x8000, s9, s8, $0x38;
	[tilespmem:$0x12800] =	vst v63  }
0x19: {  	s31 =	rddreg [dreg:$0x3];
	s1 =	simm.s32 $0x8000  }
0x1a: {  	[tilespmem:s1], [sflag:$0x1] =	stream.strided.gather [hbm4b:s31+s8], $0x8000, s9, s8, $0x38;
	[tilespmem:$0x12800] =	vst v63  }
0x1b: {  	[tilespmem:$0x10000] =	vst v0  }
0x1c: {  	[tilespmem:$0x10400] =	vst v1  }
0x1d: {  	[tilespmem:$0x10010] =	vst v0  }
0x1e: {  	[tilespmem:$0x10410] =	vst v1  }
0x1f: {  	[tilespmem:$0x10020] =	vst v0  }
0x20: {  	[tilespmem:$0x10420] =	vst v1  }
0x21: {  	[tilespmem:$0x10030] =	vst v0  }
0x22: {  	[tilespmem:$0x10430] =	vst v1  }
0x23: {  	[tilespmem:$0x10040] =	vst v0  }
0x24: {  	[tilespmem:$0x10440] =	vst v1  }
0x25: {  	[tilespmem:$0x10050] =	vst v0  }
0x26: {  	[tilespmem:$0x10450] =	vst v1  }
0x27: {  	[tilespmem:$0x10060] =	vst v0  }
0x28: {  	[tilespmem:$0x10460] =	vst v1  }
0x29: {  	[tilespmem:$0x10070] =	vst v0  }
0x2a: {  	[tilespmem:$0x10470] =	vst v1  }
0x2b: {  	[tilespmem:$0x10080] =	vst v0  }
0x2c: {  	[tilespmem:$0x10480] =	vst v1  }
0x2d: {  	[tilespmem:$0x10090] =	vst v0  }
0x2e: {  	[tilespmem:$0x10490] =	vst v1  }
0x2f: {  	[tilespmem:$0x100A0] =	vst v0  }
0x30: {  	[tilespmem:$0x104A0] =	vst v1  }
0x31: {  	[tilespmem:$0x100B0] =	vst v0  }
0x32: {  	[tilespmem:$0x104B0] =	vst v1  }
0x33: {  	[tilespmem:$0x100C0] =	vst v0  }
0x34: {  	[tilespmem:$0x104C0] =	vst v1  }
0x35: {  	[tilespmem:$0x100D0] =	vst v0  }
0x36: {  	[tilespmem:$0x104D0] =	vst v1  }
0x37: {  	[tilespmem:$0x100E0] =	vst v0  }
0x38: {  	[tilespmem:$0x104E0] =	vst v1  }
0x39: {  	[tilespmem:$0x100F0] =	vst v0  }
0x3a: {  	[tilespmem:$0x104F0] =	vst v1  }
0x3b: {  	[tilespmem:$0x10100] =	vst v0  }
0x3c: {  	[tilespmem:$0x10500] =	vst v1  }
0x3d: {  	[tilespmem:$0x10110] =	vst v0  }
0x3e: {  	[tilespmem:$0x10510] =	vst v1  }
0x3f: {  	[tilespmem:$0x10120] =	vst v0  }
0x40: {  	[tilespmem:$0x10520] =	vst v1  }
0x41: {  	[tilespmem:$0x10130] =	vst v0  }
0x42: {  	[tilespmem:$0x10530] =	vst v1  }
0x43: {  	[tilespmem:$0x10140] =	vst v0  }
0x44: {  	[tilespmem:$0x10540] =	vst v1  }
0x45: {  	[tilespmem:$0x10150] =	vst v0  }
0x46: {  	[tilespmem:$0x10550] =	vst v1  }
0x47: {  	[tilespmem:$0x10160] =	vst v0  }
0x48: {  	[tilespmem:$0x10560] =	vst v1  }
0x49: {  	[tilespmem:$0x10170] =	vst v0  }
0x4a: {  	[tilespmem:$0x10570] =	vst v1  }
0x4b: {  	[tilespmem:$0x10180] =	vst v0  }
0x4c: {  	[tilespmem:$0x10580] =	vst v1  }
0x4d: {  	[tilespmem:$0x10190] =	vst v0  }
0x4e: {  	[tilespmem:$0x10590] =	vst v1  }
0x4f: {  	[tilespmem:$0x101A0] =	vst v0  }
0x50: {  	[tilespmem:$0x105A0] =	vst v1  }
0x51: {  	[tilespmem:$0x101B0] =	vst v0  }
0x52: {  	[tilespmem:$0x105B0] =	vst v1  }
0x53: {  	[tilespmem:$0x101C0] =	vst v0  }
0x54: {  	[tilespmem:$0x105C0] =	vst v1  }
0x55: {  	[tilespmem:$0x101D0] =	vst v0  }
0x56: {  	[tilespmem:$0x105D0] =	vst v1  }
0x57: {  	[tilespmem:$0x101E0] =	vst v0  }
0x58: {  	[tilespmem:$0x105E0] =	vst v1  }
0x59: {  	[tilespmem:$0x101F0] =	vst v0  }
0x5a: {  	[tilespmem:$0x105F0] =	vst v1  }
0x5b: {  	[tilespmem:$0x10200] =	vst v0  }
0x5c: {  	[tilespmem:$0x10600] =	vst v1  }
0x5d: {  	[tilespmem:$0x10210] =	vst v0  }
0x5e: {  	[tilespmem:$0x10610] =	vst v1  }
0x5f: {  	[tilespmem:$0x10220] =	vst v0  }
0x60: {  	[tilespmem:$0x10620] =	vst v1  }
0x61: {  	[tilespmem:$0x10230] =	vst v0  }
0x62: {  	[tilespmem:$0x10630] =	vst v1  }
0x63: {  	[tilespmem:$0x10240] =	vst v0  }
0x64: {  	[tilespmem:$0x10640] =	vst v1  }
0x65: {  	[tilespmem:$0x10250] =	vst v0  }
0x66: {  	[tilespmem:$0x10650] =	vst v1  }
0x67: {  	[tilespmem:$0x10260] =	vst v0  }
0x68: {  	[tilespmem:$0x10660] =	vst v1  }
0x69: {  	[tilespmem:$0x10270] =	vst v0  }
0x6a: {  	[tilespmem:$0x10670] =	vst v1  }
0x6b: {  	[tilespmem:$0x10280] =	vst v0  }
0x6c: {  	[tilespmem:$0x10680] =	vst v1  }
0x6d: {  	[tilespmem:$0x10290] =	vst v0  }
0x6e: {  	[tilespmem:$0x10690] =	vst v1  }
0x6f: {  	[tilespmem:$0x102A0] =	vst v0  }
0x70: {  	[tilespmem:$0x106A0] =	vst v1  }
0x71: {  	[tilespmem:$0x102B0] =	vst v0  }
0x72: {  	[tilespmem:$0x106B0] =	vst v1  }
0x73: {  	[tilespmem:$0x102C0] =	vst v0  }
0x74: {  	[tilespmem:$0x106C0] =	vst v1  }
0x75: {  	[tilespmem:$0x102D0] =	vst v0  }
0x76: {  	[tilespmem:$0x106D0] =	vst v1  }
0x77: {  	[tilespmem:$0x102E0] =	vst v0  }
0x78: {  	[tilespmem:$0x106E0] =	vst v1  }
0x79: {  	[tilespmem:$0x102F0] =	vst v0  }
0x7a: {  	[tilespmem:$0x106F0] =	vst v1  }
0x7b: {  	[tilespmem:$0x10300] =	vst v0  }
0x7c: {  	[tilespmem:$0x10700] =	vst v1  }
0x7d: {  	[tilespmem:$0x10310] =	vst v0  }
0x7e: {  	[tilespmem:$0x10710] =	vst v1  }
0x7f: {  	[tilespmem:$0x10320] =	vst v0  }
0x80: {  	[tilespmem:$0x10720] =	vst v1  }
0x81: {  	[tilespmem:$0x10330] =	vst v0  }
0x82: {  	[tilespmem:$0x10730] =	vst v1  }
0x83: {  	[tilespmem:$0x10340] =	vst v0  }
0x84: {  	[tilespmem:$0x10740] =	vst v1  }
0x85: {  	[tilespmem:$0x10350] =	vst v0  }
0x86: {  	[tilespmem:$0x10750] =	vst v1  }
0x87: {  	[tilespmem:$0x10360] =	vst v0  }
0x88: {  	[tilespmem:$0x10760] =	vst v1  }
0x89: {  	[tilespmem:$0x10370] =	vst v0  }
0x8a: {  	[tilespmem:$0x10770] =	vst v1  }
0x8b: {  	[tilespmem:$0x10380] =	vst v0  }
0x8c: {  	[tilespmem:$0x10780] =	vst v1  }
0x8d: {  	[tilespmem:$0x10390] =	vst v0  }
0x8e: {  	[tilespmem:$0x10790] =	vst v1  }
0x8f: {  	[tilespmem:$0x103A0] =	vst v0  }
0x90: {  	[tilespmem:$0x107A0] =	vst v1  }
0x91: {  	[tilespmem:$0x103B0] =	vst v0  }
0x92: {  	[tilespmem:$0x107B0] =	vst v1  }
0x93: {  	[tilespmem:$0x103C0] =	vst v0  }
0x94: {  	[tilespmem:$0x107C0] =	vst v1  }
0x95: {  	[tilespmem:$0x103D0] =	vst v0  }
0x96: {  	[tilespmem:$0x107D0] =	vst v1  }
0x97: {  	[tilespmem:$0x103E0] =	vst v0  }
0x98: {  	[tilespmem:$0x107E0] =	vst v1  }
0x99: {  	[tilespmem:$0x103F0] =	vst v0  }
0x9a: {  	[tilespmem:$0x107F0] =	vst v1  }
0x9b: {  	s17 =	simm.f32 $-Inf;
	_ =	swait.ge [sflag:s11], $0x8000  }
0x9c: {  	s16 =	simm.f32 $+Inf;
	s18 =	simm.s32 $0x60;
	[sflag:s11] =	ssyncset.done $0x0  }
0x9d: {  	s19 =	simm.s32 $0x0;
	s20 =	simm.s32 $0x0;
	[sflag:s11] =	ssyncadd.s32 $0xFFFF8000  }
.LBB2_2:
0x9e: {  	v5 =	vld [tilespmem:s18+$0x30]  }
0x9f: {  	v10 =	vld [tilespmem:s18+$0xFFFFFFE0]  }
0xa0: {  	v4 =	vld [tilespmem:s18+$0xFFFFFFA0]  }
0xa1: {  	v3 =	vld [tilespmem:s18+$0xFFFFFFF0];
	s21 =	sadd.s32 $0x0, s19  }
0xa2: {  	v14 =	vld [tilespmem:s18+$0xFFFFFFB0];
	s21 =	sand.u32 $0x1FFC0, s21  }
0xa3: {  	v16 =	vld [tilespmem:s21+$0x80]  }
0xa4: {  	v8 =	vimm.f32 $+Inf;
	v9 =	vimm.f32 $-Inf;
	v7 =	vld [tilespmem:s18+$0xFFFFFFC0]  }
0xa5: {  	v6 =	vld [tilespmem:s18+$0x0];
	v11 =	vmin.f32 v8, v4;
	v12 =	vmax.f32 v9, v4  }
0xa6: {  	v13 =	vimm.f32 $+Inf;
	v4 =	vld [tilespmem:s18+$0x40];
	v17 =	vmin.f32 v11, v10;
	v18 =	vmax.f32 v12, v10  }
0xa7: {  	v15 =	vld [tilespmem:s18+$0xFFFFFFD0];
	s22 =	simm.s32 $0xC0;
	s21 =	smov.u32 s18;
	v10 =	vimm.f32 $-Inf;
	v11 =	vimm.f32 $+Inf;
	v12 =	vimm.f32 $-Inf  }
.LBB2_3:
0xa8: {  	p0 =	sne.s32 s22, $0xC00;
	v19 =	vld [tilespmem:s21+$0x10];
	v17 =	vmin.f32 v17, v16;
	v18 =	vmax.f32 v18, v16  }
0xa9: {  	v8 =	vmin.f32 v8, v14;
	v9 =	vmax.f32 v9, v14;
	v13 =	vmin.f32 v13, v7;
	v16 =	vld [tilespmem:s21+$0x50];
	s21 =	sadd.s32 $0xC0, s21  }
0xaa: {  	v8 =	vmin.f32 v8, v3;
	v3 =	vmax.f32 v9, v3;
	v20 =	vld [tilespmem:s21+$0x30];
	v13 =	vmin.f32 v13, v6  }
0xab: {  	v8 =	vmin.f32 v8, v5;
	v9 =	vmax.f32 v3, v5;
	v21 =	vld [tilespmem:s21+$0xFFFFFFE0];
	v13 =	vmin.f32 v13, v4  }
0xac: {  	v5 =	vmax.f32 v10, v7;
	v3 =	vld [tilespmem:s21+$0xFFFFFFF0];
	v7 =	vmin.f32 v11, v15;
	v10 =	vmax.f32 v12, v15  }
0xad: {  	s23 =	sadd.s32 s22, s19;
	v22 =	vmax.f32 v5, v6;
	v15 =	vld [tilespmem:s21+$0xFFFFFFA0];
	v6 =	vmin.f32 v7, v19;
	v7 =	vmax.f32 v10, v19  }
0xae: {  	s23 =	sand.u32 $0x1FFC0, s23;
	v10 =	vmax.f32 v22, v4;
	v14 =	vld [tilespmem:s21+$0xFFFFFFB0];
	v11 =	vmin.f32 v6, v16;
	v12 =	vmax.f32 v7, v16  }
.Ltmp2:
0xaf: {  	v16 =	vld [tilespmem:s23+$0x80];
	v5 =	vmov v20;
	(pc) =	sbr.rel @p0 .LBB2_3-.Ltmp2, $4  }
0xb0: {  	v7 =	vld [tilespmem:s21+$0xFFFFFFC0]  }
0xb1: {  	v6 =	vld [tilespmem:s21+$0x0]  }
0xb2: {  	v17 =	vmin.f32 v17, v15;
	v18 =	vmax.f32 v18, v15;
	v4 =	vld [tilespmem:s21+$0x40]  }
0xb3: {  	s22 =	sadd.s32 $0xC0, s22;
	v15 =	vld [tilespmem:s21+$0xFFFFFFD0];
	v17 =	vmin.f32 v17, v21;
	v18 =	vmax.f32 v18, v21  }
0xb4: {  	v19 =	vld [tilespmem:s21+$0x10];
	v17 =	vmin.f32 v17, v16  }
0xb5: {  	v51 =	vmax.f32 v18, v16;
	v8 =	vmin.f32 v8, v14;
	v9 =	vmax.f32 v9, v14;
	v52 =	vld [tilespmem:s21+$0x50]  }
0xb6: {  	v13 =	vmin.f32 v13, v7;
	v8 =	vmin.f32 v8, v3;
	v3 =	vmax.f32 v9, v3  }
0xb7: {  	v55 =	vmax.f32 v10, v7;
	v53 =	vmin.f32 v13, v6;
	v8 =	vmin.f32 v8, v5  }
0xb8: {  	v3 =	vmax.f32 v3, v5;
	v58 =	vmax.f32 v55, v6;
	v56 =	vmin.f32 v11, v15  }
0xb9: {  	v54 =	vmin.f32 v53, v4;
	v57 =	vmax.f32 v12, v15;
	v59 =	vmin.f32 v56, v19  }
0xba: {  	v61 =	vmax.f32 v58, v4;
	v60 =	vmax.f32 v57, v19;
	v62 =	vmin.f32 v59, v52  }
0xbb: {  	v8 =	vmin.f32 v17, v8;
	v63 =	vmax.f32 v60, v52;
	v5 =	vmin.f32 v54, v62  }
0xbc: {  	v3 =	vmax.f32 v51, v3;
	v4 =	vmax.f32 v61, v63;
	v5 =	vmin.f32 v8, v5  }
0xbd: {  	v3 =	vmax.f32 v3, v4;
	(v2sf) =	vpush v5, $0x0  }
0xbe: {  	(v2sf) =	vpush v3, $0x0  }
0xbf: {  	(v2sf) =	vpush v5, $0x1  }
0xc0: {  	(v2sf) =	vpush v3, $0x1  }
0xc1: {  	(v2sf) =	vpush v5, $0x2  }
0xc2: {  	(v2sf) =	vpush v3, $0x2  }
0xc3: {  	(v2sf) =	vpush v5, $0x3  }
0xc4: {  	(v2sf) =	vpush v3, $0x3  }
0xc5: {  	(v2sf) =	vpush v5, $0x4  }
0xc6: {  	(v2sf) =	vpush v3, $0x4  }
0xc7: {  	(v2sf) =	vpush v5, $0x5  }
0xc8: {  	(v2sf) =	vpush v3, $0x5  }
0xc9: {  	(v2sf) =	vpush v5, $0x6  }
0xca: {  	(v2sf) =	vpush v3, $0x6  }
0xcb: {  	(v2sf) =	vpush v5, $0x7  }
0xcc: {  	s0 =	spop (v2sf);
	(v2sf) =	vpush v3, $0x7  }
0xcd: {  	s22 =	spop (v2sf);
	(v2sf) =	vpush v5, $0x8  }
0xce: {  	s23 =	spop (v2sf);
	(v2sf) =	vpush v3, $0x8  }
0xcf: {  	s21 =	smin.f32 s0, s23;
	s1 =	spop (v2sf);
	(v2sf) =	vpush v5, $0x9  }
0xd0: {  	s22 =	smax.f32 s22, s1;
	s2 =	spop (v2sf);
	(v2sf) =	vpush v3, $0x9  }
0xd1: {  	s21 =	smin.f32 s21, s2;
	s4 =	spop (v2sf);
	(v2sf) =	vpush v5, $0xA  }
0xd2: {  	s22 =	smax.f32 s22, s4;
	s5 =	spop (v2sf);
	(v2sf) =	vpush v3, $0xA  }
0xd3: {  	s21 =	smin.f32 s21, s5;
	s10 =	spop (v2sf);
	(v2sf) =	vpush v5, $0xB  }
0xd4: {  	s22 =	smax.f32 s22, s10;
	s12 =	spop (v2sf);
	(v2sf) =	vpush v3, $0xB  }
0xd5: {  	s21 =	smin.f32 s21, s12;
	s14 =	spop (v2sf);
	(v2sf) =	vpush v5, $0xC  }
0xd6: {  	s22 =	smax.f32 s22, s14;
	s24 =	spop (v2sf);
	(v2sf) =	vpush v3, $0xC  }
0xd7: {  	s21 =	smin.f32 s21, s24;
	s25 =	spop (v2sf);
	(v2sf) =	vpush v5, $0xD  }
0xd8: {  	s22 =	smax.f32 s22, s25;
	s26 =	spop (v2sf);
	(v2sf) =	vpush v3, $0xD  }
0xd9: {  	s21 =	smin.f32 s21, s26;
	s28 =	spop (v2sf);
	(v2sf) =	vpush v5, $0xE  }
0xda: {  	s22 =	smax.f32 s22, s28;
	s29 =	spop (v2sf);
	(v2sf) =	vpush v3, $0xE  }
0xdb: {  	s21 =	smin.f32 s21, s29;
	s30 =	spop (v2sf);
	(v2sf) =	vpush v5, $0xF  }
0xdc: {  	s22 =	smax.f32 s22, s30;
	s31 =	spop (v2sf);
	(v2sf) =	vpush v3, $0xF  }
0xdd: {  	s21 =	smin.f32 s21, s31;
	s0 =	spop (v2sf)  }
0xde: {  	s22 =	smax.f32 s22, s0;
	s1 =	spop (v2sf)  }
0xdf: {  	s21 =	smin.f32 s21, s1;
	s2 =	spop (v2sf)  }
0xe0: {  	s22 =	smax.f32 s22, s2;
	s4 =	spop (v2sf)  }
0xe1: {  	s21 =	smin.f32 s21, s4;
	s5 =	spop (v2sf)  }
0xe2: {  	s22 =	smax.f32 s22, s5;
	s10 =	spop (v2sf)  }
0xe3: {  	s21 =	smin.f32 s21, s10;
	s12 =	spop (v2sf)  }
0xe4: {  	s22 =	smax.f32 s22, s12;
	s14 =	spop (v2sf)  }
0xe5: {  	s21 =	smin.f32 s21, s14;
	s24 =	spop (v2sf)  }
0xe6: {  	s22 =	smax.f32 s22, s24;
	s25 =	spop (v2sf)  }
0xe7: {  	s20 =	sadd.s32 $0x1, s20;
	s21 =	smin.f32 s21, s25;
	s26 =	spop (v2sf)  }
0xe8: {  	p0 =	sne.s32 s20, $0xA;
	s22 =	smax.f32 s22, s26;
	s28 =	spop (v2sf)  }
.Ltmp3:
0xe9: {  	s29 =	spop (v2sf);
	(pc) =	sbr.rel @p0 .LBB2_2-.Ltmp3, $4  }
0xea: {  	s21 =	smin.f32 s21, s28;
	s30 =	spop (v2sf)  }
0xeb: {  	s22 =	smax.f32 s22, s29;
	s31 =	spop (v2sf)  }
0xec: {  	s19 =	sadd.s32 $0xCC0, s19;
	s21 =	smin.f32 s21, s30;
	s22 =	smax.f32 s22, s31  }
0xed: {  	s18 =	sadd.s32 $0xCC0, s18;
	s17 =	smax.f32 s17, s21;
	s16 =	smin.f32 s16, s22  }
0xee: {  	_ =	swait.ge [sflag:s11], $0x8000  }
0xef: {  	s18 =	simm.s32 $0x0;
	[sflag:s11] =	ssyncset.done $0x0  }
0xf0: {  	s19 =	simm.s32 $0x7F80;
	s20 =	simm.s32 $0x0;
	[sflag:s11] =	ssyncadd.s32 $0xFFFF8000  }
.LBB2_6:
0xf1: {  	v3 =	vmov s18;
	_ =	sdelay $0x2  }
0xf2: {  	s22 =	sand.u32 $0x3FFC0, s19  }
0xf3: {  	s21 =	simm.s32 $0x0;
	v20 =	vld [tilespmem:s22+$0x80]  }
0xf4: {  	v8 =	vld.idx.msk [tilespmem:v3+s21+$0x8010 ss:$0x1], $0xffff  }
0xf5: {  	v9 =	vld.idx.msk [tilespmem:v3+s21+$0x7FC0 ss:$0x1], $0xffff  }
0xf6: {  	v4 =	vld.idx.msk [tilespmem:v3+s21+$0x7FD0 ss:$0x1], $0xffff  }
0xf7: {  	v19 =	vld.idx.msk [tilespmem:v3+s21+$0x7F80 ss:$0x1], $0xffff  }
0xf8: {  	v14 =	vld.idx.msk [tilespmem:v3+s21+$0x7F90 ss:$0x1], $0xffff  }
0xf9: {  	v17 =	vimm.f32 $+Inf;
	v18 =	vimm.f32 $-Inf;
	v5 =	vld.idx.msk [tilespmem:v3+s21+$0x7FA0 ss:$0x1], $0xffff  }
0xfa: {  	v13 =	vimm.f32 $+Inf;
	v15 =	vimm.f32 $-Inf;
	v16 =	vimm.f32 $+Inf;
	v7 =	vld.idx.msk [tilespmem:v3+s21+$0x7FE0 ss:$0x1], $0xffff  }
0xfb: {  	v10 =	vimm.f32 $-Inf;
	v11 =	vimm.f32 $+Inf;
	v12 =	vimm.f32 $-Inf;
	s23 =	smov.u32 s19;
	s22 =	simm.s32 $0x300;
	v6 =	vld.idx.msk [tilespmem:v3+s21+$0x8020 ss:$0x1], $0xffff  }
.LBB2_7:
0xfc: {  	p0 =	sne.s32 s22, $0x3000;
	v17 =	vmin.f32 v17, v19;
	v18 =	vmax.f32 v18, v19;
	v21 =	vld.idx.msk [tilespmem:v3+s21+$0x7FB0 ss:$0x1], $0xffff  }
0xfd: {  	v17 =	vmin.f32 v17, v9;
	v9 =	vmax.f32 v18, v9;
	v22 =	vld.idx.msk [tilespmem:v3+s21+$0x7FF0 ss:$0x1], $0xffff  }
0xfe: {  	v17 =	vmin.f32 v17, v20;
	v18 =	vmax.f32 v9, v20;
	v20 =	vld.idx.msk [tilespmem:v3+s21+$0x8030 ss:$0x1], $0xffff;
	s21 =	sshra.s32 s22, $0x2  }
0xff: {  	v13 =	vmin.f32 v13, v14;
	v14 =	vmax.f32 v15, v14;
	v15 =	vmin.f32 v16, v5;
	v23 =	vld.idx.msk [tilespmem:v3+s21+$0x8010 ss:$0x1], $0xffff  }
0x100: {  	v13 =	vmin.f32 v13, v4;
	v14 =	vmax.f32 v14, v4;
	v16 =	vmin.f32 v15, v7;
	v9 =	vld.idx.msk [tilespmem:v3+s21+$0x7FC0 ss:$0x1], $0xffff  }
0x101: {  	v13 =	vmin.f32 v13, v8;
	v15 =	vmax.f32 v14, v8;
	v16 =	vmin.f32 v16, v6;
	v4 =	vld.idx.msk [tilespmem:v3+s21+$0x7FD0 ss:$0x1], $0xffff  }
0x102: {  	v5 =	vmax.f32 v10, v5;
	v8 =	vmin.f32 v11, v21;
	v10 =	vmax.f32 v12, v21;
	v19 =	vld.idx.msk [tilespmem:v3+s21+$0x7F80 ss:$0x1], $0xffff  }
.Ltmp4:
0x103: {  	s23 =	sadd.s32 $0xC0, s23;
	v7 =	vmax.f32 v5, v7;
	v21 =	vmin.f32 v8, v22;
	v12 =	vmax.f32 v10, v22;
	v14 =	vld.idx.msk [tilespmem:v3+s21+$0x7F90 ss:$0x1], $0xffff;
	(pc) =	sbr.rel @p0 .LBB2_7-.Ltmp4, $4  }
0x104: {  	s24 =	sand.u32 $0x3FFC0, s23;
	v10 =	vmax.f32 v7, v6;
	v11 =	vmin.f32 v21, v20;
	v12 =	vmax.f32 v12, v20;
	v5 =	vld.idx.msk [tilespmem:v3+s21+$0x7FA0 ss:$0x1], $0xffff  }
0x105: {  	v8 =	vmov v23;
	v20 =	vld [tilespmem:s24+$0x80]  }
0x106: {  	v7 =	vld.idx.msk [tilespmem:v3+s21+$0x7FE0 ss:$0x1], $0xffff  }
0x107: {  	s22 =	sadd.s32 $0x300, s22;
	v6 =	vld.idx.msk [tilespmem:v3+s21+$0x8020 ss:$0x1], $0xffff  }
0x108: {  	_ =	sdelay $0x3  }
0x109: {  	v17 =	vmin.f32 v17, v19;
	v18 =	vmax.f32 v18, v19;
	v49 =	vld.idx.msk [tilespmem:v3+s21+$0x7FB0 ss:$0x1], $0xffff  }
0x10a: {  	v51 =	vld.idx.msk [tilespmem:v3+s21+$0x7FF0 ss:$0x1], $0xffff;
	v13 =	vmin.f32 v13, v14;
	v52 =	vmax.f32 v15, v14;
	v17 =	vmin.f32 v17, v9  }
0x10b: {  	v3 =	vld.idx.msk [tilespmem:v3+s21+$0x8030 ss:$0x1], $0xffff;
	v50 =	vmax.f32 v18, v9;
	v53 =	vmin.f32 v16, v5;
	v13 =	vmin.f32 v13, v4  }
0x10c: {  	v54 =	vmax.f32 v52, v4;
	v57 =	vmax.f32 v10, v5;
	v17 =	vmin.f32 v17, v20  }
0x10d: {  	v9 =	vmax.f32 v50, v20;
	v13 =	vmin.f32 v13, v8;
	v4 =	vmax.f32 v54, v8  }
0x10e: {  	v55 =	vmin.f32 v53, v7;
	v5 =	vmax.f32 v57, v7;
	v58 =	vmin.f32 v11, v49  }
0x10f: {  	v63 =	vmin.f32 v17, v13;
	v59 =	vmax.f32 v12, v49;
	v60 =	vmin.f32 v58, v51  }
0x110: {  	v56 =	vmin.f32 v55, v6;
	v61 =	vmax.f32 v59, v51;
	v62 =	vmin.f32 v60, v3  }
0x111: {  	v5 =	vmax.f32 v5, v6;
	v3 =	vmax.f32 v61, v3;
	v6 =	vmin.f32 v56, v62  }
0x112: {  	v4 =	vmax.f32 v9, v4;
	v3 =	vmax.f32 v5, v3;
	v6 =	vmin.f32 v63, v6  }
0x113: {  	v3 =	vmax.f32 v4, v3;
	(v2sf) =	vpush v6, $0x0  }
0x114: {  	(v2sf) =	vpush v3, $0x0  }
0x115: {  	(v2sf) =	vpush v6, $0x1  }
0x116: {  	(v2sf) =	vpush v3, $0x1  }
0x117: {  	(v2sf) =	vpush v6, $0x2  }
0x118: {  	(v2sf) =	vpush v3, $0x2  }
0x119: {  	(v2sf) =	vpush v6, $0x3  }
0x11a: {  	(v2sf) =	vpush v3, $0x3  }
0x11b: {  	(v2sf) =	vpush v6, $0x4  }
0x11c: {  	(v2sf) =	vpush v3, $0x4  }
0x11d: {  	(v2sf) =	vpush v6, $0x5  }
0x11e: {  	(v2sf) =	vpush v3, $0x5  }
0x11f: {  	(v2sf) =	vpush v6, $0x6  }
0x120: {  	(v2sf) =	vpush v3, $0x6  }
0x121: {  	(v2sf) =	vpush v6, $0x7  }
0x122: {  	s0 =	spop (v2sf);
	(v2sf) =	vpush v3, $0x7  }
0x123: {  	s22 =	spop (v2sf);
	(v2sf) =	vpush v6, $0x8  }
0x124: {  	s23 =	spop (v2sf);
	(v2sf) =	vpush v3, $0x8  }
0x125: {  	s21 =	smin.f32 s0, s23;
	s1 =	spop (v2sf);
	(v2sf) =	vpush v6, $0x9  }
0x126: {  	s22 =	smax.f32 s22, s1;
	s2 =	spop (v2sf);
	(v2sf) =	vpush v3, $0x9  }
0x127: {  	s21 =	smin.f32 s21, s2;
	s4 =	spop (v2sf);
	(v2sf) =	vpush v6, $0xA  }
0x128: {  	s22 =	smax.f32 s22, s4;
	s5 =	spop (v2sf);
	(v2sf) =	vpush v3, $0xA  }
0x129: {  	s21 =	smin.f32 s21, s5;
	s10 =	spop (v2sf);
	(v2sf) =	vpush v6, $0xB  }
0x12a: {  	s22 =	smax.f32 s22, s10;
	s12 =	spop (v2sf);
	(v2sf) =	vpush v3, $0xB  }
0x12b: {  	s21 =	smin.f32 s21, s12;
	s14 =	spop (v2sf);
	(v2sf) =	vpush v6, $0xC  }
0x12c: {  	s22 =	smax.f32 s22, s14;
	s24 =	spop (v2sf);
	(v2sf) =	vpush v3, $0xC  }
0x12d: {  	s21 =	smin.f32 s21, s24;
	s25 =	spop (v2sf);
	(v2sf) =	vpush v6, $0xD  }
0x12e: {  	s22 =	smax.f32 s22, s25;
	s26 =	spop (v2sf);
	(v2sf) =	vpush v3, $0xD  }
0x12f: {  	s21 =	smin.f32 s21, s26;
	s28 =	spop (v2sf);
	(v2sf) =	vpush v6, $0xE  }
0x130: {  	s22 =	smax.f32 s22, s28;
	s29 =	spop (v2sf);
	(v2sf) =	vpush v3, $0xE  }
0x131: {  	s21 =	smin.f32 s21, s29;
	s30 =	spop (v2sf);
	(v2sf) =	vpush v6, $0xF  }
0x132: {  	s22 =	smax.f32 s22, s30;
	s31 =	spop (v2sf);
	(v2sf) =	vpush v3, $0xF  }
0x133: {  	s21 =	smin.f32 s21, s31;
	s0 =	spop (v2sf)  }
0x134: {  	s22 =	smax.f32 s22, s0;
	s1 =	spop (v2sf)  }
0x135: {  	s21 =	smin.f32 s21, s1;
	s2 =	spop (v2sf)  }
0x136: {  	s22 =	smax.f32 s22, s2;
	s4 =	spop (v2sf)  }
0x137: {  	s21 =	smin.f32 s21, s4;
	s5 =	spop (v2sf)  }
0x138: {  	s22 =	smax.f32 s22, s5;
	s10 =	spop (v2sf)  }
0x139: {  	s21 =	smin.f32 s21, s10;
	s12 =	spop (v2sf)  }
0x13a: {  	s22 =	smax.f32 s22, s12;
	s14 =	spop (v2sf)  }
0x13b: {  	s21 =	smin.f32 s21, s14;
	s24 =	spop (v2sf)  }
0x13c: {  	s22 =	smax.f32 s22, s24;
	s25 =	spop (v2sf)  }
0x13d: {  	s20 =	sadd.s32 $0x1, s20;
	s21 =	smin.f32 s21, s25;
	s26 =	spop (v2sf)  }
0x13e: {  	p0 =	sne.s32 s20, $0xA;
	s22 =	smax.f32 s22, s26;
	s28 =	spop (v2sf)  }
.Ltmp5:
0x13f: {  	s29 =	spop (v2sf);
	(pc) =	sbr.rel @p0 .LBB2_6-.Ltmp5, $4  }
0x140: {  	s21 =	smin.f32 s21, s28;
	s30 =	spop (v2sf)  }
0x141: {  	s22 =	smax.f32 s22, s29;
	s31 =	spop (v2sf)  }
0x142: {  	s19 =	sadd.s32 $0xCC0, s19;
	s21 =	smin.f32 s21, s30;
	s22 =	smax.f32 s22, s31  }
0x143: {  	s18 =	sadd.s32 $0xCC0, s18;
	s17 =	smax.f32 s17, s21;
	s16 =	smin.f32 s16, s22  }
0x144: {  	s18 =	simm.s32 $0x40  }
0x145: {  	v8 =	vld [tilespmem:s18+$0xFFFFFFC0]  }
0x146: {  	v11 =	vld [tilespmem:s18+$0xFFFFFFD0]  }
0x147: {  	v9 =	vld [tilespmem:s18+$0xFFFFFFE0]  }
0x148: {  	v10 =	vld [tilespmem:s18+$0xFFFFFFF0];
	_ =	sdelay $0x1  }
0x149: {  	v3 =	vmov s17;
	v7 =	vld [tilespmem:s18+$0x0]  }
0x14a: {  	v4 =	vmov s16;
	v6 =	vld [tilespmem:s18+$0x10];
	vm3 =	vle.f32 v8, v3  }
0x14b: {  	v5 =	vld [tilespmem:s18+$0x20];
	vm5 =	vle.f32 v11, v3;
	vm0 =	vge.f32 v8, v4;
	vm1 =	vge.f32 v11, v4  }
0x14c: {  	s16 =	simm.s32 $0x0;
	s19 =	simm.s32 $0x40;
	s17 =	simm.s32 $0x0;
	v8 =	vld [tilespmem:s18+$0x30];
	vm2 =	vle.f32 v9, v3;
	vm4 =	vle.f32 v10, v3;
	vm3 =	vmor vm3, vm5  }
.LBB2_10:
0x14d: {  	p0 =	sne.s32 s19, $0x7FC0;
	vm5 =	vge.f32 v9, v4;
	vm6 =	vge.f32 v10, v4;
	vm2 =	vmor vm2, vm4  }
0x14e: {  	vm0 =	vmor vm0, vm1;
	vm2 =	vmor vm3, vm2;
	vm1 =	vmor vm5, vm6  }
0x14f: {  	vm3 =	vle.f32 v7, v3;
	vm5 =	vge.f32 v7, v4;
	vm4 =	vle.f32 v6, v3  }
0x150: {  	vm7 =	vge.f32 v6, v4;
	vm6 =	vle.f32 v5, v3;
	vm3 =	vmor vm3, vm4  }
0x151: {  	vm8 =	vge.f32 v5, v4;
	vm4 =	vle.f32 v8, v3;
	vm9 =	vge.f32 v8, v4  }
0x152: {  	vm5 =	vmor vm5, vm7;
	vm4 =	vmor vm6, vm4;
	vm6 =	vmor vm8, vm9  }
0x153: {  	vm0 =	vmor vm0, vm1;
	vm3 =	vmor vm3, vm4;
	vm1 =	vmor vm5, vm6  }
0x154: {  	vm2 =	vmor vm2, vm3;
	vm0 =	vmor vm0, vm1  }
0x155: {  	vm0 =	vmor vm2, vm0  }
0x156: {  	s20 =	sshra.s32 s17, $0x2;
	s17 =	smov.u32 s19;
	v5 =	vsel vm0, $0x1, v2  }
0x157: {  	s18 =	sadd.s32 $0x80, s18;
	[tilespmem:s20+$0x10800] =	vst v5  }
0x158: {  	v8 =	vld [tilespmem:s18+$0xFFFFFFC0]  }
0x159: {  	v11 =	vld [tilespmem:s18+$0xFFFFFFD0]  }
0x15a: {  	v9 =	vld [tilespmem:s18+$0xFFFFFFE0]  }
0x15b: {  	v10 =	vld [tilespmem:s18+$0xFFFFFFF0]  }
.Ltmp6:
0x15c: {  	(pc) =	sbr.rel @p0 .LBB2_10-.Ltmp6, $4  }
0x15d: {  	v7 =	vld [tilespmem:s18+$0x0]  }
0x15e: {  	vm3 =	vle.f32 v8, v3;
	v6 =	vld [tilespmem:s18+$0x10]  }
0x15f: {  	vm0 =	vge.f32 v8, v4;
	vm5 =	vle.f32 v11, v3;
	vm1 =	vge.f32 v11, v4;
	v5 =	vld [tilespmem:s18+$0x20]  }
0x160: {  	s19 =	sadd.s32 $0x40, s19;
	vm2 =	vle.f32 v9, v3;
	vm3 =	vmor vm3, vm5;
	v8 =	vld [tilespmem:s18+$0x30];
	vm4 =	vle.f32 v10, v3  }
0x161: {  	vm5 =	vge.f32 v9, v4;
	vm6 =	vge.f32 v10, v4;
	vm2 =	vmor vm2, vm4  }
0x162: {  	vm0 =	vmor vm0, vm1;
	vm2 =	vmor vm3, vm2;
	vm1 =	vmor vm5, vm6  }
0x163: {  	vm13 =	vle.f32 v7, v3;
	vm15 =	vge.f32 v7, v4;
	vm14 =	vle.f32 v6, v3  }
0x164: {  	vm7 =	vge.f32 v6, v4;
	vm12 =	vle.f32 v5, v3;
	vm3 =	vmor vm13, vm14  }
0x165: {  	vm8 =	vge.f32 v5, v4;
	vm13 =	vle.f32 v8, v3;
	vm9 =	vge.f32 v8, v4  }
0x166: {  	vm5 =	vmor vm15, vm7;
	vm4 =	vmor vm12, vm13;
	vm14 =	vmor vm8, vm9  }
.Ltmp7:
0x167: {  	vm0 =	vmor vm0, vm1;
	vm3 =	vmor vm3, vm4;
	vm15 =	vmor vm5, vm14;
	(pc) =	sbr.rel .LBB2_12-.Ltmp7, $4  }
0x168: {  	vm2 =	vmor vm2, vm3;
	vm0 =	vmor vm0, vm15  }
0x169: {  	vm0 =	vmor vm2, vm0  }
0x16a: {  	s17 =	sshra.s32 s17, $0x2;
	v5 =	vsel vm0, $0x1, v2  }
0x16b: {  	s20 =	simm.s32 $0x0;
	s21 =	simm.s32 $0x0;
	[tilespmem:s17+$0x10800] =	vst v5;
	s17 =	simm.s32 $0x200  }
.LBB2_28:
0x16c: {  	s16 =	sadd.s32 $0x200, s16  }
0x16d: {  	p0 =	sne.s32 s16, $0x8000  }
.Ltmp8:
0x16e: {  	_ = 	snop;
	(pc) =	sbr.rel @!p0 .LBB2_29-.Ltmp8, $2  }
0x16f: {  	_ =	sdelay $0x2  }
0x170: {  	s17 =	sadd.s32 $0x400, s17  }
.LBB2_12:
0x171: {  	s18 =	sshra.s32 s16, $0x2  }
0x172: {  	v5 =	vld [tilespmem:s18+$0x10800]  }
0x173: {  	v6 =	vld [tilespmem:s18+$0x10810]  }
0x174: {  	v7 =	vld [tilespmem:s18+$0x10820]  }
0x175: {  	v8 =	vld [tilespmem:s18+$0x10830]  }
0x176: {  	v9 =	vld [tilespmem:s18+$0x10840]  }
0x177: {  	vm0 =	vgt.s32 v5, $0x0;
	v5 =	vld [tilespmem:s18+$0x10850]  }
0x178: {  	vm9 =	vgt.s32 v6, $0x0;
	v6 =	vld [tilespmem:s18+$0x10860];
	v10 =	vmpcnt.ones.xlane vm0  }
0x179: {  	vm10 =	vgt.s32 v7, $0x0;
	v7 =	vld [tilespmem:s18+$0x10870];
	v11 =	vmpcnt.ones.xlane vm9  }
0x17a: {  	vm11 =	vgt.s32 v8, $0x0;
	v12 =	vmpcnt.ones.xlane vm10;
	(v2sf) =	vpush v10, $0x0  }
0x17b: {  	vm12 =	vgt.s32 v9, $0x0;
	v8 =	vmpcnt.ones.xlane vm11;
	(v2sf) =	vpush v11, $0x0  }
0x17c: {  	v9 =	vmpcnt.ones.xlane vm12;
	vm13 =	vgt.s32 v5, $0x0;
	(v2sf) =	vpush v12, $0x0  }
0x17d: {  	vm14 =	vgt.s32 v6, $0x0;
	v5 =	vmpcnt.ones.xlane vm13;
	(v2sf) =	vpush v8, $0x0  }
0x17e: {  	vm15 =	vgt.s32 v7, $0x0;
	v6 =	vmpcnt.ones.xlane vm14;
	(v2sf) =	vpush v9, $0x0  }
0x17f: {  	v7 =	vmpcnt.ones.xlane vm15;
	(v2sf) =	vpush v5, $0x0  }
0x180: {  	(v2sf) =	vpush v6, $0x0  }
0x181: {  	(v2sf) =	vpush v7, $0x0;
	_ =	sdelay $0x7  }
0x182: {  	s31 =	spop (v2sf)  }
0x183: {  	s26 =	spop (v2sf)  }
0x184: {  	p0 =	slt.s32 s31, $0x1;
	s25 =	spop (v2sf)  }
.Ltmp9:
0x185: {  	s24 =	spop (v2sf);
	(pc) =	sbr.rel @p0 .LBB2_14-.Ltmp9, $4  }
0x186: {  	s23 =	spop (v2sf)  }
0x187: {  	s22 =	spop (v2sf)  }
0x188: {  	s19 =	spop (v2sf)  }
0x189: {  	s18 =	spop (v2sf)  }
0x18a: {  	v5 =	vld [tilespmem:s17+$0xFFFFFE00]  }
0x18b: {  	v6 =	vld [tilespmem:s17+$0xFFFFFE10]  }
0x18c: {  	v7 =	vld [tilespmem:s17+$0xFFFFFE20]  }
0x18d: {  	v8 =	vld [tilespmem:s17+$0xFFFFFE30]  }
0x18e: {  	v9 =	vld [tilespmem:s17+$0xFFFFFE40]  }
0x18f: {  	v10 =	vld [tilespmem:s17+$0xFFFFFE50];
	vm7 =	vle.f32 v5, v3  }
0x190: {  	v11 =	vld [tilespmem:s17+$0xFFFFFE60];
	vm6 =	vle.f32 v6, v3;
	v12 =	vmpcnt.ones.xlane vm7  }
0x191: {  	v13 =	vld [tilespmem:s17+$0xFFFFFE70];
	vm5 =	vle.f32 v7, v3;
	v14 =	vmpcnt.ones.xlane vm6  }
0x192: {  	vm4 =	vle.f32 v8, v3;
	v15 =	vmpcnt.ones.xlane vm5;
	(v2sf) =	vpush v12, $0x0  }
0x193: {  	vm3 =	vle.f32 v9, v3;
	v51 =	vmpcnt.ones.xlane vm4;
	(v2sf) =	vpush v14, $0x0  }
0x194: {  	vm2 =	vle.f32 v10, v3;
	v52 =	vmpcnt.ones.xlane vm3;
	(v2sf) =	vpush v15, $0x0  }
0x195: {  	vm1 =	vle.f32 v11, v3;
	v53 =	vmpcnt.ones.xlane vm2;
	(v2sf) =	vpush v51, $0x0  }
0x196: {  	vm0 =	vle.f32 v13, v3;
	v54 =	vmpcnt.ones.xlane vm1;
	(v2sf) =	vpush v52, $0x0  }
0x197: {  	vm15 =	vge.f32 v5, v4;
	v55 =	vmpcnt.ones.xlane vm0;
	(v2sf) =	vpush v53, $0x0  }
0x198: {  	v56 =	vmpcnt.ones.xlane vm15;
	(v2sf) =	vpush v54, $0x0  }
0x199: {  	(v2sf) =	vpush v55, $0x0  }
0x19a: {  	vm14 =	vge.f32 v6, v4;
	(v2sf) =	vpush v56, $0x0  }
0x19b: {  	v57 =	vmpcnt.ones.xlane vm14;
	_ =	sdelay $0x1  }
0x19c: {  	vm13 =	vge.f32 v7, v4;
	(v2sf) =	vpush v57, $0x0  }
0x19d: {  	v58 =	vmpcnt.ones.xlane vm13;
	_ =	sdelay $0x1  }
0x19e: {  	vm12 =	vge.f32 v8, v4;
	(v2sf) =	vpush v58, $0x0  }
0x19f: {  	v59 =	vmpcnt.ones.xlane vm12;
	s30 =	spop (v2sf)  }
0x1a0: {  	s31 =	spop (v2sf)  }
0x1a1: {  	vm11 =	vge.f32 v9, v4;
	(v2sf) =	vpush v59, $0x0;
	s0 =	spop (v2sf)  }
0x1a2: {  	v60 =	vmpcnt.ones.xlane vm11;
	s1 =	spop (v2sf)  }
0x1a3: {  	s10 =	spop (v2sf)  }
0x1a4: {  	vm8 =	vge.f32 v10, v4;
	(v2sf) =	vpush v60, $0x0;
	s12 =	spop (v2sf)  }
0x1a5: {  	v61 =	vmpcnt.ones.xlane vm8;
	s29 =	spop (v2sf)  }
0x1a6: {  	s28 =	spop (v2sf)  }
0x1a7: {  	vm9 =	vge.f32 v11, v4;
	(v2sf) =	vpush v61, $0x0;
	s14 =	spop (v2sf)  }
0x1a8: {  	v62 =	vmpcnt.ones.xlane vm9;
	s30 =	sadd.s32 s21, s30;
	s14 =	sadd.s32 s20, s14  }
0x1a9: {  	p0 =	slt.s32 s30, $0x3F0;
	p1 =	slt.s32 s14, $0x3F0  }
0x1aa: {  	vm10 =	vge.f32 v13, v4;
	(v2sf) =	vpush v62, $0x0;
	s30 =	simm.s32 @!p0 $0x3F0;
	s2 =	spop (v2sf);
	s14 =	simm.s32 @!p1 $0x3F0  }
0x1ab: {  	v63 =	vmpcnt.ones.xlane vm10;
	s31 =	sadd.s32 s31, s30;
	s2 =	sadd.s32 s2, s14  }
0x1ac: {  	p0 =	slt.s32 s31, $0x3F0;
	p1 =	slt.s32 s2, $0x3F0  }
0x1ad: {  	(v2sf) =	vpush v63, $0x0;
	s31 =	simm.s32 @!p0 $0x3F0;
	s4 =	spop (v2sf);
	s2 =	simm.s32 @!p1 $0x3F0  }
0x1ae: {  	s0 =	sadd.s32 s0, s31;
	s4 =	sadd.s32 s4, s2  }
0x1af: {  	p0 =	slt.s32 s0, $0x3F0;
	p1 =	slt.s32 s4, $0x3F0  }
0x1b0: {  	[tilespmem:s21+$0x10000] =	vst.msk vm7, v5;
	s0 =	simm.s32 @!p0 $0x3F0;
	s5 =	spop (v2sf);
	s4 =	simm.s32 @!p1 $0x3F0  }
0x1b1: {  	[tilespmem:s20+$0x10400] =	vst.msk vm15, v5;
	s1 =	sadd.s32 s1, s0;
	s5 =	sadd.s32 s5, s4  }
0x1b2: {  	[tilespmem:s30+$0x10000] =	vst.msk vm6, v6;
	p0 =	slt.s32 s1, $0x3F0;
	p1 =	slt.s32 s5, $0x3F0  }
0x1b3: {  	[tilespmem:s14+$0x10400] =	vst.msk vm14, v6;
	s1 =	simm.s32 @!p0 $0x3F0;
	s21 =	spop (v2sf);
	s5 =	simm.s32 @!p1 $0x3F0  }
0x1b4: {  	[tilespmem:s31+$0x10000] =	vst.msk vm5, v7;
	s10 =	sadd.s32 s10, s1;
	s14 =	sadd.s32 s21, s5  }
0x1b5: {  	p0 =	slt.s32 s10, $0x3F0;
	[tilespmem:s2+$0x10400] =	vst.msk vm13, v7;
	p1 =	slt.s32 s14, $0x3F0  }
0x1b6: {  	s10 =	simm.s32 @!p0 $0x3F0;
	[tilespmem:s0+$0x10000] =	vst.msk vm4, v8;
	s21 =	spop (v2sf);
	s14 =	simm.s32 @!p1 $0x3F0  }
0x1b7: {  	s0 =	sadd.s32 s12, s10;
	[tilespmem:s4+$0x10400] =	vst.msk vm12, v8;
	s2 =	sadd.s32 s21, s14  }
0x1b8: {  	p0 =	slt.s32 s0, $0x3F0;
	[tilespmem:s1+$0x10000] =	vst.msk vm3, v9;
	p1 =	slt.s32 s2, $0x3F0  }
0x1b9: {  	s0 =	simm.s32 @!p0 $0x3F0;
	[tilespmem:s5+$0x10400] =	vst.msk vm11, v9;
	s30 =	spop (v2sf);
	s2 =	simm.s32 @!p1 $0x3F0  }
0x1ba: {  	s1 =	sadd.s32 s29, s0;
	[tilespmem:s10+$0x10000] =	vst.msk vm2, v10;
	s4 =	sadd.s32 s30, s2  }
0x1bb: {  	p0 =	slt.s32 s1, $0x3F0;
	[tilespmem:s14+$0x10400] =	vst.msk vm8, v10;
	p1 =	slt.s32 s4, $0x3F0  }
0x1bc: {  	s1 =	simm.s32 @!p0 $0x3F0;
	s31 =	spop (v2sf);
	[tilespmem:s0+$0x10000] =	vst.msk vm1, v11;
	s4 =	simm.s32 @!p1 $0x3F0  }
0x1bd: {  	s21 =	sadd.s32 s28, s1;
	[tilespmem:s2+$0x10400] =	vst.msk vm9, v11;
	s20 =	sadd.s32 s31, s4  }
0x1be: {  	p0 =	slt.s32 s21, $0x3F0;
	[tilespmem:s1+$0x10000] =	vst.msk vm0, v13;
	p1 =	slt.s32 s20, $0x3F0  }
0x1bf: {  	s21 =	simm.s32 @!p0 $0x3F0;
	[tilespmem:s4+$0x10400] =	vst.msk vm10, v13;
	s20 =	simm.s32 @!p1 $0x3F0  }
.LBB2_14:
0x1c0: {  	p0 =	slt.s32 s26, $0x1  }
.Ltmp10:
0x1c1: {  	_ = 	snop;
	(pc) =	sbr.rel @p0 .LBB2_16-.Ltmp10, $1  }
0x1c2: {  	_ =	sdelay $0x3  }
0x1c3: {  	v5 =	vld [tilespmem:s17+$0xFFFFFE80]  }
0x1c4: {  	v6 =	vld [tilespmem:s17+$0xFFFFFE90]  }
0x1c5: {  	v7 =	vld [tilespmem:s17+$0xFFFFFEA0]  }
0x1c6: {  	v8 =	vld [tilespmem:s17+$0xFFFFFEB0]  }
0x1c7: {  	v9 =	vld [tilespmem:s17+$0xFFFFFEC0]  }
0x1c8: {  	v10 =	vld [tilespmem:s17+$0xFFFFFED0];
	vm7 =	vle.f32 v5, v3  }
0x1c9: {  	v11 =	vld [tilespmem:s17+$0xFFFFFEE0];
	vm6 =	vle.f32 v6, v3;
	v12 =	vmpcnt.ones.xlane vm7  }
0x1ca: {  	v13 =	vld [tilespmem:s17+$0xFFFFFEF0];
	vm5 =	vle.f32 v7, v3;
	v14 =	vmpcnt.ones.xlane vm6  }
0x1cb: {  	vm4 =	vle.f32 v8, v3;
	v15 =	vmpcnt.ones.xlane vm5;
	(v2sf) =	vpush v12, $0x0  }
0x1cc: {  	vm3 =	vle.f32 v9, v3;
	v51 =	vmpcnt.ones.xlane vm4;
	(v2sf) =	vpush v14, $0x0  }
0x1cd: {  	vm2 =	vle.f32 v10, v3;
	v52 =	vmpcnt.ones.xlane vm3;
	(v2sf) =	vpush v15, $0x0  }
0x1ce: {  	vm1 =	vle.f32 v11, v3;
	v53 =	vmpcnt.ones.xlane vm2;
	(v2sf) =	vpush v51, $0x0  }
0x1cf: {  	vm0 =	vle.f32 v13, v3;
	v54 =	vmpcnt.ones.xlane vm1;
	(v2sf) =	vpush v52, $0x0  }
0x1d0: {  	vm15 =	vge.f32 v5, v4;
	v55 =	vmpcnt.ones.xlane vm0;
	(v2sf) =	vpush v53, $0x0  }
0x1d1: {  	v56 =	vmpcnt.ones.xlane vm15;
	(v2sf) =	vpush v54, $0x0  }
0x1d2: {  	(v2sf) =	vpush v55, $0x0  }
0x1d3: {  	vm14 =	vge.f32 v6, v4;
	(v2sf) =	vpush v56, $0x0  }
0x1d4: {  	v57 =	vmpcnt.ones.xlane vm14;
	_ =	sdelay $0x1  }
0x1d5: {  	vm13 =	vge.f32 v7, v4;
	(v2sf) =	vpush v57, $0x0  }
0x1d6: {  	v58 =	vmpcnt.ones.xlane vm13;
	_ =	sdelay $0x1  }
0x1d7: {  	vm12 =	vge.f32 v8, v4;
	(v2sf) =	vpush v58, $0x0  }
0x1d8: {  	v59 =	vmpcnt.ones.xlane vm12;
	s0 =	spop (v2sf)  }
0x1d9: {  	s1 =	spop (v2sf)  }
0x1da: {  	vm11 =	vge.f32 v9, v4;
	(v2sf) =	vpush v59, $0x0;
	s2 =	spop (v2sf)  }
0x1db: {  	v60 =	vmpcnt.ones.xlane vm11;
	s4 =	spop (v2sf)  }
0x1dc: {  	s5 =	spop (v2sf)  }
0x1dd: {  	vm8 =	vge.f32 v10, v4;
	(v2sf) =	vpush v60, $0x0;
	s10 =	spop (v2sf)  }
0x1de: {  	v61 =	vmpcnt.ones.xlane vm8;
	s28 =	spop (v2sf)  }
0x1df: {  	s26 =	spop (v2sf)  }
0x1e0: {  	vm9 =	vge.f32 v11, v4;
	(v2sf) =	vpush v61, $0x0;
	s12 =	spop (v2sf)  }
0x1e1: {  	v62 =	vmpcnt.ones.xlane vm9;
	s0 =	sadd.s32 s21, s0;
	s12 =	sadd.s32 s20, s12  }
0x1e2: {  	p0 =	slt.s32 s0, $0x3F0;
	p1 =	slt.s32 s12, $0x3F0  }
0x1e3: {  	vm10 =	vge.f32 v13, v4;
	(v2sf) =	vpush v62, $0x0;
	s0 =	simm.s32 @!p0 $0x3F0;
	s14 =	spop (v2sf);
	s12 =	simm.s32 @!p1 $0x3F0  }
0x1e4: {  	v63 =	vmpcnt.ones.xlane vm10;
	s1 =	sadd.s32 s1, s0;
	s14 =	sadd.s32 s14, s12  }
0x1e5: {  	p0 =	slt.s32 s1, $0x3F0;
	p1 =	slt.s32 s14, $0x3F0  }
0x1e6: {  	(v2sf) =	vpush v63, $0x0;
	s1 =	simm.s32 @!p0 $0x3F0;
	s29 =	spop (v2sf);
	s14 =	simm.s32 @!p1 $0x3F0  }
0x1e7: {  	s2 =	sadd.s32 s2, s1;
	s29 =	sadd.s32 s29, s14  }
0x1e8: {  	p0 =	slt.s32 s2, $0x3F0;
	p1 =	slt.s32 s29, $0x3F0  }
0x1e9: {  	[tilespmem:s21+$0x10000] =	vst.msk vm7, v5;
	s2 =	simm.s32 @!p0 $0x3F0;
	s30 =	spop (v2sf);
	s29 =	simm.s32 @!p1 $0x3F0  }
0x1ea: {  	[tilespmem:s20+$0x10400] =	vst.msk vm15, v5;
	s4 =	sadd.s32 s4, s2;
	s20 =	sadd.s32 s30, s29  }
0x1eb: {  	[tilespmem:s0+$0x10000] =	vst.msk vm6, v6;
	p0 =	slt.s32 s4, $0x3F0;
	p1 =	slt.s32 s20, $0x3F0  }
0x1ec: {  	[tilespmem:s12+$0x10400] =	vst.msk vm14, v6;
	s4 =	simm.s32 @!p0 $0x3F0;
	s31 =	spop (v2sf);
	s20 =	simm.s32 @!p1 $0x3F0  }
0x1ed: {  	[tilespmem:s1+$0x10000] =	vst.msk vm5, v7;
	s0 =	sadd.s32 s5, s4;
	s1 =	sadd.s32 s31, s20  }
0x1ee: {  	p0 =	slt.s32 s0, $0x3F0;
	[tilespmem:s14+$0x10400] =	vst.msk vm13, v7;
	p1 =	slt.s32 s1, $0x3F0  }
0x1ef: {  	s0 =	simm.s32 @!p0 $0x3F0;
	[tilespmem:s2+$0x10000] =	vst.msk vm4, v8;
	s21 =	spop (v2sf);
	s1 =	simm.s32 @!p1 $0x3F0  }
0x1f0: {  	s2 =	sadd.s32 s10, s0;
	[tilespmem:s29+$0x10400] =	vst.msk vm12, v8;
	s5 =	sadd.s32 s21, s1  }
0x1f1: {  	p0 =	slt.s32 s2, $0x3F0;
	[tilespmem:s4+$0x10000] =	vst.msk vm3, v9;
	p1 =	slt.s32 s5, $0x3F0  }
0x1f2: {  	s30 =	spop (v2sf);
	s2 =	simm.s32 @!p0 $0x3F0;
	[tilespmem:s20+$0x10400] =	vst.msk vm11, v9;
	s5 =	simm.s32 @!p1 $0x3F0  }
0x1f3: {  	[tilespmem:s0+$0x10000] =	vst.msk vm2, v10;
	s0 =	sadd.s32 s28, s2;
	s4 =	sadd.s32 s30, s5  }
0x1f4: {  	p0 =	slt.s32 s0, $0x3F0;
	[tilespmem:s1+$0x10400] =	vst.msk vm8, v10;
	p1 =	slt.s32 s4, $0x3F0  }
0x1f5: {  	s31 =	spop (v2sf);
	s0 =	simm.s32 @!p0 $0x3F0;
	[tilespmem:s2+$0x10000] =	vst.msk vm1, v11;
	s4 =	simm.s32 @!p1 $0x3F0  }
0x1f6: {  	s21 =	sadd.s32 s26, s0;
	[tilespmem:s5+$0x10400] =	vst.msk vm9, v11;
	s20 =	sadd.s32 s31, s4  }
0x1f7: {  	p0 =	slt.s32 s21, $0x3F0;
	[tilespmem:s0+$0x10000] =	vst.msk vm0, v13;
	p1 =	slt.s32 s20, $0x3F0  }
0x1f8: {  	s21 =	simm.s32 @!p0 $0x3F0;
	[tilespmem:s4+$0x10400] =	vst.msk vm10, v13;
	s20 =	simm.s32 @!p1 $0x3F0  }
.LBB2_16:
0x1f9: {  	p0 =	slt.s32 s25, $0x1  }
.Ltmp11:
0x1fa: {  	_ = 	snop;
	(pc) =	sbr.rel @p0 .LBB2_18-.Ltmp11, $1  }
0x1fb: {  	_ =	sdelay $0x3  }
0x1fc: {  	v5 =	vld [tilespmem:s17+$0xFFFFFF00]  }
0x1fd: {  	v6 =	vld [tilespmem:s17+$0xFFFFFF10]  }
0x1fe: {  	v7 =	vld [tilespmem:s17+$0xFFFFFF20]  }
0x1ff: {  	v8 =	vld [tilespmem:s17+$0xFFFFFF30]  }
0x200: {  	v9 =	vld [tilespmem:s17+$0xFFFFFF40]  }
0x201: {  	v10 =	vld [tilespmem:s17+$0xFFFFFF50];
	vm7 =	vle.f32 v5, v3  }
0x202: {  	v11 =	vld [tilespmem:s17+$0xFFFFFF60];
	vm6 =	vle.f32 v6, v3;
	v12 =	vmpcnt.ones.xlane vm7  }
0x203: {  	v13 =	vld [tilespmem:s17+$0xFFFFFF70];
	vm5 =	vle.f32 v7, v3;
	v14 =	vmpcnt.ones.xlane vm6  }
0x204: {  	vm4 =	vle.f32 v8, v3;
	v15 =	vmpcnt.ones.xlane vm5;
	(v2sf) =	vpush v12, $0x0  }
0x205: {  	vm3 =	vle.f32 v9, v3;
	v51 =	vmpcnt.ones.xlane vm4;
	(v2sf) =	vpush v14, $0x0  }
0x206: {  	vm2 =	vle.f32 v10, v3;
	v52 =	vmpcnt.ones.xlane vm3;
	(v2sf) =	vpush v15, $0x0  }
0x207: {  	vm1 =	vle.f32 v11, v3;
	v53 =	vmpcnt.ones.xlane vm2;
	(v2sf) =	vpush v51, $0x0  }
0x208: {  	vm0 =	vle.f32 v13, v3;
	v54 =	vmpcnt.ones.xlane vm1;
	(v2sf) =	vpush v52, $0x0  }
0x209: {  	vm15 =	vge.f32 v5, v4;
	v55 =	vmpcnt.ones.xlane vm0;
	(v2sf) =	vpush v53, $0x0  }
0x20a: {  	v56 =	vmpcnt.ones.xlane vm15;
	(v2sf) =	vpush v54, $0x0  }
0x20b: {  	(v2sf) =	vpush v55, $0x0  }
0x20c: {  	vm14 =	vge.f32 v6, v4;
	(v2sf) =	vpush v56, $0x0  }
0x20d: {  	v57 =	vmpcnt.ones.xlane vm14;
	_ =	sdelay $0x1  }
0x20e: {  	vm13 =	vge.f32 v7, v4;
	(v2sf) =	vpush v57, $0x0  }
0x20f: {  	v58 =	vmpcnt.ones.xlane vm13;
	_ =	sdelay $0x1  }
0x210: {  	vm12 =	vge.f32 v8, v4;
	(v2sf) =	vpush v58, $0x0  }
0x211: {  	v59 =	vmpcnt.ones.xlane vm12;
	s0 =	spop (v2sf)  }
0x212: {  	s1 =	spop (v2sf)  }
0x213: {  	vm11 =	vge.f32 v9, v4;
	(v2sf) =	vpush v59, $0x0;
	s2 =	spop (v2sf)  }
0x214: {  	v60 =	vmpcnt.ones.xlane vm11;
	s4 =	spop (v2sf)  }
0x215: {  	s5 =	spop (v2sf)  }
0x216: {  	vm8 =	vge.f32 v10, v4;
	(v2sf) =	vpush v60, $0x0;
	s10 =	spop (v2sf)  }
0x217: {  	v61 =	vmpcnt.ones.xlane vm8;
	s26 =	spop (v2sf)  }
0x218: {  	s25 =	spop (v2sf)  }
0x219: {  	vm9 =	vge.f32 v11, v4;
	(v2sf) =	vpush v61, $0x0;
	s12 =	spop (v2sf)  }
0x21a: {  	v62 =	vmpcnt.ones.xlane vm9;
	s0 =	sadd.s32 s21, s0;
	s12 =	sadd.s32 s20, s12  }
0x21b: {  	p0 =	slt.s32 s0, $0x3F0;
	p1 =	slt.s32 s12, $0x3F0  }
0x21c: {  	vm10 =	vge.f32 v13, v4;
	(v2sf) =	vpush v62, $0x0;
	s0 =	simm.s32 @!p0 $0x3F0;
	s14 =	spop (v2sf);
	s12 =	simm.s32 @!p1 $0x3F0  }
0x21d: {  	v63 =	vmpcnt.ones.xlane vm10;
	s1 =	sadd.s32 s1, s0;
	s14 =	sadd.s32 s14, s12  }
0x21e: {  	p0 =	slt.s32 s1, $0x3F0;
	p1 =	slt.s32 s14, $0x3F0  }
0x21f: {  	(v2sf) =	vpush v63, $0x0;
	s1 =	simm.s32 @!p0 $0x3F0;
	s28 =	spop (v2sf);
	s14 =	simm.s32 @!p1 $0x3F0  }
0x220: {  	s2 =	sadd.s32 s2, s1;
	s28 =	sadd.s32 s28, s14  }
0x221: {  	p0 =	slt.s32 s2, $0x3F0;
	p1 =	slt.s32 s28, $0x3F0  }
0x222: {  	[tilespmem:s21+$0x10000] =	vst.msk vm7, v5;
	s2 =	simm.s32 @!p0 $0x3F0;
	s29 =	spop (v2sf);
	s28 =	simm.s32 @!p1 $0x3F0  }
0x223: {  	[tilespmem:s20+$0x10400] =	vst.msk vm15, v5;
	s4 =	sadd.s32 s4, s2;
	s20 =	sadd.s32 s29, s28  }
0x224: {  	[tilespmem:s0+$0x10000] =	vst.msk vm6, v6;
	p0 =	slt.s32 s4, $0x3F0;
	p1 =	slt.s32 s20, $0x3F0  }
0x225: {  	[tilespmem:s12+$0x10400] =	vst.msk vm14, v6;
	s4 =	simm.s32 @!p0 $0x3F0;
	s31 =	spop (v2sf);
	s20 =	simm.s32 @!p1 $0x3F0  }
0x226: {  	[tilespmem:s1+$0x10000] =	vst.msk vm5, v7;
	s0 =	sadd.s32 s5, s4;
	s1 =	sadd.s32 s31, s20  }
0x227: {  	p0 =	slt.s32 s0, $0x3F0;
	[tilespmem:s14+$0x10400] =	vst.msk vm13, v7;
	p1 =	slt.s32 s1, $0x3F0  }
0x228: {  	s0 =	simm.s32 @!p0 $0x3F0;
	[tilespmem:s2+$0x10000] =	vst.msk vm4, v8;
	s29 =	spop (v2sf);
	s1 =	simm.s32 @!p1 $0x3F0  }
0x229: {  	s2 =	sadd.s32 s10, s0;
	[tilespmem:s28+$0x10400] =	vst.msk vm12, v8;
	s5 =	sadd.s32 s29, s1  }
0x22a: {  	p0 =	slt.s32 s2, $0x3F0;
	[tilespmem:s4+$0x10000] =	vst.msk vm3, v9;
	p1 =	slt.s32 s5, $0x3F0  }
0x22b: {  	s2 =	simm.s32 @!p0 $0x3F0;
	s30 =	spop (v2sf);
	[tilespmem:s20+$0x10400] =	vst.msk vm11, v9;
	s5 =	simm.s32 @!p1 $0x3F0  }
0x22c: {  	[tilespmem:s0+$0x10000] =	vst.msk vm2, v10;
	s0 =	sadd.s32 s26, s2;
	s4 =	sadd.s32 s30, s5  }
0x22d: {  	p0 =	slt.s32 s0, $0x3F0;
	[tilespmem:s1+$0x10400] =	vst.msk vm8, v10;
	p1 =	slt.s32 s4, $0x3F0  }
0x22e: {  	s31 =	spop (v2sf);
	s0 =	simm.s32 @!p0 $0x3F0;
	[tilespmem:s2+$0x10000] =	vst.msk vm1, v11;
	s4 =	simm.s32 @!p1 $0x3F0  }
0x22f: {  	s21 =	sadd.s32 s25, s0;
	[tilespmem:s5+$0x10400] =	vst.msk vm9, v11;
	s20 =	sadd.s32 s31, s4  }
0x230: {  	p0 =	slt.s32 s21, $0x3F0;
	[tilespmem:s0+$0x10000] =	vst.msk vm0, v13;
	p1 =	slt.s32 s20, $0x3F0  }
0x231: {  	s21 =	simm.s32 @!p0 $0x3F0;
	[tilespmem:s4+$0x10400] =	vst.msk vm10, v13;
	s20 =	simm.s32 @!p1 $0x3F0  }
.LBB2_18:
0x232: {  	p0 =	slt.s32 s24, $0x1  }
.Ltmp12:
0x233: {  	_ = 	snop;
	(pc) =	sbr.rel @p0 .LBB2_20-.Ltmp12, $1  }
0x234: {  	_ =	sdelay $0x3  }
0x235: {  	v5 =	vld [tilespmem:s17+$0xFFFFFF80]  }
0x236: {  	v6 =	vld [tilespmem:s17+$0xFFFFFF90]  }
0x237: {  	v7 =	vld [tilespmem:s17+$0xFFFFFFA0]  }
0x238: {  	v8 =	vld [tilespmem:s17+$0xFFFFFFB0]  }
0x239: {  	v9 =	vld [tilespmem:s17+$0xFFFFFFC0]  }
0x23a: {  	v10 =	vld [tilespmem:s17+$0xFFFFFFD0];
	vm7 =	vle.f32 v5, v3  }
0x23b: {  	v11 =	vld [tilespmem:s17+$0xFFFFFFE0];
	vm6 =	vle.f32 v6, v3;
	v12 =	vmpcnt.ones.xlane vm7  }
0x23c: {  	v13 =	vld [tilespmem:s17+$0xFFFFFFF0];
	vm5 =	vle.f32 v7, v3;
	v14 =	vmpcnt.ones.xlane vm6  }
0x23d: {  	vm4 =	vle.f32 v8, v3;
	v15 =	vmpcnt.ones.xlane vm5;
	(v2sf) =	vpush v12, $0x0  }
0x23e: {  	vm3 =	vle.f32 v9, v3;
	v51 =	vmpcnt.ones.xlane vm4;
	(v2sf) =	vpush v14, $0x0  }
0x23f: {  	vm2 =	vle.f32 v10, v3;
	v52 =	vmpcnt.ones.xlane vm3;
	(v2sf) =	vpush v15, $0x0  }
0x240: {  	vm1 =	vle.f32 v11, v3;
	v53 =	vmpcnt.ones.xlane vm2;
	(v2sf) =	vpush v51, $0x0  }
0x241: {  	vm0 =	vle.f32 v13, v3;
	v54 =	vmpcnt.ones.xlane vm1;
	(v2sf) =	vpush v52, $0x0  }
0x242: {  	vm15 =	vge.f32 v5, v4;
	v55 =	vmpcnt.ones.xlane vm0;
	(v2sf) =	vpush v53, $0x0  }
0x243: {  	v56 =	vmpcnt.ones.xlane vm15;
	(v2sf) =	vpush v54, $0x0  }
0x244: {  	(v2sf) =	vpush v55, $0x0  }
0x245: {  	vm14 =	vge.f32 v6, v4;
	(v2sf) =	vpush v56, $0x0  }
0x246: {  	v57 =	vmpcnt.ones.xlane vm14;
	_ =	sdelay $0x1  }
0x247: {  	vm13 =	vge.f32 v7, v4;
	(v2sf) =	vpush v57, $0x0  }
0x248: {  	v58 =	vmpcnt.ones.xlane vm13;
	_ =	sdelay $0x1  }
0x249: {  	vm12 =	vge.f32 v8, v4;
	(v2sf) =	vpush v58, $0x0  }
0x24a: {  	v59 =	vmpcnt.ones.xlane vm12;
	s0 =	spop (v2sf)  }
0x24b: {  	s1 =	spop (v2sf)  }
0x24c: {  	vm11 =	vge.f32 v9, v4;
	(v2sf) =	vpush v59, $0x0;
	s2 =	spop (v2sf)  }
0x24d: {  	v60 =	vmpcnt.ones.xlane vm11;
	s4 =	spop (v2sf)  }
0x24e: {  	s5 =	spop (v2sf)  }
0x24f: {  	vm8 =	vge.f32 v10, v4;
	(v2sf) =	vpush v60, $0x0;
	s10 =	spop (v2sf)  }
0x250: {  	v61 =	vmpcnt.ones.xlane vm8;
	s25 =	spop (v2sf)  }
0x251: {  	s24 =	spop (v2sf)  }
0x252: {  	vm9 =	vge.f32 v11, v4;
	(v2sf) =	vpush v61, $0x0;
	s12 =	spop (v2sf)  }
0x253: {  	v62 =	vmpcnt.ones.xlane vm9;
	s0 =	sadd.s32 s21, s0;
	s12 =	sadd.s32 s20, s12  }
0x254: {  	p0 =	slt.s32 s0, $0x3F0;
	p1 =	slt.s32 s12, $0x3F0  }
0x255: {  	vm10 =	vge.f32 v13, v4;
	(v2sf) =	vpush v62, $0x0;
	s0 =	simm.s32 @!p0 $0x3F0;
	s14 =	spop (v2sf);
	s12 =	simm.s32 @!p1 $0x3F0  }
0x256: {  	v63 =	vmpcnt.ones.xlane vm10;
	s1 =	sadd.s32 s1, s0;
	s14 =	sadd.s32 s14, s12  }
0x257: {  	p0 =	slt.s32 s1, $0x3F0;
	p1 =	slt.s32 s14, $0x3F0  }
0x258: {  	(v2sf) =	vpush v63, $0x0;
	s1 =	simm.s32 @!p0 $0x3F0;
	s26 =	spop (v2sf);
	s14 =	simm.s32 @!p1 $0x3F0  }
0x259: {  	s2 =	sadd.s32 s2, s1;
	s26 =	sadd.s32 s26, s14  }
0x25a: {  	p0 =	slt.s32 s2, $0x3F0;
	p1 =	slt.s32 s26, $0x3F0  }
0x25b: {  	[tilespmem:s21+$0x10000] =	vst.msk vm7, v5;
	s2 =	simm.s32 @!p0 $0x3F0;
	s28 =	spop (v2sf);
	s26 =	simm.s32 @!p1 $0x3F0  }
0x25c: {  	[tilespmem:s20+$0x10400] =	vst.msk vm15, v5;
	s4 =	sadd.s32 s4, s2;
	s20 =	sadd.s32 s28, s26  }
0x25d: {  	[tilespmem:s0+$0x10000] =	vst.msk vm6, v6;
	p0 =	slt.s32 s4, $0x3F0;
	p1 =	slt.s32 s20, $0x3F0  }
0x25e: {  	[tilespmem:s12+$0x10400] =	vst.msk vm14, v6;
	s4 =	simm.s32 @!p0 $0x3F0;
	s28 =	spop (v2sf);
	s20 =	simm.s32 @!p1 $0x3F0  }
0x25f: {  	[tilespmem:s1+$0x10000] =	vst.msk vm5, v7;
	s0 =	sadd.s32 s5, s4;
	s1 =	sadd.s32 s28, s20  }
0x260: {  	p0 =	slt.s32 s0, $0x3F0;
	[tilespmem:s14+$0x10400] =	vst.msk vm13, v7;
	p1 =	slt.s32 s1, $0x3F0  }
0x261: {  	s0 =	simm.s32 @!p0 $0x3F0;
	[tilespmem:s2+$0x10000] =	vst.msk vm4, v8;
	s29 =	spop (v2sf);
	s1 =	simm.s32 @!p1 $0x3F0  }
0x262: {  	s2 =	sadd.s32 s10, s0;
	[tilespmem:s26+$0x10400] =	vst.msk vm12, v8;
	s5 =	sadd.s32 s29, s1  }
0x263: {  	p0 =	slt.s32 s2, $0x3F0;
	[tilespmem:s4+$0x10000] =	vst.msk vm3, v9;
	p1 =	slt.s32 s5, $0x3F0  }
0x264: {  	s2 =	simm.s32 @!p0 $0x3F0;
	s30 =	spop (v2sf);
	[tilespmem:s20+$0x10400] =	vst.msk vm11, v9;
	s5 =	simm.s32 @!p1 $0x3F0  }
0x265: {  	[tilespmem:s0+$0x10000] =	vst.msk vm2, v10;
	s0 =	sadd.s32 s25, s2;
	s4 =	sadd.s32 s30, s5  }
0x266: {  	p0 =	slt.s32 s0, $0x3F0;
	[tilespmem:s1+$0x10400] =	vst.msk vm8, v10;
	p1 =	slt.s32 s4, $0x3F0  }
0x267: {  	s31 =	spop (v2sf);
	s0 =	simm.s32 @!p0 $0x3F0;
	[tilespmem:s2+$0x10000] =	vst.msk vm1, v11;
	s4 =	simm.s32 @!p1 $0x3F0  }
0x268: {  	s21 =	sadd.s32 s24, s0;
	[tilespmem:s5+$0x10400] =	vst.msk vm9, v11;
	s20 =	sadd.s32 s31, s4  }
0x269: {  	p0 =	slt.s32 s21, $0x3F0;
	[tilespmem:s0+$0x10000] =	vst.msk vm0, v13;
	p1 =	slt.s32 s20, $0x3F0  }
0x26a: {  	s21 =	simm.s32 @!p0 $0x3F0;
	[tilespmem:s4+$0x10400] =	vst.msk vm10, v13;
	s20 =	simm.s32 @!p1 $0x3F0  }
.LBB2_20:
0x26b: {  	p0 =	slt.s32 s23, $0x1  }
.Ltmp13:
0x26c: {  	_ = 	snop;
	(pc) =	sbr.rel @p0 .LBB2_22-.Ltmp13, $1  }
0x26d: {  	_ =	sdelay $0x3  }
0x26e: {  	v5 =	vld [tilespmem:s17+$0x0]  }
0x26f: {  	v6 =	vld [tilespmem:s17+$0x10]  }
0x270: {  	v7 =	vld [tilespmem:s17+$0x20]  }
0x271: {  	v8 =	vld [tilespmem:s17+$0x30]  }
0x272: {  	v9 =	vld [tilespmem:s17+$0x40]  }
0x273: {  	v10 =	vld [tilespmem:s17+$0x50];
	vm7 =	vle.f32 v5, v3  }
0x274: {  	v11 =	vld [tilespmem:s17+$0x60];
	vm6 =	vle.f32 v6, v3;
	v12 =	vmpcnt.ones.xlane vm7  }
0x275: {  	v13 =	vld [tilespmem:s17+$0x70];
	vm5 =	vle.f32 v7, v3;
	v14 =	vmpcnt.ones.xlane vm6  }
0x276: {  	vm4 =	vle.f32 v8, v3;
	v15 =	vmpcnt.ones.xlane vm5;
	(v2sf) =	vpush v12, $0x0  }
0x277: {  	vm3 =	vle.f32 v9, v3;
	v51 =	vmpcnt.ones.xlane vm4;
	(v2sf) =	vpush v14, $0x0  }
0x278: {  	vm2 =	vle.f32 v10, v3;
	v52 =	vmpcnt.ones.xlane vm3;
	(v2sf) =	vpush v15, $0x0  }
0x279: {  	vm1 =	vle.f32 v11, v3;
	v53 =	vmpcnt.ones.xlane vm2;
	(v2sf) =	vpush v51, $0x0  }
0x27a: {  	vm0 =	vle.f32 v13, v3;
	v54 =	vmpcnt.ones.xlane vm1;
	(v2sf) =	vpush v52, $0x0  }
0x27b: {  	vm15 =	vge.f32 v5, v4;
	v55 =	vmpcnt.ones.xlane vm0;
	(v2sf) =	vpush v53, $0x0  }
0x27c: {  	v56 =	vmpcnt.ones.xlane vm15;
	(v2sf) =	vpush v54, $0x0  }
0x27d: {  	(v2sf) =	vpush v55, $0x0  }
0x27e: {  	vm14 =	vge.f32 v6, v4;
	(v2sf) =	vpush v56, $0x0  }
0x27f: {  	v57 =	vmpcnt.ones.xlane vm14;
	_ =	sdelay $0x1  }
0x280: {  	vm13 =	vge.f32 v7, v4;
	(v2sf) =	vpush v57, $0x0  }
0x281: {  	v58 =	vmpcnt.ones.xlane vm13;
	_ =	sdelay $0x1  }
0x282: {  	vm12 =	vge.f32 v8, v4;
	(v2sf) =	vpush v58, $0x0  }
0x283: {  	v59 =	vmpcnt.ones.xlane vm12;
	s0 =	spop (v2sf)  }
0x284: {  	s1 =	spop (v2sf)  }
0x285: {  	vm11 =	vge.f32 v9, v4;
	(v2sf) =	vpush v59, $0x0;
	s2 =	spop (v2sf)  }
0x286: {  	v60 =	vmpcnt.ones.xlane vm11;
	s4 =	spop (v2sf)  }
0x287: {  	s5 =	spop (v2sf)  }
0x288: {  	vm8 =	vge.f32 v10, v4;
	(v2sf) =	vpush v60, $0x0;
	s10 =	spop (v2sf)  }
0x289: {  	v61 =	vmpcnt.ones.xlane vm8;
	s24 =	spop (v2sf)  }
0x28a: {  	s23 =	spop (v2sf)  }
0x28b: {  	vm9 =	vge.f32 v11, v4;
	(v2sf) =	vpush v61, $0x0;
	s12 =	spop (v2sf)  }
0x28c: {  	v62 =	vmpcnt.ones.xlane vm9;
	s0 =	sadd.s32 s21, s0;
	s12 =	sadd.s32 s20, s12  }
0x28d: {  	p0 =	slt.s32 s0, $0x3F0;
	p1 =	slt.s32 s12, $0x3F0  }
0x28e: {  	vm10 =	vge.f32 v13, v4;
	(v2sf) =	vpush v62, $0x0;
	s0 =	simm.s32 @!p0 $0x3F0;
	s14 =	spop (v2sf);
	s12 =	simm.s32 @!p1 $0x3F0  }
0x28f: {  	v63 =	vmpcnt.ones.xlane vm10;
	s1 =	sadd.s32 s1, s0;
	s14 =	sadd.s32 s14, s12  }
0x290: {  	p0 =	slt.s32 s1, $0x3F0;
	p1 =	slt.s32 s14, $0x3F0  }
0x291: {  	(v2sf) =	vpush v63, $0x0;
	s1 =	simm.s32 @!p0 $0x3F0;
	s25 =	spop (v2sf);
	s14 =	simm.s32 @!p1 $0x3F0  }
0x292: {  	s2 =	sadd.s32 s2, s1;
	s25 =	sadd.s32 s25, s14  }
0x293: {  	p0 =	slt.s32 s2, $0x3F0;
	p1 =	slt.s32 s25, $0x3F0  }
0x294: {  	[tilespmem:s21+$0x10000] =	vst.msk vm7, v5;
	s2 =	simm.s32 @!p0 $0x3F0;
	s26 =	spop (v2sf);
	s25 =	simm.s32 @!p1 $0x3F0  }
0x295: {  	[tilespmem:s20+$0x10400] =	vst.msk vm15, v5;
	s4 =	sadd.s32 s4, s2;
	s20 =	sadd.s32 s26, s25  }
0x296: {  	[tilespmem:s0+$0x10000] =	vst.msk vm6, v6;
	p0 =	slt.s32 s4, $0x3F0;
	p1 =	slt.s32 s20, $0x3F0  }
0x297: {  	[tilespmem:s12+$0x10400] =	vst.msk vm14, v6;
	s4 =	simm.s32 @!p0 $0x3F0;
	s28 =	spop (v2sf);
	s20 =	simm.s32 @!p1 $0x3F0  }
0x298: {  	[tilespmem:s1+$0x10000] =	vst.msk vm5, v7;
	s0 =	sadd.s32 s5, s4;
	s1 =	sadd.s32 s28, s20  }
0x299: {  	p0 =	slt.s32 s0, $0x3F0;
	[tilespmem:s14+$0x10400] =	vst.msk vm13, v7;
	p1 =	slt.s32 s1, $0x3F0  }
0x29a: {  	s0 =	simm.s32 @!p0 $0x3F0;
	[tilespmem:s2+$0x10000] =	vst.msk vm4, v8;
	s29 =	spop (v2sf);
	s1 =	simm.s32 @!p1 $0x3F0  }
0x29b: {  	s2 =	sadd.s32 s10, s0;
	[tilespmem:s25+$0x10400] =	vst.msk vm12, v8;
	s5 =	sadd.s32 s29, s1  }
0x29c: {  	p0 =	slt.s32 s2, $0x3F0;
	[tilespmem:s4+$0x10000] =	vst.msk vm3, v9;
	p1 =	slt.s32 s5, $0x3F0  }
0x29d: {  	s30 =	spop (v2sf);
	s2 =	simm.s32 @!p0 $0x3F0;
	[tilespmem:s20+$0x10400] =	vst.msk vm11, v9;
	s5 =	simm.s32 @!p1 $0x3F0  }
0x29e: {  	[tilespmem:s0+$0x10000] =	vst.msk vm2, v10;
	s0 =	sadd.s32 s24, s2;
	s4 =	sadd.s32 s30, s5  }
0x29f: {  	p0 =	slt.s32 s0, $0x3F0;
	[tilespmem:s1+$0x10400] =	vst.msk vm8, v10;
	p1 =	slt.s32 s4, $0x3F0  }
0x2a0: {  	s31 =	spop (v2sf);
	s0 =	simm.s32 @!p0 $0x3F0;
	[tilespmem:s2+$0x10000] =	vst.msk vm1, v11;
	s4 =	simm.s32 @!p1 $0x3F0  }
0x2a1: {  	s21 =	sadd.s32 s23, s0;
	[tilespmem:s5+$0x10400] =	vst.msk vm9, v11;
	s20 =	sadd.s32 s31, s4  }
0x2a2: {  	p0 =	slt.s32 s21, $0x3F0;
	[tilespmem:s0+$0x10000] =	vst.msk vm0, v13;
	p1 =	slt.s32 s20, $0x3F0  }
0x2a3: {  	s21 =	simm.s32 @!p0 $0x3F0;
	[tilespmem:s4+$0x10400] =	vst.msk vm10, v13;
	s20 =	simm.s32 @!p1 $0x3F0  }
.LBB2_22:
0x2a4: {  	p0 =	slt.s32 s22, $0x1  }
.Ltmp14:
0x2a5: {  	_ = 	snop;
	(pc) =	sbr.rel @p0 .LBB2_24-.Ltmp14, $1  }
0x2a6: {  	_ =	sdelay $0x3  }
0x2a7: {  	v5 =	vld [tilespmem:s17+$0x80]  }
0x2a8: {  	v6 =	vld [tilespmem:s17+$0x90]  }
0x2a9: {  	v7 =	vld [tilespmem:s17+$0xA0]  }
0x2aa: {  	v8 =	vld [tilespmem:s17+$0xB0]  }
0x2ab: {  	v9 =	vld [tilespmem:s17+$0xC0]  }
0x2ac: {  	v10 =	vld [tilespmem:s17+$0xD0];
	vm7 =	vle.f32 v5, v3  }
0x2ad: {  	v11 =	vld [tilespmem:s17+$0xE0];
	vm6 =	vle.f32 v6, v3;
	v12 =	vmpcnt.ones.xlane vm7  }
0x2ae: {  	v13 =	vld [tilespmem:s17+$0xF0];
	vm5 =	vle.f32 v7, v3;
	v14 =	vmpcnt.ones.xlane vm6  }
0x2af: {  	vm4 =	vle.f32 v8, v3;
	v15 =	vmpcnt.ones.xlane vm5;
	(v2sf) =	vpush v12, $0x0  }
0x2b0: {  	vm3 =	vle.f32 v9, v3;
	v51 =	vmpcnt.ones.xlane vm4;
	(v2sf) =	vpush v14, $0x0  }
0x2b1: {  	vm2 =	vle.f32 v10, v3;
	v52 =	vmpcnt.ones.xlane vm3;
	(v2sf) =	vpush v15, $0x0  }
0x2b2: {  	vm1 =	vle.f32 v11, v3;
	v53 =	vmpcnt.ones.xlane vm2;
	(v2sf) =	vpush v51, $0x0  }
0x2b3: {  	vm0 =	vle.f32 v13, v3;
	v54 =	vmpcnt.ones.xlane vm1;
	(v2sf) =	vpush v52, $0x0  }
0x2b4: {  	vm15 =	vge.f32 v5, v4;
	v55 =	vmpcnt.ones.xlane vm0;
	(v2sf) =	vpush v53, $0x0  }
0x2b5: {  	v56 =	vmpcnt.ones.xlane vm15;
	(v2sf) =	vpush v54, $0x0  }
0x2b6: {  	(v2sf) =	vpush v55, $0x0  }
0x2b7: {  	vm14 =	vge.f32 v6, v4;
	(v2sf) =	vpush v56, $0x0  }
0x2b8: {  	v57 =	vmpcnt.ones.xlane vm14;
	_ =	sdelay $0x1  }
0x2b9: {  	vm13 =	vge.f32 v7, v4;
	(v2sf) =	vpush v57, $0x0  }
0x2ba: {  	v58 =	vmpcnt.ones.xlane vm13;
	_ =	sdelay $0x1  }
0x2bb: {  	vm12 =	vge.f32 v8, v4;
	(v2sf) =	vpush v58, $0x0  }
0x2bc: {  	v59 =	vmpcnt.ones.xlane vm12;
	s0 =	spop (v2sf)  }
0x2bd: {  	s1 =	spop (v2sf)  }
0x2be: {  	vm11 =	vge.f32 v9, v4;
	(v2sf) =	vpush v59, $0x0;
	s2 =	spop (v2sf)  }
0x2bf: {  	v60 =	vmpcnt.ones.xlane vm11;
	s4 =	spop (v2sf)  }
0x2c0: {  	s5 =	spop (v2sf)  }
0x2c1: {  	vm8 =	vge.f32 v10, v4;
	(v2sf) =	vpush v60, $0x0;
	s10 =	spop (v2sf)  }
0x2c2: {  	v61 =	vmpcnt.ones.xlane vm8;
	s23 =	spop (v2sf)  }
0x2c3: {  	s22 =	spop (v2sf)  }
0x2c4: {  	vm9 =	vge.f32 v11, v4;
	(v2sf) =	vpush v61, $0x0;
	s12 =	spop (v2sf)  }
0x2c5: {  	v62 =	vmpcnt.ones.xlane vm9;
	s0 =	sadd.s32 s21, s0;
	s12 =	sadd.s32 s20, s12  }
0x2c6: {  	p0 =	slt.s32 s0, $0x3F0;
	p1 =	slt.s32 s12, $0x3F0  }
0x2c7: {  	vm10 =	vge.f32 v13, v4;
	(v2sf) =	vpush v62, $0x0;
	s0 =	simm.s32 @!p0 $0x3F0;
	s14 =	spop (v2sf);
	s12 =	simm.s32 @!p1 $0x3F0  }
0x2c8: {  	v63 =	vmpcnt.ones.xlane vm10;
	s1 =	sadd.s32 s1, s0;
	s14 =	sadd.s32 s14, s12  }
0x2c9: {  	p0 =	slt.s32 s1, $0x3F0;
	p1 =	slt.s32 s14, $0x3F0  }
0x2ca: {  	(v2sf) =	vpush v63, $0x0;
	s1 =	simm.s32 @!p0 $0x3F0;
	s24 =	spop (v2sf);
	s14 =	simm.s32 @!p1 $0x3F0  }
0x2cb: {  	s2 =	sadd.s32 s2, s1;
	s24 =	sadd.s32 s24, s14  }
0x2cc: {  	p0 =	slt.s32 s2, $0x3F0;
	p1 =	slt.s32 s24, $0x3F0  }
0x2cd: {  	[tilespmem:s21+$0x10000] =	vst.msk vm7, v5;
	s2 =	simm.s32 @!p0 $0x3F0;
	s25 =	spop (v2sf);
	s24 =	simm.s32 @!p1 $0x3F0  }
0x2ce: {  	[tilespmem:s20+$0x10400] =	vst.msk vm15, v5;
	s4 =	sadd.s32 s4, s2;
	s20 =	sadd.s32 s25, s24  }
0x2cf: {  	[tilespmem:s0+$0x10000] =	vst.msk vm6, v6;
	p0 =	slt.s32 s4, $0x3F0;
	p1 =	slt.s32 s20, $0x3F0  }
0x2d0: {  	[tilespmem:s12+$0x10400] =	vst.msk vm14, v6;
	s4 =	simm.s32 @!p0 $0x3F0;
	s28 =	spop (v2sf);
	s20 =	simm.s32 @!p1 $0x3F0  }
0x2d1: {  	[tilespmem:s1+$0x10000] =	vst.msk vm5, v7;
	s0 =	sadd.s32 s5, s4;
	s1 =	sadd.s32 s28, s20  }
0x2d2: {  	p0 =	slt.s32 s0, $0x3F0;
	[tilespmem:s14+$0x10400] =	vst.msk vm13, v7;
	p1 =	slt.s32 s1, $0x3F0  }
0x2d3: {  	s0 =	simm.s32 @!p0 $0x3F0;
	[tilespmem:s2+$0x10000] =	vst.msk vm4, v8;
	s29 =	spop (v2sf);
	s1 =	simm.s32 @!p1 $0x3F0  }
0x2d4: {  	s2 =	sadd.s32 s10, s0;
	[tilespmem:s24+$0x10400] =	vst.msk vm12, v8;
	s5 =	sadd.s32 s29, s1  }
0x2d5: {  	p0 =	slt.s32 s2, $0x3F0;
	[tilespmem:s4+$0x10000] =	vst.msk vm3, v9;
	p1 =	slt.s32 s5, $0x3F0  }
0x2d6: {  	s30 =	spop (v2sf);
	s2 =	simm.s32 @!p0 $0x3F0;
	[tilespmem:s20+$0x10400] =	vst.msk vm11, v9;
	s5 =	simm.s32 @!p1 $0x3F0  }
0x2d7: {  	[tilespmem:s0+$0x10000] =	vst.msk vm2, v10;
	s0 =	sadd.s32 s23, s2;
	s4 =	sadd.s32 s30, s5  }
0x2d8: {  	p0 =	slt.s32 s0, $0x3F0;
	[tilespmem:s1+$0x10400] =	vst.msk vm8, v10;
	p1 =	slt.s32 s4, $0x3F0  }
0x2d9: {  	s31 =	spop (v2sf);
	s0 =	simm.s32 @!p0 $0x3F0;
	[tilespmem:s2+$0x10000] =	vst.msk vm1, v11;
	s4 =	simm.s32 @!p1 $0x3F0  }
0x2da: {  	s21 =	sadd.s32 s22, s0;
	[tilespmem:s5+$0x10400] =	vst.msk vm9, v11;
	s20 =	sadd.s32 s31, s4  }
0x2db: {  	p0 =	slt.s32 s21, $0x3F0;
	[tilespmem:s0+$0x10000] =	vst.msk vm0, v13;
	p1 =	slt.s32 s20, $0x3F0  }
0x2dc: {  	s21 =	simm.s32 @!p0 $0x3F0;
	[tilespmem:s4+$0x10400] =	vst.msk vm10, v13;
	s20 =	simm.s32 @!p1 $0x3F0  }
.LBB2_24:
0x2dd: {  	p0 =	slt.s32 s19, $0x1  }
.Ltmp15:
0x2de: {  	_ = 	snop;
	(pc) =	sbr.rel @p0 .LBB2_26-.Ltmp15, $1  }
0x2df: {  	_ =	sdelay $0x3  }
0x2e0: {  	v5 =	vld [tilespmem:s17+$0x100]  }
0x2e1: {  	v6 =	vld [tilespmem:s17+$0x110]  }
0x2e2: {  	v7 =	vld [tilespmem:s17+$0x120]  }
0x2e3: {  	v8 =	vld [tilespmem:s17+$0x130]  }
0x2e4: {  	v9 =	vld [tilespmem:s17+$0x140]  }
0x2e5: {  	v10 =	vld [tilespmem:s17+$0x150];
	vm7 =	vle.f32 v5, v3  }
0x2e6: {  	v11 =	vld [tilespmem:s17+$0x160];
	vm6 =	vle.f32 v6, v3;
	v12 =	vmpcnt.ones.xlane vm7  }
0x2e7: {  	v13 =	vld [tilespmem:s17+$0x170];
	vm5 =	vle.f32 v7, v3;
	v14 =	vmpcnt.ones.xlane vm6  }
0x2e8: {  	vm4 =	vle.f32 v8, v3;
	v15 =	vmpcnt.ones.xlane vm5;
	(v2sf) =	vpush v12, $0x0  }
0x2e9: {  	vm3 =	vle.f32 v9, v3;
	v51 =	vmpcnt.ones.xlane vm4;
	(v2sf) =	vpush v14, $0x0  }
0x2ea: {  	vm2 =	vle.f32 v10, v3;
	v52 =	vmpcnt.ones.xlane vm3;
	(v2sf) =	vpush v15, $0x0  }
0x2eb: {  	vm1 =	vle.f32 v11, v3;
	v53 =	vmpcnt.ones.xlane vm2;
	(v2sf) =	vpush v51, $0x0  }
0x2ec: {  	vm0 =	vle.f32 v13, v3;
	v54 =	vmpcnt.ones.xlane vm1;
	(v2sf) =	vpush v52, $0x0  }
0x2ed: {  	vm15 =	vge.f32 v5, v4;
	v55 =	vmpcnt.ones.xlane vm0;
	(v2sf) =	vpush v53, $0x0  }
0x2ee: {  	v56 =	vmpcnt.ones.xlane vm15;
	(v2sf) =	vpush v54, $0x0  }
0x2ef: {  	(v2sf) =	vpush v55, $0x0  }
0x2f0: {  	vm14 =	vge.f32 v6, v4;
	(v2sf) =	vpush v56, $0x0  }
0x2f1: {  	v57 =	vmpcnt.ones.xlane vm14;
	_ =	sdelay $0x1  }
0x2f2: {  	vm13 =	vge.f32 v7, v4;
	(v2sf) =	vpush v57, $0x0  }
0x2f3: {  	v58 =	vmpcnt.ones.xlane vm13;
	_ =	sdelay $0x1  }
0x2f4: {  	vm12 =	vge.f32 v8, v4;
	(v2sf) =	vpush v58, $0x0  }
0x2f5: {  	v59 =	vmpcnt.ones.xlane vm12;
	s0 =	spop (v2sf)  }
0x2f6: {  	s1 =	spop (v2sf)  }
0x2f7: {  	vm11 =	vge.f32 v9, v4;
	(v2sf) =	vpush v59, $0x0;
	s2 =	spop (v2sf)  }
0x2f8: {  	v60 =	vmpcnt.ones.xlane vm11;
	s4 =	spop (v2sf)  }
0x2f9: {  	s5 =	spop (v2sf)  }
0x2fa: {  	vm8 =	vge.f32 v10, v4;
	(v2sf) =	vpush v60, $0x0;
	s10 =	spop (v2sf)  }
0x2fb: {  	v61 =	vmpcnt.ones.xlane vm8;
	s22 =	spop (v2sf)  }
0x2fc: {  	s19 =	spop (v2sf)  }
0x2fd: {  	vm9 =	vge.f32 v11, v4;
	(v2sf) =	vpush v61, $0x0;
	s12 =	spop (v2sf)  }
0x2fe: {  	v62 =	vmpcnt.ones.xlane vm9;
	s0 =	sadd.s32 s21, s0;
	s12 =	sadd.s32 s20, s12  }
0x2ff: {  	p0 =	slt.s32 s0, $0x3F0;
	p1 =	slt.s32 s12, $0x3F0  }
0x300: {  	vm10 =	vge.f32 v13, v4;
	(v2sf) =	vpush v62, $0x0;
	s0 =	simm.s32 @!p0 $0x3F0;
	s14 =	spop (v2sf);
	s12 =	simm.s32 @!p1 $0x3F0  }
0x301: {  	v63 =	vmpcnt.ones.xlane vm10;
	s1 =	sadd.s32 s1, s0;
	s14 =	sadd.s32 s14, s12  }
0x302: {  	p0 =	slt.s32 s1, $0x3F0;
	p1 =	slt.s32 s14, $0x3F0  }
0x303: {  	(v2sf) =	vpush v63, $0x0;
	s1 =	simm.s32 @!p0 $0x3F0;
	s23 =	spop (v2sf);
	s14 =	simm.s32 @!p1 $0x3F0  }
0x304: {  	s2 =	sadd.s32 s2, s1;
	s23 =	sadd.s32 s23, s14  }
0x305: {  	p0 =	slt.s32 s2, $0x3F0;
	p1 =	slt.s32 s23, $0x3F0  }
0x306: {  	[tilespmem:s21+$0x10000] =	vst.msk vm7, v5;
	s2 =	simm.s32 @!p0 $0x3F0;
	s24 =	spop (v2sf);
	s23 =	simm.s32 @!p1 $0x3F0  }
0x307: {  	[tilespmem:s20+$0x10400] =	vst.msk vm15, v5;
	s4 =	sadd.s32 s4, s2;
	s20 =	sadd.s32 s24, s23  }
0x308: {  	[tilespmem:s0+$0x10000] =	vst.msk vm6, v6;
	p0 =	slt.s32 s4, $0x3F0;
	p1 =	slt.s32 s20, $0x3F0  }
0x309: {  	[tilespmem:s12+$0x10400] =	vst.msk vm14, v6;
	s4 =	simm.s32 @!p0 $0x3F0;
	s28 =	spop (v2sf);
	s20 =	simm.s32 @!p1 $0x3F0  }
0x30a: {  	[tilespmem:s1+$0x10000] =	vst.msk vm5, v7;
	s0 =	sadd.s32 s5, s4;
	s1 =	sadd.s32 s28, s20  }
0x30b: {  	p0 =	slt.s32 s0, $0x3F0;
	[tilespmem:s14+$0x10400] =	vst.msk vm13, v7;
	p1 =	slt.s32 s1, $0x3F0  }
0x30c: {  	s0 =	simm.s32 @!p0 $0x3F0;
	[tilespmem:s2+$0x10000] =	vst.msk vm4, v8;
	s29 =	spop (v2sf);
	s1 =	simm.s32 @!p1 $0x3F0  }
0x30d: {  	s2 =	sadd.s32 s10, s0;
	[tilespmem:s23+$0x10400] =	vst.msk vm12, v8;
	s5 =	sadd.s32 s29, s1  }
0x30e: {  	p0 =	slt.s32 s2, $0x3F0;
	[tilespmem:s4+$0x10000] =	vst.msk vm3, v9;
	p1 =	slt.s32 s5, $0x3F0  }
0x30f: {  	s30 =	spop (v2sf);
	s2 =	simm.s32 @!p0 $0x3F0;
	[tilespmem:s20+$0x10400] =	vst.msk vm11, v9;
	s5 =	simm.s32 @!p1 $0x3F0  }
0x310: {  	[tilespmem:s0+$0x10000] =	vst.msk vm2, v10;
	s0 =	sadd.s32 s22, s2;
	s4 =	sadd.s32 s30, s5  }
0x311: {  	p0 =	slt.s32 s0, $0x3F0;
	[tilespmem:s1+$0x10400] =	vst.msk vm8, v10;
	p1 =	slt.s32 s4, $0x3F0  }
0x312: {  	s31 =	spop (v2sf);
	s0 =	simm.s32 @!p0 $0x3F0;
	[tilespmem:s2+$0x10000] =	vst.msk vm1, v11;
	s4 =	simm.s32 @!p1 $0x3F0  }
0x313: {  	s21 =	sadd.s32 s19, s0;
	[tilespmem:s5+$0x10400] =	vst.msk vm9, v11;
	s20 =	sadd.s32 s31, s4  }
0x314: {  	p0 =	slt.s32 s21, $0x3F0;
	[tilespmem:s0+$0x10000] =	vst.msk vm0, v13;
	p1 =	slt.s32 s20, $0x3F0  }
0x315: {  	s21 =	simm.s32 @!p0 $0x3F0;
	[tilespmem:s4+$0x10400] =	vst.msk vm10, v13;
	s20 =	simm.s32 @!p1 $0x3F0  }
.LBB2_26:
0x316: {  	p0 =	slt.s32 s18, $0x1  }
.Ltmp16:
0x317: {  	_ = 	snop;
	(pc) =	sbr.rel @p0 .LBB2_28-.Ltmp16, $1  }
0x318: {  	_ =	sdelay $0x3  }
0x319: {  	v5 =	vld [tilespmem:s17+$0x180]  }
0x31a: {  	v6 =	vld [tilespmem:s17+$0x190]  }
0x31b: {  	v7 =	vld [tilespmem:s17+$0x1A0]  }
0x31c: {  	v8 =	vld [tilespmem:s17+$0x1B0]  }
0x31d: {  	v9 =	vld [tilespmem:s17+$0x1C0]  }
0x31e: {  	v10 =	vld [tilespmem:s17+$0x1D0];
	vm7 =	vle.f32 v5, v3  }
0x31f: {  	v11 =	vld [tilespmem:s17+$0x1E0];
	vm6 =	vle.f32 v6, v3;
	v12 =	vmpcnt.ones.xlane vm7  }
0x320: {  	v13 =	vld [tilespmem:s17+$0x1F0];
	vm5 =	vle.f32 v7, v3;
	v14 =	vmpcnt.ones.xlane vm6  }
0x321: {  	vm4 =	vle.f32 v8, v3;
	v15 =	vmpcnt.ones.xlane vm5;
	(v2sf) =	vpush v12, $0x0  }
0x322: {  	vm3 =	vle.f32 v9, v3;
	v51 =	vmpcnt.ones.xlane vm4;
	(v2sf) =	vpush v14, $0x0  }
0x323: {  	vm2 =	vle.f32 v10, v3;
	v52 =	vmpcnt.ones.xlane vm3;
	(v2sf) =	vpush v15, $0x0  }
0x324: {  	vm1 =	vle.f32 v11, v3;
	v53 =	vmpcnt.ones.xlane vm2;
	(v2sf) =	vpush v51, $0x0  }
0x325: {  	vm0 =	vle.f32 v13, v3;
	v54 =	vmpcnt.ones.xlane vm1;
	(v2sf) =	vpush v52, $0x0  }
0x326: {  	vm15 =	vge.f32 v5, v4;
	v55 =	vmpcnt.ones.xlane vm0;
	(v2sf) =	vpush v53, $0x0  }
0x327: {  	v56 =	vmpcnt.ones.xlane vm15;
	(v2sf) =	vpush v54, $0x0  }
0x328: {  	(v2sf) =	vpush v55, $0x0  }
0x329: {  	vm14 =	vge.f32 v6, v4;
	(v2sf) =	vpush v56, $0x0  }
0x32a: {  	v57 =	vmpcnt.ones.xlane vm14;
	_ =	sdelay $0x1  }
0x32b: {  	vm13 =	vge.f32 v7, v4;
	(v2sf) =	vpush v57, $0x0  }
0x32c: {  	v58 =	vmpcnt.ones.xlane vm13;
	_ =	sdelay $0x1  }
0x32d: {  	vm12 =	vge.f32 v8, v4;
	(v2sf) =	vpush v58, $0x0  }
0x32e: {  	v59 =	vmpcnt.ones.xlane vm12;
	s0 =	spop (v2sf)  }
0x32f: {  	s1 =	spop (v2sf)  }
0x330: {  	vm11 =	vge.f32 v9, v4;
	(v2sf) =	vpush v59, $0x0;
	s2 =	spop (v2sf)  }
0x331: {  	v60 =	vmpcnt.ones.xlane vm11;
	s4 =	spop (v2sf)  }
0x332: {  	s5 =	spop (v2sf)  }
0x333: {  	vm8 =	vge.f32 v10, v4;
	(v2sf) =	vpush v60, $0x0;
	s10 =	spop (v2sf)  }
0x334: {  	v61 =	vmpcnt.ones.xlane vm8;
	s19 =	spop (v2sf)  }
0x335: {  	s18 =	spop (v2sf)  }
0x336: {  	vm9 =	vge.f32 v11, v4;
	(v2sf) =	vpush v61, $0x0;
	s12 =	spop (v2sf)  }
0x337: {  	v62 =	vmpcnt.ones.xlane vm9;
	s0 =	sadd.s32 s21, s0;
	s12 =	sadd.s32 s20, s12  }
0x338: {  	p0 =	slt.s32 s0, $0x3F0;
	p1 =	slt.s32 s12, $0x3F0  }
0x339: {  	vm10 =	vge.f32 v13, v4;
	(v2sf) =	vpush v62, $0x0;
	s0 =	simm.s32 @!p0 $0x3F0;
	s14 =	spop (v2sf);
	s12 =	simm.s32 @!p1 $0x3F0  }
0x33a: {  	v63 =	vmpcnt.ones.xlane vm10;
	s1 =	sadd.s32 s1, s0;
	s14 =	sadd.s32 s14, s12  }
0x33b: {  	p0 =	slt.s32 s1, $0x3F0;
	p1 =	slt.s32 s14, $0x3F0  }
0x33c: {  	(v2sf) =	vpush v63, $0x0;
	s1 =	simm.s32 @!p0 $0x3F0;
	s22 =	spop (v2sf);
	s14 =	simm.s32 @!p1 $0x3F0  }
0x33d: {  	s2 =	sadd.s32 s2, s1;
	s22 =	sadd.s32 s22, s14  }
0x33e: {  	p0 =	slt.s32 s2, $0x3F0;
	p1 =	slt.s32 s22, $0x3F0  }
0x33f: {  	[tilespmem:s21+$0x10000] =	vst.msk vm7, v5;
	s2 =	simm.s32 @!p0 $0x3F0;
	s23 =	spop (v2sf);
	s22 =	simm.s32 @!p1 $0x3F0  }
0x340: {  	[tilespmem:s20+$0x10400] =	vst.msk vm15, v5;
	s4 =	sadd.s32 s4, s2;
	s20 =	sadd.s32 s23, s22  }
0x341: {  	[tilespmem:s0+$0x10000] =	vst.msk vm6, v6;
	p0 =	slt.s32 s4, $0x3F0;
	p1 =	slt.s32 s20, $0x3F0  }
0x342: {  	[tilespmem:s12+$0x10400] =	vst.msk vm14, v6;
	s4 =	simm.s32 @!p0 $0x3F0;
	s28 =	spop (v2sf);
	s20 =	simm.s32 @!p1 $0x3F0  }
0x343: {  	[tilespmem:s1+$0x10000] =	vst.msk vm5, v7;
	s0 =	sadd.s32 s5, s4;
	s1 =	sadd.s32 s28, s20  }
0x344: {  	p0 =	slt.s32 s0, $0x3F0;
	[tilespmem:s14+$0x10400] =	vst.msk vm13, v7;
	p1 =	slt.s32 s1, $0x3F0  }
0x345: {  	s0 =	simm.s32 @!p0 $0x3F0;
	[tilespmem:s2+$0x10000] =	vst.msk vm4, v8;
	s29 =	spop (v2sf);
	s1 =	simm.s32 @!p1 $0x3F0  }
0x346: {  	s2 =	sadd.s32 s10, s0;
	[tilespmem:s22+$0x10400] =	vst.msk vm12, v8;
	s5 =	sadd.s32 s29, s1  }
0x347: {  	p0 =	slt.s32 s2, $0x3F0;
	[tilespmem:s4+$0x10000] =	vst.msk vm3, v9;
	p1 =	slt.s32 s5, $0x3F0  }
0x348: {  	s30 =	spop (v2sf);
	s2 =	simm.s32 @!p0 $0x3F0;
	[tilespmem:s20+$0x10400] =	vst.msk vm11, v9;
	s5 =	simm.s32 @!p1 $0x3F0  }
0x349: {  	[tilespmem:s0+$0x10000] =	vst.msk vm2, v10;
	s0 =	sadd.s32 s19, s2;
	s4 =	sadd.s32 s30, s5  }
.Ltmp17:
0x34a: {  	p0 =	slt.s32 s0, $0x3F0;
	[tilespmem:s1+$0x10400] =	vst.msk vm8, v10;
	p1 =	slt.s32 s4, $0x3F0;
	(pc) =	sbr.rel .LBB2_28-.Ltmp17, $4  }
0x34b: {  	s31 =	spop (v2sf);
	s0 =	simm.s32 @!p0 $0x3F0;
	[tilespmem:s2+$0x10000] =	vst.msk vm1, v11;
	s4 =	simm.s32 @!p1 $0x3F0  }
0x34c: {  	s21 =	sadd.s32 s18, s0;
	[tilespmem:s5+$0x10400] =	vst.msk vm9, v11;
	s20 =	sadd.s32 s31, s4  }
0x34d: {  	p0 =	slt.s32 s21, $0x3F0;
	[tilespmem:s0+$0x10000] =	vst.msk vm0, v13;
	p1 =	slt.s32 s20, $0x3F0  }
0x34e: {  	s21 =	simm.s32 @!p0 $0x3F0;
	[tilespmem:s4+$0x10400] =	vst.msk vm10, v13;
	s20 =	simm.s32 @!p1 $0x3F0  }
.LBB2_30:
0x34f: {  	_ =	sfence.sel $0x180000  }
0x350: {  	[bflag:$0x0] =	sbarrier.arrive $0xFFFF  }
0x351: {  	_ =	strace $0x90000047  }
0x352: {  	s0 =	stileid.u32;
	[bflag:$0x2] =	sbarrier.arrive $0xFFFF  }
0x353: {  	p0 =	sne.s32 s0, $0x0;
	s0 =	rddreg [dreg:$0x2]  }
0x354: {  	s0 =	sadd.s32 @!p0 $0x100000, s0  }
0x355: {  	[sflag:s0] =	ssyncadd.tile.s32 @!p0 $0x1;
	_ =	shalt  }
.Lfunc_end2:
_tile_overlayer_lowered:
.L_overlay_start_2:
0x356: {  	(tag) =	ssettag $0x2  }
0x357: {  	s0 =	rddreg [dreg:$0x0];
	s2 =	stileid.u32  }
0x358: {  	s1 =	rddreg [dreg:$0x1];
	p0 =	sne.s32 s2, $0x0  }
0x359: {  	s3 =	rddreg [dreg:$0x2];
	[bflag:$0x3] =	sbarrier.arrive $0xFFFF;
	s2 =	simm.s32 @!p0 $0x1C02  }
0x35a: {  	[timem:s3], [sflag:s2] =	dma.local @!p0 [hbm:s0], s1  }
0x35b: {  	s0 =	simm.s32 @!p0 $0x2  }
0x35c: {  	_ =	swait.ge @!p0 [sflag:s0], s1  }
0x35d: {  	s1 =	ssub.s32 @!p0 $0x0, s1;
	[sflag:s0] =	ssyncset.done @!p0 $0x0  }
0x35e: {  	[sflag:s0] =	ssyncadd.s32 @!p0 s1  }
0x35f: {  	[bflag:$0x3] =	sbarrier.arrive $0xFFFF  }
0x360: {  	_ =	shalt  }

</sc_bundles>
